<compile_context>
chip_gen: v7x
topology: tpu7x:2x2x1
jax: 0.10.2.dev20260603
libtpu: 0.0.44.dev20260713+nightly
codegen_flags: <defaults>
</compile_context>

<pallas_src>
import functools

import jax
import jax.numpy as jnp
from jax import lax
from jax.experimental import pallas as pl
from jax.experimental.pallas import tpu as pltpu
from jax.experimental.pallas import tpu_sc as plsc

N = 10000
E = 320000
H = 128
G = 64
L = 5
BN_EPS = 1e-5

NC = 2
NS = 16
NW = NC * NS
CHUNK = 80
NCHUNK = 125
EPW = NCHUNK * CHUNK
E_PAD = NW * EPW
N_PAD = 10016
ROWS_PER_TILE = N_PAD // NS


def _segsum_body(h_hbm, src_hbm, dst_hbm, out_hbm,
                 src_v, dst_v, rows_a, rows_b, rows_c, agg_sh,
                 sem_a, sem_b, sem_c):
    cid = lax.axis_index("c")
    sid = lax.axis_index("s")
    wid = cid * NS + sid

    pltpu.async_copy(src_hbm.at[wid], src_v, sem_a)
    pltpu.async_copy(dst_hbm.at[wid], dst_v, sem_b)

    def _zero_row(i, carry):
        for c in range(H // 16):
            rows_a[i, pl.ds(c * 16, 16)] = jnp.zeros((16,), jnp.float32)
        return carry
    lax.fori_loop(0, CHUNK, _zero_row, 0)
    row0 = sid * ROWS_PER_TILE
    nfull = ROWS_PER_TILE // CHUNK
    for k in range(nfull):
        pltpu.async_copy(rows_a, agg_sh.at[pl.ds(row0 + k * CHUNK, CHUNK)],
                         sem_c)
    rem = ROWS_PER_TILE - nfull * CHUNK
    if rem:
        pltpu.async_copy(rows_a.at[pl.ds(0, rem)],
                         agg_sh.at[pl.ds(row0 + nfull * CHUNK, rem)], sem_c)
    for k in range(nfull):
        pltpu.make_async_copy(rows_a, agg_sh.at[pl.ds(row0 + k * CHUNK, CHUNK)],
                              sem_c).wait()
    if rem:
        pltpu.make_async_copy(rows_a.at[pl.ds(0, rem)],
                              agg_sh.at[pl.ds(row0 + nfull * CHUNK, rem)],
                              sem_c).wait()
    pltpu.make_async_copy(src_hbm.at[wid], src_v, sem_a).wait()
    pltpu.make_async_copy(dst_hbm.at[wid], dst_v, sem_b).wait()
    plsc.subcore_barrier()

    pltpu.async_copy(h_hbm.at[src_v.at[0]], rows_a, sem_a)
    pltpu.async_copy(h_hbm.at[src_v.at[1]], rows_b, sem_b)

    def _triple(i, carry):
        j0 = 3 * i
        pltpu.make_async_copy(h_hbm.at[src_v.at[j0]], rows_a, sem_a).wait()
        pltpu.async_copy(h_hbm.at[src_v.at[j0 + 2]], rows_c, sem_c)
        pltpu.sync_copy(rows_a, agg_sh.at[dst_v.at[j0]], add=True)
        pltpu.make_async_copy(h_hbm.at[src_v.at[j0 + 1]], rows_b, sem_b).wait()
        pltpu.async_copy(h_hbm.at[src_v.at[j0 + 3]], rows_a, sem_a)
        pltpu.sync_copy(rows_b, agg_sh.at[dst_v.at[j0 + 1]], add=True)
        pltpu.make_async_copy(h_hbm.at[src_v.at[j0 + 2]], rows_c, sem_c).wait()
        pltpu.async_copy(h_hbm.at[src_v.at[j0 + 4]], rows_b, sem_b)
        pltpu.sync_copy(rows_c, agg_sh.at[dst_v.at[j0 + 2]], add=True)
        return carry
    lax.fori_loop(0, (NCHUNK - 2) // 3, _triple, 0)
    pltpu.make_async_copy(h_hbm.at[src_v.at[NCHUNK - 2]], rows_a, sem_a).wait()
    pltpu.sync_copy(rows_a, agg_sh.at[dst_v.at[NCHUNK - 2]], add=True)
    pltpu.make_async_copy(h_hbm.at[src_v.at[NCHUNK - 1]], rows_b, sem_b).wait()
    pltpu.sync_copy(rows_b, agg_sh.at[dst_v.at[NCHUNK - 1]], add=True)
    plsc.subcore_barrier()

    pltpu.sync_copy(agg_sh.at[pl.ds(row0, ROWS_PER_TILE)],
                    out_hbm.at[cid, pl.ds(row0, ROWS_PER_TILE)])


@functools.cache
def _segsum_call():
    return pl.kernel(
        _segsum_body,
        compiler_params=pltpu.CompilerParams(use_tc_tiling_on_sc=False),
        out_type=jax.ShapeDtypeStruct((NC, N_PAD, H), jnp.float32),
        mesh=plsc.VectorSubcoreMesh(core_axis_name="c", subcore_axis_name="s",
                                    num_cores=NC, num_subcores=NS),
        scratch_types=[
            pltpu.VMEM((NCHUNK, CHUNK), jnp.int32),
            pltpu.VMEM((NCHUNK, CHUNK), jnp.int32),
            pltpu.VMEM((CHUNK, H), jnp.float32),
            pltpu.VMEM((CHUNK, H), jnp.float32),
            pltpu.VMEM((CHUNK, H), jnp.float32),
            pltpu.VMEM_SHARED((N_PAD, H), jnp.float32),
            pltpu.SemaphoreType.DMA,
            pltpu.SemaphoreType.DMA,
            pltpu.SemaphoreType.DMA,
        ],
    )


def _pool(batch2, h):
    onehot = (batch2 == lax.broadcasted_iota(jnp.int32, (N, G), 1))
    return lax.dot_general(onehot.astype(jnp.float32), h,
                           (((0,), (0,)), ((), ())),
                           preferred_element_type=jnp.float32)


def _inproj_body(x_ref, w_ref, b_ref, batch_ref, h_ref, pool_ref):
    h = jnp.dot(x_ref[...], w_ref[...],
                preferred_element_type=jnp.float32) + b_ref[...]
    h_ref[...] = h
    pool_ref[...] = _pool(batch_ref[...], h)


def _bn_relu(t, g, b):
    m = jnp.mean(t, axis=0, keepdims=True)
    v = jnp.mean(t * t, axis=0, keepdims=True) - m * m
    return jnp.maximum((t - m) * lax.rsqrt(v + BN_EPS) * g + b, 0.0)


def _layer_body(h_ref, agg_ref, eps_ref, w1_ref, b1_ref, g1_ref, be1_ref,
                w2_ref, b2_ref, gbn_ref, bbn_ref, batch_ref,
                hout_ref, pool_ref):
    z = (1.0 + eps_ref[0, 0]) * h_ref[...] + agg_ref[0, :N, :] + agg_ref[1, :N, :]
    t = jnp.dot(z, w1_ref[...], preferred_element_type=jnp.float32) + b1_ref[...]
    t = _bn_relu(t, g1_ref[...], be1_ref[...])
    u = jnp.dot(t, w2_ref[...], preferred_element_type=jnp.float32) + b2_ref[...]
    hn = _bn_relu(u, gbn_ref[...], bbn_ref[...])
    hout_ref[...] = hn
    pool_ref[...] = _pool(batch_ref[...], hn)


def _last_body(h_ref, agg_ref, eps_ref, w1_ref, b1_ref, g1_ref, be1_ref,
               w2_ref, b2_ref, gbn_ref, bbn_ref, batch_ref,
               pools_ref, wout_ref, bout_ref, out_ref):
    z = (1.0 + eps_ref[0, 0]) * h_ref[...] + agg_ref[0, :N, :] + agg_ref[1, :N, :]
    t = jnp.dot(z, w1_ref[...], preferred_element_type=jnp.float32) + b1_ref[...]
    t = _bn_relu(t, g1_ref[...], be1_ref[...])
    u = jnp.dot(t, w2_ref[...], preferred_element_type=jnp.float32) + b2_ref[...]
    hn = _bn_relu(u, gbn_ref[...], bbn_ref[...])
    p5 = _pool(batch_ref[...], hn)
    p = pools_ref[...]
    pc = jnp.concatenate([p[i] for i in range(L)] + [p5], axis=1)
    out_ref[...] = jnp.dot(pc, wout_ref[...],
                           preferred_element_type=jnp.float32) + bout_ref[...]


@functools.cache
def _inproj_call():
    return pl.pallas_call(
        _inproj_body,
        out_shape=(jax.ShapeDtypeStruct((N, H), jnp.float32),
                   jax.ShapeDtypeStruct((G, H), jnp.float32)),
    )


@functools.cache
def _layer_call():
    return pl.pallas_call(
        _layer_body,
        out_shape=(jax.ShapeDtypeStruct((N, H), jnp.float32),
                   jax.ShapeDtypeStruct((G, H), jnp.float32)),
    )


@functools.cache
def _last_call():
    return pl.pallas_call(
        _last_body,
        out_shape=jax.ShapeDtypeStruct((G, H), jnp.float32),
    )


def kernel(x, edge_index, batch, params):
    pad = E_PAD - E
    src = jnp.concatenate(
        [edge_index[0], jnp.zeros((pad,), jnp.int32)]).reshape(NW, NCHUNK, CHUNK)
    dst = jnp.concatenate(
        [edge_index[1], jnp.full((pad,), N, jnp.int32)]).reshape(NW, NCHUNK, CHUNK)
    batch2 = batch.reshape(N, 1)

    h, pool0 = _inproj_call()(
        x, params['in_proj']['w'], params['in_proj']['b'].reshape(1, H), batch2)
    pools = [pool0]
    for lp in params['layers'][:-1]:
        agg2 = _segsum_call()(h, src, dst)
        h, p = _layer_call()(
            h, agg2, lp['eps'].reshape(1, 1),
            lp['w1'], lp['b1'].reshape(1, 2 * H),
            lp['g1'].reshape(1, 2 * H), lp['be1'].reshape(1, 2 * H),
            lp['w2'], lp['b2'].reshape(1, H),
            lp['g_bn'].reshape(1, H), lp['b_bn'].reshape(1, H), batch2)
        pools.append(p)

    lp = params['layers'][-1]
    agg2 = _segsum_call()(h, src, dst)
    return _last_call()(
        h, agg2, lp['eps'].reshape(1, 1),
        lp['w1'], lp['b1'].reshape(1, 2 * H),
        lp['g1'].reshape(1, 2 * H), lp['be1'].reshape(1, 2 * H),
        lp['w2'], lp['b2'].reshape(1, H),
        lp['g_bn'].reshape(1, H), lp['b_bn'].reshape(1, H), batch2,
        jnp.stack(pools), params['out_proj']['w'],
        params['out_proj']['b'].reshape(1, H))

# --- scband reference (transcript-rebuilt; emitter-appended) ---
"""Pipeline reference for scband-ginencoder-71734543777909 (READ-ONLY COPY).

The authoritative reference and input builder live on the scoring server;
editing this copy changes nothing except your own understanding.
"""

import jax, jax.numpy as jnp
import numpy as np

N = 10000
E = 320000
F_IN = 128
H = 128
L = 5
G = 64
BN_EPS = 1e-5


def setup_inputs(seed: int = 0) -> dict:
    key = jax.random.key(seed)
    ks = jax.random.split(key, 8 + L * 10)
    x = jax.random.normal(ks[0], (N, F_IN), dtype=jnp.float32)
    edge_index = jax.random.randint(ks[1], (2, E), 0, N, dtype=jnp.int32)
    batch = jnp.sort(jax.random.randint(ks[2], (N,), 0, G, dtype=jnp.int32))
    s = 0.05
    params = {
        'in_proj': {
            'w': jax.random.normal(ks[3], (F_IN, H), jnp.float32) * s,
            'b': jnp.zeros((H,), jnp.float32),
        },
        'layers': [],
        'out_proj': {
            'w': jax.random.normal(ks[4], (H * (L + 1), H), jnp.float32) * s,
            'b': jnp.zeros((H,), jnp.float32),
        },
    }
    for i in range(L):
        k0 = 8 + i * 10
        params['layers'].append({
            'w1': jax.random.normal(ks[k0 + 0], (H, 2 * H), jnp.float32) * s,
            'b1': jnp.zeros((2 * H,), jnp.float32),
            'g1': jnp.ones((2 * H,), jnp.float32),
            'be1': jnp.zeros((2 * H,), jnp.float32),
            'w2': jax.random.normal(ks[k0 + 1], (2 * H, H), jnp.float32) * s,
            'b2': jnp.zeros((H,), jnp.float32),
            'eps': jnp.zeros((), jnp.float32),
            'g_bn': jnp.ones((H,), jnp.float32),
            'b_bn': jnp.zeros((H,), jnp.float32),
        })
    return {'x': x, 'edge_index': edge_index, 'batch': batch, 'params': params}


def _bn(h, g, b):
    m = jnp.mean(h, axis=0)
    v = jnp.var(h, axis=0)
    return (h - m) / jnp.sqrt(v + BN_EPS) * g + b


def reference(x, edge_index, batch, params):
    src = edge_index[0]
    dst = edge_index[1]
    # input projection
    h = x @ params['in_proj']['w'] + params['in_proj']['b']
    pools = [jax.ops.segment_sum(h, batch, num_segments=G)]
    for lp in params['layers']:
        # GINConv: sum-aggregate neighbor messages, (1+eps)*self + agg, then MLP
        agg = jax.ops.segment_sum(h[src], dst, num_segments=N)
        z = (1.0 + lp['eps']) * h + agg
        z = z @ lp['w1'] + lp['b1']
        z = _bn(z, lp['g1'], lp['be1'])
        z = jax.nn.relu(z)
        h = z @ lp['w2'] + lp['b2']
        # outer BatchNorm + ReLU (dropout disabled: eval/deterministic)
        h = _bn(h, lp['g_bn'], lp['b_bn'])
        h = jax.nn.relu(h)
        pools.append(jax.ops.segment_sum(h, batch, num_segments=G))
    h_concat = jnp.concatenate(pools, axis=1)
    return h_concat @ params['out_proj']['w'] + params['out_proj']['b']

if __name__ == "__main__":
    import jax
    _d = setup_inputs()
    print(jax.jit(kernel)(*tuple(_d.values())))

</pallas_src>

<mosaic_0001>
#map = affine_map<(d0, d1) -> (0, 0)>
#map1 = affine_map<(d0, d1) -> (0, 0, 0)>
module attributes {stable_mosaic.version = 14 : i64} {
  func.func @_segsum_body(%arg0: i32, %arg1: i32, %arg2: memref<10000x128xf32, #tpu.memory_space<hbm>>, %arg3: memref<32x125x80xi32, #tpu.memory_space<hbm>>, %arg4: memref<32x125x80xi32, #tpu.memory_space<hbm>>, %arg5: memref<2x10016x128xf32, #tpu.memory_space<hbm>>, %arg6: memref<125x80xi32, #tpu.memory_space<vmem>>, %arg7: memref<125x80xi32, #tpu.memory_space<vmem>>, %arg8: memref<80x128xf32, #tpu.memory_space<vmem>>, %arg9: memref<80x128xf32, #tpu.memory_space<vmem>>, %arg10: memref<80x128xf32, #tpu.memory_space<vmem>>, %arg11: memref<10016x128xf32, #tpu.memory_space<vmem_shared>>, %arg12: memref<!tpu.dma_semaphore, #tpu.memory_space<semaphore_mem>>, %arg13: memref<!tpu.dma_semaphore, #tpu.memory_space<semaphore_mem>>, %arg14: memref<!tpu.dma_semaphore, #tpu.memory_space<semaphore_mem>>) attributes {dimension_semantics = [#tpu.dimension_semantics<core_parallel>, #tpu.dimension_semantics<subcore_parallel>], iteration_bounds = array<i64: 2, 16>, scalar_prefetch = 0 : i64, scratch_operands = 9 : i64, tpu.core_type = #tpu.core_type<sc_vector_subcore>, window_params = [{transform_indices = #map}, {transform_indices = #map1}, {transform_indices = #map1}, {transform_indices = #map1}]} {
    %mul3A = arith.constant 16 : i32
    %mul3A_0 = arith.muli %arg0, %mul3A : i32
    %add3A = arith.addi %mul3A_0, %arg1 : i32
    %dma_start3A = arith.constant 0 : i32
    %dma_start3A_1 = arith.constant 0 : i32
    %dma_start3A_2 = tpu.memref_slice %arg3[%add3A, %dma_start3A, %dma_start3A_1] : memref<32x125x80xi32, #tpu.memory_space<hbm>> -> memref<1x125x80xi32, #tpu.memory_space<hbm>>
    %dma_start3A_3 = tpu.memref_squeeze %dma_start3A_2 : memref<1x125x80xi32, #tpu.memory_space<hbm>> -> memref<125x80xi32, #tpu.memory_space<hbm>>
    %dma_start3A_4 = arith.constant 0 : i32
    %dma_start3A_5 = arith.constant 0 : i32
    %dma_start3A_6 = tpu.memref_slice %arg3[%add3A, %dma_start3A_4, %dma_start3A_5] : memref<32x125x80xi32, #tpu.memory_space<hbm>> -> memref<1x125x80xi32, #tpu.memory_space<hbm>>
    %dma_start3A_7 = tpu.memref_squeeze %dma_start3A_6 : memref<1x125x80xi32, #tpu.memory_space<hbm>> -> memref<125x80xi32, #tpu.memory_space<hbm>>
    tpu.enqueue_dma source(%dma_start3A_7 : memref<125x80xi32, #tpu.memory_space<hbm>>) target(%arg6 : memref<125x80xi32, #tpu.memory_space<vmem>>) target_semaphore(%arg12 : memref<!tpu.dma_semaphore, #tpu.memory_space<semaphore_mem>>)
    %dma_start3A_8 = arith.constant 0 : i32
    %dma_start3A_9 = arith.constant 0 : i32
    %dma_start3A_10 = tpu.memref_slice %arg4[%add3A, %dma_start3A_8, %dma_start3A_9] : memref<32x125x80xi32, #tpu.memory_space<hbm>> -> memref<1x125x80xi32, #tpu.memory_space<hbm>>
    %dma_start3A_11 = tpu.memref_squeeze %dma_start3A_10 : memref<1x125x80xi32, #tpu.memory_space<hbm>> -> memref<125x80xi32, #tpu.memory_space<hbm>>
    %dma_start3A_12 = arith.constant 0 : i32
    %dma_start3A_13 = arith.constant 0 : i32
    %dma_start3A_14 = tpu.memref_slice %arg4[%add3A, %dma_start3A_12, %dma_start3A_13] : memref<32x125x80xi32, #tpu.memory_space<hbm>> -> memref<1x125x80xi32, #tpu.memory_space<hbm>>
    %dma_start3A_15 = tpu.memref_squeeze %dma_start3A_14 : memref<1x125x80xi32, #tpu.memory_space<hbm>> -> memref<125x80xi32, #tpu.memory_space<hbm>>
    tpu.enqueue_dma source(%dma_start3A_15 : memref<125x80xi32, #tpu.memory_space<hbm>>) target(%arg7 : memref<125x80xi32, #tpu.memory_space<vmem>>) target_semaphore(%arg13 : memref<!tpu.dma_semaphore, #tpu.memory_space<semaphore_mem>>)
    %scan3A = arith.constant 0 : i32
    %scan3A_16 = arith.constant 0 : i32
    %scan3A_17 = arith.constant 80 : i32
    %scan3A_18 = arith.addi %scan3A_16, %scan3A_17 : i32
    %scan3A_19 = arith.constant 1 : i32
    scf.for %scan3A_182 = %scan3A_16 to %scan3A_18 step %scan3A_19  : i32 {
      %broadcast_in_dim3A = arith.constant 0.000000e+00 : f32
      %broadcast_in_dim3A_183 = vector.broadcast %broadcast_in_dim3A : f32 to vector<16xf32>
      %swap3A = arith.index_cast %scan3A_182 : i32 to index
      %swap3A_184 = arith.constant 0 : index
      %swap3A_185 = tpu.vector_load %arg8[%swap3A, %swap3A_184] {strides = array<i32>} : memref<80x128xf32, #tpu.memory_space<vmem>>, vector<1x16xf32>,
      %swap3A_186 = vector.shape_cast %swap3A_185 : vector<1x16xf32> to vector<16xf32>
      %swap3A_187 = vector.shape_cast %broadcast_in_dim3A_183 : vector<16xf32> to vector<1x16xf32>
      tpu.vector_store %arg8[%swap3A, %swap3A_184], %swap3A_187 {strides = array<i32>} : memref<80x128xf32, #tpu.memory_space<vmem>>, vector<1x16xf32>,
      %broadcast_in_dim3A_188 = arith.constant 0.000000e+00 : f32
      %broadcast_in_dim3A_189 = vector.broadcast %broadcast_in_dim3A_188 : f32 to vector<16xf32>
      %swap3A_190 = arith.index_cast %scan3A_182 : i32 to index
      %swap3A_191 = arith.constant 16 : index
      %swap3A_192 = tpu.vector_load %arg8[%swap3A_190, %swap3A_191] {strides = array<i32>} : memref<80x128xf32, #tpu.memory_space<vmem>>, vector<1x16xf32>,
      %swap3A_193 = vector.shape_cast %swap3A_192 : vector<1x16xf32> to vector<16xf32>
      %swap3A_194 = vector.shape_cast %broadcast_in_dim3A_189 : vector<16xf32> to vector<1x16xf32>
      tpu.vector_store %arg8[%swap3A_190, %swap3A_191], %swap3A_194 {strides = array<i32>} : memref<80x128xf32, #tpu.memory_space<vmem>>, vector<1x16xf32>,
      %broadcast_in_dim3A_195 = arith.constant 0.000000e+00 : f32
      %broadcast_in_dim3A_196 = vector.broadcast %broadcast_in_dim3A_195 : f32 to vector<16xf32>
      %swap3A_197 = arith.index_cast %scan3A_182 : i32 to index
      %swap3A_198 = arith.constant 32 : index
      %swap3A_199 = tpu.vector_load %arg8[%swap3A_197, %swap3A_198] {strides = array<i32>} : memref<80x128xf32, #tpu.memory_space<vmem>>, vector<1x16xf32>,
      %swap3A_200 = vector.shape_cast %swap3A_199 : vector<1x16xf32> to vector<16xf32>
      %swap3A_201 = vector.shape_cast %broadcast_in_dim3A_196 : vector<16xf32> to vector<1x16xf32>
      tpu.vector_store %arg8[%swap3A_197, %swap3A_198], %swap3A_201 {strides = array<i32>} : memref<80x128xf32, #tpu.memory_space<vmem>>, vector<1x16xf32>,
      %broadcast_in_dim3A_202 = arith.constant 0.000000e+00 : f32
      %broadcast_in_dim3A_203 = vector.broadcast %broadcast_in_dim3A_202 : f32 to vector<16xf32>
      %swap3A_204 = arith.index_cast %scan3A_182 : i32 to index
      %swap3A_205 = arith.constant 48 : index
      %swap3A_206 = tpu.vector_load %arg8[%swap3A_204, %swap3A_205] {strides = array<i32>} : memref<80x128xf32, #tpu.memory_space<vmem>>, vector<1x16xf32>,
      %swap3A_207 = vector.shape_cast %swap3A_206 : vector<1x16xf32> to vector<16xf32>
      %swap3A_208 = vector.shape_cast %broadcast_in_dim3A_203 : vector<16xf32> to vector<1x16xf32>
      tpu.vector_store %arg8[%swap3A_204, %swap3A_205], %swap3A_208 {strides = array<i32>} : memref<80x128xf32, #tpu.memory_space<vmem>>, vector<1x16xf32>,
      %broadcast_in_dim3A_209 = arith.constant 0.000000e+00 : f32
      %broadcast_in_dim3A_210 = vector.broadcast %broadcast_in_dim3A_209 : f32 to vector<16xf32>
      %swap3A_211 = arith.index_cast %scan3A_182 : i32 to index
      %swap3A_212 = arith.constant 64 : index
      %swap3A_213 = tpu.vector_load %arg8[%swap3A_211, %swap3A_212] {strides = array<i32>} : memref<80x128xf32, #tpu.memory_space<vmem>>, vector<1x16xf32>,
      %swap3A_214 = vector.shape_cast %swap3A_213 : vector<1x16xf32> to vector<16xf32>
      %swap3A_215 = vector.shape_cast %broadcast_in_dim3A_210 : vector<16xf32> to vector<1x16xf32>
      tpu.vector_store %arg8[%swap3A_211, %swap3A_212], %swap3A_215 {strides = array<i32>} : memref<80x128xf32, #tpu.memory_space<vmem>>, vector<1x16xf32>,
      %broadcast_in_dim3A_216 = arith.constant 0.000000e+00 : f32
      %broadcast_in_dim3A_217 = vector.broadcast %broadcast_in_dim3A_216 : f32 to vector<16xf32>
      %swap3A_218 = arith.index_cast %scan3A_182 : i32 to index
      %swap3A_219 = arith.constant 80 : index
      %swap3A_220 = tpu.vector_load %arg8[%swap3A_218, %swap3A_219] {strides = array<i32>} : memref<80x128xf32, #tpu.memory_space<vmem>>, vector<1x16xf32>,
      %swap3A_221 = vector.shape_cast %swap3A_220 : vector<1x16xf32> to vector<16xf32>
      %swap3A_222 = vector.shape_cast %broadcast_in_dim3A_217 : vector<16xf32> to vector<1x16xf32>
      tpu.vector_store %arg8[%swap3A_218, %swap3A_219], %swap3A_222 {strides = array<i32>} : memref<80x128xf32, #tpu.memory_space<vmem>>, vector<1x16xf32>,
      %broadcast_in_dim3A_223 = arith.constant 0.000000e+00 : f32
      %broadcast_in_dim3A_224 = vector.broadcast %broadcast_in_dim3A_223 : f32 to vector<16xf32>
      %swap3A_225 = arith.index_cast %scan3A_182 : i32 to index
      %swap3A_226 = arith.constant 96 : index
      %swap3A_227 = tpu.vector_load %arg8[%swap3A_225, %swap3A_226] {strides = array<i32>} : memref<80x128xf32, #tpu.memory_space<vmem>>, vector<1x16xf32>,
      %swap3A_228 = vector.shape_cast %swap3A_227 : vector<1x16xf32> to vector<16xf32>
      %swap3A_229 = vector.shape_cast %broadcast_in_dim3A_224 : vector<16xf32> to vector<1x16xf32>
      tpu.vector_store %arg8[%swap3A_225, %swap3A_226], %swap3A_229 {strides = array<i32>} : memref<80x128xf32, #tpu.memory_space<vmem>>, vector<1x16xf32>,
      %broadcast_in_dim3A_230 = arith.constant 0.000000e+00 : f32
      %broadcast_in_dim3A_231 = vector.broadcast %broadcast_in_dim3A_230 : f32 to vector<16xf32>
      %swap3A_232 = arith.index_cast %scan3A_182 : i32 to index
      %swap3A_233 = arith.constant 112 : index
      %swap3A_234 = tpu.vector_load %arg8[%swap3A_232, %swap3A_233] {strides = array<i32>} : memref<80x128xf32, #tpu.memory_space<vmem>>, vector<1x16xf32>,
      %swap3A_235 = vector.shape_cast %swap3A_234 : vector<1x16xf32> to vector<16xf32>
      %swap3A_236 = vector.shape_cast %broadcast_in_dim3A_231 : vector<16xf32> to vector<1x16xf32>
      tpu.vector_store %arg8[%swap3A_232, %swap3A_233], %swap3A_236 {strides = array<i32>} : memref<80x128xf32, #tpu.memory_space<vmem>>, vector<1x16xf32>,
    }
    %scan3A_20 = arith.constant 80 : i32
    %mul3A_21 = arith.constant 626 : i32
    %mul3A_22 = arith.muli %arg1, %mul3A_21 : i32
    %add3A_23 = arith.constant 0 : i32
    %add3A_24 = arith.addi %mul3A_22, %add3A_23 : i32
    %dma_start3A_25 = arith.constant 0 : i32
    %dma_start3A_26 = tpu.memref_slice %arg11[%add3A_24, %dma_start3A_25] : memref<10016x128xf32, #tpu.memory_space<vmem_shared>> -> memref<80x128xf32, #tpu.memory_space<vmem_shared>>
    %dma_start3A_27 = arith.constant 0 : i32
    %dma_start3A_28 = tpu.memref_slice %arg11[%add3A_24, %dma_start3A_27] : memref<10016x128xf32, #tpu.memory_space<vmem_shared>> -> memref<80x128xf32, #tpu.memory_space<vmem_shared>>
    tpu.enqueue_dma source(%arg8 : memref<80x128xf32, #tpu.memory_space<vmem>>) target(%dma_start3A_28 : memref<80x128xf32, #tpu.memory_space<vmem_shared>>) target_semaphore(%arg14 : memref<!tpu.dma_semaphore, #tpu.memory_space<semaphore_mem>>)
    %add3A_29 = arith.constant 80 : i32
    %add3A_30 = arith.addi %mul3A_22, %add3A_29 : i32
    %dma_start3A_31 = arith.constant 0 : i32
    %dma_start3A_32 = tpu.memref_slice %arg11[%add3A_30, %dma_start3A_31] : memref<10016x128xf32, #tpu.memory_space<vmem_shared>> -> memref<80x128xf32, #tpu.memory_space<vmem_shared>>
    %dma_start3A_33 = arith.constant 0 : i32
    %dma_start3A_34 = tpu.memref_slice %arg11[%add3A_30, %dma_start3A_33] : memref<10016x128xf32, #tpu.memory_space<vmem_shared>> -> memref<80x128xf32, #tpu.memory_space<vmem_shared>>
    tpu.enqueue_dma source(%arg8 : memref<80x128xf32, #tpu.memory_space<vmem>>) target(%dma_start3A_34 : memref<80x128xf32, #tpu.memory_space<vmem_shared>>) target_semaphore(%arg14 : memref<!tpu.dma_semaphore, #tpu.memory_space<semaphore_mem>>)
    %add3A_35 = arith.constant 160 : i32
    %add3A_36 = arith.addi %mul3A_22, %add3A_35 : i32
    %dma_start3A_37 = arith.constant 0 : i32
    %dma_start3A_38 = tpu.memref_slice %arg11[%add3A_36, %dma_start3A_37] : memref<10016x128xf32, #tpu.memory_space<vmem_shared>> -> memref<80x128xf32, #tpu.memory_space<vmem_shared>>
    %dma_start3A_39 = arith.constant 0 : i32
    %dma_start3A_40 = tpu.memref_slice %arg11[%add3A_36, %dma_start3A_39] : memref<10016x128xf32, #tpu.memory_space<vmem_shared>> -> memref<80x128xf32, #tpu.memory_space<vmem_shared>>
    tpu.enqueue_dma source(%arg8 : memref<80x128xf32, #tpu.memory_space<vmem>>) target(%dma_start3A_40 : memref<80x128xf32, #tpu.memory_space<vmem_shared>>) target_semaphore(%arg14 : memref<!tpu.dma_semaphore, #tpu.memory_space<semaphore_mem>>)
    %add3A_41 = arith.constant 240 : i32
    %add3A_42 = arith.addi %mul3A_22, %add3A_41 : i32
    %dma_start3A_43 = arith.constant 0 : i32
    %dma_start3A_44 = tpu.memref_slice %arg11[%add3A_42, %dma_start3A_43] : memref<10016x128xf32, #tpu.memory_space<vmem_shared>> -> memref<80x128xf32, #tpu.memory_space<vmem_shared>>
    %dma_start3A_45 = arith.constant 0 : i32
    %dma_start3A_46 = tpu.memref_slice %arg11[%add3A_42, %dma_start3A_45] : memref<10016x128xf32, #tpu.memory_space<vmem_shared>> -> memref<80x128xf32, #tpu.memory_space<vmem_shared>>
    tpu.enqueue_dma source(%arg8 : memref<80x128xf32, #tpu.memory_space<vmem>>) target(%dma_start3A_46 : memref<80x128xf32, #tpu.memory_space<vmem_shared>>) target_semaphore(%arg14 : memref<!tpu.dma_semaphore, #tpu.memory_space<semaphore_mem>>)
    %add3A_47 = arith.constant 320 : i32
    %add3A_48 = arith.addi %mul3A_22, %add3A_47 : i32
    %dma_start3A_49 = arith.constant 0 : i32
    %dma_start3A_50 = tpu.memref_slice %arg11[%add3A_48, %dma_start3A_49] : memref<10016x128xf32, #tpu.memory_space<vmem_shared>> -> memref<80x128xf32, #tpu.memory_space<vmem_shared>>
    %dma_start3A_51 = arith.constant 0 : i32
    %dma_start3A_52 = tpu.memref_slice %arg11[%add3A_48, %dma_start3A_51] : memref<10016x128xf32, #tpu.memory_space<vmem_shared>> -> memref<80x128xf32, #tpu.memory_space<vmem_shared>>
    tpu.enqueue_dma source(%arg8 : memref<80x128xf32, #tpu.memory_space<vmem>>) target(%dma_start3A_52 : memref<80x128xf32, #tpu.memory_space<vmem_shared>>) target_semaphore(%arg14 : memref<!tpu.dma_semaphore, #tpu.memory_space<semaphore_mem>>)
    %add3A_53 = arith.constant 400 : i32
    %add3A_54 = arith.addi %mul3A_22, %add3A_53 : i32
    %dma_start3A_55 = arith.constant 0 : i32
    %dma_start3A_56 = tpu.memref_slice %arg11[%add3A_54, %dma_start3A_55] : memref<10016x128xf32, #tpu.memory_space<vmem_shared>> -> memref<80x128xf32, #tpu.memory_space<vmem_shared>>
    %dma_start3A_57 = arith.constant 0 : i32
    %dma_start3A_58 = tpu.memref_slice %arg11[%add3A_54, %dma_start3A_57] : memref<10016x128xf32, #tpu.memory_space<vmem_shared>> -> memref<80x128xf32, #tpu.memory_space<vmem_shared>>
    tpu.enqueue_dma source(%arg8 : memref<80x128xf32, #tpu.memory_space<vmem>>) target(%dma_start3A_58 : memref<80x128xf32, #tpu.memory_space<vmem_shared>>) target_semaphore(%arg14 : memref<!tpu.dma_semaphore, #tpu.memory_space<semaphore_mem>>)
    %add3A_59 = arith.constant 480 : i32
    %add3A_60 = arith.addi %mul3A_22, %add3A_59 : i32
    %dma_start3A_61 = arith.constant 0 : i32
    %dma_start3A_62 = tpu.memref_slice %arg11[%add3A_60, %dma_start3A_61] : memref<10016x128xf32, #tpu.memory_space<vmem_shared>> -> memref<80x128xf32, #tpu.memory_space<vmem_shared>>
    %dma_start3A_63 = arith.constant 0 : i32
    %dma_start3A_64 = tpu.memref_slice %arg11[%add3A_60, %dma_start3A_63] : memref<10016x128xf32, #tpu.memory_space<vmem_shared>> -> memref<80x128xf32, #tpu.memory_space<vmem_shared>>
    tpu.enqueue_dma source(%arg8 : memref<80x128xf32, #tpu.memory_space<vmem>>) target(%dma_start3A_64 : memref<80x128xf32, #tpu.memory_space<vmem_shared>>) target_semaphore(%arg14 : memref<!tpu.dma_semaphore, #tpu.memory_space<semaphore_mem>>)
    %add3A_65 = arith.constant 560 : i32
    %add3A_66 = arith.addi %mul3A_22, %add3A_65 : i32
    %dma_start3A_67 = arith.constant 0 : i32
    %dma_start3A_68 = arith.constant 0 : i32
    %dma_start3A_69 = tpu.memref_slice %arg8[%dma_start3A_67, %dma_start3A_68] : memref<80x128xf32, #tpu.memory_space<vmem>> -> memref<66x128xf32, #tpu.memory_space<vmem>>
    %dma_start3A_70 = arith.constant 0 : i32
    %dma_start3A_71 = tpu.memref_slice %arg11[%add3A_66, %dma_start3A_70] : memref<10016x128xf32, #tpu.memory_space<vmem_shared>> -> memref<66x128xf32, #tpu.memory_space<vmem_shared>>
    %dma_start3A_72 = arith.constant 0 : i32
    %dma_start3A_73 = tpu.memref_slice %arg11[%add3A_66, %dma_start3A_72] : memref<10016x128xf32, #tpu.memory_space<vmem_shared>> -> memref<66x128xf32, #tpu.memory_space<vmem_shared>>
    %dma_start3A_74 = arith.constant 0 : i32
    %dma_start3A_75 = arith.constant 0 : i32
    %dma_start3A_76 = tpu.memref_slice %arg8[%dma_start3A_74, %dma_start3A_75] : memref<80x128xf32, #tpu.memory_space<vmem>> -> memref<66x128xf32, #tpu.memory_space<vmem>>
    tpu.enqueue_dma source(%dma_start3A_76 : memref<66x128xf32, #tpu.memory_space<vmem>>) target(%dma_start3A_73 : memref<66x128xf32, #tpu.memory_space<vmem_shared>>) target_semaphore(%arg14 : memref<!tpu.dma_semaphore, #tpu.memory_space<semaphore_mem>>)
    %add3A_77 = arith.constant 0 : i32
    %add3A_78 = arith.addi %mul3A_22, %add3A_77 : i32
    %dma_wait3A = arith.constant 0 : i32
    %dma_wait3A_79 = tpu.memref_slice %arg11[%add3A_78, %dma_wait3A] : memref<10016x128xf32, #tpu.memory_space<vmem_shared>> -> memref<80x128xf32, #tpu.memory_space<vmem_shared>>
    %dma_wait3A_80 = arith.constant 0 : i32
    %dma_wait3A_81 = tpu.memref_slice %arg11[%add3A_78, %dma_wait3A_80] : memref<10016x128xf32, #tpu.memory_space<vmem_shared>> -> memref<80x128xf32, #tpu.memory_space<vmem_shared>>
    tpu.wait_dma2 semaphore(%arg14 : memref<!tpu.dma_semaphore, #tpu.memory_space<semaphore_mem>>) src(%arg8 : memref<80x128xf32, #tpu.memory_space<vmem>>) dst(%dma_wait3A_81 : memref<80x128xf32, #tpu.memory_space<vmem_shared>>)
    %add3A_82 = arith.constant 80 : i32
    %add3A_83 = arith.addi %mul3A_22, %add3A_82 : i32
    %dma_wait3A_84 = arith.constant 0 : i32
    %dma_wait3A_85 = tpu.memref_slice %arg11[%add3A_83, %dma_wait3A_84] : memref<10016x128xf32, #tpu.memory_space<vmem_shared>> -> memref<80x128xf32, #tpu.memory_space<vmem_shared>>
    %dma_wait3A_86 = arith.constant 0 : i32
    %dma_wait3A_87 = tpu.memref_slice %arg11[%add3A_83, %dma_wait3A_86] : memref<10016x128xf32, #tpu.memory_space<vmem_shared>> -> memref<80x128xf32, #tpu.memory_space<vmem_shared>>
    tpu.wait_dma2 semaphore(%arg14 : memref<!tpu.dma_semaphore, #tpu.memory_space<semaphore_mem>>) src(%arg8 : memref<80x128xf32, #tpu.memory_space<vmem>>) dst(%dma_wait3A_87 : memref<80x128xf32, #tpu.memory_space<vmem_shared>>)
    %add3A_88 = arith.constant 160 : i32
    %add3A_89 = arith.addi %mul3A_22, %add3A_88 : i32
    %dma_wait3A_90 = arith.constant 0 : i32
    %dma_wait3A_91 = tpu.memref_slice %arg11[%add3A_89, %dma_wait3A_90] : memref<10016x128xf32, #tpu.memory_space<vmem_shared>> -> memref<80x128xf32, #tpu.memory_space<vmem_shared>>
    %dma_wait3A_92 = arith.constant 0 : i32
    %dma_wait3A_93 = tpu.memref_slice %arg11[%add3A_89, %dma_wait3A_92] : memref<10016x128xf32, #tpu.memory_space<vmem_shared>> -> memref<80x128xf32, #tpu.memory_space<vmem_shared>>
    tpu.wait_dma2 semaphore(%arg14 : memref<!tpu.dma_semaphore, #tpu.memory_space<semaphore_mem>>) src(%arg8 : memref<80x128xf32, #tpu.memory_space<vmem>>) dst(%dma_wait3A_93 : memref<80x128xf32, #tpu.memory_space<vmem_shared>>)
    %add3A_94 = arith.constant 240 : i32
    %add3A_95 = arith.addi %mul3A_22, %add3A_94 : i32
    %dma_wait3A_96 = arith.constant 0 : i32
    %dma_wait3A_97 = tpu.memref_slice %arg11[%add3A_95, %dma_wait3A_96] : memref<10016x128xf32, #tpu.memory_space<vmem_shared>> -> memref<80x128xf32, #tpu.memory_space<vmem_shared>>
    %dma_wait3A_98 = arith.constant 0 : i32
    %dma_wait3A_99 = tpu.memref_slice %arg11[%add3A_95, %dma_wait3A_98] : memref<10016x128xf32, #tpu.memory_space<vmem_shared>> -> memref<80x128xf32, #tpu.memory_space<vmem_shared>>
    tpu.wait_dma2 semaphore(%arg14 : memref<!tpu.dma_semaphore, #tpu.memory_space<semaphore_mem>>) src(%arg8 : memref<80x128xf32, #tpu.memory_space<vmem>>) dst(%dma_wait3A_99 : memref<80x128xf32, #tpu.memory_space<vmem_shared>>)
    %add3A_100 = arith.constant 320 : i32
    %add3A_101 = arith.addi %mul3A_22, %add3A_100 : i32
    %dma_wait3A_102 = arith.constant 0 : i32
    %dma_wait3A_103 = tpu.memref_slice %arg11[%add3A_101, %dma_wait3A_102] : memref<10016x128xf32, #tpu.memory_space<vmem_shared>> -> memref<80x128xf32, #tpu.memory_space<vmem_shared>>
    %dma_wait3A_104 = arith.constant 0 : i32
    %dma_wait3A_105 = tpu.memref_slice %arg11[%add3A_101, %dma_wait3A_104] : memref<10016x128xf32, #tpu.memory_space<vmem_shared>> -> memref<80x128xf32, #tpu.memory_space<vmem_shared>>
    tpu.wait_dma2 semaphore(%arg14 : memref<!tpu.dma_semaphore, #tpu.memory_space<semaphore_mem>>) src(%arg8 : memref<80x128xf32, #tpu.memory_space<vmem>>) dst(%dma_wait3A_105 : memref<80x128xf32, #tpu.memory_space<vmem_shared>>)
    %add3A_106 = arith.constant 400 : i32
    %add3A_107 = arith.addi %mul3A_22, %add3A_106 : i32
    %dma_wait3A_108 = arith.constant 0 : i32
    %dma_wait3A_109 = tpu.memref_slice %arg11[%add3A_107, %dma_wait3A_108] : memref<10016x128xf32, #tpu.memory_space<vmem_shared>> -> memref<80x128xf32, #tpu.memory_space<vmem_shared>>
    %dma_wait3A_110 = arith.constant 0 : i32
    %dma_wait3A_111 = tpu.memref_slice %arg11[%add3A_107, %dma_wait3A_110] : memref<10016x128xf32, #tpu.memory_space<vmem_shared>> -> memref<80x128xf32, #tpu.memory_space<vmem_shared>>
    tpu.wait_dma2 semaphore(%arg14 : memref<!tpu.dma_semaphore, #tpu.memory_space<semaphore_mem>>) src(%arg8 : memref<80x128xf32, #tpu.memory_space<vmem>>) dst(%dma_wait3A_111 : memref<80x128xf32, #tpu.memory_space<vmem_shared>>)
    %add3A_112 = arith.constant 480 : i32
    %add3A_113 = arith.addi %mul3A_22, %add3A_112 : i32
    %dma_wait3A_114 = arith.constant 0 : i32
    %dma_wait3A_115 = tpu.memref_slice %arg11[%add3A_113, %dma_wait3A_114] : memref<10016x128xf32, #tpu.memory_space<vmem_shared>> -> memref<80x128xf32, #tpu.memory_space<vmem_shared>>
    %dma_wait3A_116 = arith.constant 0 : i32
    %dma_wait3A_117 = tpu.memref_slice %arg11[%add3A_113, %dma_wait3A_116] : memref<10016x128xf32, #tpu.memory_space<vmem_shared>> -> memref<80x128xf32, #tpu.memory_space<vmem_shared>>
    tpu.wait_dma2 semaphore(%arg14 : memref<!tpu.dma_semaphore, #tpu.memory_space<semaphore_mem>>) src(%arg8 : memref<80x128xf32, #tpu.memory_space<vmem>>) dst(%dma_wait3A_117 : memref<80x128xf32, #tpu.memory_space<vmem_shared>>)
    %add3A_118 = arith.constant 560 : i32
    %add3A_119 = arith.addi %mul3A_22, %add3A_118 : i32
    %dma_wait3A_120 = arith.constant 0 : i32
    %dma_wait3A_121 = arith.constant 0 : i32
    %dma_wait3A_122 = tpu.memref_slice %arg8[%dma_wait3A_120, %dma_wait3A_121] : memref<80x128xf32, #tpu.memory_space<vmem>> -> memref<66x128xf32, #tpu.memory_space<vmem>>
    %dma_wait3A_123 = arith.constant 0 : i32
    %dma_wait3A_124 = tpu.memref_slice %arg11[%add3A_119, %dma_wait3A_123] : memref<10016x128xf32, #tpu.memory_space<vmem_shared>> -> memref<66x128xf32, #tpu.memory_space<vmem_shared>>
    %dma_wait3A_125 = arith.constant 0 : i32
    %dma_wait3A_126 = tpu.memref_slice %arg11[%add3A_119, %dma_wait3A_125] : memref<10016x128xf32, #tpu.memory_space<vmem_shared>> -> memref<66x128xf32, #tpu.memory_space<vmem_shared>>
    %dma_wait3A_127 = arith.constant 0 : i32
    %dma_wait3A_128 = arith.constant 0 : i32
    %dma_wait3A_129 = tpu.memref_slice %arg8[%dma_wait3A_127, %dma_wait3A_128] : memref<80x128xf32, #tpu.memory_space<vmem>> -> memref<66x128xf32, #tpu.memory_space<vmem>>
    tpu.wait_dma2 semaphore(%arg14 : memref<!tpu.dma_semaphore, #tpu.memory_space<semaphore_mem>>) src(%dma_wait3A_129 : memref<66x128xf32, #tpu.memory_space<vmem>>) dst(%dma_wait3A_126 : memref<66x128xf32, #tpu.memory_space<vmem_shared>>)
    %dma_wait3A_130 = arith.constant 0 : i32
    %dma_wait3A_131 = arith.constant 0 : i32
    %dma_wait3A_132 = tpu.memref_slice %arg3[%add3A, %dma_wait3A_130, %dma_wait3A_131] : memref<32x125x80xi32, #tpu.memory_space<hbm>> -> memref<1x125x80xi32, #tpu.memory_space<hbm>>
    %dma_wait3A_133 = tpu.memref_squeeze %dma_wait3A_132 : memref<1x125x80xi32, #tpu.memory_space<hbm>> -> memref<125x80xi32, #tpu.memory_space<hbm>>
    %dma_wait3A_134 = arith.constant 0 : i32
    %dma_wait3A_135 = arith.constant 0 : i32
    %dma_wait3A_136 = tpu.memref_slice %arg3[%add3A, %dma_wait3A_134, %dma_wait3A_135] : memref<32x125x80xi32, #tpu.memory_space<hbm>> -> memref<1x125x80xi32, #tpu.memory_space<hbm>>
    %dma_wait3A_137 = tpu.memref_squeeze %dma_wait3A_136 : memref<1x125x80xi32, #tpu.memory_space<hbm>> -> memref<125x80xi32, #tpu.memory_space<hbm>>
    tpu.wait_dma2 semaphore(%arg12 : memref<!tpu.dma_semaphore, #tpu.memory_space<semaphore_mem>>) src(%dma_wait3A_137 : memref<125x80xi32, #tpu.memory_space<hbm>>) dst(%arg6 : memref<125x80xi32, #tpu.memory_space<vmem>>)
    %dma_wait3A_138 = arith.constant 0 : i32
    %dma_wait3A_139 = arith.constant 0 : i32
    %dma_wait3A_140 = tpu.memref_slice %arg4[%add3A, %dma_wait3A_138, %dma_wait3A_139] : memref<32x125x80xi32, #tpu.memory_space<hbm>> -> memref<1x125x80xi32, #tpu.memory_space<hbm>>
    %dma_wait3A_141 = tpu.memref_squeeze %dma_wait3A_140 : memref<1x125x80xi32, #tpu.memory_space<hbm>> -> memref<125x80xi32, #tpu.memory_space<hbm>>
    %dma_wait3A_142 = arith.constant 0 : i32
    %dma_wait3A_143 = arith.constant 0 : i32
    %dma_wait3A_144 = tpu.memref_slice %arg4[%add3A, %dma_wait3A_142, %dma_wait3A_143] : memref<32x125x80xi32, #tpu.memory_space<hbm>> -> memref<1x125x80xi32, #tpu.memory_space<hbm>>
    %dma_wait3A_145 = tpu.memref_squeeze %dma_wait3A_144 : memref<1x125x80xi32, #tpu.memory_space<hbm>> -> memref<125x80xi32, #tpu.memory_space<hbm>>
    tpu.wait_dma2 semaphore(%arg13 : memref<!tpu.dma_semaphore, #tpu.memory_space<semaphore_mem>>) src(%dma_wait3A_145 : memref<125x80xi32, #tpu.memory_space<hbm>>) dst(%arg7 : memref<125x80xi32, #tpu.memory_space<vmem>>)
    %barrier3A = arith.constant 0 : index
    tpu.barrier barrier_id(%barrier3A)
    %dma_start3A_146 = arith.constant 0 : i32
    %dma_start3A_147 = arith.constant 0 : i32
    %dma_start3A_148 = tpu.memref_slice %arg6[%dma_start3A_146, %dma_start3A_147] : memref<125x80xi32, #tpu.memory_space<vmem>> -> memref<1x80xi32, #tpu.memory_space<vmem>>
    %dma_start3A_149 = tpu.memref_squeeze %dma_start3A_148 : memref<1x80xi32, #tpu.memory_space<vmem>> -> memref<80xi32, #tpu.memory_space<vmem>>
    %dma_start3A_150 = arith.constant 0 : i32
    %dma_start3A_151 = arith.constant 0 : i32
    %dma_start3A_152 = tpu.memref_slice %arg2[%dma_start3A_150, %dma_start3A_151] : memref<10000x128xf32, #tpu.memory_space<hbm>> -> memref<10000x128xf32, #tpu.memory_space<hbm>>
    tpu.enqueue_indirect_dma source(%dma_start3A_152 : memref<10000x128xf32, #tpu.memory_space<hbm>>) target(%arg8 : memref<80x128xf32, #tpu.memory_space<vmem>>) offsets(%dma_start3A_149 : memref<80xi32, #tpu.memory_space<vmem>>) semaphore(%arg12 : memref<!tpu.dma_semaphore, #tpu.memory_space<semaphore_mem>>)
    %dma_start3A_153 = arith.constant 1 : i32
    %dma_start3A_154 = arith.constant 0 : i32
    %dma_start3A_155 = tpu.memref_slice %arg6[%dma_start3A_153, %dma_start3A_154] : memref<125x80xi32, #tpu.memory_space<vmem>> -> memref<1x80xi32, #tpu.memory_space<vmem>>
    %dma_start3A_156 = tpu.memref_squeeze %dma_start3A_155 : memref<1x80xi32, #tpu.memory_space<vmem>> -> memref<80xi32, #tpu.memory_space<vmem>>
    %dma_start3A_157 = arith.constant 0 : i32
    %dma_start3A_158 = arith.constant 0 : i32
    %dma_start3A_159 = tpu.memref_slice %arg2[%dma_start3A_157, %dma_start3A_158] : memref<10000x128xf32, #tpu.memory_space<hbm>> -> memref<10000x128xf32, #tpu.memory_space<hbm>>
    tpu.enqueue_indirect_dma source(%dma_start3A_159 : memref<10000x128xf32, #tpu.memory_space<hbm>>) target(%arg9 : memref<80x128xf32, #tpu.memory_space<vmem>>) offsets(%dma_start3A_156 : memref<80xi32, #tpu.memory_space<vmem>>) semaphore(%arg13 : memref<!tpu.dma_semaphore, #tpu.memory_space<semaphore_mem>>)
    %scan3A_160 = arith.constant 0 : i32
    %scan3A_161 = arith.constant 0 : i32
    %scan3A_162 = arith.constant 41 : i32
    %scan3A_163 = arith.addi %scan3A_161, %scan3A_162 : i32
    %scan3A_164 = arith.constant 1 : i32
    scf.for %scan3A_182 = %scan3A_161 to %scan3A_163 step %scan3A_164  : i32 {
      %mul3A_183 = arith.constant 3 : i32
      %mul3A_184 = arith.muli %mul3A_183, %scan3A_182 : i32
      %dma_wait3A_185 = arith.constant 0 : i32
      %dma_wait3A_186 = tpu.memref_slice %arg6[%mul3A_184, %dma_wait3A_185] : memref<125x80xi32, #tpu.memory_space<vmem>> -> memref<1x80xi32, #tpu.memory_space<vmem>>
      %dma_wait3A_187 = tpu.memref_squeeze %dma_wait3A_186 : memref<1x80xi32, #tpu.memory_space<vmem>> -> memref<80xi32, #tpu.memory_space<vmem>>
      %dma_wait3A_188 = arith.constant 0 : i32
      %dma_wait3A_189 = arith.constant 0 : i32
      %dma_wait3A_190 = tpu.memref_slice %arg2[%dma_wait3A_188, %dma_wait3A_189] : memref<10000x128xf32, #tpu.memory_space<hbm>> -> memref<10000x128xf32, #tpu.memory_space<hbm>>
      tpu.wait_indirect_dma semaphore(%arg12 : memref<!tpu.dma_semaphore, #tpu.memory_space<semaphore_mem>>) src(%dma_wait3A_190 : memref<10000x128xf32, #tpu.memory_space<hbm>>) dst(%arg8 : memref<80x128xf32, #tpu.memory_space<vmem>>)
      %add3A_191 = arith.constant 2 : i32
      %add3A_192 = arith.addi %mul3A_184, %add3A_191 : i32
      %dma_start3A_193 = arith.constant 0 : i32
      %dma_start3A_194 = tpu.memref_slice %arg6[%add3A_192, %dma_start3A_193] : memref<125x80xi32, #tpu.memory_space<vmem>> -> memref<1x80xi32, #tpu.memory_space<vmem>>
      %dma_start3A_195 = tpu.memref_squeeze %dma_start3A_194 : memref<1x80xi32, #tpu.memory_space<vmem>> -> memref<80xi32, #tpu.memory_space<vmem>>
      %dma_start3A_196 = arith.constant 0 : i32
      %dma_start3A_197 = arith.constant 0 : i32
      %dma_start3A_198 = tpu.memref_slice %arg2[%dma_start3A_196, %dma_start3A_197] : memref<10000x128xf32, #tpu.memory_space<hbm>> -> memref<10000x128xf32, #tpu.memory_space<hbm>>
      tpu.enqueue_indirect_dma source(%dma_start3A_198 : memref<10000x128xf32, #tpu.memory_space<hbm>>) target(%arg10 : memref<80x128xf32, #tpu.memory_space<vmem>>) offsets(%dma_start3A_195 : memref<80xi32, #tpu.memory_space<vmem>>) semaphore(%arg14 : memref<!tpu.dma_semaphore, #tpu.memory_space<semaphore_mem>>)
      "tpu.region"() ({
        %run_scoped3A_235 = tpu.sem_alloc : memref<!tpu.dma_semaphore, #tpu.memory_space<semaphore_mem>>
        %dma_start3A_236 = arith.constant 0 : i32
        %dma_start3A_237 = tpu.memref_slice %arg7[%mul3A_184, %dma_start3A_236] : memref<125x80xi32, #tpu.memory_space<vmem>> -> memref<1x80xi32, #tpu.memory_space<vmem>>
        %dma_start3A_238 = tpu.memref_squeeze %dma_start3A_237 : memref<1x80xi32, #tpu.memory_space<vmem>> -> memref<80xi32, #tpu.memory_space<vmem>>
        %dma_start3A_239 = arith.constant 0 : i32
        %dma_start3A_240 = arith.constant 0 : i32
        %dma_start3A_241 = tpu.memref_slice %arg11[%dma_start3A_239, %dma_start3A_240] : memref<10016x128xf32, #tpu.memory_space<vmem_shared>> -> memref<10016x128xf32, #tpu.memory_space<vmem_shared>>
        tpu.enqueue_indirect_dma source(%arg8 : memref<80x128xf32, #tpu.memory_space<vmem>>) target(%dma_start3A_241 : memref<10016x128xf32, #tpu.memory_space<vmem_shared>>) offsets(%dma_start3A_238 : memref<80xi32, #tpu.memory_space<vmem>>) semaphore(%run_scoped3A_235 : memref<!tpu.dma_semaphore, #tpu.memory_space<semaphore_mem>>) {add = true}
        %dma_wait3A_242 = arith.constant 0 : i32
        %dma_wait3A_243 = tpu.memref_slice %arg7[%mul3A_184, %dma_wait3A_242] : memref<125x80xi32, #tpu.memory_space<vmem>> -> memref<1x80xi32, #tpu.memory_space<vmem>>
        %dma_wait3A_244 = tpu.memref_squeeze %dma_wait3A_243 : memref<1x80xi32, #tpu.memory_space<vmem>> -> memref<80xi32, #tpu.memory_space<vmem>>
        %dma_wait3A_245 = arith.constant 0 : i32
        %dma_wait3A_246 = arith.constant 0 : i32
        %dma_wait3A_247 = tpu.memref_slice %arg11[%dma_wait3A_245, %dma_wait3A_246] : memref<10016x128xf32, #tpu.memory_space<vmem_shared>> -> memref<10016x128xf32, #tpu.memory_space<vmem_shared>>
        tpu.wait_indirect_dma semaphore(%run_scoped3A_235 : memref<!tpu.dma_semaphore, #tpu.memory_space<semaphore_mem>>) src(%arg8 : memref<80x128xf32, #tpu.memory_space<vmem>>) dst(%dma_wait3A_247 : memref<10016x128xf32, #tpu.memory_space<vmem_shared>>)
        tpu.yield
      }) : () -> ()
      %add3A_199 = arith.constant 1 : i32
      %add3A_200 = arith.addi %mul3A_184, %add3A_199 : i32
      %dma_wait3A_201 = arith.constant 0 : i32
      %dma_wait3A_202 = tpu.memref_slice %arg6[%add3A_200, %dma_wait3A_201] : memref<125x80xi32, #tpu.memory_space<vmem>> -> memref<1x80xi32, #tpu.memory_space<vmem>>
      %dma_wait3A_203 = tpu.memref_squeeze %dma_wait3A_202 : memref<1x80xi32, #tpu.memory_space<vmem>> -> memref<80xi32, #tpu.memory_space<vmem>>
      %dma_wait3A_204 = arith.constant 0 : i32
      %dma_wait3A_205 = arith.constant 0 : i32
      %dma_wait3A_206 = tpu.memref_slice %arg2[%dma_wait3A_204, %dma_wait3A_205] : memref<10000x128xf32, #tpu.memory_space<hbm>> -> memref<10000x128xf32, #tpu.memory_space<hbm>>
      tpu.wait_indirect_dma semaphore(%arg13 : memref<!tpu.dma_semaphore, #tpu.memory_space<semaphore_mem>>) src(%dma_wait3A_206 : memref<10000x128xf32, #tpu.memory_space<hbm>>) dst(%arg9 : memref<80x128xf32, #tpu.memory_space<vmem>>)
      %add3A_207 = arith.constant 3 : i32
      %add3A_208 = arith.addi %mul3A_184, %add3A_207 : i32
      %dma_start3A_209 = arith.constant 0 : i32
      %dma_start3A_210 = tpu.memref_slice %arg6[%add3A_208, %dma_start3A_209] : memref<125x80xi32, #tpu.memory_space<vmem>> -> memref<1x80xi32, #tpu.memory_space<vmem>>
      %dma_start3A_211 = tpu.memref_squeeze %dma_start3A_210 : memref<1x80xi32, #tpu.memory_space<vmem>> -> memref<80xi32, #tpu.memory_space<vmem>>
      %dma_start3A_212 = arith.constant 0 : i32
      %dma_start3A_213 = arith.constant 0 : i32
      %dma_start3A_214 = tpu.memref_slice %arg2[%dma_start3A_212, %dma_start3A_213] : memref<10000x128xf32, #tpu.memory_space<hbm>> -> memref<10000x128xf32, #tpu.memory_space<hbm>>
      tpu.enqueue_indirect_dma source(%dma_start3A_214 : memref<10000x128xf32, #tpu.memory_space<hbm>>) target(%arg8 : memref<80x128xf32, #tpu.memory_space<vmem>>) offsets(%dma_start3A_211 : memref<80xi32, #tpu.memory_space<vmem>>) semaphore(%arg12 : memref<!tpu.dma_semaphore, #tpu.memory_space<semaphore_mem>>)
      %add3A_215 = arith.constant 1 : i32
      %add3A_216 = arith.addi %mul3A_184, %add3A_215 : i32
      "tpu.region"() ({
        %run_scoped3A_235 = tpu.sem_alloc : memref<!tpu.dma_semaphore, #tpu.memory_space<semaphore_mem>>
        %dma_start3A_236 = arith.constant 0 : i32
        %dma_start3A_237 = tpu.memref_slice %arg7[%add3A_216, %dma_start3A_236] : memref<125x80xi32, #tpu.memory_space<vmem>> -> memref<1x80xi32, #tpu.memory_space<vmem>>
        %dma_start3A_238 = tpu.memref_squeeze %dma_start3A_237 : memref<1x80xi32, #tpu.memory_space<vmem>> -> memref<80xi32, #tpu.memory_space<vmem>>
        %dma_start3A_239 = arith.constant 0 : i32
        %dma_start3A_240 = arith.constant 0 : i32
        %dma_start3A_241 = tpu.memref_slice %arg11[%dma_start3A_239, %dma_start3A_240] : memref<10016x128xf32, #tpu.memory_space<vmem_shared>> -> memref<10016x128xf32, #tpu.memory_space<vmem_shared>>
        tpu.enqueue_indirect_dma source(%arg9 : memref<80x128xf32, #tpu.memory_space<vmem>>) target(%dma_start3A_241 : memref<10016x128xf32, #tpu.memory_space<vmem_shared>>) offsets(%dma_start3A_238 : memref<80xi32, #tpu.memory_space<vmem>>) semaphore(%run_scoped3A_235 : memref<!tpu.dma_semaphore, #tpu.memory_space<semaphore_mem>>) {add = true}
        %dma_wait3A_242 = arith.constant 0 : i32
        %dma_wait3A_243 = tpu.memref_slice %arg7[%add3A_216, %dma_wait3A_242] : memref<125x80xi32, #tpu.memory_space<vmem>> -> memref<1x80xi32, #tpu.memory_space<vmem>>
        %dma_wait3A_244 = tpu.memref_squeeze %dma_wait3A_243 : memref<1x80xi32, #tpu.memory_space<vmem>> -> memref<80xi32, #tpu.memory_space<vmem>>
        %dma_wait3A_245 = arith.constant 0 : i32
        %dma_wait3A_246 = arith.constant 0 : i32
        %dma_wait3A_247 = tpu.memref_slice %arg11[%dma_wait3A_245, %dma_wait3A_246] : memref<10016x128xf32, #tpu.memory_space<vmem_shared>> -> memref<10016x128xf32, #tpu.memory_space<vmem_shared>>
        tpu.wait_indirect_dma semaphore(%run_scoped3A_235 : memref<!tpu.dma_semaphore, #tpu.memory_space<semaphore_mem>>) src(%arg9 : memref<80x128xf32, #tpu.memory_space<vmem>>) dst(%dma_wait3A_247 : memref<10016x128xf32, #tpu.memory_space<vmem_shared>>)
        tpu.yield
      }) : () -> ()
      %add3A_217 = arith.constant 2 : i32
      %add3A_218 = arith.addi %mul3A_184, %add3A_217 : i32
      %dma_wait3A_219 = arith.constant 0 : i32
      %dma_wait3A_220 = tpu.memref_slice %arg6[%add3A_218, %dma_wait3A_219] : memref<125x80xi32, #tpu.memory_space<vmem>> -> memref<1x80xi32, #tpu.memory_space<vmem>>
      %dma_wait3A_221 = tpu.memref_squeeze %dma_wait3A_220 : memref<1x80xi32, #tpu.memory_space<vmem>> -> memref<80xi32, #tpu.memory_space<vmem>>
      %dma_wait3A_222 = arith.constant 0 : i32
      %dma_wait3A_223 = arith.constant 0 : i32
      %dma_wait3A_224 = tpu.memref_slice %arg2[%dma_wait3A_222, %dma_wait3A_223] : memref<10000x128xf32, #tpu.memory_space<hbm>> -> memref<10000x128xf32, #tpu.memory_space<hbm>>
      tpu.wait_indirect_dma semaphore(%arg14 : memref<!tpu.dma_semaphore, #tpu.memory_space<semaphore_mem>>) src(%dma_wait3A_224 : memref<10000x128xf32, #tpu.memory_space<hbm>>) dst(%arg10 : memref<80x128xf32, #tpu.memory_space<vmem>>)
      %add3A_225 = arith.constant 4 : i32
      %add3A_226 = arith.addi %mul3A_184, %add3A_225 : i32
      %dma_start3A_227 = arith.constant 0 : i32
      %dma_start3A_228 = tpu.memref_slice %arg6[%add3A_226, %dma_start3A_227] : memref<125x80xi32, #tpu.memory_space<vmem>> -> memref<1x80xi32, #tpu.memory_space<vmem>>
      %dma_start3A_229 = tpu.memref_squeeze %dma_start3A_228 : memref<1x80xi32, #tpu.memory_space<vmem>> -> memref<80xi32, #tpu.memory_space<vmem>>
      %dma_start3A_230 = arith.constant 0 : i32
      %dma_start3A_231 = arith.constant 0 : i32
      %dma_start3A_232 = tpu.memref_slice %arg2[%dma_start3A_230, %dma_start3A_231] : memref<10000x128xf32, #tpu.memory_space<hbm>> -> memref<10000x128xf32, #tpu.memory_space<hbm>>
      tpu.enqueue_indirect_dma source(%dma_start3A_232 : memref<10000x128xf32, #tpu.memory_space<hbm>>) target(%arg9 : memref<80x128xf32, #tpu.memory_space<vmem>>) offsets(%dma_start3A_229 : memref<80xi32, #tpu.memory_space<vmem>>) semaphore(%arg13 : memref<!tpu.dma_semaphore, #tpu.memory_space<semaphore_mem>>)
      %add3A_233 = arith.constant 2 : i32
      %add3A_234 = arith.addi %mul3A_184, %add3A_233 : i32
      "tpu.region"() ({
        %run_scoped3A_235 = tpu.sem_alloc : memref<!tpu.dma_semaphore, #tpu.memory_space<semaphore_mem>>
        %dma_start3A_236 = arith.constant 0 : i32
        %dma_start3A_237 = tpu.memref_slice %arg7[%add3A_234, %dma_start3A_236] : memref<125x80xi32, #tpu.memory_space<vmem>> -> memref<1x80xi32, #tpu.memory_space<vmem>>
        %dma_start3A_238 = tpu.memref_squeeze %dma_start3A_237 : memref<1x80xi32, #tpu.memory_space<vmem>> -> memref<80xi32, #tpu.memory_space<vmem>>
        %dma_start3A_239 = arith.constant 0 : i32
        %dma_start3A_240 = arith.constant 0 : i32
        %dma_start3A_241 = tpu.memref_slice %arg11[%dma_start3A_239, %dma_start3A_240] : memref<10016x128xf32, #tpu.memory_space<vmem_shared>> -> memref<10016x128xf32, #tpu.memory_space<vmem_shared>>
        tpu.enqueue_indirect_dma source(%arg10 : memref<80x128xf32, #tpu.memory_space<vmem>>) target(%dma_start3A_241 : memref<10016x128xf32, #tpu.memory_space<vmem_shared>>) offsets(%dma_start3A_238 : memref<80xi32, #tpu.memory_space<vmem>>) semaphore(%run_scoped3A_235 : memref<!tpu.dma_semaphore, #tpu.memory_space<semaphore_mem>>) {add = true}
        %dma_wait3A_242 = arith.constant 0 : i32
        %dma_wait3A_243 = tpu.memref_slice %arg7[%add3A_234, %dma_wait3A_242] : memref<125x80xi32, #tpu.memory_space<vmem>> -> memref<1x80xi32, #tpu.memory_space<vmem>>
        %dma_wait3A_244 = tpu.memref_squeeze %dma_wait3A_243 : memref<1x80xi32, #tpu.memory_space<vmem>> -> memref<80xi32, #tpu.memory_space<vmem>>
        %dma_wait3A_245 = arith.constant 0 : i32
        %dma_wait3A_246 = arith.constant 0 : i32
        %dma_wait3A_247 = tpu.memref_slice %arg11[%dma_wait3A_245, %dma_wait3A_246] : memref<10016x128xf32, #tpu.memory_space<vmem_shared>> -> memref<10016x128xf32, #tpu.memory_space<vmem_shared>>
        tpu.wait_indirect_dma semaphore(%run_scoped3A_235 : memref<!tpu.dma_semaphore, #tpu.memory_space<semaphore_mem>>) src(%arg10 : memref<80x128xf32, #tpu.memory_space<vmem>>) dst(%dma_wait3A_247 : memref<10016x128xf32, #tpu.memory_space<vmem_shared>>)
        tpu.yield
      }) : () -> ()
    }
    %scan3A_165 = arith.constant 41 : i32
    %dma_wait3A_166 = arith.constant 123 : i32
    %dma_wait3A_167 = arith.constant 0 : i32
    %dma_wait3A_168 = tpu.memref_slice %arg6[%dma_wait3A_166, %dma_wait3A_167] : memref<125x80xi32, #tpu.memory_space<vmem>> -> memref<1x80xi32, #tpu.memory_space<vmem>>
    %dma_wait3A_169 = tpu.memref_squeeze %dma_wait3A_168 : memref<1x80xi32, #tpu.memory_space<vmem>> -> memref<80xi32, #tpu.memory_space<vmem>>
    %dma_wait3A_170 = arith.constant 0 : i32
    %dma_wait3A_171 = arith.constant 0 : i32
    %dma_wait3A_172 = tpu.memref_slice %arg2[%dma_wait3A_170, %dma_wait3A_171] : memref<10000x128xf32, #tpu.memory_space<hbm>> -> memref<10000x128xf32, #tpu.memory_space<hbm>>
    tpu.wait_indirect_dma semaphore(%arg12 : memref<!tpu.dma_semaphore, #tpu.memory_space<semaphore_mem>>) src(%dma_wait3A_172 : memref<10000x128xf32, #tpu.memory_space<hbm>>) dst(%arg8 : memref<80x128xf32, #tpu.memory_space<vmem>>)
    %run_scoped3A = arith.constant 123 : i32
    "tpu.region"() ({
      %run_scoped3A_182 = tpu.sem_alloc : memref<!tpu.dma_semaphore, #tpu.memory_space<semaphore_mem>>
      %dma_start3A_183 = arith.constant 0 : i32
      %dma_start3A_184 = tpu.memref_slice %arg7[%run_scoped3A, %dma_start3A_183] : memref<125x80xi32, #tpu.memory_space<vmem>> -> memref<1x80xi32, #tpu.memory_space<vmem>>
      %dma_start3A_185 = tpu.memref_squeeze %dma_start3A_184 : memref<1x80xi32, #tpu.memory_space<vmem>> -> memref<80xi32, #tpu.memory_space<vmem>>
      %dma_start3A_186 = arith.constant 0 : i32
      %dma_start3A_187 = arith.constant 0 : i32
      %dma_start3A_188 = tpu.memref_slice %arg11[%dma_start3A_186, %dma_start3A_187] : memref<10016x128xf32, #tpu.memory_space<vmem_shared>> -> memref<10016x128xf32, #tpu.memory_space<vmem_shared>>
      tpu.enqueue_indirect_dma source(%arg8 : memref<80x128xf32, #tpu.memory_space<vmem>>) target(%dma_start3A_188 : memref<10016x128xf32, #tpu.memory_space<vmem_shared>>) offsets(%dma_start3A_185 : memref<80xi32, #tpu.memory_space<vmem>>) semaphore(%run_scoped3A_182 : memref<!tpu.dma_semaphore, #tpu.memory_space<semaphore_mem>>) {add = true}
      %dma_wait3A_189 = arith.constant 0 : i32
      %dma_wait3A_190 = tpu.memref_slice %arg7[%run_scoped3A, %dma_wait3A_189] : memref<125x80xi32, #tpu.memory_space<vmem>> -> memref<1x80xi32, #tpu.memory_space<vmem>>
      %dma_wait3A_191 = tpu.memref_squeeze %dma_wait3A_190 : memref<1x80xi32, #tpu.memory_space<vmem>> -> memref<80xi32, #tpu.memory_space<vmem>>
      %dma_wait3A_192 = arith.constant 0 : i32
      %dma_wait3A_193 = arith.constant 0 : i32
      %dma_wait3A_194 = tpu.memref_slice %arg11[%dma_wait3A_192, %dma_wait3A_193] : memref<10016x128xf32, #tpu.memory_space<vmem_shared>> -> memref<10016x128xf32, #tpu.memory_space<vmem_shared>>
      tpu.wait_indirect_dma semaphore(%run_scoped3A_182 : memref<!tpu.dma_semaphore, #tpu.memory_space<semaphore_mem>>) src(%arg8 : memref<80x128xf32, #tpu.memory_space<vmem>>) dst(%dma_wait3A_194 : memref<10016x128xf32, #tpu.memory_space<vmem_shared>>)
      tpu.yield
    }) : () -> ()
    %dma_wait3A_173 = arith.constant 124 : i32
    %dma_wait3A_174 = arith.constant 0 : i32
    %dma_wait3A_175 = tpu.memref_slice %arg6[%dma_wait3A_173, %dma_wait3A_174] : memref<125x80xi32, #tpu.memory_space<vmem>> -> memref<1x80xi32, #tpu.memory_space<vmem>>
    %dma_wait3A_176 = tpu.memref_squeeze %dma_wait3A_175 : memref<1x80xi32, #tpu.memory_space<vmem>> -> memref<80xi32, #tpu.memory_space<vmem>>
    %dma_wait3A_177 = arith.constant 0 : i32
    %dma_wait3A_178 = arith.constant 0 : i32
    %dma_wait3A_179 = tpu.memref_slice %arg2[%dma_wait3A_177, %dma_wait3A_178] : memref<10000x128xf32, #tpu.memory_space<hbm>> -> memref<10000x128xf32, #tpu.memory_space<hbm>>
    tpu.wait_indirect_dma semaphore(%arg13 : memref<!tpu.dma_semaphore, #tpu.memory_space<semaphore_mem>>) src(%dma_wait3A_179 : memref<10000x128xf32, #tpu.memory_space<hbm>>) dst(%arg9 : memref<80x128xf32, #tpu.memory_space<vmem>>)
    %run_scoped3A_180 = arith.constant 124 : i32
    "tpu.region"() ({
      %run_scoped3A_182 = tpu.sem_alloc : memref<!tpu.dma_semaphore, #tpu.memory_space<semaphore_mem>>
      %dma_start3A_183 = arith.constant 0 : i32
      %dma_start3A_184 = tpu.memref_slice %arg7[%run_scoped3A_180, %dma_start3A_183] : memref<125x80xi32, #tpu.memory_space<vmem>> -> memref<1x80xi32, #tpu.memory_space<vmem>>
      %dma_start3A_185 = tpu.memref_squeeze %dma_start3A_184 : memref<1x80xi32, #tpu.memory_space<vmem>> -> memref<80xi32, #tpu.memory_space<vmem>>
      %dma_start3A_186 = arith.constant 0 : i32
      %dma_start3A_187 = arith.constant 0 : i32
      %dma_start3A_188 = tpu.memref_slice %arg11[%dma_start3A_186, %dma_start3A_187] : memref<10016x128xf32, #tpu.memory_space<vmem_shared>> -> memref<10016x128xf32, #tpu.memory_space<vmem_shared>>
      tpu.enqueue_indirect_dma source(%arg9 : memref<80x128xf32, #tpu.memory_space<vmem>>) target(%dma_start3A_188 : memref<10016x128xf32, #tpu.memory_space<vmem_shared>>) offsets(%dma_start3A_185 : memref<80xi32, #tpu.memory_space<vmem>>) semaphore(%run_scoped3A_182 : memref<!tpu.dma_semaphore, #tpu.memory_space<semaphore_mem>>) {add = true}
      %dma_wait3A_189 = arith.constant 0 : i32
      %dma_wait3A_190 = tpu.memref_slice %arg7[%run_scoped3A_180, %dma_wait3A_189] : memref<125x80xi32, #tpu.memory_space<vmem>> -> memref<1x80xi32, #tpu.memory_space<vmem>>
      %dma_wait3A_191 = tpu.memref_squeeze %dma_wait3A_190 : memref<1x80xi32, #tpu.memory_space<vmem>> -> memref<80xi32, #tpu.memory_space<vmem>>
      %dma_wait3A_192 = arith.constant 0 : i32
      %dma_wait3A_193 = arith.constant 0 : i32
      %dma_wait3A_194 = tpu.memref_slice %arg11[%dma_wait3A_192, %dma_wait3A_193] : memref<10016x128xf32, #tpu.memory_space<vmem_shared>> -> memref<10016x128xf32, #tpu.memory_space<vmem_shared>>
      tpu.wait_indirect_dma semaphore(%run_scoped3A_182 : memref<!tpu.dma_semaphore, #tpu.memory_space<semaphore_mem>>) src(%arg9 : memref<80x128xf32, #tpu.memory_space<vmem>>) dst(%dma_wait3A_194 : memref<10016x128xf32, #tpu.memory_space<vmem_shared>>)
      tpu.yield
    }) : () -> ()
    %barrier3A_181 = arith.constant 0 : index
    tpu.barrier barrier_id(%barrier3A_181)
    "tpu.region"() ({
      %run_scoped3A_182 = tpu.sem_alloc : memref<!tpu.dma_semaphore, #tpu.memory_space<semaphore_mem>>
      %dma_start3A_183 = arith.constant 0 : i32
      %dma_start3A_184 = tpu.memref_slice %arg5[%arg0, %mul3A_22, %dma_start3A_183] : memref<2x10016x128xf32, #tpu.memory_space<hbm>> -> memref<1x626x128xf32, #tpu.memory_space<hbm>>
      %dma_start3A_185 = tpu.memref_squeeze %dma_start3A_184 : memref<1x626x128xf32, #tpu.memory_space<hbm>> -> memref<626x128xf32, #tpu.memory_space<hbm>>
      %dma_start3A_186 = arith.constant 0 : i32
      %dma_start3A_187 = tpu.memref_slice %arg11[%mul3A_22, %dma_start3A_186] : memref<10016x128xf32, #tpu.memory_space<vmem_shared>> -> memref<626x128xf32, #tpu.memory_space<vmem_shared>>
      tpu.enqueue_dma source(%dma_start3A_187 : memref<626x128xf32, #tpu.memory_space<vmem_shared>>) target(%dma_start3A_185 : memref<626x128xf32, #tpu.memory_space<hbm>>) target_semaphore(%run_scoped3A_182 : memref<!tpu.dma_semaphore, #tpu.memory_space<semaphore_mem>>)
      %dma_wait3A_188 = arith.constant 0 : i32
      %dma_wait3A_189 = tpu.memref_slice %arg5[%arg0, %mul3A_22, %dma_wait3A_188] : memref<2x10016x128xf32, #tpu.memory_space<hbm>> -> memref<1x626x128xf32, #tpu.memory_space<hbm>>
      %dma_wait3A_190 = tpu.memref_squeeze %dma_wait3A_189 : memref<1x626x128xf32, #tpu.memory_space<hbm>> -> memref<626x128xf32, #tpu.memory_space<hbm>>
      %dma_wait3A_191 = arith.constant 0 : i32
      %dma_wait3A_192 = tpu.memref_slice %arg11[%mul3A_22, %dma_wait3A_191] : memref<10016x128xf32, #tpu.memory_space<vmem_shared>> -> memref<626x128xf32, #tpu.memory_space<vmem_shared>>
      tpu.wait_dma2 semaphore(%run_scoped3A_182 : memref<!tpu.dma_semaphore, #tpu.memory_space<semaphore_mem>>) src(%dma_wait3A_192 : memref<626x128xf32, #tpu.memory_space<vmem_shared>>) dst(%dma_wait3A_190 : memref<626x128xf32, #tpu.memory_space<hbm>>)
      tpu.yield
    }) : () -> ()
    return
  }
}

#map = affine_map<(d0, d1) -> (0, 0)>
#map1 = affine_map<(d0, d1) -> (0, 0, 0)>
module attributes {stable_mosaic.version = 14 : i64} {
  func.func @_segsum_body(%arg0: i32, %arg1: i32, %arg2: memref<10000x128xf32, #tpu.memory_space<hbm>>, %arg3: memref<32x125x80xi32, #tpu.memory_space<hbm>>, %arg4: memref<32x125x80xi32, #tpu.memory_space<hbm>>, %arg5: memref<2x10016x128xf32, #tpu.memory_space<hbm>>, %arg6: memref<125x80xi32, #tpu.memory_space<vmem>>, %arg7: memref<125x80xi32, #tpu.memory_space<vmem>>, %arg8: memref<80x128xf32, #tpu.memory_space<vmem>>, %arg9: memref<80x128xf32, #tpu.memory_space<vmem>>, %arg10: memref<80x128xf32, #tpu.memory_space<vmem>>, %arg11: memref<10016x128xf32, #tpu.memory_space<vmem_shared>>, %arg12: memref<!tpu.dma_semaphore, #tpu.memory_space<semaphore_mem>>, %arg13: memref<!tpu.dma_semaphore, #tpu.memory_space<semaphore_mem>>, %arg14: memref<!tpu.dma_semaphore, #tpu.memory_space<semaphore_mem>>) attributes {dimension_semantics = [#tpu.dimension_semantics<core_parallel>, #tpu.dimension_semantics<subcore_parallel>], iteration_bounds = array<i64: 2, 16>, scalar_prefetch = 0 : i64, scratch_operands = 9 : i64, tpu.core_type = #tpu.core_type<sc_vector_subcore>, window_params = [{transform_indices = #map}, {transform_indices = #map1}, {transform_indices = #map1}, {transform_indices = #map1}]} {
    %mul3A = arith.constant 16 : i32
    %mul3A_0 = arith.muli %arg0, %mul3A : i32
    %add3A = arith.addi %mul3A_0, %arg1 : i32
    %dma_start3A = arith.constant 0 : i32
    %dma_start3A_1 = arith.constant 0 : i32
    %dma_start3A_2 = tpu.memref_slice %arg3[%add3A, %dma_start3A, %dma_start3A_1] : memref<32x125x80xi32, #tpu.memory_space<hbm>> -> memref<1x125x80xi32, #tpu.memory_space<hbm>>
    %dma_start3A_3 = tpu.memref_squeeze %dma_start3A_2 : memref<1x125x80xi32, #tpu.memory_space<hbm>> -> memref<125x80xi32, #tpu.memory_space<hbm>>
    %dma_start3A_4 = arith.constant 0 : i32
    %dma_start3A_5 = arith.constant 0 : i32
    %dma_start3A_6 = tpu.memref_slice %arg3[%add3A, %dma_start3A_4, %dma_start3A_5] : memref<32x125x80xi32, #tpu.memory_space<hbm>> -> memref<1x125x80xi32, #tpu.memory_space<hbm>>
    %dma_start3A_7 = tpu.memref_squeeze %dma_start3A_6 : memref<1x125x80xi32, #tpu.memory_space<hbm>> -> memref<125x80xi32, #tpu.memory_space<hbm>>
    tpu.enqueue_dma source(%dma_start3A_7 : memref<125x80xi32, #tpu.memory_space<hbm>>) target(%arg6 : memref<125x80xi32, #tpu.memory_space<vmem>>) target_semaphore(%arg12 : memref<!tpu.dma_semaphore, #tpu.memory_space<semaphore_mem>>)
    %dma_start3A_8 = arith.constant 0 : i32
    %dma_start3A_9 = arith.constant 0 : i32
    %dma_start3A_10 = tpu.memref_slice %arg4[%add3A, %dma_start3A_8, %dma_start3A_9] : memref<32x125x80xi32, #tpu.memory_space<hbm>> -> memref<1x125x80xi32, #tpu.memory_space<hbm>>
    %dma_start3A_11 = tpu.memref_squeeze %dma_start3A_10 : memref<1x125x80xi32, #tpu.memory_space<hbm>> -> memref<125x80xi32, #tpu.memory_space<hbm>>
    %dma_start3A_12 = arith.constant 0 : i32
    %dma_start3A_13 = arith.constant 0 : i32
    %dma_start3A_14 = tpu.memref_slice %arg4[%add3A, %dma_start3A_12, %dma_start3A_13] : memref<32x125x80xi32, #tpu.memory_space<hbm>> -> memref<1x125x80xi32, #tpu.memory_space<hbm>>
    %dma_start3A_15 = tpu.memref_squeeze %dma_start3A_14 : memref<1x125x80xi32, #tpu.memory_space<hbm>> -> memref<125x80xi32, #tpu.memory_space<hbm>>
    tpu.enqueue_dma source(%dma_start3A_15 : memref<125x80xi32, #tpu.memory_space<hbm>>) target(%arg7 : memref<125x80xi32, #tpu.memory_space<vmem>>) target_semaphore(%arg13 : memref<!tpu.dma_semaphore, #tpu.memory_space<semaphore_mem>>)
    %scan3A = arith.constant 0 : i32
    %scan3A_16 = arith.constant 0 : i32
    %scan3A_17 = arith.constant 80 : i32
    %scan3A_18 = arith.addi %scan3A_16, %scan3A_17 : i32
    %scan3A_19 = arith.constant 1 : i32
    scf.for %scan3A_182 = %scan3A_16 to %scan3A_18 step %scan3A_19  : i32 {
      %broadcast_in_dim3A = arith.constant 0.000000e+00 : f32
      %broadcast_in_dim3A_183 = vector.broadcast %broadcast_in_dim3A : f32 to vector<16xf32>
      %swap3A = arith.index_cast %scan3A_182 : i32 to index
      %swap3A_184 = arith.constant 0 : index
      %swap3A_185 = tpu.vector_load %arg8[%swap3A, %swap3A_184] {strides = array<i32>} : memref<80x128xf32, #tpu.memory_space<vmem>>, vector<1x16xf32>,
      %swap3A_186 = vector.shape_cast %swap3A_185 : vector<1x16xf32> to vector<16xf32>
      %swap3A_187 = vector.shape_cast %broadcast_in_dim3A_183 : vector<16xf32> to vector<1x16xf32>
      tpu.vector_store %arg8[%swap3A, %swap3A_184], %swap3A_187 {strides = array<i32>} : memref<80x128xf32, #tpu.memory_space<vmem>>, vector<1x16xf32>,
      %broadcast_in_dim3A_188 = arith.constant 0.000000e+00 : f32
      %broadcast_in_dim3A_189 = vector.broadcast %broadcast_in_dim3A_188 : f32 to vector<16xf32>
      %swap3A_190 = arith.index_cast %scan3A_182 : i32 to index
      %swap3A_191 = arith.constant 16 : index
      %swap3A_192 = tpu.vector_load %arg8[%swap3A_190, %swap3A_191] {strides = array<i32>} : memref<80x128xf32, #tpu.memory_space<vmem>>, vector<1x16xf32>,
      %swap3A_193 = vector.shape_cast %swap3A_192 : vector<1x16xf32> to vector<16xf32>
      %swap3A_194 = vector.shape_cast %broadcast_in_dim3A_189 : vector<16xf32> to vector<1x16xf32>
      tpu.vector_store %arg8[%swap3A_190, %swap3A_191], %swap3A_194 {strides = array<i32>} : memref<80x128xf32, #tpu.memory_space<vmem>>, vector<1x16xf32>,
      %broadcast_in_dim3A_195 = arith.constant 0.000000e+00 : f32
      %broadcast_in_dim3A_196 = vector.broadcast %broadcast_in_dim3A_195 : f32 to vector<16xf32>
      %swap3A_197 = arith.index_cast %scan3A_182 : i32 to index
      %swap3A_198 = arith.constant 32 : index
      %swap3A_199 = tpu.vector_load %arg8[%swap3A_197, %swap3A_198] {strides = array<i32>} : memref<80x128xf32, #tpu.memory_space<vmem>>, vector<1x16xf32>,
      %swap3A_200 = vector.shape_cast %swap3A_199 : vector<1x16xf32> to vector<16xf32>
      %swap3A_201 = vector.shape_cast %broadcast_in_dim3A_196 : vector<16xf32> to vector<1x16xf32>
      tpu.vector_store %arg8[%swap3A_197, %swap3A_198], %swap3A_201 {strides = array<i32>} : memref<80x128xf32, #tpu.memory_space<vmem>>, vector<1x16xf32>,
      %broadcast_in_dim3A_202 = arith.constant 0.000000e+00 : f32
      %broadcast_in_dim3A_203 = vector.broadcast %broadcast_in_dim3A_202 : f32 to vector<16xf32>
      %swap3A_204 = arith.index_cast %scan3A_182 : i32 to index
      %swap3A_205 = arith.constant 48 : index
      %swap3A_206 = tpu.vector_load %arg8[%swap3A_204, %swap3A_205] {strides = array<i32>} : memref<80x128xf32, #tpu.memory_space<vmem>>, vector<1x16xf32>,
      %swap3A_207 = vector.shape_cast %swap3A_206 : vector<1x16xf32> to vector<16xf32>
      %swap3A_208 = vector.shape_cast %broadcast_in_dim3A_203 : vector<16xf32> to vector<1x16xf32>
      tpu.vector_store %arg8[%swap3A_204, %swap3A_205], %swap3A_208 {strides = array<i32>} : memref<80x128xf32, #tpu.memory_space<vmem>>, vector<1x16xf32>,
      %broadcast_in_dim3A_209 = arith.constant 0.000000e+00 : f32
      %broadcast_in_dim3A_210 = vector.broadcast %broadcast_in_dim3A_209 : f32 to vector<16xf32>
      %swap3A_211 = arith.index_cast %scan3A_182 : i32 to index
      %swap3A_212 = arith.constant 64 : index
      %swap3A_213 = tpu.vector_load %arg8[%swap3A_211, %swap3A_212] {strides = array<i32>} : memref<80x128xf32, #tpu.memory_space<vmem>>, vector<1x16xf32>,
      %swap3A_214 = vector.shape_cast %swap3A_213 : vector<1x16xf32> to vector<16xf32>
      %swap3A_215 = vector.shape_cast %broadcast_in_dim3A_210 : vector<16xf32> to vector<1x16xf32>
      tpu.vector_store %arg8[%swap3A_211, %swap3A_212], %swap3A_215 {strides = array<i32>} : memref<80x128xf32, #tpu.memory_space<vmem>>, vector<1x16xf32>,
      %broadcast_in_dim3A_216 = arith.constant 0.000000e+00 : f32
      %broadcast_in_dim3A_217 = vector.broadcast %broadcast_in_dim3A_216 : f32 to vector<16xf32>
      %swap3A_218 = arith.index_cast %scan3A_182 : i32 to index
      %swap3A_219 = arith.constant 80 : index
      %swap3A_220 = tpu.vector_load %arg8[%swap3A_218, %swap3A_219] {strides = array<i32>} : memref<80x128xf32, #tpu.memory_space<vmem>>, vector<1x16xf32>,
      %swap3A_221 = vector.shape_cast %swap3A_220 : vector<1x16xf32> to vector<16xf32>
      %swap3A_222 = vector.shape_cast %broadcast_in_dim3A_217 : vector<16xf32> to vector<1x16xf32>
      tpu.vector_store %arg8[%swap3A_218, %swap3A_219], %swap3A_222 {strides = array<i32>} : memref<80x128xf32, #tpu.memory_space<vmem>>, vector<1x16xf32>,
      %broadcast_in_dim3A_223 = arith.constant 0.000000e+00 : f32
      %broadcast_in_dim3A_224 = vector.broadcast %broadcast_in_dim3A_223 : f32 to vector<16xf32>
      %swap3A_225 = arith.index_cast %scan3A_182 : i32 to index
      %swap3A_226 = arith.constant 96 : index
      %swap3A_227 = tpu.vector_load %arg8[%swap3A_225, %swap3A_226] {strides = array<i32>} : memref<80x128xf32, #tpu.memory_space<vmem>>, vector<1x16xf32>,
      %swap3A_228 = vector.shape_cast %swap3A_227 : vector<1x16xf32> to vector<16xf32>
      %swap3A_229 = vector.shape_cast %broadcast_in_dim3A_224 : vector<16xf32> to vector<1x16xf32>
      tpu.vector_store %arg8[%swap3A_225, %swap3A_226], %swap3A_229 {strides = array<i32>} : memref<80x128xf32, #tpu.memory_space<vmem>>, vector<1x16xf32>,
      %broadcast_in_dim3A_230 = arith.constant 0.000000e+00 : f32
      %broadcast_in_dim3A_231 = vector.broadcast %broadcast_in_dim3A_230 : f32 to vector<16xf32>
      %swap3A_232 = arith.index_cast %scan3A_182 : i32 to index
      %swap3A_233 = arith.constant 112 : index
      %swap3A_234 = tpu.vector_load %arg8[%swap3A_232, %swap3A_233] {strides = array<i32>} : memref<80x128xf32, #tpu.memory_space<vmem>>, vector<1x16xf32>,
      %swap3A_235 = vector.shape_cast %swap3A_234 : vector<1x16xf32> to vector<16xf32>
      %swap3A_236 = vector.shape_cast %broadcast_in_dim3A_231 : vector<16xf32> to vector<1x16xf32>
      tpu.vector_store %arg8[%swap3A_232, %swap3A_233], %swap3A_236 {strides = array<i32>} : memref<80x128xf32, #tpu.memory_space<vmem>>, vector<1x16xf32>,
    }
    %scan3A_20 = arith.constant 80 : i32
    %mul3A_21 = arith.constant 626 : i32
    %mul3A_22 = arith.muli %arg1, %mul3A_21 : i32
    %add3A_23 = arith.constant 0 : i32
    %add3A_24 = arith.addi %mul3A_22, %add3A_23 : i32
    %dma_start3A_25 = arith.constant 0 : i32
    %dma_start3A_26 = tpu.memref_slice %arg11[%add3A_24, %dma_start3A_25] : memref<10016x128xf32, #tpu.memory_space<vmem_shared>> -> memref<80x128xf32, #tpu.memory_space<vmem_shared>>
    %dma_start3A_27 = arith.constant 0 : i32
    %dma_start3A_28 = tpu.memref_slice %arg11[%add3A_24, %dma_start3A_27] : memref<10016x128xf32, #tpu.memory_space<vmem_shared>> -> memref<80x128xf32, #tpu.memory_space<vmem_shared>>
    tpu.enqueue_dma source(%arg8 : memref<80x128xf32, #tpu.memory_space<vmem>>) target(%dma_start3A_28 : memref<80x128xf32, #tpu.memory_space<vmem_shared>>) target_semaphore(%arg14 : memref<!tpu.dma_semaphore, #tpu.memory_space<semaphore_mem>>)
    %add3A_29 = arith.constant 80 : i32
    %add3A_30 = arith.addi %mul3A_22, %add3A_29 : i32
    %dma_start3A_31 = arith.constant 0 : i32
    %dma_start3A_32 = tpu.memref_slice %arg11[%add3A_30, %dma_start3A_31] : memref<10016x128xf32, #tpu.memory_space<vmem_shared>> -> memref<80x128xf32, #tpu.memory_space<vmem_shared>>
    %dma_start3A_33 = arith.constant 0 : i32
    %dma_start3A_34 = tpu.memref_slice %arg11[%add3A_30, %dma_start3A_33] : memref<10016x128xf32, #tpu.memory_space<vmem_shared>> -> memref<80x128xf32, #tpu.memory_space<vmem_shared>>
    tpu.enqueue_dma source(%arg8 : memref<80x128xf32, #tpu.memory_space<vmem>>) target(%dma_start3A_34 : memref<80x128xf32, #tpu.memory_space<vmem_shared>>) target_semaphore(%arg14 : memref<!tpu.dma_semaphore, #tpu.memory_space<semaphore_mem>>)
    %add3A_35 = arith.constant 160 : i32
    %add3A_36 = arith.addi %mul3A_22, %add3A_35 : i32
    %dma_start3A_37 = arith.constant 0 : i32
    %dma_start3A_38 = tpu.memref_slice %arg11[%add3A_36, %dma_start3A_37] : memref<10016x128xf32, #tpu.memory_space<vmem_shared>> -> memref<80x128xf32, #tpu.memory_space<vmem_shared>>
    %dma_start3A_39 = arith.constant 0 : i32
    %dma_start3A_40 = tpu.memref_slice %arg11[%add3A_36, %dma_start3A_39] : memref<10016x128xf32, #tpu.memory_space<vmem_shared>> -> memref<80x128xf32, #tpu.memory_space<vmem_shared>>
    tpu.enqueue_dma source(%arg8 : memref<80x128xf32, #tpu.memory_space<vmem>>) target(%dma_start3A_40 : memref<80x128xf32, #tpu.memory_space<vmem_shared>>) target_semaphore(%arg14 : memref<!tpu.dma_semaphore, #tpu.memory_space<semaphore_mem>>)
    %add3A_41 = arith.constant 240 : i32
    %add3A_42 = arith.addi %mul3A_22, %add3A_41 : i32
    %dma_start3A_43 = arith.constant 0 : i32
    %dma_start3A_44 = tpu.memref_slice %arg11[%add3A_42, %dma_start3A_43] : memref<10016x128xf32, #tpu.memory_space<vmem_shared>> -> memref<80x128xf32, #tpu.memory_space<vmem_shared>>
    %dma_start3A_45 = arith.constant 0 : i32
    %dma_start3A_46 = tpu.memref_slice %arg11[%add3A_42, %dma_start3A_45] : memref<10016x128xf32, #tpu.memory_space<vmem_shared>> -> memref<80x128xf32, #tpu.memory_space<vmem_shared>>
    tpu.enqueue_dma source(%arg8 : memref<80x128xf32, #tpu.memory_space<vmem>>) target(%dma_start3A_46 : memref<80x128xf32, #tpu.memory_space<vmem_shared>>) target_semaphore(%arg14 : memref<!tpu.dma_semaphore, #tpu.memory_space<semaphore_mem>>)
    %add3A_47 = arith.constant 320 : i32
    %add3A_48 = arith.addi %mul3A_22, %add3A_47 : i32
    %dma_start3A_49 = arith.constant 0 : i32
    %dma_start3A_50 = tpu.memref_slice %arg11[%add3A_48, %dma_start3A_49] : memref<10016x128xf32, #tpu.memory_space<vmem_shared>> -> memref<80x128xf32, #tpu.memory_space<vmem_shared>>
    %dma_start3A_51 = arith.constant 0 : i32
    %dma_start3A_52 = tpu.memref_slice %arg11[%add3A_48, %dma_start3A_51] : memref<10016x128xf32, #tpu.memory_space<vmem_shared>> -> memref<80x128xf32, #tpu.memory_space<vmem_shared>>
    tpu.enqueue_dma source(%arg8 : memref<80x128xf32, #tpu.memory_space<vmem>>) target(%dma_start3A_52 : memref<80x128xf32, #tpu.memory_space<vmem_shared>>) target_semaphore(%arg14 : memref<!tpu.dma_semaphore, #tpu.memory_space<semaphore_mem>>)
    %add3A_53 = arith.constant 400 : i32
    %add3A_54 = arith.addi %mul3A_22, %add3A_53 : i32
    %dma_start3A_55 = arith.constant 0 : i32
    %dma_start3A_56 = tpu.memref_slice %arg11[%add3A_54, %dma_start3A_55] : memref<10016x128xf32, #tpu.memory_space<vmem_shared>> -> memref<80x128xf32, #tpu.memory_space<vmem_shared>>
    %dma_start3A_57 = arith.constant 0 : i32
    %dma_start3A_58 = tpu.memref_slice %arg11[%add3A_54, %dma_start3A_57] : memref<10016x128xf32, #tpu.memory_space<vmem_shared>> -> memref<80x128xf32, #tpu.memory_space<vmem_shared>>
    tpu.enqueue_dma source(%arg8 : memref<80x128xf32, #tpu.memory_space<vmem>>) target(%dma_start3A_58 : memref<80x128xf32, #tpu.memory_space<vmem_shared>>) target_semaphore(%arg14 : memref<!tpu.dma_semaphore, #tpu.memory_space<semaphore_mem>>)
    %add3A_59 = arith.constant 480 : i32
    %add3A_60 = arith.addi %mul3A_22, %add3A_59 : i32
    %dma_start3A_61 = arith.constant 0 : i32
    %dma_start3A_62 = tpu.memref_slice %arg11[%add3A_60, %dma_start3A_61] : memref<10016x128xf32, #tpu.memory_space<vmem_shared>> -> memref<80x128xf32, #tpu.memory_space<vmem_shared>>
    %dma_start3A_63 = arith.constant 0 : i32
    %dma_start3A_64 = tpu.memref_slice %arg11[%add3A_60, %dma_start3A_63] : memref<10016x128xf32, #tpu.memory_space<vmem_shared>> -> memref<80x128xf32, #tpu.memory_space<vmem_shared>>
    tpu.enqueue_dma source(%arg8 : memref<80x128xf32, #tpu.memory_space<vmem>>) target(%dma_start3A_64 : memref<80x128xf32, #tpu.memory_space<vmem_shared>>) target_semaphore(%arg14 : memref<!tpu.dma_semaphore, #tpu.memory_space<semaphore_mem>>)
    %add3A_65 = arith.constant 560 : i32
    %add3A_66 = arith.addi %mul3A_22, %add3A_65 : i32
    %dma_start3A_67 = arith.constant 0 : i32
    %dma_start3A_68 = arith.constant 0 : i32
    %dma_start3A_69 = tpu.memref_slice %arg8[%dma_start3A_67, %dma_start3A_68] : memref<80x128xf32, #tpu.memory_space<vmem>> -> memref<66x128xf32, #tpu.memory_space<vmem>>
    %dma_start3A_70 = arith.constant 0 : i32
    %dma_start3A_71 = tpu.memref_slice %arg11[%add3A_66, %dma_start3A_70] : memref<10016x128xf32, #tpu.memory_space<vmem_shared>> -> memref<66x128xf32, #tpu.memory_space<vmem_shared>>
    %dma_start3A_72 = arith.constant 0 : i32
    %dma_start3A_73 = tpu.memref_slice %arg11[%add3A_66, %dma_start3A_72] : memref<10016x128xf32, #tpu.memory_space<vmem_shared>> -> memref<66x128xf32, #tpu.memory_space<vmem_shared>>
    %dma_start3A_74 = arith.constant 0 : i32
    %dma_start3A_75 = arith.constant 0 : i32
    %dma_start3A_76 = tpu.memref_slice %arg8[%dma_start3A_74, %dma_start3A_75] : memref<80x128xf32, #tpu.memory_space<vmem>> -> memref<66x128xf32, #tpu.memory_space<vmem>>
    tpu.enqueue_dma source(%dma_start3A_76 : memref<66x128xf32, #tpu.memory_space<vmem>>) target(%dma_start3A_73 : memref<66x128xf32, #tpu.memory_space<vmem_shared>>) target_semaphore(%arg14 : memref<!tpu.dma_semaphore, #tpu.memory_space<semaphore_mem>>)
    %add3A_77 = arith.constant 0 : i32
    %add3A_78 = arith.addi %mul3A_22, %add3A_77 : i32
    %dma_wait3A = arith.constant 0 : i32
    %dma_wait3A_79 = tpu.memref_slice %arg11[%add3A_78, %dma_wait3A] : memref<10016x128xf32, #tpu.memory_space<vmem_shared>> -> memref<80x128xf32, #tpu.memory_space<vmem_shared>>
    %dma_wait3A_80 = arith.constant 0 : i32
    %dma_wait3A_81 = tpu.memref_slice %arg11[%add3A_78, %dma_wait3A_80] : memref<10016x128xf32, #tpu.memory_space<vmem_shared>> -> memref<80x128xf32, #tpu.memory_space<vmem_shared>>
    tpu.wait_dma2 semaphore(%arg14 : memref<!tpu.dma_semaphore, #tpu.memory_space<semaphore_mem>>) src(%arg8 : memref<80x128xf32, #tpu.memory_space<vmem>>) dst(%dma_wait3A_81 : memref<80x128xf32, #tpu.memory_space<vmem_shared>>)
    %add3A_82 = arith.constant 80 : i32
    %add3A_83 = arith.addi %mul3A_22, %add3A_82 : i32
    %dma_wait3A_84 = arith.constant 0 : i32
    %dma_wait3A_85 = tpu.memref_slice %arg11[%add3A_83, %dma_wait3A_84] : memref<10016x128xf32, #tpu.memory_space<vmem_shared>> -> memref<80x128xf32, #tpu.memory_space<vmem_shared>>
    %dma_wait3A_86 = arith.constant 0 : i32
    %dma_wait3A_87 = tpu.memref_slice %arg11[%add3A_83, %dma_wait3A_86] : memref<10016x128xf32, #tpu.memory_space<vmem_shared>> -> memref<80x128xf32, #tpu.memory_space<vmem_shared>>
    tpu.wait_dma2 semaphore(%arg14 : memref<!tpu.dma_semaphore, #tpu.memory_space<semaphore_mem>>) src(%arg8 : memref<80x128xf32, #tpu.memory_space<vmem>>) dst(%dma_wait3A_87 : memref<80x128xf32, #tpu.memory_space<vmem_shared>>)
    %add3A_88 = arith.constant 160 : i32
    %add3A_89 = arith.addi %mul3A_22, %add3A_88 : i32
    %dma_wait3A_90 = arith.constant 0 : i32
    %dma_wait3A_91 = tpu.memref_slice %arg11[%add3A_89, %dma_wait3A_90] : memref<10016x128xf32, #tpu.memory_space<vmem_shared>> -> memref<80x128xf32, #tpu.memory_space<vmem_shared>>
    %dma_wait3A_92 = arith.constant 0 : i32
    %dma_wait3A_93 = tpu.memref_slice %arg11[%add3A_89, %dma_wait3A_92] : memref<10016x128xf32, #tpu.memory_space<vmem_shared>> -> memref<80x128xf32, #tpu.memory_space<vmem_shared>>
    tpu.wait_dma2 semaphore(%arg14 : memref<!tpu.dma_semaphore, #tpu.memory_space<semaphore_mem>>) src(%arg8 : memref<80x128xf32, #tpu.memory_space<vmem>>) dst(%dma_wait3A_93 : memref<80x128xf32, #tpu.memory_space<vmem_shared>>)
    %add3A_94 = arith.constant 240 : i32
    %add3A_95 = arith.addi %mul3A_22, %add3A_94 : i32
    %dma_wait3A_96 = arith.constant 0 : i32
    %dma_wait3A_97 = tpu.memref_slice %arg11[%add3A_95, %dma_wait3A_96] : memref<10016x128xf32, #tpu.memory_space<vmem_shared>> -> memref<80x128xf32, #tpu.memory_space<vmem_shared>>
    %dma_wait3A_98 = arith.constant 0 : i32
    %dma_wait3A_99 = tpu.memref_slice %arg11[%add3A_95, %dma_wait3A_98] : memref<10016x128xf32, #tpu.memory_space<vmem_shared>> -> memref<80x128xf32, #tpu.memory_space<vmem_shared>>
    tpu.wait_dma2 semaphore(%arg14 : memref<!tpu.dma_semaphore, #tpu.memory_space<semaphore_mem>>) src(%arg8 : memref<80x128xf32, #tpu.memory_space<vmem>>) dst(%dma_wait3A_99 : memref<80x128xf32, #tpu.memory_space<vmem_shared>>)
    %add3A_100 = arith.constant 320 : i32
    %add3A_101 = arith.addi %mul3A_22, %add3A_100 : i32
    %dma_wait3A_102 = arith.constant 0 : i32
    %dma_wait3A_103 = tpu.memref_slice %arg11[%add3A_101, %dma_wait3A_102] : memref<10016x128xf32, #tpu.memory_space<vmem_shared>> -> memref<80x128xf32, #tpu.memory_space<vmem_shared>>
    %dma_wait3A_104 = arith.constant 0 : i32
    %dma_wait3A_105 = tpu.memref_slice %arg11[%add3A_101, %dma_wait3A_104] : memref<10016x128xf32, #tpu.memory_space<vmem_shared>> -> memref<80x128xf32, #tpu.memory_space<vmem_shared>>
    tpu.wait_dma2 semaphore(%arg14 : memref<!tpu.dma_semaphore, #tpu.memory_space<semaphore_mem>>) src(%arg8 : memref<80x128xf32, #tpu.memory_space<vmem>>) dst(%dma_wait3A_105 : memref<80x128xf32, #tpu.memory_space<vmem_shared>>)
    %add3A_106 = arith.constant 400 : i32
    %add3A_107 = arith.addi %mul3A_22, %add3A_106 : i32
    %dma_wait3A_108 = arith.constant 0 : i32
    %dma_wait3A_109 = tpu.memref_slice %arg11[%add3A_107, %dma_wait3A_108] : memref<10016x128xf32, #tpu.memory_space<vmem_shared>> -> memref<80x128xf32, #tpu.memory_space<vmem_shared>>
    %dma_wait3A_110 = arith.constant 0 : i32
    %dma_wait3A_111 = tpu.memref_slice %arg11[%add3A_107, %dma_wait3A_110] : memref<10016x128xf32, #tpu.memory_space<vmem_shared>> -> memref<80x128xf32, #tpu.memory_space<vmem_shared>>
    tpu.wait_dma2 semaphore(%arg14 : memref<!tpu.dma_semaphore, #tpu.memory_space<semaphore_mem>>) src(%arg8 : memref<80x128xf32, #tpu.memory_space<vmem>>) dst(%dma_wait3A_111 : memref<80x128xf32, #tpu.memory_space<vmem_shared>>)
    %add3A_112 = arith.constant 480 : i32
    %add3A_113 = arith.addi %mul3A_22, %add3A_112 : i32
    %dma_wait3A_114 = arith.constant 0 : i32
    %dma_wait3A_115 = tpu.memref_slice %arg11[%add3A_113, %dma_wait3A_114] : memref<10016x128xf32, #tpu.memory_space<vmem_shared>> -> memref<80x128xf32, #tpu.memory_space<vmem_shared>>
    %dma_wait3A_116 = arith.constant 0 : i32
    %dma_wait3A_117 = tpu.memref_slice %arg11[%add3A_113, %dma_wait3A_116] : memref<10016x128xf32, #tpu.memory_space<vmem_shared>> -> memref<80x128xf32, #tpu.memory_space<vmem_shared>>
    tpu.wait_dma2 semaphore(%arg14 : memref<!tpu.dma_semaphore, #tpu.memory_space<semaphore_mem>>) src(%arg8 : memref<80x128xf32, #tpu.memory_space<vmem>>) dst(%dma_wait3A_117 : memref<80x128xf32, #tpu.memory_space<vmem_shared>>)
    %add3A_118 = arith.constant 560 : i32
    %add3A_119 = arith.addi %mul3A_22, %add3A_118 : i32
    %dma_wait3A_120 = arith.constant 0 : i32
    %dma_wait3A_121 = arith.constant 0 : i32
    %dma_wait3A_122 = tpu.memref_slice %arg8[%dma_wait3A_120, %dma_wait3A_121] : memref<80x128xf32, #tpu.memory_space<vmem>> -> memref<66x128xf32, #tpu.memory_space<vmem>>
    %dma_wait3A_123 = arith.constant 0 : i32
    %dma_wait3A_124 = tpu.memref_slice %arg11[%add3A_119, %dma_wait3A_123] : memref<10016x128xf32, #tpu.memory_space<vmem_shared>> -> memref<66x128xf32, #tpu.memory_space<vmem_shared>>
    %dma_wait3A_125 = arith.constant 0 : i32
    %dma_wait3A_126 = tpu.memref_slice %arg11[%add3A_119, %dma_wait3A_125] : memref<10016x128xf32, #tpu.memory_space<vmem_shared>> -> memref<66x128xf32, #tpu.memory_space<vmem_shared>>
    %dma_wait3A_127 = arith.constant 0 : i32
    %dma_wait3A_128 = arith.constant 0 : i32
    %dma_wait3A_129 = tpu.memref_slice %arg8[%dma_wait3A_127, %dma_wait3A_128] : memref<80x128xf32, #tpu.memory_space<vmem>> -> memref<66x128xf32, #tpu.memory_space<vmem>>
    tpu.wait_dma2 semaphore(%arg14 : memref<!tpu.dma_semaphore, #tpu.memory_space<semaphore_mem>>) src(%dma_wait3A_129 : memref<66x128xf32, #tpu.memory_space<vmem>>) dst(%dma_wait3A_126 : memref<66x128xf32, #tpu.memory_space<vmem_shared>>)
    %dma_wait3A_130 = arith.constant 0 : i32
    %dma_wait3A_131 = arith.constant 0 : i32
    %dma_wait3A_132 = tpu.memref_slice %arg3[%add3A, %dma_wait3A_130, %dma_wait3A_131] : memref<32x125x80xi32, #tpu.memory_space<hbm>> -> memref<1x125x80xi32, #tpu.memory_space<hbm>>
    %dma_wait3A_133 = tpu.memref_squeeze %dma_wait3A_132 : memref<1x125x80xi32, #tpu.memory_space<hbm>> -> memref<125x80xi32, #tpu.memory_space<hbm>>
    %dma_wait3A_134 = arith.constant 0 : i32
    %dma_wait3A_135 = arith.constant 0 : i32
    %dma_wait3A_136 = tpu.memref_slice %arg3[%add3A, %dma_wait3A_134, %dma_wait3A_135] : memref<32x125x80xi32, #tpu.memory_space<hbm>> -> memref<1x125x80xi32, #tpu.memory_space<hbm>>
    %dma_wait3A_137 = tpu.memref_squeeze %dma_wait3A_136 : memref<1x125x80xi32, #tpu.memory_space<hbm>> -> memref<125x80xi32, #tpu.memory_space<hbm>>
    tpu.wait_dma2 semaphore(%arg12 : memref<!tpu.dma_semaphore, #tpu.memory_space<semaphore_mem>>) src(%dma_wait3A_137 : memref<125x80xi32, #tpu.memory_space<hbm>>) dst(%arg6 : memref<125x80xi32, #tpu.memory_space<vmem>>)
    %dma_wait3A_138 = arith.constant 0 : i32
    %dma_wait3A_139 = arith.constant 0 : i32
    %dma_wait3A_140 = tpu.memref_slice %arg4[%add3A, %dma_wait3A_138, %dma_wait3A_139] : memref<32x125x80xi32, #tpu.memory_space<hbm>> -> memref<1x125x80xi32, #tpu.memory_space<hbm>>
    %dma_wait3A_141 = tpu.memref_squeeze %dma_wait3A_140 : memref<1x125x80xi32, #tpu.memory_space<hbm>> -> memref<125x80xi32, #tpu.memory_space<hbm>>
    %dma_wait3A_142 = arith.constant 0 : i32
    %dma_wait3A_143 = arith.constant 0 : i32
    %dma_wait3A_144 = tpu.memref_slice %arg4[%add3A, %dma_wait3A_142, %dma_wait3A_143] : memref<32x125x80xi32, #tpu.memory_space<hbm>> -> memref<1x125x80xi32, #tpu.memory_space<hbm>>
    %dma_wait3A_145 = tpu.memref_squeeze %dma_wait3A_144 : memref<1x125x80xi32, #tpu.memory_space<hbm>> -> memref<125x80xi32, #tpu.memory_space<hbm>>
    tpu.wait_dma2 semaphore(%arg13 : memref<!tpu.dma_semaphore, #tpu.memory_space<semaphore_mem>>) src(%dma_wait3A_145 : memref<125x80xi32, #tpu.memory_space<hbm>>) dst(%arg7 : memref<125x80xi32, #tpu.memory_space<vmem>>)
    %barrier3A = arith.constant 0 : index
    tpu.barrier barrier_id(%barrier3A)
    %dma_start3A_146 = arith.constant 0 : i32
    %dma_start3A_147 = arith.constant 0 : i32
    %dma_start3A_148 = tpu.memref_slice %arg6[%dma_start3A_146, %dma_start3A_147] : memref<125x80xi32, #tpu.memory_space<vmem>> -> memref<1x80xi32, #tpu.memory_space<vmem>>
    %dma_start3A_149 = tpu.memref_squeeze %dma_start3A_148 : memref<1x80xi32, #tpu.memory_space<vmem>> -> memref<80xi32, #tpu.memory_space<vmem>>
    %dma_start3A_150 = arith.constant 0 : i32
    %dma_start3A_151 = arith.constant 0 : i32
    %dma_start3A_152 = tpu.memref_slice %arg2[%dma_start3A_150, %dma_start3A_151] : memref<10000x128xf32, #tpu.memory_space<hbm>> -> memref<10000x128xf32, #tpu.memory_space<hbm>>
    tpu.enqueue_indirect_dma source(%dma_start3A_152 : memref<10000x128xf32, #tpu.memory_space<hbm>>) target(%arg8 : memref<80x128xf32, #tpu.memory_space<vmem>>) offsets(%dma_start3A_149 : memref<80xi32, #tpu.memory_space<vmem>>) semaphore(%arg12 : memref<!tpu.dma_semaphore, #tpu.memory_space<semaphore_mem>>)
    %dma_start3A_153 = arith.constant 1 : i32
    %dma_start3A_154 = arith.constant 0 : i32
    %dma_start3A_155 = tpu.memref_slice %arg6[%dma_start3A_153, %dma_start3A_154] : memref<125x80xi32, #tpu.memory_space<vmem>> -> memref<1x80xi32, #tpu.memory_space<vmem>>
    %dma_start3A_156 = tpu.memref_squeeze %dma_start3A_155 : memref<1x80xi32, #tpu.memory_space<vmem>> -> memref<80xi32, #tpu.memory_space<vmem>>
    %dma_start3A_157 = arith.constant 0 : i32
    %dma_start3A_158 = arith.constant 0 : i32
    %dma_start3A_159 = tpu.memref_slice %arg2[%dma_start3A_157, %dma_start3A_158] : memref<10000x128xf32, #tpu.memory_space<hbm>> -> memref<10000x128xf32, #tpu.memory_space<hbm>>
    tpu.enqueue_indirect_dma source(%dma_start3A_159 : memref<10000x128xf32, #tpu.memory_space<hbm>>) target(%arg9 : memref<80x128xf32, #tpu.memory_space<vmem>>) offsets(%dma_start3A_156 : memref<80xi32, #tpu.memory_space<vmem>>) semaphore(%arg13 : memref<!tpu.dma_semaphore, #tpu.memory_space<semaphore_mem>>)
    %scan3A_160 = arith.constant 0 : i32
    %scan3A_161 = arith.constant 0 : i32
    %scan3A_162 = arith.constant 41 : i32
    %scan3A_163 = arith.addi %scan3A_161, %scan3A_162 : i32
    %scan3A_164 = arith.constant 1 : i32
    scf.for %scan3A_182 = %scan3A_161 to %scan3A_163 step %scan3A_164  : i32 {
      %mul3A_183 = arith.constant 3 : i32
      %mul3A_184 = arith.muli %mul3A_183, %scan3A_182 : i32
      %dma_wait3A_185 = arith.constant 0 : i32
      %dma_wait3A_186 = tpu.memref_slice %arg6[%mul3A_184, %dma_wait3A_185] : memref<125x80xi32, #tpu.memory_space<vmem>> -> memref<1x80xi32, #tpu.memory_space<vmem>>
      %dma_wait3A_187 = tpu.memref_squeeze %dma_wait3A_186 : memref<1x80xi32, #tpu.memory_space<vmem>> -> memref<80xi32, #tpu.memory_space<vmem>>
      %dma_wait3A_188 = arith.constant 0 : i32
      %dma_wait3A_189 = arith.constant 0 : i32
      %dma_wait3A_190 = tpu.memref_slice %arg2[%dma_wait3A_188, %dma_wait3A_189] : memref<10000x128xf32, #tpu.memory_space<hbm>> -> memref<10000x128xf32, #tpu.memory_space<hbm>>
      tpu.wait_indirect_dma semaphore(%arg12 : memref<!tpu.dma_semaphore, #tpu.memory_space<semaphore_mem>>) src(%dma_wait3A_190 : memref<10000x128xf32, #tpu.memory_space<hbm>>) dst(%arg8 : memref<80x128xf32, #tpu.memory_space<vmem>>)
      %add3A_191 = arith.constant 2 : i32
      %add3A_192 = arith.addi %mul3A_184, %add3A_191 : i32
      %dma_start3A_193 = arith.constant 0 : i32
      %dma_start3A_194 = tpu.memref_slice %arg6[%add3A_192, %dma_start3A_193] : memref<125x80xi32, #tpu.memory_space<vmem>> -> memref<1x80xi32, #tpu.memory_space<vmem>>
      %dma_start3A_195 = tpu.memref_squeeze %dma_start3A_194 : memref<1x80xi32, #tpu.memory_space<vmem>> -> memref<80xi32, #tpu.memory_space<vmem>>
      %dma_start3A_196 = arith.constant 0 : i32
      %dma_start3A_197 = arith.constant 0 : i32
      %dma_start3A_198 = tpu.memref_slice %arg2[%dma_start3A_196, %dma_start3A_197] : memref<10000x128xf32, #tpu.memory_space<hbm>> -> memref<10000x128xf32, #tpu.memory_space<hbm>>
      tpu.enqueue_indirect_dma source(%dma_start3A_198 : memref<10000x128xf32, #tpu.memory_space<hbm>>) target(%arg10 : memref<80x128xf32, #tpu.memory_space<vmem>>) offsets(%dma_start3A_195 : memref<80xi32, #tpu.memory_space<vmem>>) semaphore(%arg14 : memref<!tpu.dma_semaphore, #tpu.memory_space<semaphore_mem>>)
      "tpu.region"() ({
        %run_scoped3A_235 = tpu.sem_alloc : memref<!tpu.dma_semaphore, #tpu.memory_space<semaphore_mem>>
        %dma_start3A_236 = arith.constant 0 : i32
        %dma_start3A_237 = tpu.memref_slice %arg7[%mul3A_184, %dma_start3A_236] : memref<125x80xi32, #tpu.memory_space<vmem>> -> memref<1x80xi32, #tpu.memory_space<vmem>>
        %dma_start3A_238 = tpu.memref_squeeze %dma_start3A_237 : memref<1x80xi32, #tpu.memory_space<vmem>> -> memref<80xi32, #tpu.memory_space<vmem>>
        %dma_start3A_239 = arith.constant 0 : i32
        %dma_start3A_240 = arith.constant 0 : i32
        %dma_start3A_241 = tpu.memref_slice %arg11[%dma_start3A_239, %dma_start3A_240] : memref<10016x128xf32, #tpu.memory_space<vmem_shared>> -> memref<10016x128xf32, #tpu.memory_space<vmem_shared>>
        tpu.enqueue_indirect_dma source(%arg8 : memref<80x128xf32, #tpu.memory_space<vmem>>) target(%dma_start3A_241 : memref<10016x128xf32, #tpu.memory_space<vmem_shared>>) offsets(%dma_start3A_238 : memref<80xi32, #tpu.memory_space<vmem>>) semaphore(%run_scoped3A_235 : memref<!tpu.dma_semaphore, #tpu.memory_space<semaphore_mem>>) {add = true}
        %dma_wait3A_242 = arith.constant 0 : i32
        %dma_wait3A_243 = tpu.memref_slice %arg7[%mul3A_184, %dma_wait3A_242] : memref<125x80xi32, #tpu.memory_space<vmem>> -> memref<1x80xi32, #tpu.memory_space<vmem>>
        %dma_wait3A_244 = tpu.memref_squeeze %dma_wait3A_243 : memref<1x80xi32, #tpu.memory_space<vmem>> -> memref<80xi32, #tpu.memory_space<vmem>>
        %dma_wait3A_245 = arith.constant 0 : i32
        %dma_wait3A_246 = arith.constant 0 : i32
        %dma_wait3A_247 = tpu.memref_slice %arg11[%dma_wait3A_245, %dma_wait3A_246] : memref<10016x128xf32, #tpu.memory_space<vmem_shared>> -> memref<10016x128xf32, #tpu.memory_space<vmem_shared>>
        tpu.wait_indirect_dma semaphore(%run_scoped3A_235 : memref<!tpu.dma_semaphore, #tpu.memory_space<semaphore_mem>>) src(%arg8 : memref<80x128xf32, #tpu.memory_space<vmem>>) dst(%dma_wait3A_247 : memref<10016x128xf32, #tpu.memory_space<vmem_shared>>)
        tpu.yield
      }) : () -> ()
      %add3A_199 = arith.constant 1 : i32
      %add3A_200 = arith.addi %mul3A_184, %add3A_199 : i32
      %dma_wait3A_201 = arith.constant 0 : i32
      %dma_wait3A_202 = tpu.memref_slice %arg6[%add3A_200, %dma_wait3A_201] : memref<125x80xi32, #tpu.memory_space<vmem>> -> memref<1x80xi32, #tpu.memory_space<vmem>>
      %dma_wait3A_203 = tpu.memref_squeeze %dma_wait3A_202 : memref<1x80xi32, #tpu.memory_space<vmem>> -> memref<80xi32, #tpu.memory_space<vmem>>
      %dma_wait3A_204 = arith.constant 0 : i32
      %dma_wait3A_205 = arith.constant 0 : i32
      %dma_wait3A_206 = tpu.memref_slice %arg2[%dma_wait3A_204, %dma_wait3A_205] : memref<10000x128xf32, #tpu.memory_space<hbm>> -> memref<10000x128xf32, #tpu.memory_space<hbm>>
      tpu.wait_indirect_dma semaphore(%arg13 : memref<!tpu.dma_semaphore, #tpu.memory_space<semaphore_mem>>) src(%dma_wait3A_206 : memref<10000x128xf32, #tpu.memory_space<hbm>>) dst(%arg9 : memref<80x128xf32, #tpu.memory_space<vmem>>)
      %add3A_207 = arith.constant 3 : i32
      %add3A_208 = arith.addi %mul3A_184, %add3A_207 : i32
      %dma_start3A_209 = arith.constant 0 : i32
      %dma_start3A_210 = tpu.memref_slice %arg6[%add3A_208, %dma_start3A_209] : memref<125x80xi32, #tpu.memory_space<vmem>> -> memref<1x80xi32, #tpu.memory_space<vmem>>
      %dma_start3A_211 = tpu.memref_squeeze %dma_start3A_210 : memref<1x80xi32, #tpu.memory_space<vmem>> -> memref<80xi32, #tpu.memory_space<vmem>>
      %dma_start3A_212 = arith.constant 0 : i32
      %dma_start3A_213 = arith.constant 0 : i32
      %dma_start3A_214 = tpu.memref_slice %arg2[%dma_start3A_212, %dma_start3A_213] : memref<10000x128xf32, #tpu.memory_space<hbm>> -> memref<10000x128xf32, #tpu.memory_space<hbm>>
      tpu.enqueue_indirect_dma source(%dma_start3A_214 : memref<10000x128xf32, #tpu.memory_space<hbm>>) target(%arg8 : memref<80x128xf32, #tpu.memory_space<vmem>>) offsets(%dma_start3A_211 : memref<80xi32, #tpu.memory_space<vmem>>) semaphore(%arg12 : memref<!tpu.dma_semaphore, #tpu.memory_space<semaphore_mem>>)
      %add3A_215 = arith.constant 1 : i32
      %add3A_216 = arith.addi %mul3A_184, %add3A_215 : i32
      "tpu.region"() ({
        %run_scoped3A_235 = tpu.sem_alloc : memref<!tpu.dma_semaphore, #tpu.memory_space<semaphore_mem>>
        %dma_start3A_236 = arith.constant 0 : i32
        %dma_start3A_237 = tpu.memref_slice %arg7[%add3A_216, %dma_start3A_236] : memref<125x80xi32, #tpu.memory_space<vmem>> -> memref<1x80xi32, #tpu.memory_space<vmem>>
        %dma_start3A_238 = tpu.memref_squeeze %dma_start3A_237 : memref<1x80xi32, #tpu.memory_space<vmem>> -> memref<80xi32, #tpu.memory_space<vmem>>
        %dma_start3A_239 = arith.constant 0 : i32
        %dma_start3A_240 = arith.constant 0 : i32
        %dma_start3A_241 = tpu.memref_slice %arg11[%dma_start3A_239, %dma_start3A_240] : memref<10016x128xf32, #tpu.memory_space<vmem_shared>> -> memref<10016x128xf32, #tpu.memory_space<vmem_shared>>
        tpu.enqueue_indirect_dma source(%arg9 : memref<80x128xf32, #tpu.memory_space<vmem>>) target(%dma_start3A_241 : memref<10016x128xf32, #tpu.memory_space<vmem_shared>>) offsets(%dma_start3A_238 : memref<80xi32, #tpu.memory_space<vmem>>) semaphore(%run_scoped3A_235 : memref<!tpu.dma_semaphore, #tpu.memory_space<semaphore_mem>>) {add = true}
        %dma_wait3A_242 = arith.constant 0 : i32
        %dma_wait3A_243 = tpu.memref_slice %arg7[%add3A_216, %dma_wait3A_242] : memref<125x80xi32, #tpu.memory_space<vmem>> -> memref<1x80xi32, #tpu.memory_space<vmem>>
        %dma_wait3A_244 = tpu.memref_squeeze %dma_wait3A_243 : memref<1x80xi32, #tpu.memory_space<vmem>> -> memref<80xi32, #tpu.memory_space<vmem>>
        %dma_wait3A_245 = arith.constant 0 : i32
        %dma_wait3A_246 = arith.constant 0 : i32
        %dma_wait3A_247 = tpu.memref_slice %arg11[%dma_wait3A_245, %dma_wait3A_246] : memref<10016x128xf32, #tpu.memory_space<vmem_shared>> -> memref<10016x128xf32, #tpu.memory_space<vmem_shared>>
        tpu.wait_indirect_dma semaphore(%run_scoped3A_235 : memref<!tpu.dma_semaphore, #tpu.memory_space<semaphore_mem>>) src(%arg9 : memref<80x128xf32, #tpu.memory_space<vmem>>) dst(%dma_wait3A_247 : memref<10016x128xf32, #tpu.memory_space<vmem_shared>>)
        tpu.yield
      }) : () -> ()
      %add3A_217 = arith.constant 2 : i32
      %add3A_218 = arith.addi %mul3A_184, %add3A_217 : i32
      %dma_wait3A_219 = arith.constant 0 : i32
      %dma_wait3A_220 = tpu.memref_slice %arg6[%add3A_218, %dma_wait3A_219] : memref<125x80xi32, #tpu.memory_space<vmem>> -> memref<1x80xi32, #tpu.memory_space<vmem>>
      %dma_wait3A_221 = tpu.memref_squeeze %dma_wait3A_220 : memref<1x80xi32, #tpu.memory_space<vmem>> -> memref<80xi32, #tpu.memory_space<vmem>>
      %dma_wait3A_222 = arith.constant 0 : i32
      %dma_wait3A_223 = arith.constant 0 : i32
      %dma_wait3A_224 = tpu.memref_slice %arg2[%dma_wait3A_222, %dma_wait3A_223] : memref<10000x128xf32, #tpu.memory_space<hbm>> -> memref<10000x128xf32, #tpu.memory_space<hbm>>
      tpu.wait_indirect_dma semaphore(%arg14 : memref<!tpu.dma_semaphore, #tpu.memory_space<semaphore_mem>>) src(%dma_wait3A_224 : memref<10000x128xf32, #tpu.memory_space<hbm>>) dst(%arg10 : memref<80x128xf32, #tpu.memory_space<vmem>>)
      %add3A_225 = arith.constant 4 : i32
      %add3A_226 = arith.addi %mul3A_184, %add3A_225 : i32
      %dma_start3A_227 = arith.constant 0 : i32
      %dma_start3A_228 = tpu.memref_slice %arg6[%add3A_226, %dma_start3A_227] : memref<125x80xi32, #tpu.memory_space<vmem>> -> memref<1x80xi32, #tpu.memory_space<vmem>>
      %dma_start3A_229 = tpu.memref_squeeze %dma_start3A_228 : memref<1x80xi32, #tpu.memory_space<vmem>> -> memref<80xi32, #tpu.memory_space<vmem>>
      %dma_start3A_230 = arith.constant 0 : i32
      %dma_start3A_231 = arith.constant 0 : i32
      %dma_start3A_232 = tpu.memref_slice %arg2[%dma_start3A_230, %dma_start3A_231] : memref<10000x128xf32, #tpu.memory_space<hbm>> -> memref<10000x128xf32, #tpu.memory_space<hbm>>
      tpu.enqueue_indirect_dma source(%dma_start3A_232 : memref<10000x128xf32, #tpu.memory_space<hbm>>) target(%arg9 : memref<80x128xf32, #tpu.memory_space<vmem>>) offsets(%dma_start3A_229 : memref<80xi32, #tpu.memory_space<vmem>>) semaphore(%arg13 : memref<!tpu.dma_semaphore, #tpu.memory_space<semaphore_mem>>)
      %add3A_233 = arith.constant 2 : i32
      %add3A_234 = arith.addi %mul3A_184, %add3A_233 : i32
      "tpu.region"() ({
        %run_scoped3A_235 = tpu.sem_alloc : memref<!tpu.dma_semaphore, #tpu.memory_space<semaphore_mem>>
        %dma_start3A_236 = arith.constant 0 : i32
        %dma_start3A_237 = tpu.memref_slice %arg7[%add3A_234, %dma_start3A_236] : memref<125x80xi32, #tpu.memory_space<vmem>> -> memref<1x80xi32, #tpu.memory_space<vmem>>
        %dma_start3A_238 = tpu.memref_squeeze %dma_start3A_237 : memref<1x80xi32, #tpu.memory_space<vmem>> -> memref<80xi32, #tpu.memory_space<vmem>>
        %dma_start3A_239 = arith.constant 0 : i32
        %dma_start3A_240 = arith.constant 0 : i32
        %dma_start3A_241 = tpu.memref_slice %arg11[%dma_start3A_239, %dma_start3A_240] : memref<10016x128xf32, #tpu.memory_space<vmem_shared>> -> memref<10016x128xf32, #tpu.memory_space<vmem_shared>>
        tpu.enqueue_indirect_dma source(%arg10 : memref<80x128xf32, #tpu.memory_space<vmem>>) target(%dma_start3A_241 : memref<10016x128xf32, #tpu.memory_space<vmem_shared>>) offsets(%dma_start3A_238 : memref<80xi32, #tpu.memory_space<vmem>>) semaphore(%run_scoped3A_235 : memref<!tpu.dma_semaphore, #tpu.memory_space<semaphore_mem>>) {add = true}
        %dma_wait3A_242 = arith.constant 0 : i32
        %dma_wait3A_243 = tpu.memref_slice %arg7[%add3A_234, %dma_wait3A_242] : memref<125x80xi32, #tpu.memory_space<vmem>> -> memref<1x80xi32, #tpu.memory_space<vmem>>
        %dma_wait3A_244 = tpu.memref_squeeze %dma_wait3A_243 : memref<1x80xi32, #tpu.memory_space<vmem>> -> memref<80xi32, #tpu.memory_space<vmem>>
        %dma_wait3A_245 = arith.constant 0 : i32
        %dma_wait3A_246 = arith.constant 0 : i32
        %dma_wait3A_247 = tpu.memref_slice %arg11[%dma_wait3A_245, %dma_wait3A_246] : memref<10016x128xf32, #tpu.memory_space<vmem_shared>> -> memref<10016x128xf32, #tpu.memory_space<vmem_shared>>
        tpu.wait_indirect_dma semaphore(%run_scoped3A_235 : memref<!tpu.dma_semaphore, #tpu.memory_space<semaphore_mem>>) src(%arg10 : memref<80x128xf32, #tpu.memory_space<vmem>>) dst(%dma_wait3A_247 : memref<10016x128xf32, #tpu.memory_space<vmem_shared>>)
        tpu.yield
      }) : () -> ()
    }
    %scan3A_165 = arith.constant 41 : i32
    %dma_wait3A_166 = arith.constant 123 : i32
    %dma_wait3A_167 = arith.constant 0 : i32
    %dma_wait3A_168 = tpu.memref_slice %arg6[%dma_wait3A_166, %dma_wait3A_167] : memref<125x80xi32, #tpu.memory_space<vmem>> -> memref<1x80xi32, #tpu.memory_space<vmem>>
    %dma_wait3A_169 = tpu.memref_squeeze %dma_wait3A_168 : memref<1x80xi32, #tpu.memory_space<vmem>> -> memref<80xi32, #tpu.memory_space<vmem>>
    %dma_wait3A_170 = arith.constant 0 : i32
    %dma_wait3A_171 = arith.constant 0 : i32
    %dma_wait3A_172 = tpu.memref_slice %arg2[%dma_wait3A_170, %dma_wait3A_171] : memref<10000x128xf32, #tpu.memory_space<hbm>> -> memref<10000x128xf32, #tpu.memory_space<hbm>>
    tpu.wait_indirect_dma semaphore(%arg12 : memref<!tpu.dma_semaphore, #tpu.memory_space<semaphore_mem>>) src(%dma_wait3A_172 : memref<10000x128xf32, #tpu.memory_space<hbm>>) dst(%arg8 : memref<80x128xf32, #tpu.memory_space<vmem>>)
    %run_scoped3A = arith.constant 123 : i32
    "tpu.region"() ({
      %run_scoped3A_182 = tpu.sem_alloc : memref<!tpu.dma_semaphore, #tpu.memory_space<semaphore_mem>>
      %dma_start3A_183 = arith.constant 0 : i32
      %dma_start3A_184 = tpu.memref_slice %arg7[%run_scoped3A, %dma_start3A_183] : memref<125x80xi32, #tpu.memory_space<vmem>> -> memref<1x80xi32, #tpu.memory_space<vmem>>
      %dma_start3A_185 = tpu.memref_squeeze %dma_start3A_184 : memref<1x80xi32, #tpu.memory_space<vmem>> -> memref<80xi32, #tpu.memory_space<vmem>>
      %dma_start3A_186 = arith.constant 0 : i32
      %dma_start3A_187 = arith.constant 0 : i32
      %dma_start3A_188 = tpu.memref_slice %arg11[%dma_start3A_186, %dma_start3A_187] : memref<10016x128xf32, #tpu.memory_space<vmem_shared>> -> memref<10016x128xf32, #tpu.memory_space<vmem_shared>>
      tpu.enqueue_indirect_dma source(%arg8 : memref<80x128xf32, #tpu.memory_space<vmem>>) target(%dma_start3A_188 : memref<10016x128xf32, #tpu.memory_space<vmem_shared>>) offsets(%dma_start3A_185 : memref<80xi32, #tpu.memory_space<vmem>>) semaphore(%run_scoped3A_182 : memref<!tpu.dma_semaphore, #tpu.memory_space<semaphore_mem>>) {add = true}
      %dma_wait3A_189 = arith.constant 0 : i32
      %dma_wait3A_190 = tpu.memref_slice %arg7[%run_scoped3A, %dma_wait3A_189] : memref<125x80xi32, #tpu.memory_space<vmem>> -> memref<1x80xi32, #tpu.memory_space<vmem>>
      %dma_wait3A_191 = tpu.memref_squeeze %dma_wait3A_190 : memref<1x80xi32, #tpu.memory_space<vmem>> -> memref<80xi32, #tpu.memory_space<vmem>>
      %dma_wait3A_192 = arith.constant 0 : i32
      %dma_wait3A_193 = arith.constant 0 : i32
      %dma_wait3A_194 = tpu.memref_slice %arg11[%dma_wait3A_192, %dma_wait3A_193] : memref<10016x128xf32, #tpu.memory_space<vmem_shared>> -> memref<10016x128xf32, #tpu.memory_space<vmem_shared>>
      tpu.wait_indirect_dma semaphore(%run_scoped3A_182 : memref<!tpu.dma_semaphore, #tpu.memory_space<semaphore_mem>>) src(%arg8 : memref<80x128xf32, #tpu.memory_space<vmem>>) dst(%dma_wait3A_194 : memref<10016x128xf32, #tpu.memory_space<vmem_shared>>)
      tpu.yield
    }) : () -> ()
    %dma_wait3A_173 = arith.constant 124 : i32
    %dma_wait3A_174 = arith.constant 0 : i32
    %dma_wait3A_175 = tpu.memref_slice %arg6[%dma_wait3A_173, %dma_wait3A_174] : memref<125x80xi32, #tpu.memory_space<vmem>> -> memref<1x80xi32, #tpu.memory_space<vmem>>
    %dma_wait3A_176 = tpu.memref_squeeze %dma_wait3A_175 : memref<1x80xi32, #tpu.memory_space<vmem>> -> memref<80xi32, #tpu.memory_space<vmem>>
    %dma_wait3A_177 = arith.constant 0 : i32
    %dma_wait3A_178 = arith.constant 0 : i32
    %dma_wait3A_179 = tpu.memref_slice %arg2[%dma_wait3A_177, %dma_wait3A_178] : memref<10000x128xf32, #tpu.memory_space<hbm>> -> memref<10000x128xf32, #tpu.memory_space<hbm>>
    tpu.wait_indirect_dma semaphore(%arg13 : memref<!tpu.dma_semaphore, #tpu.memory_space<semaphore_mem>>) src(%dma_wait3A_179 : memref<10000x128xf32, #tpu.memory_space<hbm>>) dst(%arg9 : memref<80x128xf32, #tpu.memory_space<vmem>>)
    %run_scoped3A_180 = arith.constant 124 : i32
    "tpu.region"() ({
      %run_scoped3A_182 = tpu.sem_alloc : memref<!tpu.dma_semaphore, #tpu.memory_space<semaphore_mem>>
      %dma_start3A_183 = arith.constant 0 : i32
      %dma_start3A_184 = tpu.memref_slice %arg7[%run_scoped3A_180, %dma_start3A_183] : memref<125x80xi32, #tpu.memory_space<vmem>> -> memref<1x80xi32, #tpu.memory_space<vmem>>
      %dma_start3A_185 = tpu.memref_squeeze %dma_start3A_184 : memref<1x80xi32, #tpu.memory_space<vmem>> -> memref<80xi32, #tpu.memory_space<vmem>>
      %dma_start3A_186 = arith.constant 0 : i32
      %dma_start3A_187 = arith.constant 0 : i32
      %dma_start3A_188 = tpu.memref_slice %arg11[%dma_start3A_186, %dma_start3A_187] : memref<10016x128xf32, #tpu.memory_space<vmem_shared>> -> memref<10016x128xf32, #tpu.memory_space<vmem_shared>>
      tpu.enqueue_indirect_dma source(%arg9 : memref<80x128xf32, #tpu.memory_space<vmem>>) target(%dma_start3A_188 : memref<10016x128xf32, #tpu.memory_space<vmem_shared>>) offsets(%dma_start3A_185 : memref<80xi32, #tpu.memory_space<vmem>>) semaphore(%run_scoped3A_182 : memref<!tpu.dma_semaphore, #tpu.memory_space<semaphore_mem>>) {add = true}
      %dma_wait3A_189 = arith.constant 0 : i32
      %dma_wait3A_190 = tpu.memref_slice %arg7[%run_scoped3A_180, %dma_wait3A_189] : memref<125x80xi32, #tpu.memory_space<vmem>> -> memref<1x80xi32, #tpu.memory_space<vmem>>
      %dma_wait3A_191 = tpu.memref_squeeze %dma_wait3A_190 : memref<1x80xi32, #tpu.memory_space<vmem>> -> memref<80xi32, #tpu.memory_space<vmem>>
      %dma_wait3A_192 = arith.constant 0 : i32
      %dma_wait3A_193 = arith.constant 0 : i32
      %dma_wait3A_194 = tpu.memref_slice %arg11[%dma_wait3A_192, %dma_wait3A_193] : memref<10016x128xf32, #tpu.memory_space<vmem_shared>> -> memref<10016x128xf32, #tpu.memory_space<vmem_shared>>
      tpu.wait_indirect_dma semaphore(%run_scoped3A_182 : memref<!tpu.dma_semaphore, #tpu.memory_space<semaphore_mem>>) src(%arg9 : memref<80x128xf32, #tpu.memory_space<vmem>>) dst(%dma_wait3A_194 : memref<10016x128xf32, #tpu.memory_space<vmem_shared>>)
      tpu.yield
    }) : () -> ()
    %barrier3A_181 = arith.constant 0 : index
    tpu.barrier barrier_id(%barrier3A_181)
    "tpu.region"() ({
      %run_scoped3A_182 = tpu.sem_alloc : memref<!tpu.dma_semaphore, #tpu.memory_space<semaphore_mem>>
      %dma_start3A_183 = arith.constant 0 : i32
      %dma_start3A_184 = tpu.memref_slice %arg5[%arg0, %mul3A_22, %dma_start3A_183] : memref<2x10016x128xf32, #tpu.memory_space<hbm>> -> memref<1x626x128xf32, #tpu.memory_space<hbm>>
      %dma_start3A_185 = tpu.memref_squeeze %dma_start3A_184 : memref<1x626x128xf32, #tpu.memory_space<hbm>> -> memref<626x128xf32, #tpu.memory_space<hbm>>
      %dma_start3A_186 = arith.constant 0 : i32
      %dma_start3A_187 = tpu.memref_slice %arg11[%mul3A_22, %dma_start3A_186] : memref<10016x128xf32, #tpu.memory_space<vmem_shared>> -> memref<626x128xf32, #tpu.memory_space<vmem_shared>>
      tpu.enqueue_dma source(%dma_start3A_187 : memref<626x128xf32, #tpu.memory_space<vmem_shared>>) target(%dma_start3A_185 : memref<626x128xf32, #tpu.memory_space<hbm>>) target_semaphore(%run_scoped3A_182 : memref<!tpu.dma_semaphore, #tpu.memory_space<semaphore_mem>>)
      %dma_wait3A_188 = arith.constant 0 : i32
      %dma_wait3A_189 = tpu.memref_slice %arg5[%arg0, %mul3A_22, %dma_wait3A_188] : memref<2x10016x128xf32, #tpu.memory_space<hbm>> -> memref<1x626x128xf32, #tpu.memory_space<hbm>>
      %dma_wait3A_190 = tpu.memref_squeeze %dma_wait3A_189 : memref<1x626x128xf32, #tpu.memory_space<hbm>> -> memref<626x128xf32, #tpu.memory_space<hbm>>
      %dma_wait3A_191 = arith.constant 0 : i32
      %dma_wait3A_192 = tpu.memref_slice %arg11[%mul3A_22, %dma_wait3A_191] : memref<10016x128xf32, #tpu.memory_space<vmem_shared>> -> memref<626x128xf32, #tpu.memory_space<vmem_shared>>
      tpu.wait_dma2 semaphore(%run_scoped3A_182 : memref<!tpu.dma_semaphore, #tpu.memory_space<semaphore_mem>>) src(%dma_wait3A_192 : memref<626x128xf32, #tpu.memory_space<vmem_shared>>) dst(%dma_wait3A_190 : memref<626x128xf32, #tpu.memory_space<hbm>>)
      tpu.yield
    }) : () -> ()
    return
  }
}

#map = affine_map<(d0, d1) -> (0, 0)>
#map1 = affine_map<(d0, d1) -> (0, 0, 0)>
module attributes {stable_mosaic.version = 14 : i64} {
  func.func @_segsum_body(%arg0: i32, %arg1: i32, %arg2: memref<10000x128xf32, #tpu.memory_space<hbm>>, %arg3: memref<32x125x80xi32, #tpu.memory_space<hbm>>, %arg4: memref<32x125x80xi32, #tpu.memory_space<hbm>>, %arg5: memref<2x10016x128xf32, #tpu.memory_space<hbm>>, %arg6: memref<125x80xi32, #tpu.memory_space<vmem>>, %arg7: memref<125x80xi32, #tpu.memory_space<vmem>>, %arg8: memref<80x128xf32, #tpu.memory_space<vmem>>, %arg9: memref<80x128xf32, #tpu.memory_space<vmem>>, %arg10: memref<80x128xf32, #tpu.memory_space<vmem>>, %arg11: memref<10016x128xf32, #tpu.memory_space<vmem_shared>>, %arg12: memref<!tpu.dma_semaphore, #tpu.memory_space<semaphore_mem>>, %arg13: memref<!tpu.dma_semaphore, #tpu.memory_space<semaphore_mem>>, %arg14: memref<!tpu.dma_semaphore, #tpu.memory_space<semaphore_mem>>) attributes {dimension_semantics = [#tpu.dimension_semantics<core_parallel>, #tpu.dimension_semantics<subcore_parallel>], iteration_bounds = array<i64: 2, 16>, scalar_prefetch = 0 : i64, scratch_operands = 9 : i64, tpu.core_type = #tpu.core_type<sc_vector_subcore>, window_params = [{transform_indices = #map}, {transform_indices = #map1}, {transform_indices = #map1}, {transform_indices = #map1}]} {
    %mul3A = arith.constant 16 : i32
    %mul3A_0 = arith.muli %arg0, %mul3A : i32
    %add3A = arith.addi %mul3A_0, %arg1 : i32
    %dma_start3A = arith.constant 0 : i32
    %dma_start3A_1 = arith.constant 0 : i32
    %dma_start3A_2 = tpu.memref_slice %arg3[%add3A, %dma_start3A, %dma_start3A_1] : memref<32x125x80xi32, #tpu.memory_space<hbm>> -> memref<1x125x80xi32, #tpu.memory_space<hbm>>
    %dma_start3A_3 = tpu.memref_squeeze %dma_start3A_2 : memref<1x125x80xi32, #tpu.memory_space<hbm>> -> memref<125x80xi32, #tpu.memory_space<hbm>>
    %dma_start3A_4 = arith.constant 0 : i32
    %dma_start3A_5 = arith.constant 0 : i32
    %dma_start3A_6 = tpu.memref_slice %arg3[%add3A, %dma_start3A_4, %dma_start3A_5] : memref<32x125x80xi32, #tpu.memory_space<hbm>> -> memref<1x125x80xi32, #tpu.memory_space<hbm>>
    %dma_start3A_7 = tpu.memref_squeeze %dma_start3A_6 : memref<1x125x80xi32, #tpu.memory_space<hbm>> -> memref<125x80xi32, #tpu.memory_space<hbm>>
    tpu.enqueue_dma source(%dma_start3A_7 : memref<125x80xi32, #tpu.memory_space<hbm>>) target(%arg6 : memref<125x80xi32, #tpu.memory_space<vmem>>) target_semaphore(%arg12 : memref<!tpu.dma_semaphore, #tpu.memory_space<semaphore_mem>>)
    %dma_start3A_8 = arith.constant 0 : i32
    %dma_start3A_9 = arith.constant 0 : i32
    %dma_start3A_10 = tpu.memref_slice %arg4[%add3A, %dma_start3A_8, %dma_start3A_9] : memref<32x125x80xi32, #tpu.memory_space<hbm>> -> memref<1x125x80xi32, #tpu.memory_space<hbm>>
    %dma_start3A_11 = tpu.memref_squeeze %dma_start3A_10 : memref<1x125x80xi32, #tpu.memory_space<hbm>> -> memref<125x80xi32, #tpu.memory_space<hbm>>
    %dma_start3A_12 = arith.constant 0 : i32
    %dma_start3A_13 = arith.constant 0 : i32
    %dma_start3A_14 = tpu.memref_slice %arg4[%add3A, %dma_start3A_12, %dma_start3A_13] : memref<32x125x80xi32, #tpu.memory_space<hbm>> -> memref<1x125x80xi32, #tpu.memory_space<hbm>>
    %dma_start3A_15 = tpu.memref_squeeze %dma_start3A_14 : memref<1x125x80xi32, #tpu.memory_space<hbm>> -> memref<125x80xi32, #tpu.memory_space<hbm>>
    tpu.enqueue_dma source(%dma_start3A_15 : memref<125x80xi32, #tpu.memory_space<hbm>>) target(%arg7 : memref<125x80xi32, #tpu.memory_space<vmem>>) target_semaphore(%arg13 : memref<!tpu.dma_semaphore, #tpu.memory_space<semaphore_mem>>)
    %scan3A = arith.constant 0 : i32
    %scan3A_16 = arith.constant 0 : i32
    %scan3A_17 = arith.constant 80 : i32
    %scan3A_18 = arith.addi %scan3A_16, %scan3A_17 : i32
    %scan3A_19 = arith.constant 1 : i32
    scf.for %scan3A_182 = %scan3A_16 to %scan3A_18 step %scan3A_19  : i32 {
      %broadcast_in_dim3A = arith.constant 0.000000e+00 : f32
      %broadcast_in_dim3A_183 = vector.broadcast %broadcast_in_dim3A : f32 to vector<16xf32>
      %swap3A = arith.index_cast %scan3A_182 : i32 to index
      %swap3A_184 = arith.constant 0 : index
      %swap3A_185 = tpu.vector_load %arg8[%swap3A, %swap3A_184] {strides = array<i32>} : memref<80x128xf32, #tpu.memory_space<vmem>>, vector<1x16xf32>,
      %swap3A_186 = vector.shape_cast %swap3A_185 : vector<1x16xf32> to vector<16xf32>
      %swap3A_187 = vector.shape_cast %broadcast_in_dim3A_183 : vector<16xf32> to vector<1x16xf32>
      tpu.vector_store %arg8[%swap3A, %swap3A_184], %swap3A_187 {strides = array<i32>} : memref<80x128xf32, #tpu.memory_space<vmem>>, vector<1x16xf32>,
      %broadcast_in_dim3A_188 = arith.constant 0.000000e+00 : f32
      %broadcast_in_dim3A_189 = vector.broadcast %broadcast_in_dim3A_188 : f32 to vector<16xf32>
      %swap3A_190 = arith.index_cast %scan3A_182 : i32 to index
      %swap3A_191 = arith.constant 16 : index
      %swap3A_192 = tpu.vector_load %arg8[%swap3A_190, %swap3A_191] {strides = array<i32>} : memref<80x128xf32, #tpu.memory_space<vmem>>, vector<1x16xf32>,
      %swap3A_193 = vector.shape_cast %swap3A_192 : vector<1x16xf32> to vector<16xf32>
      %swap3A_194 = vector.shape_cast %broadcast_in_dim3A_189 : vector<16xf32> to vector<1x16xf32>
      tpu.vector_store %arg8[%swap3A_190, %swap3A_191], %swap3A_194 {strides = array<i32>} : memref<80x128xf32, #tpu.memory_space<vmem>>, vector<1x16xf32>,
      %broadcast_in_dim3A_195 = arith.constant 0.000000e+00 : f32
      %broadcast_in_dim3A_196 = vector.broadcast %broadcast_in_dim3A_195 : f32 to vector<16xf32>
      %swap3A_197 = arith.index_cast %scan3A_182 : i32 to index
      %swap3A_198 = arith.constant 32 : index
      %swap3A_199 = tpu.vector_load %arg8[%swap3A_197, %swap3A_198] {strides = array<i32>} : memref<80x128xf32, #tpu.memory_space<vmem>>, vector<1x16xf32>,
      %swap3A_200 = vector.shape_cast %swap3A_199 : vector<1x16xf32> to vector<16xf32>
      %swap3A_201 = vector.shape_cast %broadcast_in_dim3A_196 : vector<16xf32> to vector<1x16xf32>
      tpu.vector_store %arg8[%swap3A_197, %swap3A_198], %swap3A_201 {strides = array<i32>} : memref<80x128xf32, #tpu.memory_space<vmem>>, vector<1x16xf32>,
      %broadcast_in_dim3A_202 = arith.constant 0.000000e+00 : f32
      %broadcast_in_dim3A_203 = vector.broadcast %broadcast_in_dim3A_202 : f32 to vector<16xf32>
      %swap3A_204 = arith.index_cast %scan3A_182 : i32 to index
      %swap3A_205 = arith.constant 48 : index
      %swap3A_206 = tpu.vector_load %arg8[%swap3A_204, %swap3A_205] {strides = array<i32>} : memref<80x128xf32, #tpu.memory_space<vmem>>, vector<1x16xf32>,
      %swap3A_207 = vector.shape_cast %swap3A_206 : vector<1x16xf32> to vector<16xf32>
      %swap3A_208 = vector.shape_cast %broadcast_in_dim3A_203 : vector<16xf32> to vector<1x16xf32>
      tpu.vector_store %arg8[%swap3A_204, %swap3A_205], %swap3A_208 {strides = array<i32>} : memref<80x128xf32, #tpu.memory_space<vmem>>, vector<1x16xf32>,
      %broadcast_in_dim3A_209 = arith.constant 0.000000e+00 : f32
      %broadcast_in_dim3A_210 = vector.broadcast %broadcast_in_dim3A_209 : f32 to vector<16xf32>
      %swap3A_211 = arith.index_cast %scan3A_182 : i32 to index
      %swap3A_212 = arith.constant 64 : index
      %swap3A_213 = tpu.vector_load %arg8[%swap3A_211, %swap3A_212] {strides = array<i32>} : memref<80x128xf32, #tpu.memory_space<vmem>>, vector<1x16xf32>,
      %swap3A_214 = vector.shape_cast %swap3A_213 : vector<1x16xf32> to vector<16xf32>
      %swap3A_215 = vector.shape_cast %broadcast_in_dim3A_210 : vector<16xf32> to vector<1x16xf32>
      tpu.vector_store %arg8[%swap3A_211, %swap3A_212], %swap3A_215 {strides = array<i32>} : memref<80x128xf32, #tpu.memory_space<vmem>>, vector<1x16xf32>,
      %broadcast_in_dim3A_216 = arith.constant 0.000000e+00 : f32
      %broadcast_in_dim3A_217 = vector.broadcast %broadcast_in_dim3A_216 : f32 to vector<16xf32>
      %swap3A_218 = arith.index_cast %scan3A_182 : i32 to index
      %swap3A_219 = arith.constant 80 : index
      %swap3A_220 = tpu.vector_load %arg8[%swap3A_218, %swap3A_219] {strides = array<i32>} : memref<80x128xf32, #tpu.memory_space<vmem>>, vector<1x16xf32>,
      %swap3A_221 = vector.shape_cast %swap3A_220 : vector<1x16xf32> to vector<16xf32>
      %swap3A_222 = vector.shape_cast %broadcast_in_dim3A_217 : vector<16xf32> to vector<1x16xf32>
      tpu.vector_store %arg8[%swap3A_218, %swap3A_219], %swap3A_222 {strides = array<i32>} : memref<80x128xf32, #tpu.memory_space<vmem>>, vector<1x16xf32>,
      %broadcast_in_dim3A_223 = arith.constant 0.000000e+00 : f32
      %broadcast_in_dim3A_224 = vector.broadcast %broadcast_in_dim3A_223 : f32 to vector<16xf32>
      %swap3A_225 = arith.index_cast %scan3A_182 : i32 to index
      %swap3A_226 = arith.constant 96 : index
      %swap3A_227 = tpu.vector_load %arg8[%swap3A_225, %swap3A_226] {strides = array<i32>} : memref<80x128xf32, #tpu.memory_space<vmem>>, vector<1x16xf32>,
      %swap3A_228 = vector.shape_cast %swap3A_227 : vector<1x16xf32> to vector<16xf32>
      %swap3A_229 = vector.shape_cast %broadcast_in_dim3A_224 : vector<16xf32> to vector<1x16xf32>
      tpu.vector_store %arg8[%swap3A_225, %swap3A_226], %swap3A_229 {strides = array<i32>} : memref<80x128xf32, #tpu.memory_space<vmem>>, vector<1x16xf32>,
      %broadcast_in_dim3A_230 = arith.constant 0.000000e+00 : f32
      %broadcast_in_dim3A_231 = vector.broadcast %broadcast_in_dim3A_230 : f32 to vector<16xf32>
      %swap3A_232 = arith.index_cast %scan3A_182 : i32 to index
      %swap3A_233 = arith.constant 112 : index
      %swap3A_234 = tpu.vector_load %arg8[%swap3A_232, %swap3A_233] {strides = array<i32>} : memref<80x128xf32, #tpu.memory_space<vmem>>, vector<1x16xf32>,
      %swap3A_235 = vector.shape_cast %swap3A_234 : vector<1x16xf32> to vector<16xf32>
      %swap3A_236 = vector.shape_cast %broadcast_in_dim3A_231 : vector<16xf32> to vector<1x16xf32>
      tpu.vector_store %arg8[%swap3A_232, %swap3A_233], %swap3A_236 {strides = array<i32>} : memref<80x128xf32, #tpu.memory_space<vmem>>, vector<1x16xf32>,
    }
    %scan3A_20 = arith.constant 80 : i32
    %mul3A_21 = arith.constant 626 : i32
    %mul3A_22 = arith.muli %arg1, %mul3A_21 : i32
    %add3A_23 = arith.constant 0 : i32
    %add3A_24 = arith.addi %mul3A_22, %add3A_23 : i32
    %dma_start3A_25 = arith.constant 0 : i32
    %dma_start3A_26 = tpu.memref_slice %arg11[%add3A_24, %dma_start3A_25] : memref<10016x128xf32, #tpu.memory_space<vmem_shared>> -> memref<80x128xf32, #tpu.memory_space<vmem_shared>>
    %dma_start3A_27 = arith.constant 0 : i32
    %dma_start3A_28 = tpu.memref_slice %arg11[%add3A_24, %dma_start3A_27] : memref<10016x128xf32, #tpu.memory_space<vmem_shared>> -> memref<80x128xf32, #tpu.memory_space<vmem_shared>>
    tpu.enqueue_dma source(%arg8 : memref<80x128xf32, #tpu.memory_space<vmem>>) target(%dma_start3A_28 : memref<80x128xf32, #tpu.memory_space<vmem_shared>>) target_semaphore(%arg14 : memref<!tpu.dma_semaphore, #tpu.memory_space<semaphore_mem>>)
    %add3A_29 = arith.constant 80 : i32
    %add3A_30 = arith.addi %mul3A_22, %add3A_29 : i32
    %dma_start3A_31 = arith.constant 0 : i32
    %dma_start3A_32 = tpu.memref_slice %arg11[%add3A_30, %dma_start3A_31] : memref<10016x128xf32, #tpu.memory_space<vmem_shared>> -> memref<80x128xf32, #tpu.memory_space<vmem_shared>>
    %dma_start3A_33 = arith.constant 0 : i32
    %dma_start3A_34 = tpu.memref_slice %arg11[%add3A_30, %dma_start3A_33] : memref<10016x128xf32, #tpu.memory_space<vmem_shared>> -> memref<80x128xf32, #tpu.memory_space<vmem_shared>>
    tpu.enqueue_dma source(%arg8 : memref<80x128xf32, #tpu.memory_space<vmem>>) target(%dma_start3A_34 : memref<80x128xf32, #tpu.memory_space<vmem_shared>>) target_semaphore(%arg14 : memref<!tpu.dma_semaphore, #tpu.memory_space<semaphore_mem>>)
    %add3A_35 = arith.constant 160 : i32
    %add3A_36 = arith.addi %mul3A_22, %add3A_35 : i32
    %dma_start3A_37 = arith.constant 0 : i32
    %dma_start3A_38 = tpu.memref_slice %arg11[%add3A_36, %dma_start3A_37] : memref<10016x128xf32, #tpu.memory_space<vmem_shared>> -> memref<80x128xf32, #tpu.memory_space<vmem_shared>>
    %dma_start3A_39 = arith.constant 0 : i32
    %dma_start3A_40 = tpu.memref_slice %arg11[%add3A_36, %dma_start3A_39] : memref<10016x128xf32, #tpu.memory_space<vmem_shared>> -> memref<80x128xf32, #tpu.memory_space<vmem_shared>>
    tpu.enqueue_dma source(%arg8 : memref<80x128xf32, #tpu.memory_space<vmem>>) target(%dma_start3A_40 : memref<80x128xf32, #tpu.memory_space<vmem_shared>>) target_semaphore(%arg14 : memref<!tpu.dma_semaphore, #tpu.memory_space<semaphore_mem>>)
    %add3A_41 = arith.constant 240 : i32
    %add3A_42 = arith.addi %mul3A_22, %add3A_41 : i32
    %dma_start3A_43 = arith.constant 0 : i32
    %dma_start3A_44 = tpu.memref_slice %arg11[%add3A_42, %dma_start3A_43] : memref<10016x128xf32, #tpu.memory_space<vmem_shared>> -> memref<80x128xf32, #tpu.memory_space<vmem_shared>>
    %dma_start3A_45 = arith.constant 0 : i32
    %dma_start3A_46 = tpu.memref_slice %arg11[%add3A_42, %dma_start3A_45] : memref<10016x128xf32, #tpu.memory_space<vmem_shared>> -> memref<80x128xf32, #tpu.memory_space<vmem_shared>>
    tpu.enqueue_dma source(%arg8 : memref<80x128xf32, #tpu.memory_space<vmem>>) target(%dma_start3A_46 : memref<80x128xf32, #tpu.memory_space<vmem_shared>>) target_semaphore(%arg14 : memref<!tpu.dma_semaphore, #tpu.memory_space<semaphore_mem>>)
    %add3A_47 = arith.constant 320 : i32
    %add3A_48 = arith.addi %mul3A_22, %add3A_47 : i32
    %dma_start3A_49 = arith.constant 0 : i32
    %dma_start3A_50 = tpu.memref_slice %arg11[%add3A_48, %dma_start3A_49] : memref<10016x128xf32, #tpu.memory_space<vmem_shared>> -> memref<80x128xf32, #tpu.memory_space<vmem_shared>>
    %dma_start3A_51 = arith.constant 0 : i32
    %dma_start3A_52 = tpu.memref_slice %arg11[%add3A_48, %dma_start3A_51] : memref<10016x128xf32, #tpu.memory_space<vmem_shared>> -> memref<80x128xf32, #tpu.memory_space<vmem_shared>>
    tpu.enqueue_dma source(%arg8 : memref<80x128xf32, #tpu.memory_space<vmem>>) target(%dma_start3A_52 : memref<80x128xf32, #tpu.memory_space<vmem_shared>>) target_semaphore(%arg14 : memref<!tpu.dma_semaphore, #tpu.memory_space<semaphore_mem>>)
    %add3A_53 = arith.constant 400 : i32
    %add3A_54 = arith.addi %mul3A_22, %add3A_53 : i32
    %dma_start3A_55 = arith.constant 0 : i32
    %dma_start3A_56 = tpu.memref_slice %arg11[%add3A_54, %dma_start3A_55] : memref<10016x128xf32, #tpu.memory_space<vmem_shared>> -> memref<80x128xf32, #tpu.memory_space<vmem_shared>>
    %dma_start3A_57 = arith.constant 0 : i32
    %dma_start3A_58 = tpu.memref_slice %arg11[%add3A_54, %dma_start3A_57] : memref<10016x128xf32, #tpu.memory_space<vmem_shared>> -> memref<80x128xf32, #tpu.memory_space<vmem_shared>>
    tpu.enqueue_dma source(%arg8 : memref<80x128xf32, #tpu.memory_space<vmem>>) target(%dma_start3A_58 : memref<80x128xf32, #tpu.memory_space<vmem_shared>>) target_semaphore(%arg14 : memref<!tpu.dma_semaphore, #tpu.memory_space<semaphore_mem>>)
    %add3A_59 = arith.constant 480 : i32
    %add3A_60 = arith.addi %mul3A_22, %add3A_59 : i32
    %dma_start3A_61 = arith.constant 0 : i32
    %dma_start3A_62 = tpu.memref_slice %arg11[%add3A_60, %dma_start3A_61] : memref<10016x128xf32, #tpu.memory_space<vmem_shared>> -> memref<80x128xf32, #tpu.memory_space<vmem_shared>>
    %dma_start3A_63 = arith.constant 0 : i32
    %dma_start3A_64 = tpu.memref_slice %arg11[%add3A_60, %dma_start3A_63] : memref<10016x128xf32, #tpu.memory_space<vmem_shared>> -> memref<80x128xf32, #tpu.memory_space<vmem_shared>>
    tpu.enqueue_dma source(%arg8 : memref<80x128xf32, #tpu.memory_space<vmem>>) target(%dma_start3A_64 : memref<80x128xf32, #tpu.memory_space<vmem_shared>>) target_semaphore(%arg14 : memref<!tpu.dma_semaphore, #tpu.memory_space<semaphore_mem>>)
    %add3A_65 = arith.constant 560 : i32
    %add3A_66 = arith.addi %mul3A_22, %add3A_65 : i32
    %dma_start3A_67 = arith.constant 0 : i32
    %dma_start3A_68 = arith.constant 0 : i32
    %dma_start3A_69 = tpu.memref_slice %arg8[%dma_start3A_67, %dma_start3A_68] : memref<80x128xf32, #tpu.memory_space<vmem>> -> memref<66x128xf32, #tpu.memory_space<vmem>>
    %dma_start3A_70 = arith.constant 0 : i32
    %dma_start3A_71 = tpu.memref_slice %arg11[%add3A_66, %dma_start3A_70] : memref<10016x128xf32, #tpu.memory_space<vmem_shared>> -> memref<66x128xf32, #tpu.memory_space<vmem_shared>>
    %dma_start3A_72 = arith.constant 0 : i32
    %dma_start3A_73 = tpu.memref_slice %arg11[%add3A_66, %dma_start3A_72] : memref<10016x128xf32, #tpu.memory_space<vmem_shared>> -> memref<66x128xf32, #tpu.memory_space<vmem_shared>>
    %dma_start3A_74 = arith.constant 0 : i32
    %dma_start3A_75 = arith.constant 0 : i32
    %dma_start3A_76 = tpu.memref_slice %arg8[%dma_start3A_74, %dma_start3A_75] : memref<80x128xf32, #tpu.memory_space<vmem>> -> memref<66x128xf32, #tpu.memory_space<vmem>>
    tpu.enqueue_dma source(%dma_start3A_76 : memref<66x128xf32, #tpu.memory_space<vmem>>) target(%dma_start3A_73 : memref<66x128xf32, #tpu.memory_space<vmem_shared>>) target_semaphore(%arg14 : memref<!tpu.dma_semaphore, #tpu.memory_space<semaphore_mem>>)
    %add3A_77 = arith.constant 0 : i32
    %add3A_78 = arith.addi %mul3A_22, %add3A_77 : i32
    %dma_wait3A = arith.constant 0 : i32
    %dma_wait3A_79 = tpu.memref_slice %arg11[%add3A_78, %dma_wait3A] : memref<10016x128xf32, #tpu.memory_space<vmem_shared>> -> memref<80x128xf32, #tpu.memory_space<vmem_shared>>
    %dma_wait3A_80 = arith.constant 0 : i32
    %dma_wait3A_81 = tpu.memref_slice %arg11[%add3A_78, %dma_wait3A_80] : memref<10016x128xf32, #tpu.memory_space<vmem_shared>> -> memref<80x128xf32, #tpu.memory_space<vmem_shared>>
    tpu.wait_dma2 semaphore(%arg14 : memref<!tpu.dma_semaphore, #tpu.memory_space<semaphore_mem>>) src(%arg8 : memref<80x128xf32, #tpu.memory_space<vmem>>) dst(%dma_wait3A_81 : memref<80x128xf32, #tpu.memory_space<vmem_shared>>)
    %add3A_82 = arith.constant 80 : i32
    %add3A_83 = arith.addi %mul3A_22, %add3A_82 : i32
    %dma_wait3A_84 = arith.constant 0 : i32
    %dma_wait3A_85 = tpu.memref_slice %arg11[%add3A_83, %dma_wait3A_84] : memref<10016x128xf32, #tpu.memory_space<vmem_shared>> -> memref<80x128xf32, #tpu.memory_space<vmem_shared>>
    %dma_wait3A_86 = arith.constant 0 : i32
    %dma_wait3A_87 = tpu.memref_slice %arg11[%add3A_83, %dma_wait3A_86] : memref<10016x128xf32, #tpu.memory_space<vmem_shared>> -> memref<80x128xf32, #tpu.memory_space<vmem_shared>>
    tpu.wait_dma2 semaphore(%arg14 : memref<!tpu.dma_semaphore, #tpu.memory_space<semaphore_mem>>) src(%arg8 : memref<80x128xf32, #tpu.memory_space<vmem>>) dst(%dma_wait3A_87 : memref<80x128xf32, #tpu.memory_space<vmem_shared>>)
    %add3A_88 = arith.constant 160 : i32
    %add3A_89 = arith.addi %mul3A_22, %add3A_88 : i32
    %dma_wait3A_90 = arith.constant 0 : i32
    %dma_wait3A_91 = tpu.memref_slice %arg11[%add3A_89, %dma_wait3A_90] : memref<10016x128xf32, #tpu.memory_space<vmem_shared>> -> memref<80x128xf32, #tpu.memory_space<vmem_shared>>
    %dma_wait3A_92 = arith.constant 0 : i32
    %dma_wait3A_93 = tpu.memref_slice %arg11[%add3A_89, %dma_wait3A_92] : memref<10016x128xf32, #tpu.memory_space<vmem_shared>> -> memref<80x128xf32, #tpu.memory_space<vmem_shared>>
    tpu.wait_dma2 semaphore(%arg14 : memref<!tpu.dma_semaphore, #tpu.memory_space<semaphore_mem>>) src(%arg8 : memref<80x128xf32, #tpu.memory_space<vmem>>) dst(%dma_wait3A_93 : memref<80x128xf32, #tpu.memory_space<vmem_shared>>)
    %add3A_94 = arith.constant 240 : i32
    %add3A_95 = arith.addi %mul3A_22, %add3A_94 : i32
    %dma_wait3A_96 = arith.constant 0 : i32
    %dma_wait3A_97 = tpu.memref_slice %arg11[%add3A_95, %dma_wait3A_96] : memref<10016x128xf32, #tpu.memory_space<vmem_shared>> -> memref<80x128xf32, #tpu.memory_space<vmem_shared>>
    %dma_wait3A_98 = arith.constant 0 : i32
    %dma_wait3A_99 = tpu.memref_slice %arg11[%add3A_95, %dma_wait3A_98] : memref<10016x128xf32, #tpu.memory_space<vmem_shared>> -> memref<80x128xf32, #tpu.memory_space<vmem_shared>>
    tpu.wait_dma2 semaphore(%arg14 : memref<!tpu.dma_semaphore, #tpu.memory_space<semaphore_mem>>) src(%arg8 : memref<80x128xf32, #tpu.memory_space<vmem>>) dst(%dma_wait3A_99 : memref<80x128xf32, #tpu.memory_space<vmem_shared>>)
    %add3A_100 = arith.constant 320 : i32
    %add3A_101 = arith.addi %mul3A_22, %add3A_100 : i32
    %dma_wait3A_102 = arith.constant 0 : i32
    %dma_wait3A_103 = tpu.memref_slice %arg11[%add3A_101, %dma_wait3A_102] : memref<10016x128xf32, #tpu.memory_space<vmem_shared>> -> memref<80x128xf32, #tpu.memory_space<vmem_shared>>
    %dma_wait3A_104 = arith.constant 0 : i32
    %dma_wait3A_105 = tpu.memref_slice %arg11[%add3A_101, %dma_wait3A_104] : memref<10016x128xf32, #tpu.memory_space<vmem_shared>> -> memref<80x128xf32, #tpu.memory_space<vmem_shared>>
    tpu.wait_dma2 semaphore(%arg14 : memref<!tpu.dma_semaphore, #tpu.memory_space<semaphore_mem>>) src(%arg8 : memref<80x128xf32, #tpu.memory_space<vmem>>) dst(%dma_wait3A_105 : memref<80x128xf32, #tpu.memory_space<vmem_shared>>)
    %add3A_106 = arith.constant 400 : i32
    %add3A_107 = arith.addi %mul3A_22, %add3A_106 : i32
    %dma_wait3A_108 = arith.constant 0 : i32
    %dma_wait3A_109 = tpu.memref_slice %arg11[%add3A_107, %dma_wait3A_108] : memref<10016x128xf32, #tpu.memory_space<vmem_shared>> -> memref<80x128xf32, #tpu.memory_space<vmem_shared>>
    %dma_wait3A_110 = arith.constant 0 : i32
    %dma_wait3A_111 = tpu.memref_slice %arg11[%add3A_107, %dma_wait3A_110] : memref<10016x128xf32, #tpu.memory_space<vmem_shared>> -> memref<80x128xf32, #tpu.memory_space<vmem_shared>>
    tpu.wait_dma2 semaphore(%arg14 : memref<!tpu.dma_semaphore, #tpu.memory_space<semaphore_mem>>) src(%arg8 : memref<80x128xf32, #tpu.memory_space<vmem>>) dst(%dma_wait3A_111 : memref<80x128xf32, #tpu.memory_space<vmem_shared>>)
    %add3A_112 = arith.constant 480 : i32
    %add3A_113 = arith.addi %mul3A_22, %add3A_112 : i32
    %dma_wait3A_114 = arith.constant 0 : i32
    %dma_wait3A_115 = tpu.memref_slice %arg11[%add3A_113, %dma_wait3A_114] : memref<10016x128xf32, #tpu.memory_space<vmem_shared>> -> memref<80x128xf32, #tpu.memory_space<vmem_shared>>
    %dma_wait3A_116 = arith.constant 0 : i32
    %dma_wait3A_117 = tpu.memref_slice %arg11[%add3A_113, %dma_wait3A_116] : memref<10016x128xf32, #tpu.memory_space<vmem_shared>> -> memref<80x128xf32, #tpu.memory_space<vmem_shared>>
    tpu.wait_dma2 semaphore(%arg14 : memref<!tpu.dma_semaphore, #tpu.memory_space<semaphore_mem>>) src(%arg8 : memref<80x128xf32, #tpu.memory_space<vmem>>) dst(%dma_wait3A_117 : memref<80x128xf32, #tpu.memory_space<vmem_shared>>)
    %add3A_118 = arith.constant 560 : i32
    %add3A_119 = arith.addi %mul3A_22, %add3A_118 : i32
    %dma_wait3A_120 = arith.constant 0 : i32
    %dma_wait3A_121 = arith.constant 0 : i32
    %dma_wait3A_122 = tpu.memref_slice %arg8[%dma_wait3A_120, %dma_wait3A_121] : memref<80x128xf32, #tpu.memory_space<vmem>> -> memref<66x128xf32, #tpu.memory_space<vmem>>
    %dma_wait3A_123 = arith.constant 0 : i32
    %dma_wait3A_124 = tpu.memref_slice %arg11[%add3A_119, %dma_wait3A_123] : memref<10016x128xf32, #tpu.memory_space<vmem_shared>> -> memref<66x128xf32, #tpu.memory_space<vmem_shared>>
    %dma_wait3A_125 = arith.constant 0 : i32
    %dma_wait3A_126 = tpu.memref_slice %arg11[%add3A_119, %dma_wait3A_125] : memref<10016x128xf32, #tpu.memory_space<vmem_shared>> -> memref<66x128xf32, #tpu.memory_space<vmem_shared>>
    %dma_wait3A_127 = arith.constant 0 : i32
    %dma_wait3A_128 = arith.constant 0 : i32
    %dma_wait3A_129 = tpu.memref_slice %arg8[%dma_wait3A_127, %dma_wait3A_128] : memref<80x128xf32, #tpu.memory_space<vmem>> -> memref<66x128xf32, #tpu.memory_space<vmem>>
    tpu.wait_dma2 semaphore(%arg14 : memref<!tpu.dma_semaphore, #tpu.memory_space<semaphore_mem>>) src(%dma_wait3A_129 : memref<66x128xf32, #tpu.memory_space<vmem>>) dst(%dma_wait3A_126 : memref<66x128xf32, #tpu.memory_space<vmem_shared>>)
    %dma_wait3A_130 = arith.constant 0 : i32
    %dma_wait3A_131 = arith.constant 0 : i32
    %dma_wait3A_132 = tpu.memref_slice %arg3[%add3A, %dma_wait3A_130, %dma_wait3A_131] : memref<32x125x80xi32, #tpu.memory_space<hbm>> -> memref<1x125x80xi32, #tpu.memory_space<hbm>>
    %dma_wait3A_133 = tpu.memref_squeeze %dma_wait3A_132 : memref<1x125x80xi32, #tpu.memory_space<hbm>> -> memref<125x80xi32, #tpu.memory_space<hbm>>
    %dma_wait3A_134 = arith.constant 0 : i32
    %dma_wait3A_135 = arith.constant 0 : i32
    %dma_wait3A_136 = tpu.memref_slice %arg3[%add3A, %dma_wait3A_134, %dma_wait3A_135] : memref<32x125x80xi32, #tpu.memory_space<hbm>> -> memref<1x125x80xi32, #tpu.memory_space<hbm>>
    %dma_wait3A_137 = tpu.memref_squeeze %dma_wait3A_136 : memref<1x125x80xi32, #tpu.memory_space<hbm>> -> memref<125x80xi32, #tpu.memory_space<hbm>>
    tpu.wait_dma2 semaphore(%arg12 : memref<!tpu.dma_semaphore, #tpu.memory_space<semaphore_mem>>) src(%dma_wait3A_137 : memref<125x80xi32, #tpu.memory_space<hbm>>) dst(%arg6 : memref<125x80xi32, #tpu.memory_space<vmem>>)
    %dma_wait3A_138 = arith.constant 0 : i32
    %dma_wait3A_139 = arith.constant 0 : i32
    %dma_wait3A_140 = tpu.memref_slice %arg4[%add3A, %dma_wait3A_138, %dma_wait3A_139] : memref<32x125x80xi32, #tpu.memory_space<hbm>> -> memref<1x125x80xi32, #tpu.memory_space<hbm>>
    %dma_wait3A_141 = tpu.memref_squeeze %dma_wait3A_140 : memref<1x125x80xi32, #tpu.memory_space<hbm>> -> memref<125x80xi32, #tpu.memory_space<hbm>>
    %dma_wait3A_142 = arith.constant 0 : i32
    %dma_wait3A_143 = arith.constant 0 : i32
    %dma_wait3A_144 = tpu.memref_slice %arg4[%add3A, %dma_wait3A_142, %dma_wait3A_143] : memref<32x125x80xi32, #tpu.memory_space<hbm>> -> memref<1x125x80xi32, #tpu.memory_space<hbm>>
    %dma_wait3A_145 = tpu.memref_squeeze %dma_wait3A_144 : memref<1x125x80xi32, #tpu.memory_space<hbm>> -> memref<125x80xi32, #tpu.memory_space<hbm>>
    tpu.wait_dma2 semaphore(%arg13 : memref<!tpu.dma_semaphore, #tpu.memory_space<semaphore_mem>>) src(%dma_wait3A_145 : memref<125x80xi32, #tpu.memory_space<hbm>>) dst(%arg7 : memref<125x80xi32, #tpu.memory_space<vmem>>)
    %barrier3A = arith.constant 0 : index
    tpu.barrier barrier_id(%barrier3A)
    %dma_start3A_146 = arith.constant 0 : i32
    %dma_start3A_147 = arith.constant 0 : i32
    %dma_start3A_148 = tpu.memref_slice %arg6[%dma_start3A_146, %dma_start3A_147] : memref<125x80xi32, #tpu.memory_space<vmem>> -> memref<1x80xi32, #tpu.memory_space<vmem>>
    %dma_start3A_149 = tpu.memref_squeeze %dma_start3A_148 : memref<1x80xi32, #tpu.memory_space<vmem>> -> memref<80xi32, #tpu.memory_space<vmem>>
    %dma_start3A_150 = arith.constant 0 : i32
    %dma_start3A_151 = arith.constant 0 : i32
    %dma_start3A_152 = tpu.memref_slice %arg2[%dma_start3A_150, %dma_start3A_151] : memref<10000x128xf32, #tpu.memory_space<hbm>> -> memref<10000x128xf32, #tpu.memory_space<hbm>>
    tpu.enqueue_indirect_dma source(%dma_start3A_152 : memref<10000x128xf32, #tpu.memory_space<hbm>>) target(%arg8 : memref<80x128xf32, #tpu.memory_space<vmem>>) offsets(%dma_start3A_149 : memref<80xi32, #tpu.memory_space<vmem>>) semaphore(%arg12 : memref<!tpu.dma_semaphore, #tpu.memory_space<semaphore_mem>>)
    %dma_start3A_153 = arith.constant 1 : i32
    %dma_start3A_154 = arith.constant 0 : i32
    %dma_start3A_155 = tpu.memref_slice %arg6[%dma_start3A_153, %dma_start3A_154] : memref<125x80xi32, #tpu.memory_space<vmem>> -> memref<1x80xi32, #tpu.memory_space<vmem>>
    %dma_start3A_156 = tpu.memref_squeeze %dma_start3A_155 : memref<1x80xi32, #tpu.memory_space<vmem>> -> memref<80xi32, #tpu.memory_space<vmem>>
    %dma_start3A_157 = arith.constant 0 : i32
    %dma_start3A_158 = arith.constant 0 : i32
    %dma_start3A_159 = tpu.memref_slice %arg2[%dma_start3A_157, %dma_start3A_158] : memref<10000x128xf32, #tpu.memory_space<hbm>> -> memref<10000x128xf32, #tpu.memory_space<hbm>>
    tpu.enqueue_indirect_dma source(%dma_start3A_159 : memref<10000x128xf32, #tpu.memory_space<hbm>>) target(%arg9 : memref<80x128xf32, #tpu.memory_space<vmem>>) offsets(%dma_start3A_156 : memref<80xi32, #tpu.memory_space<vmem>>) semaphore(%arg13 : memref<!tpu.dma_semaphore, #tpu.memory_space<semaphore_mem>>)
    %scan3A_160 = arith.constant 0 : i32
    %scan3A_161 = arith.constant 0 : i32
    %scan3A_162 = arith.constant 41 : i32
    %scan3A_163 = arith.addi %scan3A_161, %scan3A_162 : i32
    %scan3A_164 = arith.constant 1 : i32
    scf.for %scan3A_182 = %scan3A_161 to %scan3A_163 step %scan3A_164  : i32 {
      %mul3A_183 = arith.constant 3 : i32
      %mul3A_184 = arith.muli %mul3A_183, %scan3A_182 : i32
      %dma_wait3A_185 = arith.constant 0 : i32
      %dma_wait3A_186 = tpu.memref_slice %arg6[%mul3A_184, %dma_wait3A_185] : memref<125x80xi32, #tpu.memory_space<vmem>> -> memref<1x80xi32, #tpu.memory_space<vmem>>
      %dma_wait3A_187 = tpu.memref_squeeze %dma_wait3A_186 : memref<1x80xi32, #tpu.memory_space<vmem>> -> memref<80xi32, #tpu.memory_space<vmem>>
      %dma_wait3A_188 = arith.constant 0 : i32
      %dma_wait3A_189 = arith.constant 0 : i32
      %dma_wait3A_190 = tpu.memref_slice %arg2[%dma_wait3A_188, %dma_wait3A_189] : memref<10000x128xf32, #tpu.memory_space<hbm>> -> memref<10000x128xf32, #tpu.memory_space<hbm>>
      tpu.wait_indirect_dma semaphore(%arg12 : memref<!tpu.dma_semaphore, #tpu.memory_space<semaphore_mem>>) src(%dma_wait3A_190 : memref<10000x128xf32, #tpu.memory_space<hbm>>) dst(%arg8 : memref<80x128xf32, #tpu.memory_space<vmem>>)
      %add3A_191 = arith.constant 2 : i32
      %add3A_192 = arith.addi %mul3A_184, %add3A_191 : i32
      %dma_start3A_193 = arith.constant 0 : i32
      %dma_start3A_194 = tpu.memref_slice %arg6[%add3A_192, %dma_start3A_193] : memref<125x80xi32, #tpu.memory_space<vmem>> -> memref<1x80xi32, #tpu.memory_space<vmem>>
      %dma_start3A_195 = tpu.memref_squeeze %dma_start3A_194 : memref<1x80xi32, #tpu.memory_space<vmem>> -> memref<80xi32, #tpu.memory_space<vmem>>
      %dma_start3A_196 = arith.constant 0 : i32
      %dma_start3A_197 = arith.constant 0 : i32
      %dma_start3A_198 = tpu.memref_slice %arg2[%dma_start3A_196, %dma_start3A_197] : memref<10000x128xf32, #tpu.memory_space<hbm>> -> memref<10000x128xf32, #tpu.memory_space<hbm>>
      tpu.enqueue_indirect_dma source(%dma_start3A_198 : memref<10000x128xf32, #tpu.memory_space<hbm>>) target(%arg10 : memref<80x128xf32, #tpu.memory_space<vmem>>) offsets(%dma_start3A_195 : memref<80xi32, #tpu.memory_space<vmem>>) semaphore(%arg14 : memref<!tpu.dma_semaphore, #tpu.memory_space<semaphore_mem>>)
      "tpu.region"() ({
        %run_scoped3A_235 = tpu.sem_alloc : memref<!tpu.dma_semaphore, #tpu.memory_space<semaphore_mem>>
        %dma_start3A_236 = arith.constant 0 : i32
        %dma_start3A_237 = tpu.memref_slice %arg7[%mul3A_184, %dma_start3A_236] : memref<125x80xi32, #tpu.memory_space<vmem>> -> memref<1x80xi32, #tpu.memory_space<vmem>>
        %dma_start3A_238 = tpu.memref_squeeze %dma_start3A_237 : memref<1x80xi32, #tpu.memory_space<vmem>> -> memref<80xi32, #tpu.memory_space<vmem>>
        %dma_start3A_239 = arith.constant 0 : i32
        %dma_start3A_240 = arith.constant 0 : i32
        %dma_start3A_241 = tpu.memref_slice %arg11[%dma_start3A_239, %dma_start3A_240] : memref<10016x128xf32, #tpu.memory_space<vmem_shared>> -> memref<10016x128xf32, #tpu.memory_space<vmem_shared>>
        tpu.enqueue_indirect_dma source(%arg8 : memref<80x128xf32, #tpu.memory_space<vmem>>) target(%dma_start3A_241 : memref<10016x128xf32, #tpu.memory_space<vmem_shared>>) offsets(%dma_start3A_238 : memref<80xi32, #tpu.memory_space<vmem>>) semaphore(%run_scoped3A_235 : memref<!tpu.dma_semaphore, #tpu.memory_space<semaphore_mem>>) {add = true}
        %dma_wait3A_242 = arith.constant 0 : i32
        %dma_wait3A_243 = tpu.memref_slice %arg7[%mul3A_184, %dma_wait3A_242] : memref<125x80xi32, #tpu.memory_space<vmem>> -> memref<1x80xi32, #tpu.memory_space<vmem>>
        %dma_wait3A_244 = tpu.memref_squeeze %dma_wait3A_243 : memref<1x80xi32, #tpu.memory_space<vmem>> -> memref<80xi32, #tpu.memory_space<vmem>>
        %dma_wait3A_245 = arith.constant 0 : i32
        %dma_wait3A_246 = arith.constant 0 : i32
        %dma_wait3A_247 = tpu.memref_slice %arg11[%dma_wait3A_245, %dma_wait3A_246] : memref<10016x128xf32, #tpu.memory_space<vmem_shared>> -> memref<10016x128xf32, #tpu.memory_space<vmem_shared>>
        tpu.wait_indirect_dma semaphore(%run_scoped3A_235 : memref<!tpu.dma_semaphore, #tpu.memory_space<semaphore_mem>>) src(%arg8 : memref<80x128xf32, #tpu.memory_space<vmem>>) dst(%dma_wait3A_247 : memref<10016x128xf32, #tpu.memory_space<vmem_shared>>)
        tpu.yield
      }) : () -> ()
      %add3A_199 = arith.constant 1 : i32
      %add3A_200 = arith.addi %mul3A_184, %add3A_199 : i32
      %dma_wait3A_201 = arith.constant 0 : i32
      %dma_wait3A_202 = tpu.memref_slice %arg6[%add3A_200, %dma_wait3A_201] : memref<125x80xi32, #tpu.memory_space<vmem>> -> memref<1x80xi32, #tpu.memory_space<vmem>>
      %dma_wait3A_203 = tpu.memref_squeeze %dma_wait3A_202 : memref<1x80xi32, #tpu.memory_space<vmem>> -> memref<80xi32, #tpu.memory_space<vmem>>
      %dma_wait3A_204 = arith.constant 0 : i32
      %dma_wait3A_205 = arith.constant 0 : i32
      %dma_wait3A_206 = tpu.memref_slice %arg2[%dma_wait3A_204, %dma_wait3A_205] : memref<10000x128xf32, #tpu.memory_space<hbm>> -> memref<10000x128xf32, #tpu.memory_space<hbm>>
      tpu.wait_indirect_dma semaphore(%arg13 : memref<!tpu.dma_semaphore, #tpu.memory_space<semaphore_mem>>) src(%dma_wait3A_206 : memref<10000x128xf32, #tpu.memory_space<hbm>>) dst(%arg9 : memref<80x128xf32, #tpu.memory_space<vmem>>)
      %add3A_207 = arith.constant 3 : i32
      %add3A_208 = arith.addi %mul3A_184, %add3A_207 : i32
      %dma_start3A_209 = arith.constant 0 : i32
      %dma_start3A_210 = tpu.memref_slice %arg6[%add3A_208, %dma_start3A_209] : memref<125x80xi32, #tpu.memory_space<vmem>> -> memref<1x80xi32, #tpu.memory_space<vmem>>
      %dma_start3A_211 = tpu.memref_squeeze %dma_start3A_210 : memref<1x80xi32, #tpu.memory_space<vmem>> -> memref<80xi32, #tpu.memory_space<vmem>>
      %dma_start3A_212 = arith.constant 0 : i32
      %dma_start3A_213 = arith.constant 0 : i32
      %dma_start3A_214 = tpu.memref_slice %arg2[%dma_start3A_212, %dma_start3A_213] : memref<10000x128xf32, #tpu.memory_space<hbm>> -> memref<10000x128xf32, #tpu.memory_space<hbm>>
      tpu.enqueue_indirect_dma source(%dma_start3A_214 : memref<10000x128xf32, #tpu.memory_space<hbm>>) target(%arg8 : memref<80x128xf32, #tpu.memory_space<vmem>>) offsets(%dma_start3A_211 : memref<80xi32, #tpu.memory_space<vmem>>) semaphore(%arg12 : memref<!tpu.dma_semaphore, #tpu.memory_space<semaphore_mem>>)
      %add3A_215 = arith.constant 1 : i32
      %add3A_216 = arith.addi %mul3A_184, %add3A_215 : i32
      "tpu.region"() ({
        %run_scoped3A_235 = tpu.sem_alloc : memref<!tpu.dma_semaphore, #tpu.memory_space<semaphore_mem>>
        %dma_start3A_236 = arith.constant 0 : i32
        %dma_start3A_237 = tpu.memref_slice %arg7[%add3A_216, %dma_start3A_236] : memref<125x80xi32, #tpu.memory_space<vmem>> -> memref<1x80xi32, #tpu.memory_space<vmem>>
        %dma_start3A_238 = tpu.memref_squeeze %dma_start3A_237 : memref<1x80xi32, #tpu.memory_space<vmem>> -> memref<80xi32, #tpu.memory_space<vmem>>
        %dma_start3A_239 = arith.constant 0 : i32
        %dma_start3A_240 = arith.constant 0 : i32
        %dma_start3A_241 = tpu.memref_slice %arg11[%dma_start3A_239, %dma_start3A_240] : memref<10016x128xf32, #tpu.memory_space<vmem_shared>> -> memref<10016x128xf32, #tpu.memory_space<vmem_shared>>
        tpu.enqueue_indirect_dma source(%arg9 : memref<80x128xf32, #tpu.memory_space<vmem>>) target(%dma_start3A_241 : memref<10016x128xf32, #tpu.memory_space<vmem_shared>>) offsets(%dma_start3A_238 : memref<80xi32, #tpu.memory_space<vmem>>) semaphore(%run_scoped3A_235 : memref<!tpu.dma_semaphore, #tpu.memory_space<semaphore_mem>>) {add = true}
        %dma_wait3A_242 = arith.constant 0 : i32
        %dma_wait3A_243 = tpu.memref_slice %arg7[%add3A_216, %dma_wait3A_242] : memref<125x80xi32, #tpu.memory_space<vmem>> -> memref<1x80xi32, #tpu.memory_space<vmem>>
        %dma_wait3A_244 = tpu.memref_squeeze %dma_wait3A_243 : memref<1x80xi32, #tpu.memory_space<vmem>> -> memref<80xi32, #tpu.memory_space<vmem>>
        %dma_wait3A_245 = arith.constant 0 : i32
        %dma_wait3A_246 = arith.constant 0 : i32
        %dma_wait3A_247 = tpu.memref_slice %arg11[%dma_wait3A_245, %dma_wait3A_246] : memref<10016x128xf32, #tpu.memory_space<vmem_shared>> -> memref<10016x128xf32, #tpu.memory_space<vmem_shared>>
        tpu.wait_indirect_dma semaphore(%run_scoped3A_235 : memref<!tpu.dma_semaphore, #tpu.memory_space<semaphore_mem>>) src(%arg9 : memref<80x128xf32, #tpu.memory_space<vmem>>) dst(%dma_wait3A_247 : memref<10016x128xf32, #tpu.memory_space<vmem_shared>>)
        tpu.yield
      }) : () -> ()
      %add3A_217 = arith.constant 2 : i32
      %add3A_218 = arith.addi %mul3A_184, %add3A_217 : i32
      %dma_wait3A_219 = arith.constant 0 : i32
      %dma_wait3A_220 = tpu.memref_slice %arg6[%add3A_218, %dma_wait3A_219] : memref<125x80xi32, #tpu.memory_space<vmem>> -> memref<1x80xi32, #tpu.memory_space<vmem>>
      %dma_wait3A_221 = tpu.memref_squeeze %dma_wait3A_220 : memref<1x80xi32, #tpu.memory_space<vmem>> -> memref<80xi32, #tpu.memory_space<vmem>>
      %dma_wait3A_222 = arith.constant 0 : i32
      %dma_wait3A_223 = arith.constant 0 : i32
      %dma_wait3A_224 = tpu.memref_slice %arg2[%dma_wait3A_222, %dma_wait3A_223] : memref<10000x128xf32, #tpu.memory_space<hbm>> -> memref<10000x128xf32, #tpu.memory_space<hbm>>
      tpu.wait_indirect_dma semaphore(%arg14 : memref<!tpu.dma_semaphore, #tpu.memory_space<semaphore_mem>>) src(%dma_wait3A_224 : memref<10000x128xf32, #tpu.memory_space<hbm>>) dst(%arg10 : memref<80x128xf32, #tpu.memory_space<vmem>>)
      %add3A_225 = arith.constant 4 : i32
      %add3A_226 = arith.addi %mul3A_184, %add3A_225 : i32
      %dma_start3A_227 = arith.constant 0 : i32
      %dma_start3A_228 = tpu.memref_slice %arg6[%add3A_226, %dma_start3A_227] : memref<125x80xi32, #tpu.memory_space<vmem>> -> memref<1x80xi32, #tpu.memory_space<vmem>>
      %dma_start3A_229 = tpu.memref_squeeze %dma_start3A_228 : memref<1x80xi32, #tpu.memory_space<vmem>> -> memref<80xi32, #tpu.memory_space<vmem>>
      %dma_start3A_230 = arith.constant 0 : i32
      %dma_start3A_231 = arith.constant 0 : i32
      %dma_start3A_232 = tpu.memref_slice %arg2[%dma_start3A_230, %dma_start3A_231] : memref<10000x128xf32, #tpu.memory_space<hbm>> -> memref<10000x128xf32, #tpu.memory_space<hbm>>
      tpu.enqueue_indirect_dma source(%dma_start3A_232 : memref<10000x128xf32, #tpu.memory_space<hbm>>) target(%arg9 : memref<80x128xf32, #tpu.memory_space<vmem>>) offsets(%dma_start3A_229 : memref<80xi32, #tpu.memory_space<vmem>>) semaphore(%arg13 : memref<!tpu.dma_semaphore, #tpu.memory_space<semaphore_mem>>)
      %add3A_233 = arith.constant 2 : i32
      %add3A_234 = arith.addi %mul3A_184, %add3A_233 : i32
      "tpu.region"() ({
        %run_scoped3A_235 = tpu.sem_alloc : memref<!tpu.dma_semaphore, #tpu.memory_space<semaphore_mem>>
        %dma_start3A_236 = arith.constant 0 : i32
        %dma_start3A_237 = tpu.memref_slice %arg7[%add3A_234, %dma_start3A_236] : memref<125x80xi32, #tpu.memory_space<vmem>> -> memref<1x80xi32, #tpu.memory_space<vmem>>
        %dma_start3A_238 = tpu.memref_squeeze %dma_start3A_237 : memref<1x80xi32, #tpu.memory_space<vmem>> -> memref<80xi32, #tpu.memory_space<vmem>>
        %dma_start3A_239 = arith.constant 0 : i32
        %dma_start3A_240 = arith.constant 0 : i32
        %dma_start3A_241 = tpu.memref_slice %arg11[%dma_start3A_239, %dma_start3A_240] : memref<10016x128xf32, #tpu.memory_space<vmem_shared>> -> memref<10016x128xf32, #tpu.memory_space<vmem_shared>>
        tpu.enqueue_indirect_dma source(%arg10 : memref<80x128xf32, #tpu.memory_space<vmem>>) target(%dma_start3A_241 : memref<10016x128xf32, #tpu.memory_space<vmem_shared>>) offsets(%dma_start3A_238 : memref<80xi32, #tpu.memory_space<vmem>>) semaphore(%run_scoped3A_235 : memref<!tpu.dma_semaphore, #tpu.memory_space<semaphore_mem>>) {add = true}
        %dma_wait3A_242 = arith.constant 0 : i32
        %dma_wait3A_243 = tpu.memref_slice %arg7[%add3A_234, %dma_wait3A_242] : memref<125x80xi32, #tpu.memory_space<vmem>> -> memref<1x80xi32, #tpu.memory_space<vmem>>
        %dma_wait3A_244 = tpu.memref_squeeze %dma_wait3A_243 : memref<1x80xi32, #tpu.memory_space<vmem>> -> memref<80xi32, #tpu.memory_space<vmem>>
        %dma_wait3A_245 = arith.constant 0 : i32
        %dma_wait3A_246 = arith.constant 0 : i32
        %dma_wait3A_247 = tpu.memref_slice %arg11[%dma_wait3A_245, %dma_wait3A_246] : memref<10016x128xf32, #tpu.memory_space<vmem_shared>> -> memref<10016x128xf32, #tpu.memory_space<vmem_shared>>
        tpu.wait_indirect_dma semaphore(%run_scoped3A_235 : memref<!tpu.dma_semaphore, #tpu.memory_space<semaphore_mem>>) src(%arg10 : memref<80x128xf32, #tpu.memory_space<vmem>>) dst(%dma_wait3A_247 : memref<10016x128xf32, #tpu.memory_space<vmem_shared>>)
        tpu.yield
      }) : () -> ()
    }
    %scan3A_165 = arith.constant 41 : i32
    %dma_wait3A_166 = arith.constant 123 : i32
    %dma_wait3A_167 = arith.constant 0 : i32
    %dma_wait3A_168 = tpu.memref_slice %arg6[%dma_wait3A_166, %dma_wait3A_167] : memref<125x80xi32, #tpu.memory_space<vmem>> -> memref<1x80xi32, #tpu.memory_space<vmem>>
    %dma_wait3A_169 = tpu.memref_squeeze %dma_wait3A_168 : memref<1x80xi32, #tpu.memory_space<vmem>> -> memref<80xi32, #tpu.memory_space<vmem>>
    %dma_wait3A_170 = arith.constant 0 : i32
    %dma_wait3A_171 = arith.constant 0 : i32
    %dma_wait3A_172 = tpu.memref_slice %arg2[%dma_wait3A_170, %dma_wait3A_171] : memref<10000x128xf32, #tpu.memory_space<hbm>> -> memref<10000x128xf32, #tpu.memory_space<hbm>>
    tpu.wait_indirect_dma semaphore(%arg12 : memref<!tpu.dma_semaphore, #tpu.memory_space<semaphore_mem>>) src(%dma_wait3A_172 : memref<10000x128xf32, #tpu.memory_space<hbm>>) dst(%arg8 : memref<80x128xf32, #tpu.memory_space<vmem>>)
    %run_scoped3A = arith.constant 123 : i32
    "tpu.region"() ({
      %run_scoped3A_182 = tpu.sem_alloc : memref<!tpu.dma_semaphore, #tpu.memory_space<semaphore_mem>>
      %dma_start3A_183 = arith.constant 0 : i32
      %dma_start3A_184 = tpu.memref_slice %arg7[%run_scoped3A, %dma_start3A_183] : memref<125x80xi32, #tpu.memory_space<vmem>> -> memref<1x80xi32, #tpu.memory_space<vmem>>
      %dma_start3A_185 = tpu.memref_squeeze %dma_start3A_184 : memref<1x80xi32, #tpu.memory_space<vmem>> -> memref<80xi32, #tpu.memory_space<vmem>>
      %dma_start3A_186 = arith.constant 0 : i32
      %dma_start3A_187 = arith.constant 0 : i32
      %dma_start3A_188 = tpu.memref_slice %arg11[%dma_start3A_186, %dma_start3A_187] : memref<10016x128xf32, #tpu.memory_space<vmem_shared>> -> memref<10016x128xf32, #tpu.memory_space<vmem_shared>>
      tpu.enqueue_indirect_dma source(%arg8 : memref<80x128xf32, #tpu.memory_space<vmem>>) target(%dma_start3A_188 : memref<10016x128xf32, #tpu.memory_space<vmem_shared>>) offsets(%dma_start3A_185 : memref<80xi32, #tpu.memory_space<vmem>>) semaphore(%run_scoped3A_182 : memref<!tpu.dma_semaphore, #tpu.memory_space<semaphore_mem>>) {add = true}
      %dma_wait3A_189 = arith.constant 0 : i32
      %dma_wait3A_190 = tpu.memref_slice %arg7[%run_scoped3A, %dma_wait3A_189] : memref<125x80xi32, #tpu.memory_space<vmem>> -> memref<1x80xi32, #tpu.memory_space<vmem>>
      %dma_wait3A_191 = tpu.memref_squeeze %dma_wait3A_190 : memref<1x80xi32, #tpu.memory_space<vmem>> -> memref<80xi32, #tpu.memory_space<vmem>>
      %dma_wait3A_192 = arith.constant 0 : i32
      %dma_wait3A_193 = arith.constant 0 : i32
      %dma_wait3A_194 = tpu.memref_slice %arg11[%dma_wait3A_192, %dma_wait3A_193] : memref<10016x128xf32, #tpu.memory_space<vmem_shared>> -> memref<10016x128xf32, #tpu.memory_space<vmem_shared>>
      tpu.wait_indirect_dma semaphore(%run_scoped3A_182 : memref<!tpu.dma_semaphore, #tpu.memory_space<semaphore_mem>>) src(%arg8 : memref<80x128xf32, #tpu.memory_space<vmem>>) dst(%dma_wait3A_194 : memref<10016x128xf32, #tpu.memory_space<vmem_shared>>)
      tpu.yield
    }) : () -> ()
    %dma_wait3A_173 = arith.constant 124 : i32
    %dma_wait3A_174 = arith.constant 0 : i32
    %dma_wait3A_175 = tpu.memref_slice %arg6[%dma_wait3A_173, %dma_wait3A_174] : memref<125x80xi32, #tpu.memory_space<vmem>> -> memref<1x80xi32, #tpu.memory_space<vmem>>
    %dma_wait3A_176 = tpu.memref_squeeze %dma_wait3A_175 : memref<1x80xi32, #tpu.memory_space<vmem>> -> memref<80xi32, #tpu.memory_space<vmem>>
    %dma_wait3A_177 = arith.constant 0 : i32
    %dma_wait3A_178 = arith.constant 0 : i32
    %dma_wait3A_179 = tpu.memref_slice %arg2[%dma_wait3A_177, %dma_wait3A_178] : memref<10000x128xf32, #tpu.memory_space<hbm>> -> memref<10000x128xf32, #tpu.memory_space<hbm>>
    tpu.wait_indirect_dma semaphore(%arg13 : memref<!tpu.dma_semaphore, #tpu.memory_space<semaphore_mem>>) src(%dma_wait3A_179 : memref<10000x128xf32, #tpu.memory_space<hbm>>) dst(%arg9 : memref<80x128xf32, #tpu.memory_space<vmem>>)
    %run_scoped3A_180 = arith.constant 124 : i32
    "tpu.region"() ({
      %run_scoped3A_182 = tpu.sem_alloc : memref<!tpu.dma_semaphore, #tpu.memory_space<semaphore_mem>>
      %dma_start3A_183 = arith.constant 0 : i32
      %dma_start3A_184 = tpu.memref_slice %arg7[%run_scoped3A_180, %dma_start3A_183] : memref<125x80xi32, #tpu.memory_space<vmem>> -> memref<1x80xi32, #tpu.memory_space<vmem>>
      %dma_start3A_185 = tpu.memref_squeeze %dma_start3A_184 : memref<1x80xi32, #tpu.memory_space<vmem>> -> memref<80xi32, #tpu.memory_space<vmem>>
      %dma_start3A_186 = arith.constant 0 : i32
      %dma_start3A_187 = arith.constant 0 : i32
      %dma_start3A_188 = tpu.memref_slice %arg11[%dma_start3A_186, %dma_start3A_187] : memref<10016x128xf32, #tpu.memory_space<vmem_shared>> -> memref<10016x128xf32, #tpu.memory_space<vmem_shared>>
      tpu.enqueue_indirect_dma source(%arg9 : memref<80x128xf32, #tpu.memory_space<vmem>>) target(%dma_start3A_188 : memref<10016x128xf32, #tpu.memory_space<vmem_shared>>) offsets(%dma_start3A_185 : memref<80xi32, #tpu.memory_space<vmem>>) semaphore(%run_scoped3A_182 : memref<!tpu.dma_semaphore, #tpu.memory_space<semaphore_mem>>) {add = true}
      %dma_wait3A_189 = arith.constant 0 : i32
      %dma_wait3A_190 = tpu.memref_slice %arg7[%run_scoped3A_180, %dma_wait3A_189] : memref<125x80xi32, #tpu.memory_space<vmem>> -> memref<1x80xi32, #tpu.memory_space<vmem>>
      %dma_wait3A_191 = tpu.memref_squeeze %dma_wait3A_190 : memref<1x80xi32, #tpu.memory_space<vmem>> -> memref<80xi32, #tpu.memory_space<vmem>>
      %dma_wait3A_192 = arith.constant 0 : i32
      %dma_wait3A_193 = arith.constant 0 : i32
      %dma_wait3A_194 = tpu.memref_slice %arg11[%dma_wait3A_192, %dma_wait3A_193] : memref<10016x128xf32, #tpu.memory_space<vmem_shared>> -> memref<10016x128xf32, #tpu.memory_space<vmem_shared>>
      tpu.wait_indirect_dma semaphore(%run_scoped3A_182 : memref<!tpu.dma_semaphore, #tpu.memory_space<semaphore_mem>>) src(%arg9 : memref<80x128xf32, #tpu.memory_space<vmem>>) dst(%dma_wait3A_194 : memref<10016x128xf32, #tpu.memory_space<vmem_shared>>)
      tpu.yield
    }) : () -> ()
    %barrier3A_181 = arith.constant 0 : index
    tpu.barrier barrier_id(%barrier3A_181)
    "tpu.region"() ({
      %run_scoped3A_182 = tpu.sem_alloc : memref<!tpu.dma_semaphore, #tpu.memory_space<semaphore_mem>>
      %dma_start3A_183 = arith.constant 0 : i32
      %dma_start3A_184 = tpu.memref_slice %arg5[%arg0, %mul3A_22, %dma_start3A_183] : memref<2x10016x128xf32, #tpu.memory_space<hbm>> -> memref<1x626x128xf32, #tpu.memory_space<hbm>>
      %dma_start3A_185 = tpu.memref_squeeze %dma_start3A_184 : memref<1x626x128xf32, #tpu.memory_space<hbm>> -> memref<626x128xf32, #tpu.memory_space<hbm>>
      %dma_start3A_186 = arith.constant 0 : i32
      %dma_start3A_187 = tpu.memref_slice %arg11[%mul3A_22, %dma_start3A_186] : memref<10016x128xf32, #tpu.memory_space<vmem_shared>> -> memref<626x128xf32, #tpu.memory_space<vmem_shared>>
      tpu.enqueue_dma source(%dma_start3A_187 : memref<626x128xf32, #tpu.memory_space<vmem_shared>>) target(%dma_start3A_185 : memref<626x128xf32, #tpu.memory_space<hbm>>) target_semaphore(%run_scoped3A_182 : memref<!tpu.dma_semaphore, #tpu.memory_space<semaphore_mem>>)
      %dma_wait3A_188 = arith.constant 0 : i32
      %dma_wait3A_189 = tpu.memref_slice %arg5[%arg0, %mul3A_22, %dma_wait3A_188] : memref<2x10016x128xf32, #tpu.memory_space<hbm>> -> memref<1x626x128xf32, #tpu.memory_space<hbm>>
      %dma_wait3A_190 = tpu.memref_squeeze %dma_wait3A_189 : memref<1x626x128xf32, #tpu.memory_space<hbm>> -> memref<626x128xf32, #tpu.memory_space<hbm>>
      %dma_wait3A_191 = arith.constant 0 : i32
      %dma_wait3A_192 = tpu.memref_slice %arg11[%mul3A_22, %dma_wait3A_191] : memref<10016x128xf32, #tpu.memory_space<vmem_shared>> -> memref<626x128xf32, #tpu.memory_space<vmem_shared>>
      tpu.wait_dma2 semaphore(%run_scoped3A_182 : memref<!tpu.dma_semaphore, #tpu.memory_space<semaphore_mem>>) src(%dma_wait3A_192 : memref<626x128xf32, #tpu.memory_space<vmem_shared>>) dst(%dma_wait3A_190 : memref<626x128xf32, #tpu.memory_space<hbm>>)
      tpu.yield
    }) : () -> ()
    return
  }
}

#map = affine_map<(d0, d1) -> (0, 0)>
#map1 = affine_map<(d0, d1) -> (0, 0, 0)>
module attributes {stable_mosaic.version = 14 : i64} {
  func.func @_segsum_body(%arg0: i32, %arg1: i32, %arg2: memref<10000x128xf32, #tpu.memory_space<hbm>>, %arg3: memref<32x125x80xi32, #tpu.memory_space<hbm>>, %arg4: memref<32x125x80xi32, #tpu.memory_space<hbm>>, %arg5: memref<2x10016x128xf32, #tpu.memory_space<hbm>>, %arg6: memref<125x80xi32, #tpu.memory_space<vmem>>, %arg7: memref<125x80xi32, #tpu.memory_space<vmem>>, %arg8: memref<80x128xf32, #tpu.memory_space<vmem>>, %arg9: memref<80x128xf32, #tpu.memory_space<vmem>>, %arg10: memref<80x128xf32, #tpu.memory_space<vmem>>, %arg11: memref<10016x128xf32, #tpu.memory_space<vmem_shared>>, %arg12: memref<!tpu.dma_semaphore, #tpu.memory_space<semaphore_mem>>, %arg13: memref<!tpu.dma_semaphore, #tpu.memory_space<semaphore_mem>>, %arg14: memref<!tpu.dma_semaphore, #tpu.memory_space<semaphore_mem>>) attributes {dimension_semantics = [#tpu.dimension_semantics<core_parallel>, #tpu.dimension_semantics<subcore_parallel>], iteration_bounds = array<i64: 2, 16>, scalar_prefetch = 0 : i64, scratch_operands = 9 : i64, tpu.core_type = #tpu.core_type<sc_vector_subcore>, window_params = [{transform_indices = #map}, {transform_indices = #map1}, {transform_indices = #map1}, {transform_indices = #map1}]} {
    %mul3A = arith.constant 16 : i32
    %mul3A_0 = arith.muli %arg0, %mul3A : i32
    %add3A = arith.addi %mul3A_0, %arg1 : i32
    %dma_start3A = arith.constant 0 : i32
    %dma_start3A_1 = arith.constant 0 : i32
    %dma_start3A_2 = tpu.memref_slice %arg3[%add3A, %dma_start3A, %dma_start3A_1] : memref<32x125x80xi32, #tpu.memory_space<hbm>> -> memref<1x125x80xi32, #tpu.memory_space<hbm>>
    %dma_start3A_3 = tpu.memref_squeeze %dma_start3A_2 : memref<1x125x80xi32, #tpu.memory_space<hbm>> -> memref<125x80xi32, #tpu.memory_space<hbm>>
    %dma_start3A_4 = arith.constant 0 : i32
    %dma_start3A_5 = arith.constant 0 : i32
    %dma_start3A_6 = tpu.memref_slice %arg3[%add3A, %dma_start3A_4, %dma_start3A_5] : memref<32x125x80xi32, #tpu.memory_space<hbm>> -> memref<1x125x80xi32, #tpu.memory_space<hbm>>
    %dma_start3A_7 = tpu.memref_squeeze %dma_start3A_6 : memref<1x125x80xi32, #tpu.memory_space<hbm>> -> memref<125x80xi32, #tpu.memory_space<hbm>>
    tpu.enqueue_dma source(%dma_start3A_7 : memref<125x80xi32, #tpu.memory_space<hbm>>) target(%arg6 : memref<125x80xi32, #tpu.memory_space<vmem>>) target_semaphore(%arg12 : memref<!tpu.dma_semaphore, #tpu.memory_space<semaphore_mem>>)
    %dma_start3A_8 = arith.constant 0 : i32
    %dma_start3A_9 = arith.constant 0 : i32
    %dma_start3A_10 = tpu.memref_slice %arg4[%add3A, %dma_start3A_8, %dma_start3A_9] : memref<32x125x80xi32, #tpu.memory_space<hbm>> -> memref<1x125x80xi32, #tpu.memory_space<hbm>>
    %dma_start3A_11 = tpu.memref_squeeze %dma_start3A_10 : memref<1x125x80xi32, #tpu.memory_space<hbm>> -> memref<125x80xi32, #tpu.memory_space<hbm>>
    %dma_start3A_12 = arith.constant 0 : i32
    %dma_start3A_13 = arith.constant 0 : i32
    %dma_start3A_14 = tpu.memref_slice %arg4[%add3A, %dma_start3A_12, %dma_start3A_13] : memref<32x125x80xi32, #tpu.memory_space<hbm>> -> memref<1x125x80xi32, #tpu.memory_space<hbm>>
    %dma_start3A_15 = tpu.memref_squeeze %dma_start3A_14 : memref<1x125x80xi32, #tpu.memory_space<hbm>> -> memref<125x80xi32, #tpu.memory_space<hbm>>
    tpu.enqueue_dma source(%dma_start3A_15 : memref<125x80xi32, #tpu.memory_space<hbm>>) target(%arg7 : memref<125x80xi32, #tpu.memory_space<vmem>>) target_semaphore(%arg13 : memref<!tpu.dma_semaphore, #tpu.memory_space<semaphore_mem>>)
    %scan3A = arith.constant 0 : i32
    %scan3A_16 = arith.constant 0 : i32
    %scan3A_17 = arith.constant 80 : i32
    %scan3A_18 = arith.addi %scan3A_16, %scan3A_17 : i32
    %scan3A_19 = arith.constant 1 : i32
    scf.for %scan3A_182 = %scan3A_16 to %scan3A_18 step %scan3A_19  : i32 {
      %broadcast_in_dim3A = arith.constant 0.000000e+00 : f32
      %broadcast_in_dim3A_183 = vector.broadcast %broadcast_in_dim3A : f32 to vector<16xf32>
      %swap3A = arith.index_cast %scan3A_182 : i32 to index
      %swap3A_184 = arith.constant 0 : index
      %swap3A_185 = tpu.vector_load %arg8[%swap3A, %swap3A_184] {strides = array<i32>} : memref<80x128xf32, #tpu.memory_space<vmem>>, vector<1x16xf32>,
      %swap3A_186 = vector.shape_cast %swap3A_185 : vector<1x16xf32> to vector<16xf32>
      %swap3A_187 = vector.shape_cast %broadcast_in_dim3A_183 : vector<16xf32> to vector<1x16xf32>
      tpu.vector_store %arg8[%swap3A, %swap3A_184], %swap3A_187 {strides = array<i32>} : memref<80x128xf32, #tpu.memory_space<vmem>>, vector<1x16xf32>,
      %broadcast_in_dim3A_188 = arith.constant 0.000000e+00 : f32
      %broadcast_in_dim3A_189 = vector.broadcast %broadcast_in_dim3A_188 : f32 to vector<16xf32>
      %swap3A_190 = arith.index_cast %scan3A_182 : i32 to index
      %swap3A_191 = arith.constant 16 : index
      %swap3A_192 = tpu.vector_load %arg8[%swap3A_190, %swap3A_191] {strides = array<i32>} : memref<80x128xf32, #tpu.memory_space<vmem>>, vector<1x16xf32>,
      %swap3A_193 = vector.shape_cast %swap3A_192 : vector<1x16xf32> to vector<16xf32>
      %swap3A_194 = vector.shape_cast %broadcast_in_dim3A_189 : vector<16xf32> to vector<1x16xf32>
      tpu.vector_store %arg8[%swap3A_190, %swap3A_191], %swap3A_194 {strides = array<i32>} : memref<80x128xf32, #tpu.memory_space<vmem>>, vector<1x16xf32>,
      %broadcast_in_dim3A_195 = arith.constant 0.000000e+00 : f32
      %broadcast_in_dim3A_196 = vector.broadcast %broadcast_in_dim3A_195 : f32 to vector<16xf32>
      %swap3A_197 = arith.index_cast %scan3A_182 : i32 to index
      %swap3A_198 = arith.constant 32 : index
      %swap3A_199 = tpu.vector_load %arg8[%swap3A_197, %swap3A_198] {strides = array<i32>} : memref<80x128xf32, #tpu.memory_space<vmem>>, vector<1x16xf32>,
      %swap3A_200 = vector.shape_cast %swap3A_199 : vector<1x16xf32> to vector<16xf32>
      %swap3A_201 = vector.shape_cast %broadcast_in_dim3A_196 : vector<16xf32> to vector<1x16xf32>
      tpu.vector_store %arg8[%swap3A_197, %swap3A_198], %swap3A_201 {strides = array<i32>} : memref<80x128xf32, #tpu.memory_space<vmem>>, vector<1x16xf32>,
      %broadcast_in_dim3A_202 = arith.constant 0.000000e+00 : f32
      %broadcast_in_dim3A_203 = vector.broadcast %broadcast_in_dim3A_202 : f32 to vector<16xf32>
      %swap3A_204 = arith.index_cast %scan3A_182 : i32 to index
      %swap3A_205 = arith.constant 48 : index
      %swap3A_206 = tpu.vector_load %arg8[%swap3A_204, %swap3A_205] {strides = array<i32>} : memref<80x128xf32, #tpu.memory_space<vmem>>, vector<1x16xf32>,
      %swap3A_207 = vector.shape_cast %swap3A_206 : vector<1x16xf32> to vector<16xf32>
      %swap3A_208 = vector.shape_cast %broadcast_in_dim3A_203 : vector<16xf32> to vector<1x16xf32>
      tpu.vector_store %arg8[%swap3A_204, %swap3A_205], %swap3A_208 {strides = array<i32>} : memref<80x128xf32, #tpu.memory_space<vmem>>, vector<1x16xf32>,
      %broadcast_in_dim3A_209 = arith.constant 0.000000e+00 : f32
      %broadcast_in_dim3A_210 = vector.broadcast %broadcast_in_dim3A_209 : f32 to vector<16xf32>
      %swap3A_211 = arith.index_cast %scan3A_182 : i32 to index
      %swap3A_212 = arith.constant 64 : index
      %swap3A_213 = tpu.vector_load %arg8[%swap3A_211, %swap3A_212] {strides = array<i32>} : memref<80x128xf32, #tpu.memory_space<vmem>>, vector<1x16xf32>,
      %swap3A_214 = vector.shape_cast %swap3A_213 : vector<1x16xf32> to vector<16xf32>
      %swap3A_215 = vector.shape_cast %broadcast_in_dim3A_210 : vector<16xf32> to vector<1x16xf32>
      tpu.vector_store %arg8[%swap3A_211, %swap3A_212], %swap3A_215 {strides = array<i32>} : memref<80x128xf32, #tpu.memory_space<vmem>>, vector<1x16xf32>,
      %broadcast_in_dim3A_216 = arith.constant 0.000000e+00 : f32
      %broadcast_in_dim3A_217 = vector.broadcast %broadcast_in_dim3A_216 : f32 to vector<16xf32>
      %swap3A_218 = arith.index_cast %scan3A_182 : i32 to index
      %swap3A_219 = arith.constant 80 : index
      %swap3A_220 = tpu.vector_load %arg8[%swap3A_218, %swap3A_219] {strides = array<i32>} : memref<80x128xf32, #tpu.memory_space<vmem>>, vector<1x16xf32>,
      %swap3A_221 = vector.shape_cast %swap3A_220 : vector<1x16xf32> to vector<16xf32>
      %swap3A_222 = vector.shape_cast %broadcast_in_dim3A_217 : vector<16xf32> to vector<1x16xf32>
      tpu.vector_store %arg8[%swap3A_218, %swap3A_219], %swap3A_222 {strides = array<i32>} : memref<80x128xf32, #tpu.memory_space<vmem>>, vector<1x16xf32>,
      %broadcast_in_dim3A_223 = arith.constant 0.000000e+00 : f32
      %broadcast_in_dim3A_224 = vector.broadcast %broadcast_in_dim3A_223 : f32 to vector<16xf32>
      %swap3A_225 = arith.index_cast %scan3A_182 : i32 to index
      %swap3A_226 = arith.constant 96 : index
      %swap3A_227 = tpu.vector_load %arg8[%swap3A_225, %swap3A_226] {strides = array<i32>} : memref<80x128xf32, #tpu.memory_space<vmem>>, vector<1x16xf32>,
      %swap3A_228 = vector.shape_cast %swap3A_227 : vector<1x16xf32> to vector<16xf32>
      %swap3A_229 = vector.shape_cast %broadcast_in_dim3A_224 : vector<16xf32> to vector<1x16xf32>
      tpu.vector_store %arg8[%swap3A_225, %swap3A_226], %swap3A_229 {strides = array<i32>} : memref<80x128xf32, #tpu.memory_space<vmem>>, vector<1x16xf32>,
      %broadcast_in_dim3A_230 = arith.constant 0.000000e+00 : f32
      %broadcast_in_dim3A_231 = vector.broadcast %broadcast_in_dim3A_230 : f32 to vector<16xf32>
      %swap3A_232 = arith.index_cast %scan3A_182 : i32 to index
      %swap3A_233 = arith.constant 112 : index
      %swap3A_234 = tpu.vector_load %arg8[%swap3A_232, %swap3A_233] {strides = array<i32>} : memref<80x128xf32, #tpu.memory_space<vmem>>, vector<1x16xf32>,
      %swap3A_235 = vector.shape_cast %swap3A_234 : vector<1x16xf32> to vector<16xf32>
      %swap3A_236 = vector.shape_cast %broadcast_in_dim3A_231 : vector<16xf32> to vector<1x16xf32>
      tpu.vector_store %arg8[%swap3A_232, %swap3A_233], %swap3A_236 {strides = array<i32>} : memref<80x128xf32, #tpu.memory_space<vmem>>, vector<1x16xf32>,
    }
    %scan3A_20 = arith.constant 80 : i32
    %mul3A_21 = arith.constant 626 : i32
    %mul3A_22 = arith.muli %arg1, %mul3A_21 : i32
    %add3A_23 = arith.constant 0 : i32
    %add3A_24 = arith.addi %mul3A_22, %add3A_23 : i32
    %dma_start3A_25 = arith.constant 0 : i32
    %dma_start3A_26 = tpu.memref_slice %arg11[%add3A_24, %dma_start3A_25] : memref<10016x128xf32, #tpu.memory_space<vmem_shared>> -> memref<80x128xf32, #tpu.memory_space<vmem_shared>>
    %dma_start3A_27 = arith.constant 0 : i32
    %dma_start3A_28 = tpu.memref_slice %arg11[%add3A_24, %dma_start3A_27] : memref<10016x128xf32, #tpu.memory_space<vmem_shared>> -> memref<80x128xf32, #tpu.memory_space<vmem_shared>>
    tpu.enqueue_dma source(%arg8 : memref<80x128xf32, #tpu.memory_space<vmem>>) target(%dma_start3A_28 : memref<80x128xf32, #tpu.memory_space<vmem_shared>>) target_semaphore(%arg14 : memref<!tpu.dma_semaphore, #tpu.memory_space<semaphore_mem>>)
    %add3A_29 = arith.constant 80 : i32
    %add3A_30 = arith.addi %mul3A_22, %add3A_29 : i32
    %dma_start3A_31 = arith.constant 0 : i32
    %dma_start3A_32 = tpu.memref_slice %arg11[%add3A_30, %dma_start3A_31] : memref<10016x128xf32, #tpu.memory_space<vmem_shared>> -> memref<80x128xf32, #tpu.memory_space<vmem_shared>>
    %dma_start3A_33 = arith.constant 0 : i32
    %dma_start3A_34 = tpu.memref_slice %arg11[%add3A_30, %dma_start3A_33] : memref<10016x128xf32, #tpu.memory_space<vmem_shared>> -> memref<80x128xf32, #tpu.memory_space<vmem_shared>>
    tpu.enqueue_dma source(%arg8 : memref<80x128xf32, #tpu.memory_space<vmem>>) target(%dma_start3A_34 : memref<80x128xf32, #tpu.memory_space<vmem_shared>>) target_semaphore(%arg14 : memref<!tpu.dma_semaphore, #tpu.memory_space<semaphore_mem>>)
    %add3A_35 = arith.constant 160 : i32
    %add3A_36 = arith.addi %mul3A_22, %add3A_35 : i32
    %dma_start3A_37 = arith.constant 0 : i32
    %dma_start3A_38 = tpu.memref_slice %arg11[%add3A_36, %dma_start3A_37] : memref<10016x128xf32, #tpu.memory_space<vmem_shared>> -> memref<80x128xf32, #tpu.memory_space<vmem_shared>>
    %dma_start3A_39 = arith.constant 0 : i32
    %dma_start3A_40 = tpu.memref_slice %arg11[%add3A_36, %dma_start3A_39] : memref<10016x128xf32, #tpu.memory_space<vmem_shared>> -> memref<80x128xf32, #tpu.memory_space<vmem_shared>>
    tpu.enqueue_dma source(%arg8 : memref<80x128xf32, #tpu.memory_space<vmem>>) target(%dma_start3A_40 : memref<80x128xf32, #tpu.memory_space<vmem_shared>>) target_semaphore(%arg14 : memref<!tpu.dma_semaphore, #tpu.memory_space<semaphore_mem>>)
    %add3A_41 = arith.constant 240 : i32
    %add3A_42 = arith.addi %mul3A_22, %add3A_41 : i32
    %dma_start3A_43 = arith.constant 0 : i32
    %dma_start3A_44 = tpu.memref_slice %arg11[%add3A_42, %dma_start3A_43] : memref<10016x128xf32, #tpu.memory_space<vmem_shared>> -> memref<80x128xf32, #tpu.memory_space<vmem_shared>>
    %dma_start3A_45 = arith.constant 0 : i32
    %dma_start3A_46 = tpu.memref_slice %arg11[%add3A_42, %dma_start3A_45] : memref<10016x128xf32, #tpu.memory_space<vmem_shared>> -> memref<80x128xf32, #tpu.memory_space<vmem_shared>>
    tpu.enqueue_dma source(%arg8 : memref<80x128xf32, #tpu.memory_space<vmem>>) target(%dma_start3A_46 : memref<80x128xf32, #tpu.memory_space<vmem_shared>>) target_semaphore(%arg14 : memref<!tpu.dma_semaphore, #tpu.memory_space<semaphore_mem>>)
    %add3A_47 = arith.constant 320 : i32
    %add3A_48 = arith.addi %mul3A_22, %add3A_47 : i32
    %dma_start3A_49 = arith.constant 0 : i32
    %dma_start3A_50 = tpu.memref_slice %arg11[%add3A_48, %dma_start3A_49] : memref<10016x128xf32, #tpu.memory_space<vmem_shared>> -> memref<80x128xf32, #tpu.memory_space<vmem_shared>>
    %dma_start3A_51 = arith.constant 0 : i32
    %dma_start3A_52 = tpu.memref_slice %arg11[%add3A_48, %dma_start3A_51] : memref<10016x128xf32, #tpu.memory_space<vmem_shared>> -> memref<80x128xf32, #tpu.memory_space<vmem_shared>>
    tpu.enqueue_dma source(%arg8 : memref<80x128xf32, #tpu.memory_space<vmem>>) target(%dma_start3A_52 : memref<80x128xf32, #tpu.memory_space<vmem_shared>>) target_semaphore(%arg14 : memref<!tpu.dma_semaphore, #tpu.memory_space<semaphore_mem>>)
    %add3A_53 = arith.constant 400 : i32
    %add3A_54 = arith.addi %mul3A_22, %add3A_53 : i32
    %dma_start3A_55 = arith.constant 0 : i32
    %dma_start3A_56 = tpu.memref_slice %arg11[%add3A_54, %dma_start3A_55] : memref<10016x128xf32, #tpu.memory_space<vmem_shared>> -> memref<80x128xf32, #tpu.memory_space<vmem_shared>>
    %dma_start3A_57 = arith.constant 0 : i32
    %dma_start3A_58 = tpu.memref_slice %arg11[%add3A_54, %dma_start3A_57] : memref<10016x128xf32, #tpu.memory_space<vmem_shared>> -> memref<80x128xf32, #tpu.memory_space<vmem_shared>>
    tpu.enqueue_dma source(%arg8 : memref<80x128xf32, #tpu.memory_space<vmem>>) target(%dma_start3A_58 : memref<80x128xf32, #tpu.memory_space<vmem_shared>>) target_semaphore(%arg14 : memref<!tpu.dma_semaphore, #tpu.memory_space<semaphore_mem>>)
    %add3A_59 = arith.constant 480 : i32
    %add3A_60 = arith.addi %mul3A_22, %add3A_59 : i32
    %dma_start3A_61 = arith.constant 0 : i32
    %dma_start3A_62 = tpu.memref_slice %arg11[%add3A_60, %dma_start3A_61] : memref<10016x128xf32, #tpu.memory_space<vmem_shared>> -> memref<80x128xf32, #tpu.memory_space<vmem_shared>>
    %dma_start3A_63 = arith.constant 0 : i32
    %dma_start3A_64 = tpu.memref_slice %arg11[%add3A_60, %dma_start3A_63] : memref<10016x128xf32, #tpu.memory_space<vmem_shared>> -> memref<80x128xf32, #tpu.memory_space<vmem_shared>>
    tpu.enqueue_dma source(%arg8 : memref<80x128xf32, #tpu.memory_space<vmem>>) target(%dma_start3A_64 : memref<80x128xf32, #tpu.memory_space<vmem_shared>>) target_semaphore(%arg14 : memref<!tpu.dma_semaphore, #tpu.memory_space<semaphore_mem>>)
    %add3A_65 = arith.constant 560 : i32
    %add3A_66 = arith.addi %mul3A_22, %add3A_65 : i32
    %dma_start3A_67 = arith.constant 0 : i32
    %dma_start3A_68 = arith.constant 0 : i32
    %dma_start3A_69 = tpu.memref_slice %arg8[%dma_start3A_67, %dma_start3A_68] : memref<80x128xf32, #tpu.memory_space<vmem>> -> memref<66x128xf32, #tpu.memory_space<vmem>>
    %dma_start3A_70 = arith.constant 0 : i32
    %dma_start3A_71 = tpu.memref_slice %arg11[%add3A_66, %dma_start3A_70] : memref<10016x128xf32, #tpu.memory_space<vmem_shared>> -> memref<66x128xf32, #tpu.memory_space<vmem_shared>>
    %dma_start3A_72 = arith.constant 0 : i32
    %dma_start3A_73 = tpu.memref_slice %arg11[%add3A_66, %dma_start3A_72] : memref<10016x128xf32, #tpu.memory_space<vmem_shared>> -> memref<66x128xf32, #tpu.memory_space<vmem_shared>>
    %dma_start3A_74 = arith.constant 0 : i32
    %dma_start3A_75 = arith.constant 0 : i32
    %dma_start3A_76 = tpu.memref_slice %arg8[%dma_start3A_74, %dma_start3A_75] : memref<80x128xf32, #tpu.memory_space<vmem>> -> memref<66x128xf32, #tpu.memory_space<vmem>>
    tpu.enqueue_dma source(%dma_start3A_76 : memref<66x128xf32, #tpu.memory_space<vmem>>) target(%dma_start3A_73 : memref<66x128xf32, #tpu.memory_space<vmem_shared>>) target_semaphore(%arg14 : memref<!tpu.dma_semaphore, #tpu.memory_space<semaphore_mem>>)
    %add3A_77 = arith.constant 0 : i32
    %add3A_78 = arith.addi %mul3A_22, %add3A_77 : i32
    %dma_wait3A = arith.constant 0 : i32
    %dma_wait3A_79 = tpu.memref_slice %arg11[%add3A_78, %dma_wait3A] : memref<10016x128xf32, #tpu.memory_space<vmem_shared>> -> memref<80x128xf32, #tpu.memory_space<vmem_shared>>
    %dma_wait3A_80 = arith.constant 0 : i32
    %dma_wait3A_81 = tpu.memref_slice %arg11[%add3A_78, %dma_wait3A_80] : memref<10016x128xf32, #tpu.memory_space<vmem_shared>> -> memref<80x128xf32, #tpu.memory_space<vmem_shared>>
    tpu.wait_dma2 semaphore(%arg14 : memref<!tpu.dma_semaphore, #tpu.memory_space<semaphore_mem>>) src(%arg8 : memref<80x128xf32, #tpu.memory_space<vmem>>) dst(%dma_wait3A_81 : memref<80x128xf32, #tpu.memory_space<vmem_shared>>)
    %add3A_82 = arith.constant 80 : i32
    %add3A_83 = arith.addi %mul3A_22, %add3A_82 : i32
    %dma_wait3A_84 = arith.constant 0 : i32
    %dma_wait3A_85 = tpu.memref_slice %arg11[%add3A_83, %dma_wait3A_84] : memref<10016x128xf32, #tpu.memory_space<vmem_shared>> -> memref<80x128xf32, #tpu.memory_space<vmem_shared>>
    %dma_wait3A_86 = arith.constant 0 : i32
    %dma_wait3A_87 = tpu.memref_slice %arg11[%add3A_83, %dma_wait3A_86] : memref<10016x128xf32, #tpu.memory_space<vmem_shared>> -> memref<80x128xf32, #tpu.memory_space<vmem_shared>>
    tpu.wait_dma2 semaphore(%arg14 : memref<!tpu.dma_semaphore, #tpu.memory_space<semaphore_mem>>) src(%arg8 : memref<80x128xf32, #tpu.memory_space<vmem>>) dst(%dma_wait3A_87 : memref<80x128xf32, #tpu.memory_space<vmem_shared>>)
    %add3A_88 = arith.constant 160 : i32
    %add3A_89 = arith.addi %mul3A_22, %add3A_88 : i32
    %dma_wait3A_90 = arith.constant 0 : i32
    %dma_wait3A_91 = tpu.memref_slice %arg11[%add3A_89, %dma_wait3A_90] : memref<10016x128xf32, #tpu.memory_space<vmem_shared>> -> memref<80x128xf32, #tpu.memory_space<vmem_shared>>
    %dma_wait3A_92 = arith.constant 0 : i32
    %dma_wait3A_93 = tpu.memref_slice %arg11[%add3A_89, %dma_wait3A_92] : memref<10016x128xf32, #tpu.memory_space<vmem_shared>> -> memref<80x128xf32, #tpu.memory_space<vmem_shared>>
    tpu.wait_dma2 semaphore(%arg14 : memref<!tpu.dma_semaphore, #tpu.memory_space<semaphore_mem>>) src(%arg8 : memref<80x128xf32, #tpu.memory_space<vmem>>) dst(%dma_wait3A_93 : memref<80x128xf32, #tpu.memory_space<vmem_shared>>)
    %add3A_94 = arith.constant 240 : i32
    %add3A_95 = arith.addi %mul3A_22, %add3A_94 : i32
    %dma_wait3A_96 = arith.constant 0 : i32
    %dma_wait3A_97 = tpu.memref_slice %arg11[%add3A_95, %dma_wait3A_96] : memref<10016x128xf32, #tpu.memory_space<vmem_shared>> -> memref<80x128xf32, #tpu.memory_space<vmem_shared>>
    %dma_wait3A_98 = arith.constant 0 : i32
    %dma_wait3A_99 = tpu.memref_slice %arg11[%add3A_95, %dma_wait3A_98] : memref<10016x128xf32, #tpu.memory_space<vmem_shared>> -> memref<80x128xf32, #tpu.memory_space<vmem_shared>>
    tpu.wait_dma2 semaphore(%arg14 : memref<!tpu.dma_semaphore, #tpu.memory_space<semaphore_mem>>) src(%arg8 : memref<80x128xf32, #tpu.memory_space<vmem>>) dst(%dma_wait3A_99 : memref<80x128xf32, #tpu.memory_space<vmem_shared>>)
    %add3A_100 = arith.constant 320 : i32
    %add3A_101 = arith.addi %mul3A_22, %add3A_100 : i32
    %dma_wait3A_102 = arith.constant 0 : i32
    %dma_wait3A_103 = tpu.memref_slice %arg11[%add3A_101, %dma_wait3A_102] : memref<10016x128xf32, #tpu.memory_space<vmem_shared>> -> memref<80x128xf32, #tpu.memory_space<vmem_shared>>
    %dma_wait3A_104 = arith.constant 0 : i32
    %dma_wait3A_105 = tpu.memref_slice %arg11[%add3A_101, %dma_wait3A_104] : memref<10016x128xf32, #tpu.memory_space<vmem_shared>> -> memref<80x128xf32, #tpu.memory_space<vmem_shared>>
    tpu.wait_dma2 semaphore(%arg14 : memref<!tpu.dma_semaphore, #tpu.memory_space<semaphore_mem>>) src(%arg8 : memref<80x128xf32, #tpu.memory_space<vmem>>) dst(%dma_wait3A_105 : memref<80x128xf32, #tpu.memory_space<vmem_shared>>)
    %add3A_106 = arith.constant 400 : i32
    %add3A_107 = arith.addi %mul3A_22, %add3A_106 : i32
    %dma_wait3A_108 = arith.constant 0 : i32
    %dma_wait3A_109 = tpu.memref_slice %arg11[%add3A_107, %dma_wait3A_108] : memref<10016x128xf32, #tpu.memory_space<vmem_shared>> -> memref<80x128xf32, #tpu.memory_space<vmem_shared>>
    %dma_wait3A_110 = arith.constant 0 : i32
    %dma_wait3A_111 = tpu.memref_slice %arg11[%add3A_107, %dma_wait3A_110] : memref<10016x128xf32, #tpu.memory_space<vmem_shared>> -> memref<80x128xf32, #tpu.memory_space<vmem_shared>>
    tpu.wait_dma2 semaphore(%arg14 : memref<!tpu.dma_semaphore, #tpu.memory_space<semaphore_mem>>) src(%arg8 : memref<80x128xf32, #tpu.memory_space<vmem>>) dst(%dma_wait3A_111 : memref<80x128xf32, #tpu.memory_space<vmem_shared>>)
    %add3A_112 = arith.constant 480 : i32
    %add3A_113 = arith.addi %mul3A_22, %add3A_112 : i32
    %dma_wait3A_114 = arith.constant 0 : i32
    %dma_wait3A_115 = tpu.memref_slice %arg11[%add3A_113, %dma_wait3A_114] : memref<10016x128xf32, #tpu.memory_space<vmem_shared>> -> memref<80x128xf32, #tpu.memory_space<vmem_shared>>
    %dma_wait3A_116 = arith.constant 0 : i32
    %dma_wait3A_117 = tpu.memref_slice %arg11[%add3A_113, %dma_wait3A_116] : memref<10016x128xf32, #tpu.memory_space<vmem_shared>> -> memref<80x128xf32, #tpu.memory_space<vmem_shared>>
    tpu.wait_dma2 semaphore(%arg14 : memref<!tpu.dma_semaphore, #tpu.memory_space<semaphore_mem>>) src(%arg8 : memref<80x128xf32, #tpu.memory_space<vmem>>) dst(%dma_wait3A_117 : memref<80x128xf32, #tpu.memory_space<vmem_shared>>)
    %add3A_118 = arith.constant 560 : i32
    %add3A_119 = arith.addi %mul3A_22, %add3A_118 : i32
    %dma_wait3A_120 = arith.constant 0 : i32
    %dma_wait3A_121 = arith.constant 0 : i32
    %dma_wait3A_122 = tpu.memref_slice %arg8[%dma_wait3A_120, %dma_wait3A_121] : memref<80x128xf32, #tpu.memory_space<vmem>> -> memref<66x128xf32, #tpu.memory_space<vmem>>
    %dma_wait3A_123 = arith.constant 0 : i32
    %dma_wait3A_124 = tpu.memref_slice %arg11[%add3A_119, %dma_wait3A_123] : memref<10016x128xf32, #tpu.memory_space<vmem_shared>> -> memref<66x128xf32, #tpu.memory_space<vmem_shared>>
    %dma_wait3A_125 = arith.constant 0 : i32
    %dma_wait3A_126 = tpu.memref_slice %arg11[%add3A_119, %dma_wait3A_125] : memref<10016x128xf32, #tpu.memory_space<vmem_shared>> -> memref<66x128xf32, #tpu.memory_space<vmem_shared>>
    %dma_wait3A_127 = arith.constant 0 : i32
    %dma_wait3A_128 = arith.constant 0 : i32
    %dma_wait3A_129 = tpu.memref_slice %arg8[%dma_wait3A_127, %dma_wait3A_128] : memref<80x128xf32, #tpu.memory_space<vmem>> -> memref<66x128xf32, #tpu.memory_space<vmem>>
    tpu.wait_dma2 semaphore(%arg14 : memref<!tpu.dma_semaphore, #tpu.memory_space<semaphore_mem>>) src(%dma_wait3A_129 : memref<66x128xf32, #tpu.memory_space<vmem>>) dst(%dma_wait3A_126 : memref<66x128xf32, #tpu.memory_space<vmem_shared>>)
    %dma_wait3A_130 = arith.constant 0 : i32
    %dma_wait3A_131 = arith.constant 0 : i32
    %dma_wait3A_132 = tpu.memref_slice %arg3[%add3A, %dma_wait3A_130, %dma_wait3A_131] : memref<32x125x80xi32, #tpu.memory_space<hbm>> -> memref<1x125x80xi32, #tpu.memory_space<hbm>>
    %dma_wait3A_133 = tpu.memref_squeeze %dma_wait3A_132 : memref<1x125x80xi32, #tpu.memory_space<hbm>> -> memref<125x80xi32, #tpu.memory_space<hbm>>
    %dma_wait3A_134 = arith.constant 0 : i32
    %dma_wait3A_135 = arith.constant 0 : i32
    %dma_wait3A_136 = tpu.memref_slice %arg3[%add3A, %dma_wait3A_134, %dma_wait3A_135] : memref<32x125x80xi32, #tpu.memory_space<hbm>> -> memref<1x125x80xi32, #tpu.memory_space<hbm>>
    %dma_wait3A_137 = tpu.memref_squeeze %dma_wait3A_136 : memref<1x125x80xi32, #tpu.memory_space<hbm>> -> memref<125x80xi32, #tpu.memory_space<hbm>>
    tpu.wait_dma2 semaphore(%arg12 : memref<!tpu.dma_semaphore, #tpu.memory_space<semaphore_mem>>) src(%dma_wait3A_137 : memref<125x80xi32, #tpu.memory_space<hbm>>) dst(%arg6 : memref<125x80xi32, #tpu.memory_space<vmem>>)
    %dma_wait3A_138 = arith.constant 0 : i32
    %dma_wait3A_139 = arith.constant 0 : i32
    %dma_wait3A_140 = tpu.memref_slice %arg4[%add3A, %dma_wait3A_138, %dma_wait3A_139] : memref<32x125x80xi32, #tpu.memory_space<hbm>> -> memref<1x125x80xi32, #tpu.memory_space<hbm>>
    %dma_wait3A_141 = tpu.memref_squeeze %dma_wait3A_140 : memref<1x125x80xi32, #tpu.memory_space<hbm>> -> memref<125x80xi32, #tpu.memory_space<hbm>>
    %dma_wait3A_142 = arith.constant 0 : i32
    %dma_wait3A_143 = arith.constant 0 : i32
    %dma_wait3A_144 = tpu.memref_slice %arg4[%add3A, %dma_wait3A_142, %dma_wait3A_143] : memref<32x125x80xi32, #tpu.memory_space<hbm>> -> memref<1x125x80xi32, #tpu.memory_space<hbm>>
    %dma_wait3A_145 = tpu.memref_squeeze %dma_wait3A_144 : memref<1x125x80xi32, #tpu.memory_space<hbm>> -> memref<125x80xi32, #tpu.memory_space<hbm>>
    tpu.wait_dma2 semaphore(%arg13 : memref<!tpu.dma_semaphore, #tpu.memory_space<semaphore_mem>>) src(%dma_wait3A_145 : memref<125x80xi32, #tpu.memory_space<hbm>>) dst(%arg7 : memref<125x80xi32, #tpu.memory_space<vmem>>)
    %barrier3A = arith.constant 0 : index
    tpu.barrier barrier_id(%barrier3A)
    %dma_start3A_146 = arith.constant 0 : i32
    %dma_start3A_147 = arith.constant 0 : i32
    %dma_start3A_148 = tpu.memref_slice %arg6[%dma_start3A_146, %dma_start3A_147] : memref<125x80xi32, #tpu.memory_space<vmem>> -> memref<1x80xi32, #tpu.memory_space<vmem>>
    %dma_start3A_149 = tpu.memref_squeeze %dma_start3A_148 : memref<1x80xi32, #tpu.memory_space<vmem>> -> memref<80xi32, #tpu.memory_space<vmem>>
    %dma_start3A_150 = arith.constant 0 : i32
    %dma_start3A_151 = arith.constant 0 : i32
    %dma_start3A_152 = tpu.memref_slice %arg2[%dma_start3A_150, %dma_start3A_151] : memref<10000x128xf32, #tpu.memory_space<hbm>> -> memref<10000x128xf32, #tpu.memory_space<hbm>>
    tpu.enqueue_indirect_dma source(%dma_start3A_152 : memref<10000x128xf32, #tpu.memory_space<hbm>>) target(%arg8 : memref<80x128xf32, #tpu.memory_space<vmem>>) offsets(%dma_start3A_149 : memref<80xi32, #tpu.memory_space<vmem>>) semaphore(%arg12 : memref<!tpu.dma_semaphore, #tpu.memory_space<semaphore_mem>>)
    %dma_start3A_153 = arith.constant 1 : i32
    %dma_start3A_154 = arith.constant 0 : i32
    %dma_start3A_155 = tpu.memref_slice %arg6[%dma_start3A_153, %dma_start3A_154] : memref<125x80xi32, #tpu.memory_space<vmem>> -> memref<1x80xi32, #tpu.memory_space<vmem>>
    %dma_start3A_156 = tpu.memref_squeeze %dma_start3A_155 : memref<1x80xi32, #tpu.memory_space<vmem>> -> memref<80xi32, #tpu.memory_space<vmem>>
    %dma_start3A_157 = arith.constant 0 : i32
    %dma_start3A_158 = arith.constant 0 : i32
    %dma_start3A_159 = tpu.memref_slice %arg2[%dma_start3A_157, %dma_start3A_158] : memref<10000x128xf32, #tpu.memory_space<hbm>> -> memref<10000x128xf32, #tpu.memory_space<hbm>>
    tpu.enqueue_indirect_dma source(%dma_start3A_159 : memref<10000x128xf32, #tpu.memory_space<hbm>>) target(%arg9 : memref<80x128xf32, #tpu.memory_space<vmem>>) offsets(%dma_start3A_156 : memref<80xi32, #tpu.memory_space<vmem>>) semaphore(%arg13 : memref<!tpu.dma_semaphore, #tpu.memory_space<semaphore_mem>>)
    %scan3A_160 = arith.constant 0 : i32
    %scan3A_161 = arith.constant 0 : i32
    %scan3A_162 = arith.constant 41 : i32
    %scan3A_163 = arith.addi %scan3A_161, %scan3A_162 : i32
    %scan3A_164 = arith.constant 1 : i32
    scf.for %scan3A_182 = %scan3A_161 to %scan3A_163 step %scan3A_164  : i32 {
      %mul3A_183 = arith.constant 3 : i32
      %mul3A_184 = arith.muli %mul3A_183, %scan3A_182 : i32
      %dma_wait3A_185 = arith.constant 0 : i32
      %dma_wait3A_186 = tpu.memref_slice %arg6[%mul3A_184, %dma_wait3A_185] : memref<125x80xi32, #tpu.memory_space<vmem>> -> memref<1x80xi32, #tpu.memory_space<vmem>>
      %dma_wait3A_187 = tpu.memref_squeeze %dma_wait3A_186 : memref<1x80xi32, #tpu.memory_space<vmem>> -> memref<80xi32, #tpu.memory_space<vmem>>
      %dma_wait3A_188 = arith.constant 0 : i32
      %dma_wait3A_189 = arith.constant 0 : i32
      %dma_wait3A_190 = tpu.memref_slice %arg2[%dma_wait3A_188, %dma_wait3A_189] : memref<10000x128xf32, #tpu.memory_space<hbm>> -> memref<10000x128xf32, #tpu.memory_space<hbm>>
      tpu.wait_indirect_dma semaphore(%arg12 : memref<!tpu.dma_semaphore, #tpu.memory_space<semaphore_mem>>) src(%dma_wait3A_190 : memref<10000x128xf32, #tpu.memory_space<hbm>>) dst(%arg8 : memref<80x128xf32, #tpu.memory_space<vmem>>)
      %add3A_191 = arith.constant 2 : i32
      %add3A_192 = arith.addi %mul3A_184, %add3A_191 : i32
      %dma_start3A_193 = arith.constant 0 : i32
      %dma_start3A_194 = tpu.memref_slice %arg6[%add3A_192, %dma_start3A_193] : memref<125x80xi32, #tpu.memory_space<vmem>> -> memref<1x80xi32, #tpu.memory_space<vmem>>
      %dma_start3A_195 = tpu.memref_squeeze %dma_start3A_194 : memref<1x80xi32, #tpu.memory_space<vmem>> -> memref<80xi32, #tpu.memory_space<vmem>>
      %dma_start3A_196 = arith.constant 0 : i32
      %dma_start3A_197 = arith.constant 0 : i32
      %dma_start3A_198 = tpu.memref_slice %arg2[%dma_start3A_196, %dma_start3A_197] : memref<10000x128xf32, #tpu.memory_space<hbm>> -> memref<10000x128xf32, #tpu.memory_space<hbm>>
      tpu.enqueue_indirect_dma source(%dma_start3A_198 : memref<10000x128xf32, #tpu.memory_space<hbm>>) target(%arg10 : memref<80x128xf32, #tpu.memory_space<vmem>>) offsets(%dma_start3A_195 : memref<80xi32, #tpu.memory_space<vmem>>) semaphore(%arg14 : memref<!tpu.dma_semaphore, #tpu.memory_space<semaphore_mem>>)
      "tpu.region"() ({
        %run_scoped3A_235 = tpu.sem_alloc : memref<!tpu.dma_semaphore, #tpu.memory_space<semaphore_mem>>
        %dma_start3A_236 = arith.constant 0 : i32
        %dma_start3A_237 = tpu.memref_slice %arg7[%mul3A_184, %dma_start3A_236] : memref<125x80xi32, #tpu.memory_space<vmem>> -> memref<1x80xi32, #tpu.memory_space<vmem>>
        %dma_start3A_238 = tpu.memref_squeeze %dma_start3A_237 : memref<1x80xi32, #tpu.memory_space<vmem>> -> memref<80xi32, #tpu.memory_space<vmem>>
        %dma_start3A_239 = arith.constant 0 : i32
        %dma_start3A_240 = arith.constant 0 : i32
        %dma_start3A_241 = tpu.memref_slice %arg11[%dma_start3A_239, %dma_start3A_240] : memref<10016x128xf32, #tpu.memory_space<vmem_shared>> -> memref<10016x128xf32, #tpu.memory_space<vmem_shared>>
        tpu.enqueue_indirect_dma source(%arg8 : memref<80x128xf32, #tpu.memory_space<vmem>>) target(%dma_start3A_241 : memref<10016x128xf32, #tpu.memory_space<vmem_shared>>) offsets(%dma_start3A_238 : memref<80xi32, #tpu.memory_space<vmem>>) semaphore(%run_scoped3A_235 : memref<!tpu.dma_semaphore, #tpu.memory_space<semaphore_mem>>) {add = true}
        %dma_wait3A_242 = arith.constant 0 : i32
        %dma_wait3A_243 = tpu.memref_slice %arg7[%mul3A_184, %dma_wait3A_242] : memref<125x80xi32, #tpu.memory_space<vmem>> -> memref<1x80xi32, #tpu.memory_space<vmem>>
        %dma_wait3A_244 = tpu.memref_squeeze %dma_wait3A_243 : memref<1x80xi32, #tpu.memory_space<vmem>> -> memref<80xi32, #tpu.memory_space<vmem>>
        %dma_wait3A_245 = arith.constant 0 : i32
        %dma_wait3A_246 = arith.constant 0 : i32
        %dma_wait3A_247 = tpu.memref_slice %arg11[%dma_wait3A_245, %dma_wait3A_246] : memref<10016x128xf32, #tpu.memory_space<vmem_shared>> -> memref<10016x128xf32, #tpu.memory_space<vmem_shared>>
        tpu.wait_indirect_dma semaphore(%run_scoped3A_235 : memref<!tpu.dma_semaphore, #tpu.memory_space<semaphore_mem>>) src(%arg8 : memref<80x128xf32, #tpu.memory_space<vmem>>) dst(%dma_wait3A_247 : memref<10016x128xf32, #tpu.memory_space<vmem_shared>>)
        tpu.yield
      }) : () -> ()
      %add3A_199 = arith.constant 1 : i32
      %add3A_200 = arith.addi %mul3A_184, %add3A_199 : i32
      %dma_wait3A_201 = arith.constant 0 : i32
      %dma_wait3A_202 = tpu.memref_slice %arg6[%add3A_200, %dma_wait3A_201] : memref<125x80xi32, #tpu.memory_space<vmem>> -> memref<1x80xi32, #tpu.memory_space<vmem>>
      %dma_wait3A_203 = tpu.memref_squeeze %dma_wait3A_202 : memref<1x80xi32, #tpu.memory_space<vmem>> -> memref<80xi32, #tpu.memory_space<vmem>>
      %dma_wait3A_204 = arith.constant 0 : i32
      %dma_wait3A_205 = arith.constant 0 : i32
      %dma_wait3A_206 = tpu.memref_slice %arg2[%dma_wait3A_204, %dma_wait3A_205] : memref<10000x128xf32, #tpu.memory_space<hbm>> -> memref<10000x128xf32, #tpu.memory_space<hbm>>
      tpu.wait_indirect_dma semaphore(%arg13 : memref<!tpu.dma_semaphore, #tpu.memory_space<semaphore_mem>>) src(%dma_wait3A_206 : memref<10000x128xf32, #tpu.memory_space<hbm>>) dst(%arg9 : memref<80x128xf32, #tpu.memory_space<vmem>>)
      %add3A_207 = arith.constant 3 : i32
      %add3A_208 = arith.addi %mul3A_184, %add3A_207 : i32
      %dma_start3A_209 = arith.constant 0 : i32
      %dma_start3A_210 = tpu.memref_slice %arg6[%add3A_208, %dma_start3A_209] : memref<125x80xi32, #tpu.memory_space<vmem>> -> memref<1x80xi32, #tpu.memory_space<vmem>>
      %dma_start3A_211 = tpu.memref_squeeze %dma_start3A_210 : memref<1x80xi32, #tpu.memory_space<vmem>> -> memref<80xi32, #tpu.memory_space<vmem>>
      %dma_start3A_212 = arith.constant 0 : i32
      %dma_start3A_213 = arith.constant 0 : i32
      %dma_start3A_214 = tpu.memref_slice %arg2[%dma_start3A_212, %dma_start3A_213] : memref<10000x128xf32, #tpu.memory_space<hbm>> -> memref<10000x128xf32, #tpu.memory_space<hbm>>
      tpu.enqueue_indirect_dma source(%dma_start3A_214 : memref<10000x128xf32, #tpu.memory_space<hbm>>) target(%arg8 : memref<80x128xf32, #tpu.memory_space<vmem>>) offsets(%dma_start3A_211 : memref<80xi32, #tpu.memory_space<vmem>>) semaphore(%arg12 : memref<!tpu.dma_semaphore, #tpu.memory_space<semaphore_mem>>)
      %add3A_215 = arith.constant 1 : i32
      %add3A_216 = arith.addi %mul3A_184, %add3A_215 : i32
      "tpu.region"() ({
        %run_scoped3A_235 = tpu.sem_alloc : memref<!tpu.dma_semaphore, #tpu.memory_space<semaphore_mem>>
        %dma_start3A_236 = arith.constant 0 : i32
        %dma_start3A_237 = tpu.memref_slice %arg7[%add3A_216, %dma_start3A_236] : memref<125x80xi32, #tpu.memory_space<vmem>> -> memref<1x80xi32, #tpu.memory_space<vmem>>
        %dma_start3A_238 = tpu.memref_squeeze %dma_start3A_237 : memref<1x80xi32, #tpu.memory_space<vmem>> -> memref<80xi32, #tpu.memory_space<vmem>>
        %dma_start3A_239 = arith.constant 0 : i32
        %dma_start3A_240 = arith.constant 0 : i32
        %dma_start3A_241 = tpu.memref_slice %arg11[%dma_start3A_239, %dma_start3A_240] : memref<10016x128xf32, #tpu.memory_space<vmem_shared>> -> memref<10016x128xf32, #tpu.memory_space<vmem_shared>>
        tpu.enqueue_indirect_dma source(%arg9 : memref<80x128xf32, #tpu.memory_space<vmem>>) target(%dma_start3A_241 : memref<10016x128xf32, #tpu.memory_space<vmem_shared>>) offsets(%dma_start3A_238 : memref<80xi32, #tpu.memory_space<vmem>>) semaphore(%run_scoped3A_235 : memref<!tpu.dma_semaphore, #tpu.memory_space<semaphore_mem>>) {add = true}
        %dma_wait3A_242 = arith.constant 0 : i32
        %dma_wait3A_243 = tpu.memref_slice %arg7[%add3A_216, %dma_wait3A_242] : memref<125x80xi32, #tpu.memory_space<vmem>> -> memref<1x80xi32, #tpu.memory_space<vmem>>
        %dma_wait3A_244 = tpu.memref_squeeze %dma_wait3A_243 : memref<1x80xi32, #tpu.memory_space<vmem>> -> memref<80xi32, #tpu.memory_space<vmem>>
        %dma_wait3A_245 = arith.constant 0 : i32
        %dma_wait3A_246 = arith.constant 0 : i32
        %dma_wait3A_247 = tpu.memref_slice %arg11[%dma_wait3A_245, %dma_wait3A_246] : memref<10016x128xf32, #tpu.memory_space<vmem_shared>> -> memref<10016x128xf32, #tpu.memory_space<vmem_shared>>
        tpu.wait_indirect_dma semaphore(%run_scoped3A_235 : memref<!tpu.dma_semaphore, #tpu.memory_space<semaphore_mem>>) src(%arg9 : memref<80x128xf32, #tpu.memory_space<vmem>>) dst(%dma_wait3A_247 : memref<10016x128xf32, #tpu.memory_space<vmem_shared>>)
        tpu.yield
      }) : () -> ()
      %add3A_217 = arith.constant 2 : i32
      %add3A_218 = arith.addi %mul3A_184, %add3A_217 : i32
      %dma_wait3A_219 = arith.constant 0 : i32
      %dma_wait3A_220 = tpu.memref_slice %arg6[%add3A_218, %dma_wait3A_219] : memref<125x80xi32, #tpu.memory_space<vmem>> -> memref<1x80xi32, #tpu.memory_space<vmem>>
      %dma_wait3A_221 = tpu.memref_squeeze %dma_wait3A_220 : memref<1x80xi32, #tpu.memory_space<vmem>> -> memref<80xi32, #tpu.memory_space<vmem>>
      %dma_wait3A_222 = arith.constant 0 : i32
      %dma_wait3A_223 = arith.constant 0 : i32
      %dma_wait3A_224 = tpu.memref_slice %arg2[%dma_wait3A_222, %dma_wait3A_223] : memref<10000x128xf32, #tpu.memory_space<hbm>> -> memref<10000x128xf32, #tpu.memory_space<hbm>>
      tpu.wait_indirect_dma semaphore(%arg14 : memref<!tpu.dma_semaphore, #tpu.memory_space<semaphore_mem>>) src(%dma_wait3A_224 : memref<10000x128xf32, #tpu.memory_space<hbm>>) dst(%arg10 : memref<80x128xf32, #tpu.memory_space<vmem>>)
      %add3A_225 = arith.constant 4 : i32
      %add3A_226 = arith.addi %mul3A_184, %add3A_225 : i32
      %dma_start3A_227 = arith.constant 0 : i32
      %dma_start3A_228 = tpu.memref_slice %arg6[%add3A_226, %dma_start3A_227] : memref<125x80xi32, #tpu.memory_space<vmem>> -> memref<1x80xi32, #tpu.memory_space<vmem>>
      %dma_start3A_229 = tpu.memref_squeeze %dma_start3A_228 : memref<1x80xi32, #tpu.memory_space<vmem>> -> memref<80xi32, #tpu.memory_space<vmem>>
      %dma_start3A_230 = arith.constant 0 : i32
      %dma_start3A_231 = arith.constant 0 : i32
      %dma_start3A_232 = tpu.memref_slice %arg2[%dma_start3A_230, %dma_start3A_231] : memref<10000x128xf32, #tpu.memory_space<hbm>> -> memref<10000x128xf32, #tpu.memory_space<hbm>>
      tpu.enqueue_indirect_dma source(%dma_start3A_232 : memref<10000x128xf32, #tpu.memory_space<hbm>>) target(%arg9 : memref<80x128xf32, #tpu.memory_space<vmem>>) offsets(%dma_start3A_229 : memref<80xi32, #tpu.memory_space<vmem>>) semaphore(%arg13 : memref<!tpu.dma_semaphore, #tpu.memory_space<semaphore_mem>>)
      %add3A_233 = arith.constant 2 : i32
      %add3A_234 = arith.addi %mul3A_184, %add3A_233 : i32
      "tpu.region"() ({
        %run_scoped3A_235 = tpu.sem_alloc : memref<!tpu.dma_semaphore, #tpu.memory_space<semaphore_mem>>
        %dma_start3A_236 = arith.constant 0 : i32
        %dma_start3A_237 = tpu.memref_slice %arg7[%add3A_234, %dma_start3A_236] : memref<125x80xi32, #tpu.memory_space<vmem>> -> memref<1x80xi32, #tpu.memory_space<vmem>>
        %dma_start3A_238 = tpu.memref_squeeze %dma_start3A_237 : memref<1x80xi32, #tpu.memory_space<vmem>> -> memref<80xi32, #tpu.memory_space<vmem>>
        %dma_start3A_239 = arith.constant 0 : i32
        %dma_start3A_240 = arith.constant 0 : i32
        %dma_start3A_241 = tpu.memref_slice %arg11[%dma_start3A_239, %dma_start3A_240] : memref<10016x128xf32, #tpu.memory_space<vmem_shared>> -> memref<10016x128xf32, #tpu.memory_space<vmem_shared>>
        tpu.enqueue_indirect_dma source(%arg10 : memref<80x128xf32, #tpu.memory_space<vmem>>) target(%dma_start3A_241 : memref<10016x128xf32, #tpu.memory_space<vmem_shared>>) offsets(%dma_start3A_238 : memref<80xi32, #tpu.memory_space<vmem>>) semaphore(%run_scoped3A_235 : memref<!tpu.dma_semaphore, #tpu.memory_space<semaphore_mem>>) {add = true}
        %dma_wait3A_242 = arith.constant 0 : i32
        %dma_wait3A_243 = tpu.memref_slice %arg7[%add3A_234, %dma_wait3A_242] : memref<125x80xi32, #tpu.memory_space<vmem>> -> memref<1x80xi32, #tpu.memory_space<vmem>>
        %dma_wait3A_244 = tpu.memref_squeeze %dma_wait3A_243 : memref<1x80xi32, #tpu.memory_space<vmem>> -> memref<80xi32, #tpu.memory_space<vmem>>
        %dma_wait3A_245 = arith.constant 0 : i32
        %dma_wait3A_246 = arith.constant 0 : i32
        %dma_wait3A_247 = tpu.memref_slice %arg11[%dma_wait3A_245, %dma_wait3A_246] : memref<10016x128xf32, #tpu.memory_space<vmem_shared>> -> memref<10016x128xf32, #tpu.memory_space<vmem_shared>>
        tpu.wait_indirect_dma semaphore(%run_scoped3A_235 : memref<!tpu.dma_semaphore, #tpu.memory_space<semaphore_mem>>) src(%arg10 : memref<80x128xf32, #tpu.memory_space<vmem>>) dst(%dma_wait3A_247 : memref<10016x128xf32, #tpu.memory_space<vmem_shared>>)
        tpu.yield
      }) : () -> ()
    }
    %scan3A_165 = arith.constant 41 : i32
    %dma_wait3A_166 = arith.constant 123 : i32
    %dma_wait3A_167 = arith.constant 0 : i32
    %dma_wait3A_168 = tpu.memref_slice %arg6[%dma_wait3A_166, %dma_wait3A_167] : memref<125x80xi32, #tpu.memory_space<vmem>> -> memref<1x80xi32, #tpu.memory_space<vmem>>
    %dma_wait3A_169 = tpu.memref_squeeze %dma_wait3A_168 : memref<1x80xi32, #tpu.memory_space<vmem>> -> memref<80xi32, #tpu.memory_space<vmem>>
    %dma_wait3A_170 = arith.constant 0 : i32
    %dma_wait3A_171 = arith.constant 0 : i32
    %dma_wait3A_172 = tpu.memref_slice %arg2[%dma_wait3A_170, %dma_wait3A_171] : memref<10000x128xf32, #tpu.memory_space<hbm>> -> memref<10000x128xf32, #tpu.memory_space<hbm>>
    tpu.wait_indirect_dma semaphore(%arg12 : memref<!tpu.dma_semaphore, #tpu.memory_space<semaphore_mem>>) src(%dma_wait3A_172 : memref<10000x128xf32, #tpu.memory_space<hbm>>) dst(%arg8 : memref<80x128xf32, #tpu.memory_space<vmem>>)
    %run_scoped3A = arith.constant 123 : i32
    "tpu.region"() ({
      %run_scoped3A_182 = tpu.sem_alloc : memref<!tpu.dma_semaphore, #tpu.memory_space<semaphore_mem>>
      %dma_start3A_183 = arith.constant 0 : i32
      %dma_start3A_184 = tpu.memref_slice %arg7[%run_scoped3A, %dma_start3A_183] : memref<125x80xi32, #tpu.memory_space<vmem>> -> memref<1x80xi32, #tpu.memory_space<vmem>>
      %dma_start3A_185 = tpu.memref_squeeze %dma_start3A_184 : memref<1x80xi32, #tpu.memory_space<vmem>> -> memref<80xi32, #tpu.memory_space<vmem>>
      %dma_start3A_186 = arith.constant 0 : i32
      %dma_start3A_187 = arith.constant 0 : i32
      %dma_start3A_188 = tpu.memref_slice %arg11[%dma_start3A_186, %dma_start3A_187] : memref<10016x128xf32, #tpu.memory_space<vmem_shared>> -> memref<10016x128xf32, #tpu.memory_space<vmem_shared>>
      tpu.enqueue_indirect_dma source(%arg8 : memref<80x128xf32, #tpu.memory_space<vmem>>) target(%dma_start3A_188 : memref<10016x128xf32, #tpu.memory_space<vmem_shared>>) offsets(%dma_start3A_185 : memref<80xi32, #tpu.memory_space<vmem>>) semaphore(%run_scoped3A_182 : memref<!tpu.dma_semaphore, #tpu.memory_space<semaphore_mem>>) {add = true}
      %dma_wait3A_189 = arith.constant 0 : i32
      %dma_wait3A_190 = tpu.memref_slice %arg7[%run_scoped3A, %dma_wait3A_189] : memref<125x80xi32, #tpu.memory_space<vmem>> -> memref<1x80xi32, #tpu.memory_space<vmem>>
      %dma_wait3A_191 = tpu.memref_squeeze %dma_wait3A_190 : memref<1x80xi32, #tpu.memory_space<vmem>> -> memref<80xi32, #tpu.memory_space<vmem>>
      %dma_wait3A_192 = arith.constant 0 : i32
      %dma_wait3A_193 = arith.constant 0 : i32
      %dma_wait3A_194 = tpu.memref_slice %arg11[%dma_wait3A_192, %dma_wait3A_193] : memref<10016x128xf32, #tpu.memory_space<vmem_shared>> -> memref<10016x128xf32, #tpu.memory_space<vmem_shared>>
      tpu.wait_indirect_dma semaphore(%run_scoped3A_182 : memref<!tpu.dma_semaphore, #tpu.memory_space<semaphore_mem>>) src(%arg8 : memref<80x128xf32, #tpu.memory_space<vmem>>) dst(%dma_wait3A_194 : memref<10016x128xf32, #tpu.memory_space<vmem_shared>>)
      tpu.yield
    }) : () -> ()
    %dma_wait3A_173 = arith.constant 124 : i32
    %dma_wait3A_174 = arith.constant 0 : i32
    %dma_wait3A_175 = tpu.memref_slice %arg6[%dma_wait3A_173, %dma_wait3A_174] : memref<125x80xi32, #tpu.memory_space<vmem>> -> memref<1x80xi32, #tpu.memory_space<vmem>>
    %dma_wait3A_176 = tpu.memref_squeeze %dma_wait3A_175 : memref<1x80xi32, #tpu.memory_space<vmem>> -> memref<80xi32, #tpu.memory_space<vmem>>
    %dma_wait3A_177 = arith.constant 0 : i32
    %dma_wait3A_178 = arith.constant 0 : i32
    %dma_wait3A_179 = tpu.memref_slice %arg2[%dma_wait3A_177, %dma_wait3A_178] : memref<10000x128xf32, #tpu.memory_space<hbm>> -> memref<10000x128xf32, #tpu.memory_space<hbm>>
    tpu.wait_indirect_dma semaphore(%arg13 : memref<!tpu.dma_semaphore, #tpu.memory_space<semaphore_mem>>) src(%dma_wait3A_179 : memref<10000x128xf32, #tpu.memory_space<hbm>>) dst(%arg9 : memref<80x128xf32, #tpu.memory_space<vmem>>)
    %run_scoped3A_180 = arith.constant 124 : i32
    "tpu.region"() ({
      %run_scoped3A_182 = tpu.sem_alloc : memref<!tpu.dma_semaphore, #tpu.memory_space<semaphore_mem>>
      %dma_start3A_183 = arith.constant 0 : i32
      %dma_start3A_184 = tpu.memref_slice %arg7[%run_scoped3A_180, %dma_start3A_183] : memref<125x80xi32, #tpu.memory_space<vmem>> -> memref<1x80xi32, #tpu.memory_space<vmem>>
      %dma_start3A_185 = tpu.memref_squeeze %dma_start3A_184 : memref<1x80xi32, #tpu.memory_space<vmem>> -> memref<80xi32, #tpu.memory_space<vmem>>
      %dma_start3A_186 = arith.constant 0 : i32
      %dma_start3A_187 = arith.constant 0 : i32
      %dma_start3A_188 = tpu.memref_slice %arg11[%dma_start3A_186, %dma_start3A_187] : memref<10016x128xf32, #tpu.memory_space<vmem_shared>> -> memref<10016x128xf32, #tpu.memory_space<vmem_shared>>
      tpu.enqueue_indirect_dma source(%arg9 : memref<80x128xf32, #tpu.memory_space<vmem>>) target(%dma_start3A_188 : memref<10016x128xf32, #tpu.memory_space<vmem_shared>>) offsets(%dma_start3A_185 : memref<80xi32, #tpu.memory_space<vmem>>) semaphore(%run_scoped3A_182 : memref<!tpu.dma_semaphore, #tpu.memory_space<semaphore_mem>>) {add = true}
      %dma_wait3A_189 = arith.constant 0 : i32
      %dma_wait3A_190 = tpu.memref_slice %arg7[%run_scoped3A_180, %dma_wait3A_189] : memref<125x80xi32, #tpu.memory_space<vmem>> -> memref<1x80xi32, #tpu.memory_space<vmem>>
      %dma_wait3A_191 = tpu.memref_squeeze %dma_wait3A_190 : memref<1x80xi32, #tpu.memory_space<vmem>> -> memref<80xi32, #tpu.memory_space<vmem>>
      %dma_wait3A_192 = arith.constant 0 : i32
      %dma_wait3A_193 = arith.constant 0 : i32
      %dma_wait3A_194 = tpu.memref_slice %arg11[%dma_wait3A_192, %dma_wait3A_193] : memref<10016x128xf32, #tpu.memory_space<vmem_shared>> -> memref<10016x128xf32, #tpu.memory_space<vmem_shared>>
      tpu.wait_indirect_dma semaphore(%run_scoped3A_182 : memref<!tpu.dma_semaphore, #tpu.memory_space<semaphore_mem>>) src(%arg9 : memref<80x128xf32, #tpu.memory_space<vmem>>) dst(%dma_wait3A_194 : memref<10016x128xf32, #tpu.memory_space<vmem_shared>>)
      tpu.yield
    }) : () -> ()
    %barrier3A_181 = arith.constant 0 : index
    tpu.barrier barrier_id(%barrier3A_181)
    "tpu.region"() ({
      %run_scoped3A_182 = tpu.sem_alloc : memref<!tpu.dma_semaphore, #tpu.memory_space<semaphore_mem>>
      %dma_start3A_183 = arith.constant 0 : i32
      %dma_start3A_184 = tpu.memref_slice %arg5[%arg0, %mul3A_22, %dma_start3A_183] : memref<2x10016x128xf32, #tpu.memory_space<hbm>> -> memref<1x626x128xf32, #tpu.memory_space<hbm>>
      %dma_start3A_185 = tpu.memref_squeeze %dma_start3A_184 : memref<1x626x128xf32, #tpu.memory_space<hbm>> -> memref<626x128xf32, #tpu.memory_space<hbm>>
      %dma_start3A_186 = arith.constant 0 : i32
      %dma_start3A_187 = tpu.memref_slice %arg11[%mul3A_22, %dma_start3A_186] : memref<10016x128xf32, #tpu.memory_space<vmem_shared>> -> memref<626x128xf32, #tpu.memory_space<vmem_shared>>
      tpu.enqueue_dma source(%dma_start3A_187 : memref<626x128xf32, #tpu.memory_space<vmem_shared>>) target(%dma_start3A_185 : memref<626x128xf32, #tpu.memory_space<hbm>>) target_semaphore(%run_scoped3A_182 : memref<!tpu.dma_semaphore, #tpu.memory_space<semaphore_mem>>)
      %dma_wait3A_188 = arith.constant 0 : i32
      %dma_wait3A_189 = tpu.memref_slice %arg5[%arg0, %mul3A_22, %dma_wait3A_188] : memref<2x10016x128xf32, #tpu.memory_space<hbm>> -> memref<1x626x128xf32, #tpu.memory_space<hbm>>
      %dma_wait3A_190 = tpu.memref_squeeze %dma_wait3A_189 : memref<1x626x128xf32, #tpu.memory_space<hbm>> -> memref<626x128xf32, #tpu.memory_space<hbm>>
      %dma_wait3A_191 = arith.constant 0 : i32
      %dma_wait3A_192 = tpu.memref_slice %arg11[%mul3A_22, %dma_wait3A_191] : memref<10016x128xf32, #tpu.memory_space<vmem_shared>> -> memref<626x128xf32, #tpu.memory_space<vmem_shared>>
      tpu.wait_dma2 semaphore(%run_scoped3A_182 : memref<!tpu.dma_semaphore, #tpu.memory_space<semaphore_mem>>) src(%dma_wait3A_192 : memref<626x128xf32, #tpu.memory_space<vmem_shared>>) dst(%dma_wait3A_190 : memref<626x128xf32, #tpu.memory_space<hbm>>)
      tpu.yield
    }) : () -> ()
    return
  }
}

#map = affine_map<(d0, d1) -> (0, 0)>
#map1 = affine_map<(d0, d1) -> (0, 0, 0)>
module attributes {stable_mosaic.version = 14 : i64} {
  func.func @_segsum_body(%arg0: i32, %arg1: i32, %arg2: memref<10000x128xf32, #tpu.memory_space<hbm>>, %arg3: memref<32x125x80xi32, #tpu.memory_space<hbm>>, %arg4: memref<32x125x80xi32, #tpu.memory_space<hbm>>, %arg5: memref<2x10016x128xf32, #tpu.memory_space<hbm>>, %arg6: memref<125x80xi32, #tpu.memory_space<vmem>>, %arg7: memref<125x80xi32, #tpu.memory_space<vmem>>, %arg8: memref<80x128xf32, #tpu.memory_space<vmem>>, %arg9: memref<80x128xf32, #tpu.memory_space<vmem>>, %arg10: memref<80x128xf32, #tpu.memory_space<vmem>>, %arg11: memref<10016x128xf32, #tpu.memory_space<vmem_shared>>, %arg12: memref<!tpu.dma_semaphore, #tpu.memory_space<semaphore_mem>>, %arg13: memref<!tpu.dma_semaphore, #tpu.memory_space<semaphore_mem>>, %arg14: memref<!tpu.dma_semaphore, #tpu.memory_space<semaphore_mem>>) attributes {dimension_semantics = [#tpu.dimension_semantics<core_parallel>, #tpu.dimension_semantics<subcore_parallel>], iteration_bounds = array<i64: 2, 16>, scalar_prefetch = 0 : i64, scratch_operands = 9 : i64, tpu.core_type = #tpu.core_type<sc_vector_subcore>, window_params = [{transform_indices = #map}, {transform_indices = #map1}, {transform_indices = #map1}, {transform_indices = #map1}]} {
    %mul3A = arith.constant 16 : i32
    %mul3A_0 = arith.muli %arg0, %mul3A : i32
    %add3A = arith.addi %mul3A_0, %arg1 : i32
    %dma_start3A = arith.constant 0 : i32
    %dma_start3A_1 = arith.constant 0 : i32
    %dma_start3A_2 = tpu.memref_slice %arg3[%add3A, %dma_start3A, %dma_start3A_1] : memref<32x125x80xi32, #tpu.memory_space<hbm>> -> memref<1x125x80xi32, #tpu.memory_space<hbm>>
    %dma_start3A_3 = tpu.memref_squeeze %dma_start3A_2 : memref<1x125x80xi32, #tpu.memory_space<hbm>> -> memref<125x80xi32, #tpu.memory_space<hbm>>
    %dma_start3A_4 = arith.constant 0 : i32
    %dma_start3A_5 = arith.constant 0 : i32
    %dma_start3A_6 = tpu.memref_slice %arg3[%add3A, %dma_start3A_4, %dma_start3A_5] : memref<32x125x80xi32, #tpu.memory_space<hbm>> -> memref<1x125x80xi32, #tpu.memory_space<hbm>>
    %dma_start3A_7 = tpu.memref_squeeze %dma_start3A_6 : memref<1x125x80xi32, #tpu.memory_space<hbm>> -> memref<125x80xi32, #tpu.memory_space<hbm>>
    tpu.enqueue_dma source(%dma_start3A_7 : memref<125x80xi32, #tpu.memory_space<hbm>>) target(%arg6 : memref<125x80xi32, #tpu.memory_space<vmem>>) target_semaphore(%arg12 : memref<!tpu.dma_semaphore, #tpu.memory_space<semaphore_mem>>)
    %dma_start3A_8 = arith.constant 0 : i32
    %dma_start3A_9 = arith.constant 0 : i32
    %dma_start3A_10 = tpu.memref_slice %arg4[%add3A, %dma_start3A_8, %dma_start3A_9] : memref<32x125x80xi32, #tpu.memory_space<hbm>> -> memref<1x125x80xi32, #tpu.memory_space<hbm>>
    %dma_start3A_11 = tpu.memref_squeeze %dma_start3A_10 : memref<1x125x80xi32, #tpu.memory_space<hbm>> -> memref<125x80xi32, #tpu.memory_space<hbm>>
    %dma_start3A_12 = arith.constant 0 : i32
    %dma_start3A_13 = arith.constant 0 : i32
    %dma_start3A_14 = tpu.memref_slice %arg4[%add3A, %dma_start3A_12, %dma_start3A_13] : memref<32x125x80xi32, #tpu.memory_space<hbm>> -> memref<1x125x80xi32, #tpu.memory_space<hbm>>
    %dma_start3A_15 = tpu.memref_squeeze %dma_start3A_14 : memref<1x125x80xi32, #tpu.memory_space<hbm>> -> memref<125x80xi32, #tpu.memory_space<hbm>>
    tpu.enqueue_dma source(%dma_start3A_15 : memref<125x80xi32, #tpu.memory_space<hbm>>) target(%arg7 : memref<125x80xi32, #tpu.memory_space<vmem>>) target_semaphore(%arg13 : memref<!tpu.dma_semaphore, #tpu.memory_space<semaphore_mem>>)
    %scan3A = arith.constant 0 : i32
    %scan3A_16 = arith.constant 0 : i32
    %scan3A_17 = arith.constant 80 : i32
    %scan3A_18 = arith.addi %scan3A_16, %scan3A_17 : i32
    %scan3A_19 = arith.constant 1 : i32
    scf.for %scan3A_182 = %scan3A_16 to %scan3A_18 step %scan3A_19  : i32 {
      %broadcast_in_dim3A = arith.constant 0.000000e+00 : f32
      %broadcast_in_dim3A_183 = vector.broadcast %broadcast_in_dim3A : f32 to vector<16xf32>
      %swap3A = arith.index_cast %scan3A_182 : i32 to index
      %swap3A_184 = arith.constant 0 : index
      %swap3A_185 = tpu.vector_load %arg8[%swap3A, %swap3A_184] {strides = array<i32>} : memref<80x128xf32, #tpu.memory_space<vmem>>, vector<1x16xf32>,
      %swap3A_186 = vector.shape_cast %swap3A_185 : vector<1x16xf32> to vector<16xf32>
      %swap3A_187 = vector.shape_cast %broadcast_in_dim3A_183 : vector<16xf32> to vector<1x16xf32>
      tpu.vector_store %arg8[%swap3A, %swap3A_184], %swap3A_187 {strides = array<i32>} : memref<80x128xf32, #tpu.memory_space<vmem>>, vector<1x16xf32>,
      %broadcast_in_dim3A_188 = arith.constant 0.000000e+00 : f32
      %broadcast_in_dim3A_189 = vector.broadcast %broadcast_in_dim3A_188 : f32 to vector<16xf32>
      %swap3A_190 = arith.index_cast %scan3A_182 : i32 to index
      %swap3A_191 = arith.constant 16 : index
      %swap3A_192 = tpu.vector_load %arg8[%swap3A_190, %swap3A_191] {strides = array<i32>} : memref<80x128xf32, #tpu.memory_space<vmem>>, vector<1x16xf32>,
      %swap3A_193 = vector.shape_cast %swap3A_192 : vector<1x16xf32> to vector<16xf32>
      %swap3A_194 = vector.shape_cast %broadcast_in_dim3A_189 : vector<16xf32> to vector<1x16xf32>
      tpu.vector_store %arg8[%swap3A_190, %swap3A_191], %swap3A_194 {strides = array<i32>} : memref<80x128xf32, #tpu.memory_space<vmem>>, vector<1x16xf32>,
      %broadcast_in_dim3A_195 = arith.constant 0.000000e+00 : f32
      %broadcast_in_dim3A_196 = vector.broadcast %broadcast_in_dim3A_195 : f32 to vector<16xf32>
      %swap3A_197 = arith.index_cast %scan3A_182 : i32 to index
      %swap3A_198 = arith.constant 32 : index
      %swap3A_199 = tpu.vector_load %arg8[%swap3A_197, %swap3A_198] {strides = array<i32>} : memref<80x128xf32, #tpu.memory_space<vmem>>, vector<1x16xf32>,
      %swap3A_200 = vector.shape_cast %swap3A_199 : vector<1x16xf32> to vector<16xf32>
      %swap3A_201 = vector.shape_cast %broadcast_in_dim3A_196 : vector<16xf32> to vector<1x16xf32>
      tpu.vector_store %arg8[%swap3A_197, %swap3A_198], %swap3A_201 {strides = array<i32>} : memref<80x128xf32, #tpu.memory_space<vmem>>, vector<1x16xf32>,
      %broadcast_in_dim3A_202 = arith.constant 0.000000e+00 : f32
      %broadcast_in_dim3A_203 = vector.broadcast %broadcast_in_dim3A_202 : f32 to vector<16xf32>
      %swap3A_204 = arith.index_cast %scan3A_182 : i32 to index
      %swap3A_205 = arith.constant 48 : index
      %swap3A_206 = tpu.vector_load %arg8[%swap3A_204, %swap3A_205] {strides = array<i32>} : memref<80x128xf32, #tpu.memory_space<vmem>>, vector<1x16xf32>,
      %swap3A_207 = vector.shape_cast %swap3A_206 : vector<1x16xf32> to vector<16xf32>
      %swap3A_208 = vector.shape_cast %broadcast_in_dim3A_203 : vector<16xf32> to vector<1x16xf32>
      tpu.vector_store %arg8[%swap3A_204, %swap3A_205], %swap3A_208 {strides = array<i32>} : memref<80x128xf32, #tpu.memory_space<vmem>>, vector<1x16xf32>,
      %broadcast_in_dim3A_209 = arith.constant 0.000000e+00 : f32
      %broadcast_in_dim3A_210 = vector.broadcast %broadcast_in_dim3A_209 : f32 to vector<16xf32>
      %swap3A_211 = arith.index_cast %scan3A_182 : i32 to index
      %swap3A_212 = arith.constant 64 : index
      %swap3A_213 = tpu.vector_load %arg8[%swap3A_211, %swap3A_212] {strides = array<i32>} : memref<80x128xf32, #tpu.memory_space<vmem>>, vector<1x16xf32>,
      %swap3A_214 = vector.shape_cast %swap3A_213 : vector<1x16xf32> to vector<16xf32>
      %swap3A_215 = vector.shape_cast %broadcast_in_dim3A_210 : vector<16xf32> to vector<1x16xf32>
      tpu.vector_store %arg8[%swap3A_211, %swap3A_212], %swap3A_215 {strides = array<i32>} : memref<80x128xf32, #tpu.memory_space<vmem>>, vector<1x16xf32>,
      %broadcast_in_dim3A_216 = arith.constant 0.000000e+00 : f32
      %broadcast_in_dim3A_217 = vector.broadcast %broadcast_in_dim3A_216 : f32 to vector<16xf32>
      %swap3A_218 = arith.index_cast %scan3A_182 : i32 to index
      %swap3A_219 = arith.constant 80 : index
      %swap3A_220 = tpu.vector_load %arg8[%swap3A_218, %swap3A_219] {strides = array<i32>} : memref<80x128xf32, #tpu.memory_space<vmem>>, vector<1x16xf32>,
      %swap3A_221 = vector.shape_cast %swap3A_220 : vector<1x16xf32> to vector<16xf32>
      %swap3A_222 = vector.shape_cast %broadcast_in_dim3A_217 : vector<16xf32> to vector<1x16xf32>
      tpu.vector_store %arg8[%swap3A_218, %swap3A_219], %swap3A_222 {strides = array<i32>} : memref<80x128xf32, #tpu.memory_space<vmem>>, vector<1x16xf32>,
      %broadcast_in_dim3A_223 = arith.constant 0.000000e+00 : f32
      %broadcast_in_dim3A_224 = vector.broadcast %broadcast_in_dim3A_223 : f32 to vector<16xf32>
      %swap3A_225 = arith.index_cast %scan3A_182 : i32 to index
      %swap3A_226 = arith.constant 96 : index
      %swap3A_227 = tpu.vector_load %arg8[%swap3A_225, %swap3A_226] {strides = array<i32>} : memref<80x128xf32, #tpu.memory_space<vmem>>, vector<1x16xf32>,
      %swap3A_228 = vector.shape_cast %swap3A_227 : vector<1x16xf32> to vector<16xf32>
      %swap3A_229 = vector.shape_cast %broadcast_in_dim3A_224 : vector<16xf32> to vector<1x16xf32>
      tpu.vector_store %arg8[%swap3A_225, %swap3A_226], %swap3A_229 {strides = array<i32>} : memref<80x128xf32, #tpu.memory_space<vmem>>, vector<1x16xf32>,
      %broadcast_in_dim3A_230 = arith.constant 0.000000e+00 : f32
      %broadcast_in_dim3A_231 = vector.broadcast %broadcast_in_dim3A_230 : f32 to vector<16xf32>
      %swap3A_232 = arith.index_cast %scan3A_182 : i32 to index
      %swap3A_233 = arith.constant 112 : index
      %swap3A_234 = tpu.vector_load %arg8[%swap3A_232, %swap3A_233] {strides = array<i32>} : memref<80x128xf32, #tpu.memory_space<vmem>>, vector<1x16xf32>,
      %swap3A_235 = vector.shape_cast %swap3A_234 : vector<1x16xf32> to vector<16xf32>
      %swap3A_236 = vector.shape_cast %broadcast_in_dim3A_231 : vector<16xf32> to vector<1x16xf32>
      tpu.vector_store %arg8[%swap3A_232, %swap3A_233], %swap3A_236 {strides = array<i32>} : memref<80x128xf32, #tpu.memory_space<vmem>>, vector<1x16xf32>,
    }
    %scan3A_20 = arith.constant 80 : i32
    %mul3A_21 = arith.constant 626 : i32
    %mul3A_22 = arith.muli %arg1, %mul3A_21 : i32
    %add3A_23 = arith.constant 0 : i32
    %add3A_24 = arith.addi %mul3A_22, %add3A_23 : i32
    %dma_start3A_25 = arith.constant 0 : i32
    %dma_start3A_26 = tpu.memref_slice %arg11[%add3A_24, %dma_start3A_25] : memref<10016x128xf32, #tpu.memory_space<vmem_shared>> -> memref<80x128xf32, #tpu.memory_space<vmem_shared>>
    %dma_start3A_27 = arith.constant 0 : i32
    %dma_start3A_28 = tpu.memref_slice %arg11[%add3A_24, %dma_start3A_27] : memref<10016x128xf32, #tpu.memory_space<vmem_shared>> -> memref<80x128xf32, #tpu.memory_space<vmem_shared>>
    tpu.enqueue_dma source(%arg8 : memref<80x128xf32, #tpu.memory_space<vmem>>) target(%dma_start3A_28 : memref<80x128xf32, #tpu.memory_space<vmem_shared>>) target_semaphore(%arg14 : memref<!tpu.dma_semaphore, #tpu.memory_space<semaphore_mem>>)
    %add3A_29 = arith.constant 80 : i32
    %add3A_30 = arith.addi %mul3A_22, %add3A_29 : i32
    %dma_start3A_31 = arith.constant 0 : i32
    %dma_start3A_32 = tpu.memref_slice %arg11[%add3A_30, %dma_start3A_31] : memref<10016x128xf32, #tpu.memory_space<vmem_shared>> -> memref<80x128xf32, #tpu.memory_space<vmem_shared>>
    %dma_start3A_33 = arith.constant 0 : i32
    %dma_start3A_34 = tpu.memref_slice %arg11[%add3A_30, %dma_start3A_33] : memref<10016x128xf32, #tpu.memory_space<vmem_shared>> -> memref<80x128xf32, #tpu.memory_space<vmem_shared>>
    tpu.enqueue_dma source(%arg8 : memref<80x128xf32, #tpu.memory_space<vmem>>) target(%dma_start3A_34 : memref<80x128xf32, #tpu.memory_space<vmem_shared>>) target_semaphore(%arg14 : memref<!tpu.dma_semaphore, #tpu.memory_space<semaphore_mem>>)
    %add3A_35 = arith.constant 160 : i32
    %add3A_36 = arith.addi %mul3A_22, %add3A_35 : i32
    %dma_start3A_37 = arith.constant 0 : i32
    %dma_start3A_38 = tpu.memref_slice %arg11[%add3A_36, %dma_start3A_37] : memref<10016x128xf32, #tpu.memory_space<vmem_shared>> -> memref<80x128xf32, #tpu.memory_space<vmem_shared>>
    %dma_start3A_39 = arith.constant 0 : i32
    %dma_start3A_40 = tpu.memref_slice %arg11[%add3A_36, %dma_start3A_39] : memref<10016x128xf32, #tpu.memory_space<vmem_shared>> -> memref<80x128xf32, #tpu.memory_space<vmem_shared>>
    tpu.enqueue_dma source(%arg8 : memref<80x128xf32, #tpu.memory_space<vmem>>) target(%dma_start3A_40 : memref<80x128xf32, #tpu.memory_space<vmem_shared>>) target_semaphore(%arg14 : memref<!tpu.dma_semaphore, #tpu.memory_space<semaphore_mem>>)
    %add3A_41 = arith.constant 240 : i32
    %add3A_42 = arith.addi %mul3A_22, %add3A_41 : i32
    %dma_start3A_43 = arith.constant 0 : i32
    %dma_start3A_44 = tpu.memref_slice %arg11[%add3A_42, %dma_start3A_43] : memref<10016x128xf32, #tpu.memory_space<vmem_shared>> -> memref<80x128xf32, #tpu.memory_space<vmem_shared>>
    %dma_start3A_45 = arith.constant 0 : i32
    %dma_start3A_46 = tpu.memref_slice %arg11[%add3A_42, %dma_start3A_45] : memref<10016x128xf32, #tpu.memory_space<vmem_shared>> -> memref<80x128xf32, #tpu.memory_space<vmem_shared>>
    tpu.enqueue_dma source(%arg8 : memref<80x128xf32, #tpu.memory_space<vmem>>) target(%dma_start3A_46 : memref<80x128xf32, #tpu.memory_space<vmem_shared>>) target_semaphore(%arg14 : memref<!tpu.dma_semaphore, #tpu.memory_space<semaphore_mem>>)
    %add3A_47 = arith.constant 320 : i32
    %add3A_48 = arith.addi %mul3A_22, %add3A_47 : i32
    %dma_start3A_49 = arith.constant 0 : i32
    %dma_start3A_50 = tpu.memref_slice %arg11[%add3A_48, %dma_start3A_49] : memref<10016x128xf32, #tpu.memory_space<vmem_shared>> -> memref<80x128xf32, #tpu.memory_space<vmem_shared>>
    %dma_start3A_51 = arith.constant 0 : i32
    %dma_start3A_52 = tpu.memref_slice %arg11[%add3A_48, %dma_start3A_51] : memref<10016x128xf32, #tpu.memory_space<vmem_shared>> -> memref<80x128xf32, #tpu.memory_space<vmem_shared>>
    tpu.enqueue_dma source(%arg8 : memref<80x128xf32, #tpu.memory_space<vmem>>) target(%dma_start3A_52 : memref<80x128xf32, #tpu.memory_space<vmem_shared>>) target_semaphore(%arg14 : memref<!tpu.dma_semaphore, #tpu.memory_space<semaphore_mem>>)
    %add3A_53 = arith.constant 400 : i32
    %add3A_54 = arith.addi %mul3A_22, %add3A_53 : i32
    %dma_start3A_55 = arith.constant 0 : i32
    %dma_start3A_56 = tpu.memref_slice %arg11[%add3A_54, %dma_start3A_55] : memref<10016x128xf32, #tpu.memory_space<vmem_shared>> -> memref<80x128xf32, #tpu.memory_space<vmem_shared>>
    %dma_start3A_57 = arith.constant 0 : i32
    %dma_start3A_58 = tpu.memref_slice %arg11[%add3A_54, %dma_start3A_57] : memref<10016x128xf32, #tpu.memory_space<vmem_shared>> -> memref<80x128xf32, #tpu.memory_space<vmem_shared>>
    tpu.enqueue_dma source(%arg8 : memref<80x128xf32, #tpu.memory_space<vmem>>) target(%dma_start3A_58 : memref<80x128xf32, #tpu.memory_space<vmem_shared>>) target_semaphore(%arg14 : memref<!tpu.dma_semaphore, #tpu.memory_space<semaphore_mem>>)
    %add3A_59 = arith.constant 480 : i32
    %add3A_60 = arith.addi %mul3A_22, %add3A_59 : i32
    %dma_start3A_61 = arith.constant 0 : i32
    %dma_start3A_62 = tpu.memref_slice %arg11[%add3A_60, %dma_start3A_61] : memref<10016x128xf32, #tpu.memory_space<vmem_shared>> -> memref<80x128xf32, #tpu.memory_space<vmem_shared>>
    %dma_start3A_63 = arith.constant 0 : i32
    %dma_start3A_64 = tpu.memref_slice %arg11[%add3A_60, %dma_start3A_63] : memref<10016x128xf32, #tpu.memory_space<vmem_shared>> -> memref<80x128xf32, #tpu.memory_space<vmem_shared>>
    tpu.enqueue_dma source(%arg8 : memref<80x128xf32, #tpu.memory_space<vmem>>) target(%dma_start3A_64 : memref<80x128xf32, #tpu.memory_space<vmem_shared>>) target_semaphore(%arg14 : memref<!tpu.dma_semaphore, #tpu.memory_space<semaphore_mem>>)
    %add3A_65 = arith.constant 560 : i32
    %add3A_66 = arith.addi %mul3A_22, %add3A_65 : i32
    %dma_start3A_67 = arith.constant 0 : i32
    %dma_start3A_68 = arith.constant 0 : i32
    %dma_start3A_69 = tpu.memref_slice %arg8[%dma_start3A_67, %dma_start3A_68] : memref<80x128xf32, #tpu.memory_space<vmem>> -> memref<66x128xf32, #tpu.memory_space<vmem>>
    %dma_start3A_70 = arith.constant 0 : i32
    %dma_start3A_71 = tpu.memref_slice %arg11[%add3A_66, %dma_start3A_70] : memref<10016x128xf32, #tpu.memory_space<vmem_shared>> -> memref<66x128xf32, #tpu.memory_space<vmem_shared>>
    %dma_start3A_72 = arith.constant 0 : i32
    %dma_start3A_73 = tpu.memref_slice %arg11[%add3A_66, %dma_start3A_72] : memref<10016x128xf32, #tpu.memory_space<vmem_shared>> -> memref<66x128xf32, #tpu.memory_space<vmem_shared>>
    %dma_start3A_74 = arith.constant 0 : i32
    %dma_start3A_75 = arith.constant 0 : i32
    %dma_start3A_76 = tpu.memref_slice %arg8[%dma_start3A_74, %dma_start3A_75] : memref<80x128xf32, #tpu.memory_space<vmem>> -> memref<66x128xf32, #tpu.memory_space<vmem>>
    tpu.enqueue_dma source(%dma_start3A_76 : memref<66x128xf32, #tpu.memory_space<vmem>>) target(%dma_start3A_73 : memref<66x128xf32, #tpu.memory_space<vmem_shared>>) target_semaphore(%arg14 : memref<!tpu.dma_semaphore, #tpu.memory_space<semaphore_mem>>)
    %add3A_77 = arith.constant 0 : i32
    %add3A_78 = arith.addi %mul3A_22, %add3A_77 : i32
    %dma_wait3A = arith.constant 0 : i32
    %dma_wait3A_79 = tpu.memref_slice %arg11[%add3A_78, %dma_wait3A] : memref<10016x128xf32, #tpu.memory_space<vmem_shared>> -> memref<80x128xf32, #tpu.memory_space<vmem_shared>>
    %dma_wait3A_80 = arith.constant 0 : i32
    %dma_wait3A_81 = tpu.memref_slice %arg11[%add3A_78, %dma_wait3A_80] : memref<10016x128xf32, #tpu.memory_space<vmem_shared>> -> memref<80x128xf32, #tpu.memory_space<vmem_shared>>
    tpu.wait_dma2 semaphore(%arg14 : memref<!tpu.dma_semaphore, #tpu.memory_space<semaphore_mem>>) src(%arg8 : memref<80x128xf32, #tpu.memory_space<vmem>>) dst(%dma_wait3A_81 : memref<80x128xf32, #tpu.memory_space<vmem_shared>>)
    %add3A_82 = arith.constant 80 : i32
    %add3A_83 = arith.addi %mul3A_22, %add3A_82 : i32
    %dma_wait3A_84 = arith.constant 0 : i32
    %dma_wait3A_85 = tpu.memref_slice %arg11[%add3A_83, %dma_wait3A_84] : memref<10016x128xf32, #tpu.memory_space<vmem_shared>> -> memref<80x128xf32, #tpu.memory_space<vmem_shared>>
    %dma_wait3A_86 = arith.constant 0 : i32
    %dma_wait3A_87 = tpu.memref_slice %arg11[%add3A_83, %dma_wait3A_86] : memref<10016x128xf32, #tpu.memory_space<vmem_shared>> -> memref<80x128xf32, #tpu.memory_space<vmem_shared>>
    tpu.wait_dma2 semaphore(%arg14 : memref<!tpu.dma_semaphore, #tpu.memory_space<semaphore_mem>>) src(%arg8 : memref<80x128xf32, #tpu.memory_space<vmem>>) dst(%dma_wait3A_87 : memref<80x128xf32, #tpu.memory_space<vmem_shared>>)
    %add3A_88 = arith.constant 160 : i32
    %add3A_89 = arith.addi %mul3A_22, %add3A_88 : i32
    %dma_wait3A_90 = arith.constant 0 : i32
    %dma_wait3A_91 = tpu.memref_slice %arg11[%add3A_89, %dma_wait3A_90] : memref<10016x128xf32, #tpu.memory_space<vmem_shared>> -> memref<80x128xf32, #tpu.memory_space<vmem_shared>>
    %dma_wait3A_92 = arith.constant 0 : i32
    %dma_wait3A_93 = tpu.memref_slice %arg11[%add3A_89, %dma_wait3A_92] : memref<10016x128xf32, #tpu.memory_space<vmem_shared>> -> memref<80x128xf32, #tpu.memory_space<vmem_shared>>
    tpu.wait_dma2 semaphore(%arg14 : memref<!tpu.dma_semaphore, #tpu.memory_space<semaphore_mem>>) src(%arg8 : memref<80x128xf32, #tpu.memory_space<vmem>>) dst(%dma_wait3A_93 : memref<80x128xf32, #tpu.memory_space<vmem_shared>>)
    %add3A_94 = arith.constant 240 : i32
    %add3A_95 = arith.addi %mul3A_22, %add3A_94 : i32
    %dma_wait3A_96 = arith.constant 0 : i32
    %dma_wait3A_97 = tpu.memref_slice %arg11[%add3A_95, %dma_wait3A_96] : memref<10016x128xf32, #tpu.memory_space<vmem_shared>> -> memref<80x128xf32, #tpu.memory_space<vmem_shared>>
    %dma_wait3A_98 = arith.constant 0 : i32
    %dma_wait3A_99 = tpu.memref_slice %arg11[%add3A_95, %dma_wait3A_98] : memref<10016x128xf32, #tpu.memory_space<vmem_shared>> -> memref<80x128xf32, #tpu.memory_space<vmem_shared>>
    tpu.wait_dma2 semaphore(%arg14 : memref<!tpu.dma_semaphore, #tpu.memory_space<semaphore_mem>>) src(%arg8 : memref<80x128xf32, #tpu.memory_space<vmem>>) dst(%dma_wait3A_99 : memref<80x128xf32, #tpu.memory_space<vmem_shared>>)
    %add3A_100 = arith.constant 320 : i32
    %add3A_101 = arith.addi %mul3A_22, %add3A_100 : i32
    %dma_wait3A_102 = arith.constant 0 : i32
    %dma_wait3A_103 = tpu.memref_slice %arg11[%add3A_101, %dma_wait3A_102] : memref<10016x128xf32, #tpu.memory_space<vmem_shared>> -> memref<80x128xf32, #tpu.memory_space<vmem_shared>>
    %dma_wait3A_104 = arith.constant 0 : i32
    %dma_wait3A_105 = tpu.memref_slice %arg11[%add3A_101, %dma_wait3A_104] : memref<10016x128xf32, #tpu.memory_space<vmem_shared>> -> memref<80x128xf32, #tpu.memory_space<vmem_shared>>
    tpu.wait_dma2 semaphore(%arg14 : memref<!tpu.dma_semaphore, #tpu.memory_space<semaphore_mem>>) src(%arg8 : memref<80x128xf32, #tpu.memory_space<vmem>>) dst(%dma_wait3A_105 : memref<80x128xf32, #tpu.memory_space<vmem_shared>>)
    %add3A_106 = arith.constant 400 : i32
    %add3A_107 = arith.addi %mul3A_22, %add3A_106 : i32
    %dma_wait3A_108 = arith.constant 0 : i32
    %dma_wait3A_109 = tpu.memref_slice %arg11[%add3A_107, %dma_wait3A_108] : memref<10016x128xf32, #tpu.memory_space<vmem_shared>> -> memref<80x128xf32, #tpu.memory_space<vmem_shared>>
    %dma_wait3A_110 = arith.constant 0 : i32
    %dma_wait3A_111 = tpu.memref_slice %arg11[%add3A_107, %dma_wait3A_110] : memref<10016x128xf32, #tpu.memory_space<vmem_shared>> -> memref<80x128xf32, #tpu.memory_space<vmem_shared>>
    tpu.wait_dma2 semaphore(%arg14 : memref<!tpu.dma_semaphore, #tpu.memory_space<semaphore_mem>>) src(%arg8 : memref<80x128xf32, #tpu.memory_space<vmem>>) dst(%dma_wait3A_111 : memref<80x128xf32, #tpu.memory_space<vmem_shared>>)
    %add3A_112 = arith.constant 480 : i32
    %add3A_113 = arith.addi %mul3A_22, %add3A_112 : i32
    %dma_wait3A_114 = arith.constant 0 : i32
    %dma_wait3A_115 = tpu.memref_slice %arg11[%add3A_113, %dma_wait3A_114] : memref<10016x128xf32, #tpu.memory_space<vmem_shared>> -> memref<80x128xf32, #tpu.memory_space<vmem_shared>>
    %dma_wait3A_116 = arith.constant 0 : i32
    %dma_wait3A_117 = tpu.memref_slice %arg11[%add3A_113, %dma_wait3A_116] : memref<10016x128xf32, #tpu.memory_space<vmem_shared>> -> memref<80x128xf32, #tpu.memory_space<vmem_shared>>
    tpu.wait_dma2 semaphore(%arg14 : memref<!tpu.dma_semaphore, #tpu.memory_space<semaphore_mem>>) src(%arg8 : memref<80x128xf32, #tpu.memory_space<vmem>>) dst(%dma_wait3A_117 : memref<80x128xf32, #tpu.memory_space<vmem_shared>>)
    %add3A_118 = arith.constant 560 : i32
    %add3A_119 = arith.addi %mul3A_22, %add3A_118 : i32
    %dma_wait3A_120 = arith.constant 0 : i32
    %dma_wait3A_121 = arith.constant 0 : i32
    %dma_wait3A_122 = tpu.memref_slice %arg8[%dma_wait3A_120, %dma_wait3A_121] : memref<80x128xf32, #tpu.memory_space<vmem>> -> memref<66x128xf32, #tpu.memory_space<vmem>>
    %dma_wait3A_123 = arith.constant 0 : i32
    %dma_wait3A_124 = tpu.memref_slice %arg11[%add3A_119, %dma_wait3A_123] : memref<10016x128xf32, #tpu.memory_space<vmem_shared>> -> memref<66x128xf32, #tpu.memory_space<vmem_shared>>
    %dma_wait3A_125 = arith.constant 0 : i32
    %dma_wait3A_126 = tpu.memref_slice %arg11[%add3A_119, %dma_wait3A_125] : memref<10016x128xf32, #tpu.memory_space<vmem_shared>> -> memref<66x128xf32, #tpu.memory_space<vmem_shared>>
    %dma_wait3A_127 = arith.constant 0 : i32
    %dma_wait3A_128 = arith.constant 0 : i32
    %dma_wait3A_129 = tpu.memref_slice %arg8[%dma_wait3A_127, %dma_wait3A_128] : memref<80x128xf32, #tpu.memory_space<vmem>> -> memref<66x128xf32, #tpu.memory_space<vmem>>
    tpu.wait_dma2 semaphore(%arg14 : memref<!tpu.dma_semaphore, #tpu.memory_space<semaphore_mem>>) src(%dma_wait3A_129 : memref<66x128xf32, #tpu.memory_space<vmem>>) dst(%dma_wait3A_126 : memref<66x128xf32, #tpu.memory_space<vmem_shared>>)
    %dma_wait3A_130 = arith.constant 0 : i32
    %dma_wait3A_131 = arith.constant 0 : i32
    %dma_wait3A_132 = tpu.memref_slice %arg3[%add3A, %dma_wait3A_130, %dma_wait3A_131] : memref<32x125x80xi32, #tpu.memory_space<hbm>> -> memref<1x125x80xi32, #tpu.memory_space<hbm>>
    %dma_wait3A_133 = tpu.memref_squeeze %dma_wait3A_132 : memref<1x125x80xi32, #tpu.memory_space<hbm>> -> memref<125x80xi32, #tpu.memory_space<hbm>>
    %dma_wait3A_134 = arith.constant 0 : i32
    %dma_wait3A_135 = arith.constant 0 : i32
    %dma_wait3A_136 = tpu.memref_slice %arg3[%add3A, %dma_wait3A_134, %dma_wait3A_135] : memref<32x125x80xi32, #tpu.memory_space<hbm>> -> memref<1x125x80xi32, #tpu.memory_space<hbm>>
    %dma_wait3A_137 = tpu.memref_squeeze %dma_wait3A_136 : memref<1x125x80xi32, #tpu.memory_space<hbm>> -> memref<125x80xi32, #tpu.memory_space<hbm>>
    tpu.wait_dma2 semaphore(%arg12 : memref<!tpu.dma_semaphore, #tpu.memory_space<semaphore_mem>>) src(%dma_wait3A_137 : memref<125x80xi32, #tpu.memory_space<hbm>>) dst(%arg6 : memref<125x80xi32, #tpu.memory_space<vmem>>)
    %dma_wait3A_138 = arith.constant 0 : i32
    %dma_wait3A_139 = arith.constant 0 : i32
    %dma_wait3A_140 = tpu.memref_slice %arg4[%add3A, %dma_wait3A_138, %dma_wait3A_139] : memref<32x125x80xi32, #tpu.memory_space<hbm>> -> memref<1x125x80xi32, #tpu.memory_space<hbm>>
    %dma_wait3A_141 = tpu.memref_squeeze %dma_wait3A_140 : memref<1x125x80xi32, #tpu.memory_space<hbm>> -> memref<125x80xi32, #tpu.memory_space<hbm>>
    %dma_wait3A_142 = arith.constant 0 : i32
    %dma_wait3A_143 = arith.constant 0 : i32
    %dma_wait3A_144 = tpu.memref_slice %arg4[%add3A, %dma_wait3A_142, %dma_wait3A_143] : memref<32x125x80xi32, #tpu.memory_space<hbm>> -> memref<1x125x80xi32, #tpu.memory_space<hbm>>
    %dma_wait3A_145 = tpu.memref_squeeze %dma_wait3A_144 : memref<1x125x80xi32, #tpu.memory_space<hbm>> -> memref<125x80xi32, #tpu.memory_space<hbm>>
    tpu.wait_dma2 semaphore(%arg13 : memref<!tpu.dma_semaphore, #tpu.memory_space<semaphore_mem>>) src(%dma_wait3A_145 : memref<125x80xi32, #tpu.memory_space<hbm>>) dst(%arg7 : memref<125x80xi32, #tpu.memory_space<vmem>>)
    %barrier3A = arith.constant 0 : index
    tpu.barrier barrier_id(%barrier3A)
    %dma_start3A_146 = arith.constant 0 : i32
    %dma_start3A_147 = arith.constant 0 : i32
    %dma_start3A_148 = tpu.memref_slice %arg6[%dma_start3A_146, %dma_start3A_147] : memref<125x80xi32, #tpu.memory_space<vmem>> -> memref<1x80xi32, #tpu.memory_space<vmem>>
    %dma_start3A_149 = tpu.memref_squeeze %dma_start3A_148 : memref<1x80xi32, #tpu.memory_space<vmem>> -> memref<80xi32, #tpu.memory_space<vmem>>
    %dma_start3A_150 = arith.constant 0 : i32
    %dma_start3A_151 = arith.constant 0 : i32
    %dma_start3A_152 = tpu.memref_slice %arg2[%dma_start3A_150, %dma_start3A_151] : memref<10000x128xf32, #tpu.memory_space<hbm>> -> memref<10000x128xf32, #tpu.memory_space<hbm>>
    tpu.enqueue_indirect_dma source(%dma_start3A_152 : memref<10000x128xf32, #tpu.memory_space<hbm>>) target(%arg8 : memref<80x128xf32, #tpu.memory_space<vmem>>) offsets(%dma_start3A_149 : memref<80xi32, #tpu.memory_space<vmem>>) semaphore(%arg12 : memref<!tpu.dma_semaphore, #tpu.memory_space<semaphore_mem>>)
    %dma_start3A_153 = arith.constant 1 : i32
    %dma_start3A_154 = arith.constant 0 : i32
    %dma_start3A_155 = tpu.memref_slice %arg6[%dma_start3A_153, %dma_start3A_154] : memref<125x80xi32, #tpu.memory_space<vmem>> -> memref<1x80xi32, #tpu.memory_space<vmem>>
    %dma_start3A_156 = tpu.memref_squeeze %dma_start3A_155 : memref<1x80xi32, #tpu.memory_space<vmem>> -> memref<80xi32, #tpu.memory_space<vmem>>
    %dma_start3A_157 = arith.constant 0 : i32
    %dma_start3A_158 = arith.constant 0 : i32
    %dma_start3A_159 = tpu.memref_slice %arg2[%dma_start3A_157, %dma_start3A_158] : memref<10000x128xf32, #tpu.memory_space<hbm>> -> memref<10000x128xf32, #tpu.memory_space<hbm>>
    tpu.enqueue_indirect_dma source(%dma_start3A_159 : memref<10000x128xf32, #tpu.memory_space<hbm>>) target(%arg9 : memref<80x128xf32, #tpu.memory_space<vmem>>) offsets(%dma_start3A_156 : memref<80xi32, #tpu.memory_space<vmem>>) semaphore(%arg13 : memref<!tpu.dma_semaphore, #tpu.memory_space<semaphore_mem>>)
    %scan3A_160 = arith.constant 0 : i32
    %scan3A_161 = arith.constant 0 : i32
    %scan3A_162 = arith.constant 41 : i32
    %scan3A_163 = arith.addi %scan3A_161, %scan3A_162 : i32
    %scan3A_164 = arith.constant 1 : i32
    scf.for %scan3A_182 = %scan3A_161 to %scan3A_163 step %scan3A_164  : i32 {
      %mul3A_183 = arith.constant 3 : i32
      %mul3A_184 = arith.muli %mul3A_183, %scan3A_182 : i32
      %dma_wait3A_185 = arith.constant 0 : i32
      %dma_wait3A_186 = tpu.memref_slice %arg6[%mul3A_184, %dma_wait3A_185] : memref<125x80xi32, #tpu.memory_space<vmem>> -> memref<1x80xi32, #tpu.memory_space<vmem>>
      %dma_wait3A_187 = tpu.memref_squeeze %dma_wait3A_186 : memref<1x80xi32, #tpu.memory_space<vmem>> -> memref<80xi32, #tpu.memory_space<vmem>>
      %dma_wait3A_188 = arith.constant 0 : i32
      %dma_wait3A_189 = arith.constant 0 : i32
      %dma_wait3A_190 = tpu.memref_slice %arg2[%dma_wait3A_188, %dma_wait3A_189] : memref<10000x128xf32, #tpu.memory_space<hbm>> -> memref<10000x128xf32, #tpu.memory_space<hbm>>
      tpu.wait_indirect_dma semaphore(%arg12 : memref<!tpu.dma_semaphore, #tpu.memory_space<semaphore_mem>>) src(%dma_wait3A_190 : memref<10000x128xf32, #tpu.memory_space<hbm>>) dst(%arg8 : memref<80x128xf32, #tpu.memory_space<vmem>>)
      %add3A_191 = arith.constant 2 : i32
      %add3A_192 = arith.addi %mul3A_184, %add3A_191 : i32
      %dma_start3A_193 = arith.constant 0 : i32
      %dma_start3A_194 = tpu.memref_slice %arg6[%add3A_192, %dma_start3A_193] : memref<125x80xi32, #tpu.memory_space<vmem>> -> memref<1x80xi32, #tpu.memory_space<vmem>>
      %dma_start3A_195 = tpu.memref_squeeze %dma_start3A_194 : memref<1x80xi32, #tpu.memory_space<vmem>> -> memref<80xi32, #tpu.memory_space<vmem>>
      %dma_start3A_196 = arith.constant 0 : i32
      %dma_start3A_197 = arith.constant 0 : i32
      %dma_start3A_198 = tpu.memref_slice %arg2[%dma_start3A_196, %dma_start3A_197] : memref<10000x128xf32, #tpu.memory_space<hbm>> -> memref<10000x128xf32, #tpu.memory_space<hbm>>
      tpu.enqueue_indirect_dma source(%dma_start3A_198 : memref<10000x128xf32, #tpu.memory_space<hbm>>) target(%arg10 : memref<80x128xf32, #tpu.memory_space<vmem>>) offsets(%dma_start3A_195 : memref<80xi32, #tpu.memory_space<vmem>>) semaphore(%arg14 : memref<!tpu.dma_semaphore, #tpu.memory_space<semaphore_mem>>)
      "tpu.region"() ({
        %run_scoped3A_235 = tpu.sem_alloc : memref<!tpu.dma_semaphore, #tpu.memory_space<semaphore_mem>>
        %dma_start3A_236 = arith.constant 0 : i32
        %dma_start3A_237 = tpu.memref_slice %arg7[%mul3A_184, %dma_start3A_236] : memref<125x80xi32, #tpu.memory_space<vmem>> -> memref<1x80xi32, #tpu.memory_space<vmem>>
        %dma_start3A_238 = tpu.memref_squeeze %dma_start3A_237 : memref<1x80xi32, #tpu.memory_space<vmem>> -> memref<80xi32, #tpu.memory_space<vmem>>
        %dma_start3A_239 = arith.constant 0 : i32
        %dma_start3A_240 = arith.constant 0 : i32
        %dma_start3A_241 = tpu.memref_slice %arg11[%dma_start3A_239, %dma_start3A_240] : memref<10016x128xf32, #tpu.memory_space<vmem_shared>> -> memref<10016x128xf32, #tpu.memory_space<vmem_shared>>
        tpu.enqueue_indirect_dma source(%arg8 : memref<80x128xf32, #tpu.memory_space<vmem>>) target(%dma_start3A_241 : memref<10016x128xf32, #tpu.memory_space<vmem_shared>>) offsets(%dma_start3A_238 : memref<80xi32, #tpu.memory_space<vmem>>) semaphore(%run_scoped3A_235 : memref<!tpu.dma_semaphore, #tpu.memory_space<semaphore_mem>>) {add = true}
        %dma_wait3A_242 = arith.constant 0 : i32
        %dma_wait3A_243 = tpu.memref_slice %arg7[%mul3A_184, %dma_wait3A_242] : memref<125x80xi32, #tpu.memory_space<vmem>> -> memref<1x80xi32, #tpu.memory_space<vmem>>
        %dma_wait3A_244 = tpu.memref_squeeze %dma_wait3A_243 : memref<1x80xi32, #tpu.memory_space<vmem>> -> memref<80xi32, #tpu.memory_space<vmem>>
        %dma_wait3A_245 = arith.constant 0 : i32
        %dma_wait3A_246 = arith.constant 0 : i32
        %dma_wait3A_247 = tpu.memref_slice %arg11[%dma_wait3A_245, %dma_wait3A_246] : memref<10016x128xf32, #tpu.memory_space<vmem_shared>> -> memref<10016x128xf32, #tpu.memory_space<vmem_shared>>
        tpu.wait_indirect_dma semaphore(%run_scoped3A_235 : memref<!tpu.dma_semaphore, #tpu.memory_space<semaphore_mem>>) src(%arg8 : memref<80x128xf32, #tpu.memory_space<vmem>>) dst(%dma_wait3A_247 : memref<10016x128xf32, #tpu.memory_space<vmem_shared>>)
        tpu.yield
      }) : () -> ()
      %add3A_199 = arith.constant 1 : i32
      %add3A_200 = arith.addi %mul3A_184, %add3A_199 : i32
      %dma_wait3A_201 = arith.constant 0 : i32
      %dma_wait3A_202 = tpu.memref_slice %arg6[%add3A_200, %dma_wait3A_201] : memref<125x80xi32, #tpu.memory_space<vmem>> -> memref<1x80xi32, #tpu.memory_space<vmem>>
      %dma_wait3A_203 = tpu.memref_squeeze %dma_wait3A_202 : memref<1x80xi32, #tpu.memory_space<vmem>> -> memref<80xi32, #tpu.memory_space<vmem>>
      %dma_wait3A_204 = arith.constant 0 : i32
      %dma_wait3A_205 = arith.constant 0 : i32
      %dma_wait3A_206 = tpu.memref_slice %arg2[%dma_wait3A_204, %dma_wait3A_205] : memref<10000x128xf32, #tpu.memory_space<hbm>> -> memref<10000x128xf32, #tpu.memory_space<hbm>>
      tpu.wait_indirect_dma semaphore(%arg13 : memref<!tpu.dma_semaphore, #tpu.memory_space<semaphore_mem>>) src(%dma_wait3A_206 : memref<10000x128xf32, #tpu.memory_space<hbm>>) dst(%arg9 : memref<80x128xf32, #tpu.memory_space<vmem>>)
      %add3A_207 = arith.constant 3 : i32
      %add3A_208 = arith.addi %mul3A_184, %add3A_207 : i32
      %dma_start3A_209 = arith.constant 0 : i32
      %dma_start3A_210 = tpu.memref_slice %arg6[%add3A_208, %dma_start3A_209] : memref<125x80xi32, #tpu.memory_space<vmem>> -> memref<1x80xi32, #tpu.memory_space<vmem>>
      %dma_start3A_211 = tpu.memref_squeeze %dma_start3A_210 : memref<1x80xi32, #tpu.memory_space<vmem>> -> memref<80xi32, #tpu.memory_space<vmem>>
      %dma_start3A_212 = arith.constant 0 : i32
      %dma_start3A_213 = arith.constant 0 : i32
      %dma_start3A_214 = tpu.memref_slice %arg2[%dma_start3A_212, %dma_start3A_213] : memref<10000x128xf32, #tpu.memory_space<hbm>> -> memref<10000x128xf32, #tpu.memory_space<hbm>>
      tpu.enqueue_indirect_dma source(%dma_start3A_214 : memref<10000x128xf32, #tpu.memory_space<hbm>>) target(%arg8 : memref<80x128xf32, #tpu.memory_space<vmem>>) offsets(%dma_start3A_211 : memref<80xi32, #tpu.memory_space<vmem>>) semaphore(%arg12 : memref<!tpu.dma_semaphore, #tpu.memory_space<semaphore_mem>>)
      %add3A_215 = arith.constant 1 : i32
      %add3A_216 = arith.addi %mul3A_184, %add3A_215 : i32
      "tpu.region"() ({
        %run_scoped3A_235 = tpu.sem_alloc : memref<!tpu.dma_semaphore, #tpu.memory_space<semaphore_mem>>
        %dma_start3A_236 = arith.constant 0 : i32
        %dma_start3A_237 = tpu.memref_slice %arg7[%add3A_216, %dma_start3A_236] : memref<125x80xi32, #tpu.memory_space<vmem>> -> memref<1x80xi32, #tpu.memory_space<vmem>>
        %dma_start3A_238 = tpu.memref_squeeze %dma_start3A_237 : memref<1x80xi32, #tpu.memory_space<vmem>> -> memref<80xi32, #tpu.memory_space<vmem>>
        %dma_start3A_239 = arith.constant 0 : i32
        %dma_start3A_240 = arith.constant 0 : i32
        %dma_start3A_241 = tpu.memref_slice %arg11[%dma_start3A_239, %dma_start3A_240] : memref<10016x128xf32, #tpu.memory_space<vmem_shared>> -> memref<10016x128xf32, #tpu.memory_space<vmem_shared>>
        tpu.enqueue_indirect_dma source(%arg9 : memref<80x128xf32, #tpu.memory_space<vmem>>) target(%dma_start3A_241 : memref<10016x128xf32, #tpu.memory_space<vmem_shared>>) offsets(%dma_start3A_238 : memref<80xi32, #tpu.memory_space<vmem>>) semaphore(%run_scoped3A_235 : memref<!tpu.dma_semaphore, #tpu.memory_space<semaphore_mem>>) {add = true}
        %dma_wait3A_242 = arith.constant 0 : i32
        %dma_wait3A_243 = tpu.memref_slice %arg7[%add3A_216, %dma_wait3A_242] : memref<125x80xi32, #tpu.memory_space<vmem>> -> memref<1x80xi32, #tpu.memory_space<vmem>>
        %dma_wait3A_244 = tpu.memref_squeeze %dma_wait3A_243 : memref<1x80xi32, #tpu.memory_space<vmem>> -> memref<80xi32, #tpu.memory_space<vmem>>
        %dma_wait3A_245 = arith.constant 0 : i32
        %dma_wait3A_246 = arith.constant 0 : i32
        %dma_wait3A_247 = tpu.memref_slice %arg11[%dma_wait3A_245, %dma_wait3A_246] : memref<10016x128xf32, #tpu.memory_space<vmem_shared>> -> memref<10016x128xf32, #tpu.memory_space<vmem_shared>>
        tpu.wait_indirect_dma semaphore(%run_scoped3A_235 : memref<!tpu.dma_semaphore, #tpu.memory_space<semaphore_mem>>) src(%arg9 : memref<80x128xf32, #tpu.memory_space<vmem>>) dst(%dma_wait3A_247 : memref<10016x128xf32, #tpu.memory_space<vmem_shared>>)
        tpu.yield
      }) : () -> ()
      %add3A_217 = arith.constant 2 : i32
      %add3A_218 = arith.addi %mul3A_184, %add3A_217 : i32
      %dma_wait3A_219 = arith.constant 0 : i32
      %dma_wait3A_220 = tpu.memref_slice %arg6[%add3A_218, %dma_wait3A_219] : memref<125x80xi32, #tpu.memory_space<vmem>> -> memref<1x80xi32, #tpu.memory_space<vmem>>
      %dma_wait3A_221 = tpu.memref_squeeze %dma_wait3A_220 : memref<1x80xi32, #tpu.memory_space<vmem>> -> memref<80xi32, #tpu.memory_space<vmem>>
      %dma_wait3A_222 = arith.constant 0 : i32
      %dma_wait3A_223 = arith.constant 0 : i32
      %dma_wait3A_224 = tpu.memref_slice %arg2[%dma_wait3A_222, %dma_wait3A_223] : memref<10000x128xf32, #tpu.memory_space<hbm>> -> memref<10000x128xf32, #tpu.memory_space<hbm>>
      tpu.wait_indirect_dma semaphore(%arg14 : memref<!tpu.dma_semaphore, #tpu.memory_space<semaphore_mem>>) src(%dma_wait3A_224 : memref<10000x128xf32, #tpu.memory_space<hbm>>) dst(%arg10 : memref<80x128xf32, #tpu.memory_space<vmem>>)
      %add3A_225 = arith.constant 4 : i32
      %add3A_226 = arith.addi %mul3A_184, %add3A_225 : i32
      %dma_start3A_227 = arith.constant 0 : i32
      %dma_start3A_228 = tpu.memref_slice %arg6[%add3A_226, %dma_start3A_227] : memref<125x80xi32, #tpu.memory_space<vmem>> -> memref<1x80xi32, #tpu.memory_space<vmem>>
      %dma_start3A_229 = tpu.memref_squeeze %dma_start3A_228 : memref<1x80xi32, #tpu.memory_space<vmem>> -> memref<80xi32, #tpu.memory_space<vmem>>
      %dma_start3A_230 = arith.constant 0 : i32
      %dma_start3A_231 = arith.constant 0 : i32
      %dma_start3A_232 = tpu.memref_slice %arg2[%dma_start3A_230, %dma_start3A_231] : memref<10000x128xf32, #tpu.memory_space<hbm>> -> memref<10000x128xf32, #tpu.memory_space<hbm>>
      tpu.enqueue_indirect_dma source(%dma_start3A_232 : memref<10000x128xf32, #tpu.memory_space<hbm>>) target(%arg9 : memref<80x128xf32, #tpu.memory_space<vmem>>) offsets(%dma_start3A_229 : memref<80xi32, #tpu.memory_space<vmem>>) semaphore(%arg13 : memref<!tpu.dma_semaphore, #tpu.memory_space<semaphore_mem>>)
      %add3A_233 = arith.constant 2 : i32
      %add3A_234 = arith.addi %mul3A_184, %add3A_233 : i32
      "tpu.region"() ({
        %run_scoped3A_235 = tpu.sem_alloc : memref<!tpu.dma_semaphore, #tpu.memory_space<semaphore_mem>>
        %dma_start3A_236 = arith.constant 0 : i32
        %dma_start3A_237 = tpu.memref_slice %arg7[%add3A_234, %dma_start3A_236] : memref<125x80xi32, #tpu.memory_space<vmem>> -> memref<1x80xi32, #tpu.memory_space<vmem>>
        %dma_start3A_238 = tpu.memref_squeeze %dma_start3A_237 : memref<1x80xi32, #tpu.memory_space<vmem>> -> memref<80xi32, #tpu.memory_space<vmem>>
        %dma_start3A_239 = arith.constant 0 : i32
        %dma_start3A_240 = arith.constant 0 : i32
        %dma_start3A_241 = tpu.memref_slice %arg11[%dma_start3A_239, %dma_start3A_240] : memref<10016x128xf32, #tpu.memory_space<vmem_shared>> -> memref<10016x128xf32, #tpu.memory_space<vmem_shared>>
        tpu.enqueue_indirect_dma source(%arg10 : memref<80x128xf32, #tpu.memory_space<vmem>>) target(%dma_start3A_241 : memref<10016x128xf32, #tpu.memory_space<vmem_shared>>) offsets(%dma_start3A_238 : memref<80xi32, #tpu.memory_space<vmem>>) semaphore(%run_scoped3A_235 : memref<!tpu.dma_semaphore, #tpu.memory_space<semaphore_mem>>) {add = true}
        %dma_wait3A_242 = arith.constant 0 : i32
        %dma_wait3A_243 = tpu.memref_slice %arg7[%add3A_234, %dma_wait3A_242] : memref<125x80xi32, #tpu.memory_space<vmem>> -> memref<1x80xi32, #tpu.memory_space<vmem>>
        %dma_wait3A_244 = tpu.memref_squeeze %dma_wait3A_243 : memref<1x80xi32, #tpu.memory_space<vmem>> -> memref<80xi32, #tpu.memory_space<vmem>>
        %dma_wait3A_245 = arith.constant 0 : i32
        %dma_wait3A_246 = arith.constant 0 : i32
        %dma_wait3A_247 = tpu.memref_slice %arg11[%dma_wait3A_245, %dma_wait3A_246] : memref<10016x128xf32, #tpu.memory_space<vmem_shared>> -> memref<10016x128xf32, #tpu.memory_space<vmem_shared>>
        tpu.wait_indirect_dma semaphore(%run_scoped3A_235 : memref<!tpu.dma_semaphore, #tpu.memory_space<semaphore_mem>>) src(%arg10 : memref<80x128xf32, #tpu.memory_space<vmem>>) dst(%dma_wait3A_247 : memref<10016x128xf32, #tpu.memory_space<vmem_shared>>)
        tpu.yield
      }) : () -> ()
    }
    %scan3A_165 = arith.constant 41 : i32
    %dma_wait3A_166 = arith.constant 123 : i32
    %dma_wait3A_167 = arith.constant 0 : i32
    %dma_wait3A_168 = tpu.memref_slice %arg6[%dma_wait3A_166, %dma_wait3A_167] : memref<125x80xi32, #tpu.memory_space<vmem>> -> memref<1x80xi32, #tpu.memory_space<vmem>>
    %dma_wait3A_169 = tpu.memref_squeeze %dma_wait3A_168 : memref<1x80xi32, #tpu.memory_space<vmem>> -> memref<80xi32, #tpu.memory_space<vmem>>
    %dma_wait3A_170 = arith.constant 0 : i32
    %dma_wait3A_171 = arith.constant 0 : i32
    %dma_wait3A_172 = tpu.memref_slice %arg2[%dma_wait3A_170, %dma_wait3A_171] : memref<10000x128xf32, #tpu.memory_space<hbm>> -> memref<10000x128xf32, #tpu.memory_space<hbm>>
    tpu.wait_indirect_dma semaphore(%arg12 : memref<!tpu.dma_semaphore, #tpu.memory_space<semaphore_mem>>) src(%dma_wait3A_172 : memref<10000x128xf32, #tpu.memory_space<hbm>>) dst(%arg8 : memref<80x128xf32, #tpu.memory_space<vmem>>)
    %run_scoped3A = arith.constant 123 : i32
    "tpu.region"() ({
      %run_scoped3A_182 = tpu.sem_alloc : memref<!tpu.dma_semaphore, #tpu.memory_space<semaphore_mem>>
      %dma_start3A_183 = arith.constant 0 : i32
      %dma_start3A_184 = tpu.memref_slice %arg7[%run_scoped3A, %dma_start3A_183] : memref<125x80xi32, #tpu.memory_space<vmem>> -> memref<1x80xi32, #tpu.memory_space<vmem>>
      %dma_start3A_185 = tpu.memref_squeeze %dma_start3A_184 : memref<1x80xi32, #tpu.memory_space<vmem>> -> memref<80xi32, #tpu.memory_space<vmem>>
      %dma_start3A_186 = arith.constant 0 : i32
      %dma_start3A_187 = arith.constant 0 : i32
      %dma_start3A_188 = tpu.memref_slice %arg11[%dma_start3A_186, %dma_start3A_187] : memref<10016x128xf32, #tpu.memory_space<vmem_shared>> -> memref<10016x128xf32, #tpu.memory_space<vmem_shared>>
      tpu.enqueue_indirect_dma source(%arg8 : memref<80x128xf32, #tpu.memory_space<vmem>>) target(%dma_start3A_188 : memref<10016x128xf32, #tpu.memory_space<vmem_shared>>) offsets(%dma_start3A_185 : memref<80xi32, #tpu.memory_space<vmem>>) semaphore(%run_scoped3A_182 : memref<!tpu.dma_semaphore, #tpu.memory_space<semaphore_mem>>) {add = true}
      %dma_wait3A_189 = arith.constant 0 : i32
      %dma_wait3A_190 = tpu.memref_slice %arg7[%run_scoped3A, %dma_wait3A_189] : memref<125x80xi32, #tpu.memory_space<vmem>> -> memref<1x80xi32, #tpu.memory_space<vmem>>
      %dma_wait3A_191 = tpu.memref_squeeze %dma_wait3A_190 : memref<1x80xi32, #tpu.memory_space<vmem>> -> memref<80xi32, #tpu.memory_space<vmem>>
      %dma_wait3A_192 = arith.constant 0 : i32
      %dma_wait3A_193 = arith.constant 0 : i32
      %dma_wait3A_194 = tpu.memref_slice %arg11[%dma_wait3A_192, %dma_wait3A_193] : memref<10016x128xf32, #tpu.memory_space<vmem_shared>> -> memref<10016x128xf32, #tpu.memory_space<vmem_shared>>
      tpu.wait_indirect_dma semaphore(%run_scoped3A_182 : memref<!tpu.dma_semaphore, #tpu.memory_space<semaphore_mem>>) src(%arg8 : memref<80x128xf32, #tpu.memory_space<vmem>>) dst(%dma_wait3A_194 : memref<10016x128xf32, #tpu.memory_space<vmem_shared>>)
      tpu.yield
    }) : () -> ()
    %dma_wait3A_173 = arith.constant 124 : i32
    %dma_wait3A_174 = arith.constant 0 : i32
    %dma_wait3A_175 = tpu.memref_slice %arg6[%dma_wait3A_173, %dma_wait3A_174] : memref<125x80xi32, #tpu.memory_space<vmem>> -> memref<1x80xi32, #tpu.memory_space<vmem>>
    %dma_wait3A_176 = tpu.memref_squeeze %dma_wait3A_175 : memref<1x80xi32, #tpu.memory_space<vmem>> -> memref<80xi32, #tpu.memory_space<vmem>>
    %dma_wait3A_177 = arith.constant 0 : i32
    %dma_wait3A_178 = arith.constant 0 : i32
    %dma_wait3A_179 = tpu.memref_slice %arg2[%dma_wait3A_177, %dma_wait3A_178] : memref<10000x128xf32, #tpu.memory_space<hbm>> -> memref<10000x128xf32, #tpu.memory_space<hbm>>
    tpu.wait_indirect_dma semaphore(%arg13 : memref<!tpu.dma_semaphore, #tpu.memory_space<semaphore_mem>>) src(%dma_wait3A_179 : memref<10000x128xf32, #tpu.memory_space<hbm>>) dst(%arg9 : memref<80x128xf32, #tpu.memory_space<vmem>>)
    %run_scoped3A_180 = arith.constant 124 : i32
    "tpu.region"() ({
      %run_scoped3A_182 = tpu.sem_alloc : memref<!tpu.dma_semaphore, #tpu.memory_space<semaphore_mem>>
      %dma_start3A_183 = arith.constant 0 : i32
      %dma_start3A_184 = tpu.memref_slice %arg7[%run_scoped3A_180, %dma_start3A_183] : memref<125x80xi32, #tpu.memory_space<vmem>> -> memref<1x80xi32, #tpu.memory_space<vmem>>
      %dma_start3A_185 = tpu.memref_squeeze %dma_start3A_184 : memref<1x80xi32, #tpu.memory_space<vmem>> -> memref<80xi32, #tpu.memory_space<vmem>>
      %dma_start3A_186 = arith.constant 0 : i32
      %dma_start3A_187 = arith.constant 0 : i32
      %dma_start3A_188 = tpu.memref_slice %arg11[%dma_start3A_186, %dma_start3A_187] : memref<10016x128xf32, #tpu.memory_space<vmem_shared>> -> memref<10016x128xf32, #tpu.memory_space<vmem_shared>>
      tpu.enqueue_indirect_dma source(%arg9 : memref<80x128xf32, #tpu.memory_space<vmem>>) target(%dma_start3A_188 : memref<10016x128xf32, #tpu.memory_space<vmem_shared>>) offsets(%dma_start3A_185 : memref<80xi32, #tpu.memory_space<vmem>>) semaphore(%run_scoped3A_182 : memref<!tpu.dma_semaphore, #tpu.memory_space<semaphore_mem>>) {add = true}
      %dma_wait3A_189 = arith.constant 0 : i32
      %dma_wait3A_190 = tpu.memref_slice %arg7[%run_scoped3A_180, %dma_wait3A_189] : memref<125x80xi32, #tpu.memory_space<vmem>> -> memref<1x80xi32, #tpu.memory_space<vmem>>
      %dma_wait3A_191 = tpu.memref_squeeze %dma_wait3A_190 : memref<1x80xi32, #tpu.memory_space<vmem>> -> memref<80xi32, #tpu.memory_space<vmem>>
      %dma_wait3A_192 = arith.constant 0 : i32
      %dma_wait3A_193 = arith.constant 0 : i32
      %dma_wait3A_194 = tpu.memref_slice %arg11[%dma_wait3A_192, %dma_wait3A_193] : memref<10016x128xf32, #tpu.memory_space<vmem_shared>> -> memref<10016x128xf32, #tpu.memory_space<vmem_shared>>
      tpu.wait_indirect_dma semaphore(%run_scoped3A_182 : memref<!tpu.dma_semaphore, #tpu.memory_space<semaphore_mem>>) src(%arg9 : memref<80x128xf32, #tpu.memory_space<vmem>>) dst(%dma_wait3A_194 : memref<10016x128xf32, #tpu.memory_space<vmem_shared>>)
      tpu.yield
    }) : () -> ()
    %barrier3A_181 = arith.constant 0 : index
    tpu.barrier barrier_id(%barrier3A_181)
    "tpu.region"() ({
      %run_scoped3A_182 = tpu.sem_alloc : memref<!tpu.dma_semaphore, #tpu.memory_space<semaphore_mem>>
      %dma_start3A_183 = arith.constant 0 : i32
      %dma_start3A_184 = tpu.memref_slice %arg5[%arg0, %mul3A_22, %dma_start3A_183] : memref<2x10016x128xf32, #tpu.memory_space<hbm>> -> memref<1x626x128xf32, #tpu.memory_space<hbm>>
      %dma_start3A_185 = tpu.memref_squeeze %dma_start3A_184 : memref<1x626x128xf32, #tpu.memory_space<hbm>> -> memref<626x128xf32, #tpu.memory_space<hbm>>
      %dma_start3A_186 = arith.constant 0 : i32
      %dma_start3A_187 = tpu.memref_slice %arg11[%mul3A_22, %dma_start3A_186] : memref<10016x128xf32, #tpu.memory_space<vmem_shared>> -> memref<626x128xf32, #tpu.memory_space<vmem_shared>>
      tpu.enqueue_dma source(%dma_start3A_187 : memref<626x128xf32, #tpu.memory_space<vmem_shared>>) target(%dma_start3A_185 : memref<626x128xf32, #tpu.memory_space<hbm>>) target_semaphore(%run_scoped3A_182 : memref<!tpu.dma_semaphore, #tpu.memory_space<semaphore_mem>>)
      %dma_wait3A_188 = arith.constant 0 : i32
      %dma_wait3A_189 = tpu.memref_slice %arg5[%arg0, %mul3A_22, %dma_wait3A_188] : memref<2x10016x128xf32, #tpu.memory_space<hbm>> -> memref<1x626x128xf32, #tpu.memory_space<hbm>>
      %dma_wait3A_190 = tpu.memref_squeeze %dma_wait3A_189 : memref<1x626x128xf32, #tpu.memory_space<hbm>> -> memref<626x128xf32, #tpu.memory_space<hbm>>
      %dma_wait3A_191 = arith.constant 0 : i32
      %dma_wait3A_192 = tpu.memref_slice %arg11[%mul3A_22, %dma_wait3A_191] : memref<10016x128xf32, #tpu.memory_space<vmem_shared>> -> memref<626x128xf32, #tpu.memory_space<vmem_shared>>
      tpu.wait_dma2 semaphore(%run_scoped3A_182 : memref<!tpu.dma_semaphore, #tpu.memory_space<semaphore_mem>>) src(%dma_wait3A_192 : memref<626x128xf32, #tpu.memory_space<vmem_shared>>) dst(%dma_wait3A_190 : memref<626x128xf32, #tpu.memory_space<hbm>>)
      tpu.yield
    }) : () -> ()
    return
  }
}

module attributes {stable_mosaic.version = 14 : i64} {
  func.func @_layer_body(%arg0: memref<10000x128xf32, #tpu.memory_space<vmem>>, %arg1: memref<2x10016x128xf32, #tpu.memory_space<vmem>>, %arg2: memref<1x1xf32, #tpu.memory_space<vmem>>, %arg3: memref<128x256xf32, #tpu.memory_space<vmem>>, %arg4: memref<1x256xf32, #tpu.memory_space<vmem>>, %arg5: memref<1x256xf32, #tpu.memory_space<vmem>>, %arg6: memref<1x256xf32, #tpu.memory_space<vmem>>, %arg7: memref<256x128xf32, #tpu.memory_space<vmem>>, %arg8: memref<1x128xf32, #tpu.memory_space<vmem>>, %arg9: memref<1x128xf32, #tpu.memory_space<vmem>>, %arg10: memref<1x128xf32, #tpu.memory_space<vmem>>, %arg11: memref<10000x1xi32, #tpu.memory_space<vmem>>, %arg12: memref<10000x128xf32, #tpu.memory_space<vmem>>, %arg13: memref<64x128xf32, #tpu.memory_space<vmem>>) attributes {dimension_semantics = [], scalar_prefetch = 0 : i64, scratch_operands = 0 : i64, tpu.core_type = #tpu.core_type<tc>} {
    %get3A = arith.constant 0 : index
    %get3A_0 = arith.constant 0 : index
    %get3A_1 = vector.load %arg2[%get3A, %get3A_0] : memref<1x1xf32, #tpu.memory_space<vmem>>, vector<1x1xf32>
    %get3A_2 = vector.extract %get3A_1[0, 0] : f32 from vector<1x1xf32>
    %add3A = arith.constant 1.000000e+00 : f32
    %add3A_3 = arith.addf %add3A, %get3A_2 : f32
    %get3A_4 = arith.constant 0 : index
    %get3A_5 = arith.constant 0 : index
    %get3A_6 = vector.load %arg0[%get3A_4, %get3A_5] : memref<10000x128xf32, #tpu.memory_space<vmem>>, vector<10000x128xf32>
    %mul3A = vector.broadcast %add3A_3 : f32 to vector<10000x128xf32>
    %mul3A_7 = arith.mulf %mul3A, %get3A_6 : vector<10000x128xf32>
    %get3A_8 = arith.constant 0 : index
    %get3A_9 = arith.constant 0 : index
    %get3A_10 = arith.constant 0 : index
    %get3A_11 = vector.load %arg1[%get3A_8, %get3A_9, %get3A_10] : memref<2x10016x128xf32, #tpu.memory_space<vmem>>, vector<1x10000x128xf32>
    %get3A_12 = vector.shape_cast %get3A_11 : vector<1x10000x128xf32> to vector<10000x128xf32>
    %add3A_13 = arith.addf %mul3A_7, %get3A_12 : vector<10000x128xf32>
    %get3A_14 = arith.constant 1 : index
    %get3A_15 = arith.constant 0 : index
    %get3A_16 = arith.constant 0 : index
    %get3A_17 = vector.load %arg1[%get3A_14, %get3A_15, %get3A_16] : memref<2x10016x128xf32, #tpu.memory_space<vmem>>, vector<1x10000x128xf32>
    %get3A_18 = vector.shape_cast %get3A_17 : vector<1x10000x128xf32> to vector<10000x128xf32>
    %add3A_19 = arith.addf %add3A_13, %get3A_18 : vector<10000x128xf32>
    %get3A_20 = arith.constant 0 : index
    %get3A_21 = arith.constant 0 : index
    %get3A_22 = vector.load %arg3[%get3A_20, %get3A_21] : memref<128x256xf32, #tpu.memory_space<vmem>>, vector<128x256xf32>
    %dot_general3A = arith.constant dense<0.000000e+00> : vector<10000x256xf32>
    %dot_general3A_23 = tpu.matmul %add3A_19, %get3A_22, %dot_general3A {dimension_numbers = #tpu.dot_dimension_numbers<[1], [0], [0], [1], [0, 0, 1, 1], [], []>, transpose_lhs_hint = false} : vector<10000x128xf32>, vector<128x256xf32>, vector<10000x256xf32> -> vector<10000x256xf32>
    %get3A_24 = arith.constant 0 : index
    %get3A_25 = arith.constant 0 : index
    %get3A_26 = vector.load %arg4[%get3A_24, %get3A_25] : memref<1x256xf32, #tpu.memory_space<vmem>>, vector<1x256xf32>
    %add3A_27 = vector.broadcast %get3A_26 : vector<1x256xf32> to vector<10000x256xf32>
    %add3A_28 = arith.addf %dot_general3A_23, %add3A_27 : vector<10000x256xf32>
    %get3A_29 = arith.constant 0 : index
    %get3A_30 = arith.constant 0 : index
    %get3A_31 = vector.load %arg5[%get3A_29, %get3A_30] : memref<1x256xf32, #tpu.memory_space<vmem>>, vector<1x256xf32>
    %get3A_32 = arith.constant 0 : index
    %get3A_33 = arith.constant 0 : index
    %get3A_34 = vector.load %arg6[%get3A_32, %get3A_33] : memref<1x256xf32, #tpu.memory_space<vmem>>, vector<1x256xf32>
    %reduce_sum3A = arith.constant dense<0.000000e+00> : vector<256xf32>
    %reduce_sum3A_35 = vector.multi_reduction <add>, %add3A_28, %reduce_sum3A [0] : vector<10000x256xf32> to vector<256xf32>
    %broadcast_in_dim3A = vector.shape_cast %reduce_sum3A_35 : vector<256xf32> to vector<1x256xf32>
    %div3A = arith.constant 1.000000e+04 : f32
    %div3A_36 = vector.broadcast %div3A : f32 to vector<1x256xf32>
    %div3A_37 = arith.divf %broadcast_in_dim3A, %div3A_36 : vector<1x256xf32>
    %mul3A_38 = arith.mulf %add3A_28, %add3A_28 : vector<10000x256xf32>
    %reduce_sum3A_39 = arith.constant dense<0.000000e+00> : vector<256xf32>
    %reduce_sum3A_40 = vector.multi_reduction <add>, %mul3A_38, %reduce_sum3A_39 [0] : vector<10000x256xf32> to vector<256xf32>
    %broadcast_in_dim3A_41 = vector.shape_cast %reduce_sum3A_40 : vector<256xf32> to vector<1x256xf32>
    %div3A_42 = arith.constant 1.000000e+04 : f32
    %div3A_43 = vector.broadcast %div3A_42 : f32 to vector<1x256xf32>
    %div3A_44 = arith.divf %broadcast_in_dim3A_41, %div3A_43 : vector<1x256xf32>
    %mul3A_45 = arith.mulf %div3A_37, %div3A_37 : vector<1x256xf32>
    %sub3A = arith.subf %div3A_44, %mul3A_45 : vector<1x256xf32>
    %sub3A_46 = vector.broadcast %div3A_37 : vector<1x256xf32> to vector<10000x256xf32>
    %sub3A_47 = arith.subf %add3A_28, %sub3A_46 : vector<10000x256xf32>
    %add3A_48 = arith.constant 9.99999974E-6 : f32
    %add3A_49 = vector.broadcast %add3A_48 : f32 to vector<1x256xf32>
    %add3A_50 = arith.addf %sub3A, %add3A_49 : vector<1x256xf32>
    %rsqrt3A = math.rsqrt %add3A_50 : vector<1x256xf32>
    %mul3A_51 = vector.broadcast %rsqrt3A : vector<1x256xf32> to vector<10000x256xf32>
    %mul3A_52 = arith.mulf %sub3A_47, %mul3A_51 : vector<10000x256xf32>
    %mul3A_53 = vector.broadcast %get3A_31 : vector<1x256xf32> to vector<10000x256xf32>
    %mul3A_54 = arith.mulf %mul3A_52, %mul3A_53 : vector<10000x256xf32>
    %add3A_55 = vector.broadcast %get3A_34 : vector<1x256xf32> to vector<10000x256xf32>
    %add3A_56 = arith.addf %mul3A_54, %add3A_55 : vector<10000x256xf32>
    %max3A = arith.constant 0.000000e+00 : f32
    %max3A_57 = vector.broadcast %max3A : f32 to vector<10000x256xf32>
    %max3A_58 = arith.maximumf %add3A_56, %max3A_57 : vector<10000x256xf32>
    %get3A_59 = arith.constant 0 : index
    %get3A_60 = arith.constant 0 : index
    %get3A_61 = vector.load %arg7[%get3A_59, %get3A_60] : memref<256x128xf32, #tpu.memory_space<vmem>>, vector<256x128xf32>
    %dot_general3A_62 = arith.constant dense<0.000000e+00> : vector<10000x128xf32>
    %dot_general3A_63 = tpu.matmul %max3A_58, %get3A_61, %dot_general3A_62 {dimension_numbers = #tpu.dot_dimension_numbers<[1], [0], [0], [1], [0, 0, 1, 1], [], []>, transpose_lhs_hint = false} : vector<10000x256xf32>, vector<256x128xf32>, vector<10000x128xf32> -> vector<10000x128xf32>
    %get3A_64 = arith.constant 0 : index
    %get3A_65 = arith.constant 0 : index
    %get3A_66 = vector.load %arg8[%get3A_64, %get3A_65] : memref<1x128xf32, #tpu.memory_space<vmem>>, vector<1x128xf32>
    %add3A_67 = vector.broadcast %get3A_66 : vector<1x128xf32> to vector<10000x128xf32>
    %add3A_68 = arith.addf %dot_general3A_63, %add3A_67 : vector<10000x128xf32>
    %get3A_69 = arith.constant 0 : index
    %get3A_70 = arith.constant 0 : index
    %get3A_71 = vector.load %arg9[%get3A_69, %get3A_70] : memref<1x128xf32, #tpu.memory_space<vmem>>, vector<1x128xf32>
    %get3A_72 = arith.constant 0 : index
    %get3A_73 = arith.constant 0 : index
    %get3A_74 = vector.load %arg10[%get3A_72, %get3A_73] : memref<1x128xf32, #tpu.memory_space<vmem>>, vector<1x128xf32>
    %reduce_sum3A_75 = arith.constant dense<0.000000e+00> : vector<128xf32>
    %reduce_sum3A_76 = vector.multi_reduction <add>, %add3A_68, %reduce_sum3A_75 [0] : vector<10000x128xf32> to vector<128xf32>
    %broadcast_in_dim3A_77 = vector.shape_cast %reduce_sum3A_76 : vector<128xf32> to vector<1x128xf32>
    %div3A_78 = arith.constant 1.000000e+04 : f32
    %div3A_79 = vector.broadcast %div3A_78 : f32 to vector<1x128xf32>
    %div3A_80 = arith.divf %broadcast_in_dim3A_77, %div3A_79 : vector<1x128xf32>
    %mul3A_81 = arith.mulf %add3A_68, %add3A_68 : vector<10000x128xf32>
    %reduce_sum3A_82 = arith.constant dense<0.000000e+00> : vector<128xf32>
    %reduce_sum3A_83 = vector.multi_reduction <add>, %mul3A_81, %reduce_sum3A_82 [0] : vector<10000x128xf32> to vector<128xf32>
    %broadcast_in_dim3A_84 = vector.shape_cast %reduce_sum3A_83 : vector<128xf32> to vector<1x128xf32>
    %div3A_85 = arith.constant 1.000000e+04 : f32
    %div3A_86 = vector.broadcast %div3A_85 : f32 to vector<1x128xf32>
    %div3A_87 = arith.divf %broadcast_in_dim3A_84, %div3A_86 : vector<1x128xf32>
    %mul3A_88 = arith.mulf %div3A_80, %div3A_80 : vector<1x128xf32>
    %sub3A_89 = arith.subf %div3A_87, %mul3A_88 : vector<1x128xf32>
    %sub3A_90 = vector.broadcast %div3A_80 : vector<1x128xf32> to vector<10000x128xf32>
    %sub3A_91 = arith.subf %add3A_68, %sub3A_90 : vector<10000x128xf32>
    %add3A_92 = arith.constant 9.99999974E-6 : f32
    %add3A_93 = vector.broadcast %add3A_92 : f32 to vector<1x128xf32>
    %add3A_94 = arith.addf %sub3A_89, %add3A_93 : vector<1x128xf32>
    %rsqrt3A_95 = math.rsqrt %add3A_94 : vector<1x128xf32>
    %mul3A_96 = vector.broadcast %rsqrt3A_95 : vector<1x128xf32> to vector<10000x128xf32>
    %mul3A_97 = arith.mulf %sub3A_91, %mul3A_96 : vector<10000x128xf32>
    %mul3A_98 = vector.broadcast %get3A_71 : vector<1x128xf32> to vector<10000x128xf32>
    %mul3A_99 = arith.mulf %mul3A_97, %mul3A_98 : vector<10000x128xf32>
    %add3A_100 = vector.broadcast %get3A_74 : vector<1x128xf32> to vector<10000x128xf32>
    %add3A_101 = arith.addf %mul3A_99, %add3A_100 : vector<10000x128xf32>
    %max3A_102 = arith.constant 0.000000e+00 : f32
    %max3A_103 = vector.broadcast %max3A_102 : f32 to vector<10000x128xf32>
    %max3A_104 = arith.maximumf %add3A_101, %max3A_103 : vector<10000x128xf32>
    %swap3A = arith.constant 0 : index
    %swap3A_105 = arith.constant 0 : index
    %swap3A_106 = vector.load %arg12[%swap3A, %swap3A_105] : memref<10000x128xf32, #tpu.memory_space<vmem>>, vector<10000x128xf32>
    tpu.vector_store %arg12[%swap3A, %swap3A_105], %max3A_104 {strides = array<i32>} : memref<10000x128xf32, #tpu.memory_space<vmem>>, vector<10000x128xf32>,
    %get3A_107 = arith.constant 0 : index
    %get3A_108 = arith.constant 0 : index
    %get3A_109 = vector.load %arg11[%get3A_107, %get3A_108] : memref<10000x1xi32, #tpu.memory_space<vmem>>, vector<10000x1xi32>
    %iota3A = tpu.iota {dimensions = array<i32: 1>} : vector<10000x64xi32>
    %eq3A = vector.broadcast %get3A_109 : vector<10000x1xi32> to vector<10000x64xi32>
    %eq3A_110 = arith.cmpi eq, %eq3A, %iota3A : vector<10000x64xi32>
    %convert_element_type3A = arith.extui %eq3A_110 : vector<10000x64xi1> to vector<10000x64xi32>
    %convert_element_type3A_111 = arith.sitofp %convert_element_type3A : vector<10000x64xi32> to vector<10000x64xf32>
    %dot_general3A_112 = arith.constant dense<0.000000e+00> : vector<64x128xf32>
    %dot_general3A_113 = tpu.matmul %convert_element_type3A_111, %max3A_104, %dot_general3A_112 {dimension_numbers = #tpu.dot_dimension_numbers<[0], [0], [1], [1], [0, 1, 1, 1], [], []>, transpose_lhs_hint = false} : vector<10000x64xf32>, vector<10000x128xf32>, vector<64x128xf32> -> vector<64x128xf32>
    %swap3A_114 = arith.constant 0 : index
    %swap3A_115 = arith.constant 0 : index
    %swap3A_116 = vector.load %arg13[%swap3A_114, %swap3A_115] : memref<64x128xf32, #tpu.memory_space<vmem>>, vector<64x128xf32>
    tpu.vector_store %arg13[%swap3A_114, %swap3A_115], %dot_general3A_113 {strides = array<i32>} : memref<64x128xf32, #tpu.memory_space<vmem>>, vector<64x128xf32>,
    return
  }
}

module attributes {stable_mosaic.version = 14 : i64} {
  func.func @_inproj_body(%arg0: memref<10000x128xf32, #tpu.memory_space<vmem>>, %arg1: memref<128x128xf32, #tpu.memory_space<vmem>>, %arg2: memref<1x128xf32, #tpu.memory_space<vmem>>, %arg3: memref<10000x1xi32, #tpu.memory_space<vmem>>, %arg4: memref<10000x128xf32, #tpu.memory_space<vmem>>, %arg5: memref<64x128xf32, #tpu.memory_space<vmem>>) attributes {dimension_semantics = [], scalar_prefetch = 0 : i64, scratch_operands = 0 : i64, tpu.core_type = #tpu.core_type<tc>} {
    %get3A = arith.constant 0 : index
    %get3A_0 = arith.constant 0 : index
    %get3A_1 = vector.load %arg0[%get3A, %get3A_0] : memref<10000x128xf32, #tpu.memory_space<vmem>>, vector<10000x128xf32>
    %get3A_2 = arith.constant 0 : index
    %get3A_3 = arith.constant 0 : index
    %get3A_4 = vector.load %arg1[%get3A_2, %get3A_3] : memref<128x128xf32, #tpu.memory_space<vmem>>, vector<128x128xf32>
    %dot_general3A = arith.constant dense<0.000000e+00> : vector<10000x128xf32>
    %dot_general3A_5 = tpu.matmul %get3A_1, %get3A_4, %dot_general3A {dimension_numbers = #tpu.dot_dimension_numbers<[1], [0], [0], [1], [0, 0, 1, 1], [], []>, transpose_lhs_hint = false} : vector<10000x128xf32>, vector<128x128xf32>, vector<10000x128xf32> -> vector<10000x128xf32>
    %get3A_6 = arith.constant 0 : index
    %get3A_7 = arith.constant 0 : index
    %get3A_8 = vector.load %arg2[%get3A_6, %get3A_7] : memref<1x128xf32, #tpu.memory_space<vmem>>, vector<1x128xf32>
    %add3A = vector.broadcast %get3A_8 : vector<1x128xf32> to vector<10000x128xf32>
    %add3A_9 = arith.addf %dot_general3A_5, %add3A : vector<10000x128xf32>
    %swap3A = arith.constant 0 : index
    %swap3A_10 = arith.constant 0 : index
    %swap3A_11 = vector.load %arg4[%swap3A, %swap3A_10] : memref<10000x128xf32, #tpu.memory_space<vmem>>, vector<10000x128xf32>
    tpu.vector_store %arg4[%swap3A, %swap3A_10], %add3A_9 {strides = array<i32>} : memref<10000x128xf32, #tpu.memory_space<vmem>>, vector<10000x128xf32>,
    %get3A_12 = arith.constant 0 : index
    %get3A_13 = arith.constant 0 : index
    %get3A_14 = vector.load %arg3[%get3A_12, %get3A_13] : memref<10000x1xi32, #tpu.memory_space<vmem>>, vector<10000x1xi32>
    %iota3A = tpu.iota {dimensions = array<i32: 1>} : vector<10000x64xi32>
    %eq3A = vector.broadcast %get3A_14 : vector<10000x1xi32> to vector<10000x64xi32>
    %eq3A_15 = arith.cmpi eq, %eq3A, %iota3A : vector<10000x64xi32>
    %convert_element_type3A = arith.extui %eq3A_15 : vector<10000x64xi1> to vector<10000x64xi32>
    %convert_element_type3A_16 = arith.sitofp %convert_element_type3A : vector<10000x64xi32> to vector<10000x64xf32>
    %dot_general3A_17 = arith.constant dense<0.000000e+00> : vector<64x128xf32>
    %dot_general3A_18 = tpu.matmul %convert_element_type3A_16, %add3A_9, %dot_general3A_17 {dimension_numbers = #tpu.dot_dimension_numbers<[0], [0], [1], [1], [0, 1, 1, 1], [], []>, transpose_lhs_hint = false} : vector<10000x64xf32>, vector<10000x128xf32>, vector<64x128xf32> -> vector<64x128xf32>
    %swap3A_19 = arith.constant 0 : index
    %swap3A_20 = arith.constant 0 : index
    %swap3A_21 = vector.load %arg5[%swap3A_19, %swap3A_20] : memref<64x128xf32, #tpu.memory_space<vmem>>, vector<64x128xf32>
    tpu.vector_store %arg5[%swap3A_19, %swap3A_20], %dot_general3A_18 {strides = array<i32>} : memref<64x128xf32, #tpu.memory_space<vmem>>, vector<64x128xf32>,
    return
  }
}

module attributes {stable_mosaic.version = 14 : i64} {
  func.func @_last_body(%arg0: memref<10000x128xf32, #tpu.memory_space<vmem>>, %arg1: memref<2x10016x128xf32, #tpu.memory_space<vmem>>, %arg2: memref<1x1xf32, #tpu.memory_space<vmem>>, %arg3: memref<128x256xf32, #tpu.memory_space<vmem>>, %arg4: memref<1x256xf32, #tpu.memory_space<vmem>>, %arg5: memref<1x256xf32, #tpu.memory_space<vmem>>, %arg6: memref<1x256xf32, #tpu.memory_space<vmem>>, %arg7: memref<256x128xf32, #tpu.memory_space<vmem>>, %arg8: memref<1x128xf32, #tpu.memory_space<vmem>>, %arg9: memref<1x128xf32, #tpu.memory_space<vmem>>, %arg10: memref<1x128xf32, #tpu.memory_space<vmem>>, %arg11: memref<10000x1xi32, #tpu.memory_space<vmem>>, %arg12: memref<5x64x128xf32, #tpu.memory_space<vmem>>, %arg13: memref<768x128xf32, #tpu.memory_space<vmem>>, %arg14: memref<1x128xf32, #tpu.memory_space<vmem>>, %arg15: memref<64x128xf32, #tpu.memory_space<vmem>>) attributes {dimension_semantics = [], scalar_prefetch = 0 : i64, scratch_operands = 0 : i64, tpu.core_type = #tpu.core_type<tc>} {
    %get3A = arith.constant 0 : index
    %get3A_0 = arith.constant 0 : index
    %get3A_1 = vector.load %arg2[%get3A, %get3A_0] : memref<1x1xf32, #tpu.memory_space<vmem>>, vector<1x1xf32>
    %get3A_2 = vector.extract %get3A_1[0, 0] : f32 from vector<1x1xf32>
    %add3A = arith.constant 1.000000e+00 : f32
    %add3A_3 = arith.addf %add3A, %get3A_2 : f32
    %get3A_4 = arith.constant 0 : index
    %get3A_5 = arith.constant 0 : index
    %get3A_6 = vector.load %arg0[%get3A_4, %get3A_5] : memref<10000x128xf32, #tpu.memory_space<vmem>>, vector<10000x128xf32>
    %mul3A = vector.broadcast %add3A_3 : f32 to vector<10000x128xf32>
    %mul3A_7 = arith.mulf %mul3A, %get3A_6 : vector<10000x128xf32>
    %get3A_8 = arith.constant 0 : index
    %get3A_9 = arith.constant 0 : index
    %get3A_10 = arith.constant 0 : index
    %get3A_11 = vector.load %arg1[%get3A_8, %get3A_9, %get3A_10] : memref<2x10016x128xf32, #tpu.memory_space<vmem>>, vector<1x10000x128xf32>
    %get3A_12 = vector.shape_cast %get3A_11 : vector<1x10000x128xf32> to vector<10000x128xf32>
    %add3A_13 = arith.addf %mul3A_7, %get3A_12 : vector<10000x128xf32>
    %get3A_14 = arith.constant 1 : index
    %get3A_15 = arith.constant 0 : index
    %get3A_16 = arith.constant 0 : index
    %get3A_17 = vector.load %arg1[%get3A_14, %get3A_15, %get3A_16] : memref<2x10016x128xf32, #tpu.memory_space<vmem>>, vector<1x10000x128xf32>
    %get3A_18 = vector.shape_cast %get3A_17 : vector<1x10000x128xf32> to vector<10000x128xf32>
    %add3A_19 = arith.addf %add3A_13, %get3A_18 : vector<10000x128xf32>
    %get3A_20 = arith.constant 0 : index
    %get3A_21 = arith.constant 0 : index
    %get3A_22 = vector.load %arg3[%get3A_20, %get3A_21] : memref<128x256xf32, #tpu.memory_space<vmem>>, vector<128x256xf32>
    %dot_general3A = arith.constant dense<0.000000e+00> : vector<10000x256xf32>
    %dot_general3A_23 = tpu.matmul %add3A_19, %get3A_22, %dot_general3A {dimension_numbers = #tpu.dot_dimension_numbers<[1], [0], [0], [1], [0, 0, 1, 1], [], []>, transpose_lhs_hint = false} : vector<10000x128xf32>, vector<128x256xf32>, vector<10000x256xf32> -> vector<10000x256xf32>
    %get3A_24 = arith.constant 0 : index
    %get3A_25 = arith.constant 0 : index
    %get3A_26 = vector.load %arg4[%get3A_24, %get3A_25] : memref<1x256xf32, #tpu.memory_space<vmem>>, vector<1x256xf32>
    %add3A_27 = vector.broadcast %get3A_26 : vector<1x256xf32> to vector<10000x256xf32>
    %add3A_28 = arith.addf %dot_general3A_23, %add3A_27 : vector<10000x256xf32>
    %get3A_29 = arith.constant 0 : index
    %get3A_30 = arith.constant 0 : index
    %get3A_31 = vector.load %arg5[%get3A_29, %get3A_30] : memref<1x256xf32, #tpu.memory_space<vmem>>, vector<1x256xf32>
    %get3A_32 = arith.constant 0 : index
    %get3A_33 = arith.constant 0 : index
    %get3A_34 = vector.load %arg6[%get3A_32, %get3A_33] : memref<1x256xf32, #tpu.memory_space<vmem>>, vector<1x256xf32>
    %reduce_sum3A = arith.constant dense<0.000000e+00> : vector<256xf32>
    %reduce_sum3A_35 = vector.multi_reduction <add>, %add3A_28, %reduce_sum3A [0] : vector<10000x256xf32> to vector<256xf32>
    %broadcast_in_dim3A = vector.shape_cast %reduce_sum3A_35 : vector<256xf32> to vector<1x256xf32>
    %div3A = arith.constant 1.000000e+04 : f32
    %div3A_36 = vector.broadcast %div3A : f32 to vector<1x256xf32>
    %div3A_37 = arith.divf %broadcast_in_dim3A, %div3A_36 : vector<1x256xf32>
    %mul3A_38 = arith.mulf %add3A_28, %add3A_28 : vector<10000x256xf32>
    %reduce_sum3A_39 = arith.constant dense<0.000000e+00> : vector<256xf32>
    %reduce_sum3A_40 = vector.multi_reduction <add>, %mul3A_38, %reduce_sum3A_39 [0] : vector<10000x256xf32> to vector<256xf32>
    %broadcast_in_dim3A_41 = vector.shape_cast %reduce_sum3A_40 : vector<256xf32> to vector<1x256xf32>
    %div3A_42 = arith.constant 1.000000e+04 : f32
    %div3A_43 = vector.broadcast %div3A_42 : f32 to vector<1x256xf32>
    %div3A_44 = arith.divf %broadcast_in_dim3A_41, %div3A_43 : vector<1x256xf32>
    %mul3A_45 = arith.mulf %div3A_37, %div3A_37 : vector<1x256xf32>
    %sub3A = arith.subf %div3A_44, %mul3A_45 : vector<1x256xf32>
    %sub3A_46 = vector.broadcast %div3A_37 : vector<1x256xf32> to vector<10000x256xf32>
    %sub3A_47 = arith.subf %add3A_28, %sub3A_46 : vector<10000x256xf32>
    %add3A_48 = arith.constant 9.99999974E-6 : f32
    %add3A_49 = vector.broadcast %add3A_48 : f32 to vector<1x256xf32>
    %add3A_50 = arith.addf %sub3A, %add3A_49 : vector<1x256xf32>
    %rsqrt3A = math.rsqrt %add3A_50 : vector<1x256xf32>
    %mul3A_51 = vector.broadcast %rsqrt3A : vector<1x256xf32> to vector<10000x256xf32>
    %mul3A_52 = arith.mulf %sub3A_47, %mul3A_51 : vector<10000x256xf32>
    %mul3A_53 = vector.broadcast %get3A_31 : vector<1x256xf32> to vector<10000x256xf32>
    %mul3A_54 = arith.mulf %mul3A_52, %mul3A_53 : vector<10000x256xf32>
    %add3A_55 = vector.broadcast %get3A_34 : vector<1x256xf32> to vector<10000x256xf32>
    %add3A_56 = arith.addf %mul3A_54, %add3A_55 : vector<10000x256xf32>
    %max3A = arith.constant 0.000000e+00 : f32
    %max3A_57 = vector.broadcast %max3A : f32 to vector<10000x256xf32>
    %max3A_58 = arith.maximumf %add3A_56, %max3A_57 : vector<10000x256xf32>
    %get3A_59 = arith.constant 0 : index
    %get3A_60 = arith.constant 0 : index
    %get3A_61 = vector.load %arg7[%get3A_59, %get3A_60] : memref<256x128xf32, #tpu.memory_space<vmem>>, vector<256x128xf32>
    %dot_general3A_62 = arith.constant dense<0.000000e+00> : vector<10000x128xf32>
    %dot_general3A_63 = tpu.matmul %max3A_58, %get3A_61, %dot_general3A_62 {dimension_numbers = #tpu.dot_dimension_numbers<[1], [0], [0], [1], [0, 0, 1, 1], [], []>, transpose_lhs_hint = false} : vector<10000x256xf32>, vector<256x128xf32>, vector<10000x128xf32> -> vector<10000x128xf32>
    %get3A_64 = arith.constant 0 : index
    %get3A_65 = arith.constant 0 : index
    %get3A_66 = vector.load %arg8[%get3A_64, %get3A_65] : memref<1x128xf32, #tpu.memory_space<vmem>>, vector<1x128xf32>
    %add3A_67 = vector.broadcast %get3A_66 : vector<1x128xf32> to vector<10000x128xf32>
    %add3A_68 = arith.addf %dot_general3A_63, %add3A_67 : vector<10000x128xf32>
    %get3A_69 = arith.constant 0 : index
    %get3A_70 = arith.constant 0 : index
    %get3A_71 = vector.load %arg9[%get3A_69, %get3A_70] : memref<1x128xf32, #tpu.memory_space<vmem>>, vector<1x128xf32>
    %get3A_72 = arith.constant 0 : index
    %get3A_73 = arith.constant 0 : index
    %get3A_74 = vector.load %arg10[%get3A_72, %get3A_73] : memref<1x128xf32, #tpu.memory_space<vmem>>, vector<1x128xf32>
    %reduce_sum3A_75 = arith.constant dense<0.000000e+00> : vector<128xf32>
    %reduce_sum3A_76 = vector.multi_reduction <add>, %add3A_68, %reduce_sum3A_75 [0] : vector<10000x128xf32> to vector<128xf32>
    %broadcast_in_dim3A_77 = vector.shape_cast %reduce_sum3A_76 : vector<128xf32> to vector<1x128xf32>
    %div3A_78 = arith.constant 1.000000e+04 : f32
    %div3A_79 = vector.broadcast %div3A_78 : f32 to vector<1x128xf32>
    %div3A_80 = arith.divf %broadcast_in_dim3A_77, %div3A_79 : vector<1x128xf32>
    %mul3A_81 = arith.mulf %add3A_68, %add3A_68 : vector<10000x128xf32>
    %reduce_sum3A_82 = arith.constant dense<0.000000e+00> : vector<128xf32>
    %reduce_sum3A_83 = vector.multi_reduction <add>, %mul3A_81, %reduce_sum3A_82 [0] : vector<10000x128xf32> to vector<128xf32>
    %broadcast_in_dim3A_84 = vector.shape_cast %reduce_sum3A_83 : vector<128xf32> to vector<1x128xf32>
    %div3A_85 = arith.constant 1.000000e+04 : f32
    %div3A_86 = vector.broadcast %div3A_85 : f32 to vector<1x128xf32>
    %div3A_87 = arith.divf %broadcast_in_dim3A_84, %div3A_86 : vector<1x128xf32>
    %mul3A_88 = arith.mulf %div3A_80, %div3A_80 : vector<1x128xf32>
    %sub3A_89 = arith.subf %div3A_87, %mul3A_88 : vector<1x128xf32>
    %sub3A_90 = vector.broadcast %div3A_80 : vector<1x128xf32> to vector<10000x128xf32>
    %sub3A_91 = arith.subf %add3A_68, %sub3A_90 : vector<10000x128xf32>
    %add3A_92 = arith.constant 9.99999974E-6 : f32
    %add3A_93 = vector.broadcast %add3A_92 : f32 to vector<1x128xf32>
    %add3A_94 = arith.addf %sub3A_89, %add3A_93 : vector<1x128xf32>
    %rsqrt3A_95 = math.rsqrt %add3A_94 : vector<1x128xf32>
    %mul3A_96 = vector.broadcast %rsqrt3A_95 : vector<1x128xf32> to vector<10000x128xf32>
    %mul3A_97 = arith.mulf %sub3A_91, %mul3A_96 : vector<10000x128xf32>
    %mul3A_98 = vector.broadcast %get3A_71 : vector<1x128xf32> to vector<10000x128xf32>
    %mul3A_99 = arith.mulf %mul3A_97, %mul3A_98 : vector<10000x128xf32>
    %add3A_100 = vector.broadcast %get3A_74 : vector<1x128xf32> to vector<10000x128xf32>
    %add3A_101 = arith.addf %mul3A_99, %add3A_100 : vector<10000x128xf32>
    %max3A_102 = arith.constant 0.000000e+00 : f32
    %max3A_103 = vector.broadcast %max3A_102 : f32 to vector<10000x128xf32>
    %max3A_104 = arith.maximumf %add3A_101, %max3A_103 : vector<10000x128xf32>
    %get3A_105 = arith.constant 0 : index
    %get3A_106 = arith.constant 0 : index
    %get3A_107 = vector.load %arg11[%get3A_105, %get3A_106] : memref<10000x1xi32, #tpu.memory_space<vmem>>, vector<10000x1xi32>
    %iota3A = tpu.iota {dimensions = array<i32: 1>} : vector<10000x64xi32>
    %eq3A = vector.broadcast %get3A_107 : vector<10000x1xi32> to vector<10000x64xi32>
    %eq3A_108 = arith.cmpi eq, %eq3A, %iota3A : vector<10000x64xi32>
    %convert_element_type3A = arith.extui %eq3A_108 : vector<10000x64xi1> to vector<10000x64xi32>
    %convert_element_type3A_109 = arith.sitofp %convert_element_type3A : vector<10000x64xi32> to vector<10000x64xf32>
    %dot_general3A_110 = arith.constant dense<0.000000e+00> : vector<64x128xf32>
    %dot_general3A_111 = tpu.matmul %convert_element_type3A_109, %max3A_104, %dot_general3A_110 {dimension_numbers = #tpu.dot_dimension_numbers<[0], [0], [1], [1], [0, 1, 1, 1], [], []>, transpose_lhs_hint = false} : vector<10000x64xf32>, vector<10000x128xf32>, vector<64x128xf32> -> vector<64x128xf32>
    %get3A_112 = arith.constant 0 : index
    %get3A_113 = arith.constant 0 : index
    %get3A_114 = arith.constant 0 : index
    %get3A_115 = vector.load %arg12[%get3A_112, %get3A_113, %get3A_114] : memref<5x64x128xf32, #tpu.memory_space<vmem>>, vector<5x64x128xf32>
    %slice3A = vector.extract_strided_slice %get3A_115 {offsets = [0, 0, 0], sizes = [1, 64, 128], strides = [1, 1, 1]} : vector<5x64x128xf32> to vector<1x64x128xf32>
    %squeeze3A = vector.shape_cast %slice3A : vector<1x64x128xf32> to vector<64x128xf32>
    %slice3A_116 = vector.extract_strided_slice %get3A_115 {offsets = [1, 0, 0], sizes = [1, 64, 128], strides = [1, 1, 1]} : vector<5x64x128xf32> to vector<1x64x128xf32>
    %squeeze3A_117 = vector.shape_cast %slice3A_116 : vector<1x64x128xf32> to vector<64x128xf32>
    %slice3A_118 = vector.extract_strided_slice %get3A_115 {offsets = [2, 0, 0], sizes = [1, 64, 128], strides = [1, 1, 1]} : vector<5x64x128xf32> to vector<1x64x128xf32>
    %squeeze3A_119 = vector.shape_cast %slice3A_118 : vector<1x64x128xf32> to vector<64x128xf32>
    %slice3A_120 = vector.extract_strided_slice %get3A_115 {offsets = [3, 0, 0], sizes = [1, 64, 128], strides = [1, 1, 1]} : vector<5x64x128xf32> to vector<1x64x128xf32>
    %squeeze3A_121 = vector.shape_cast %slice3A_120 : vector<1x64x128xf32> to vector<64x128xf32>
    %slice3A_122 = vector.extract_strided_slice %get3A_115 {offsets = [4, 0, 0], sizes = [1, 64, 128], strides = [1, 1, 1]} : vector<5x64x128xf32> to vector<1x64x128xf32>
    %squeeze3A_123 = vector.shape_cast %slice3A_122 : vector<1x64x128xf32> to vector<64x128xf32>
    %concatenate3A = tpu.concatenate %squeeze3A, %squeeze3A_117, %squeeze3A_119, %squeeze3A_121, %squeeze3A_123, %dot_general3A_111 in 1 : vector<64x128xf32>, vector<64x128xf32>, vector<64x128xf32>, vector<64x128xf32>, vector<64x128xf32>, vector<64x128xf32> -> vector<64x768xf32>
    %get3A_124 = arith.constant 0 : index
    %get3A_125 = arith.constant 0 : index
    %get3A_126 = vector.load %arg13[%get3A_124, %get3A_125] : memref<768x128xf32, #tpu.memory_space<vmem>>, vector<768x128xf32>
    %dot_general3A_127 = arith.constant dense<0.000000e+00> : vector<64x128xf32>
    %dot_general3A_128 = tpu.matmul %concatenate3A, %get3A_126, %dot_general3A_127 {dimension_numbers = #tpu.dot_dimension_numbers<[1], [0], [0], [1], [0, 0, 1, 1], [], []>, transpose_lhs_hint = false} : vector<64x768xf32>, vector<768x128xf32>, vector<64x128xf32> -> vector<64x128xf32>
    %get3A_129 = arith.constant 0 : index
    %get3A_130 = arith.constant 0 : index
    %get3A_131 = vector.load %arg14[%get3A_129, %get3A_130] : memref<1x128xf32, #tpu.memory_space<vmem>>, vector<1x128xf32>
    %add3A_132 = vector.broadcast %get3A_131 : vector<1x128xf32> to vector<64x128xf32>
    %add3A_133 = arith.addf %dot_general3A_128, %add3A_132 : vector<64x128xf32>
    %swap3A = arith.constant 0 : index
    %swap3A_134 = arith.constant 0 : index
    %swap3A_135 = vector.load %arg15[%swap3A, %swap3A_134] : memref<64x128xf32, #tpu.memory_space<vmem>>, vector<64x128xf32>
    tpu.vector_store %arg15[%swap3A, %swap3A_134], %add3A_133 {strides = array<i32>} : memref<64x128xf32, #tpu.memory_space<vmem>>, vector<64x128xf32>,
    return
  }
}

</mosaic_0001>

<sc_bundles>
// kernel: kernel.13.cloned.1.call-start
scs
__scs_entry_jumppad:
0x0: {  	(pc) =	sbr.rel $0x88, $3  }
0x1: {  	(tag) =	ssettag $0x0;
	lr =	simm.s32 $0x1  }
0x2: {  	[smem:$0x3F6D] =	sst lr;
	_ =	strace $0xD0000000  }
0x3: {  	_ = 	snop  }
0x4: {  	_ = 	snop  }
0x5: {  	_ = 	snop  }
0x6: {  	_ = 	snop  }
0x7: {  	_ = 	snop  }
__scs_overlays_trampoline_lowered:
0x8: {  	[smem:$0x3F7C] =	sst s0  }
0x9: {  	[smem:$0x3F7D] =	sst s1  }
0xa: {  	[smem:$0x3F7E] =	sst s2  }
0xb: {  	[smem:$0x3F7F] =	sst s3  }
0xc: {  	[smem:$0x3F80] =	sst s4  }
0xd: {  	[smem:$0x3F81] =	sst s5  }
0xe: {  	[smem:$0x3F82] =	sst s6  }
0xf: {  	[smem:$0x3F83] =	sst s7  }
0x10: {  	[smem:$0x3F84] =	sst s8  }
0x11: {  	[smem:$0x3F85] =	sst s9;
	s0 =	simm.s32 @!p0 $0x0  }
0x12: {  	s1 =	sld [smem:$0x3F6B];
	s0 =	simm.s32 @p0 $0x1  }
0x13: {  	[smem:$0x3F86] =	sst s0;
	s0 =	simm.s32 @!p1 $0x0  }
0x14: {  	s2 =	sld [smem:$0x3F6A];
	s0 =	simm.s32 @p1 $0x1  }
0x15: {  	[smem:$0x3F87] =	sst s0;
	s0 =	simm.s32 @!p2 $0x0  }
0x16: {  	s3 =	sld [smem:$0x3FDB];
	s0 =	simm.s32 @p2 $0x1  }
0x17: {  	s4 =	simm.s32 $0x1BF5;
	[smem:$0x3F89] =	sst s0  }
0x18: {  	s0 =	sld [smem:$0x3F6C];
	_ =	swait.ge [sflag:s4], $0x0  }
0x19: {  	s7 =	sld [smem:$0x3F6D]  }
0x1a: {  	s8 =	sadd.s32 $0xFFFFE003, lr  }
0x1b: {  	s9 =	sadd.s32 $0xFFFFFEF7, lr;
	s5 =	simm.s32 $0xFFFFFFFF;
	p2 =	slt.u32 s8, $0xFFFFF086  }
0x1c: {  	p1 =	slt.u32 s9, $0xF7A;
	s5 =	simm.s32 @!p2 $0x0  }
0x1d: {  	s5 =	simm.s32 @p1 $0x1;
	p0 =	seq.s32 s7, s2  }
0x1e: {  	s7 =	smul.u32 @!p0 $0xF7A, s2;
	p2 =	seq.s32 @!p0 s5, $0x0  }
0x1f: {  	s9 =	smul.u32 $0xF7A, s1;
	s8 =	simm.s32 @!p0 $0x1BF5;
	p2 =	por !p2, p0  }
0x20: {  	[sflag:s8] =	ssyncset.s32 @!p0 $0xFFFFF086;
	s6 =	sadd.s32 @!p0 s3, s7;
	s7 =	simm.s32 @!p0 $0x108  }
0x21: {  	s3 =	sadd.s32 s3, s9;
	s6 =	sadd.s32 @!p0 $0x88, s6;
	s7 =	simm.s32 @p2 $0x1082  }
0x22: {  	[simem:s7], [sflag:s8] =	dma.local @!p0 [hbm:s6], $0xF7A  }
0x23: {  	s9 =	sor.u32 $0xD0000000, s2;
	s6 =	simm.s32 $0x108;
	_ =	swait.ge @!p0 [sflag:s8], $0x0  }
0x24: {  	s3 =	sadd.s32 $0x88, s3;
	s6 =	simm.s32 @!p1 $0x1082;
	[sflag:s4] =	ssyncset.s32 $0xFFFFF086  }
0x25: {  	[simem:s6], [sflag:s4] =	dma.local [hbm:s3], $0xF7A  }
0x26: {  	[smem:$0x3F6D] =	sst s1;
	(tag) =	ssettag s2;
	_ =	strace s9  }
0x27: {  	s1 =	sld [smem:$0x3F7D]  }
0x28: {  	s2 =	sld [smem:$0x3F7E]  }
0x29: {  	s4 =	sld [smem:$0x3F80]  }
0x2a: {  	p0 =	seq.s32 s5, $0x0;
	s5 =	sld [smem:$0x3F81]  }
0x2b: {  	s6 =	sld [smem:$0x3F82]  }
0x2c: {  	s7 =	sld [smem:$0x3F83]  }
0x2d: {  	s3 =	simm.s32 $0x108;
	s8 =	sld [smem:$0x3F84]  }
0x2e: {  	s3 =	simm.s32 @!p0 $0x1082;
	s9 =	sld [smem:$0x3F85]  }
0x2f: {  	lr =	sadd.s32 s0, s3;
	s0 =	sld [smem:$0x3F7C]  }
0x30: {  	s3 =	sld [smem:$0x3F7F]  }
0x31: {  	[smem:$0x3F88] =	sst s10  }
0x32: {  	s10 =	sld [smem:$0x3F86];
	_ =	sdelay $0x3  }
0x33: {  	p0 =	seq.s32 s10, $0x1;
	s10 =	sld [smem:$0x3F88];
	_ =	sdelay $0x3  }
0x34: {  	[smem:$0x3F88] =	sst s10  }
0x35: {  	s10 =	sld [smem:$0x3F87];
	_ =	sdelay $0x3  }
0x36: {  	p1 =	seq.s32 s10, $0x1;
	s10 =	sld [smem:$0x3F88];
	_ =	sdelay $0x3  }
0x37: {  	[smem:$0x3F88] =	sst s10  }
0x38: {  	s10 =	sld [smem:$0x3F89]  }
0x39: {  	_ = 	snop;
	(pc) =	sbr.ind lr, $3  }
0x3a: {  	_ = 	snop  }
0x3b: {  	_ = 	snop  }
0x3c: {  	p2 =	seq.s32 s10, $0x1;
	s10 =	sld [smem:$0x3F88]  }
0x3d: {  	_ =	shalt  }
0x3e: {  	_ =	shalt  }
0x3f: {  	_ =	shalt  }
0x40: {  	_ =	shalt  }
0x41: {  	_ =	shalt  }
0x42: {  	_ =	shalt  }
0x43: {  	_ =	shalt  }
0x44: {  	_ =	shalt  }
0x45: {  	_ =	shalt  }
0x46: {  	_ =	shalt  }
0x47: {  	_ =	shalt  }
0x48: {  	_ =	shalt  }
0x49: {  	_ =	shalt  }
0x4a: {  	_ =	shalt  }
0x4b: {  	_ =	shalt  }
0x4c: {  	_ =	shalt  }
0x4d: {  	_ =	shalt  }
0x4e: {  	_ =	shalt  }
0x4f: {  	_ =	shalt  }
0x50: {  	_ =	shalt  }
0x51: {  	_ =	shalt  }
0x52: {  	_ =	shalt  }
0x53: {  	_ =	shalt  }
0x54: {  	_ =	shalt  }
0x55: {  	_ =	shalt  }
0x56: {  	_ =	shalt  }
0x57: {  	_ =	shalt  }
0x58: {  	_ =	shalt  }
0x59: {  	_ =	shalt  }
0x5a: {  	_ =	shalt  }
0x5b: {  	_ =	shalt  }
0x5c: {  	_ =	shalt  }
0x5d: {  	_ =	shalt  }
0x5e: {  	_ =	shalt  }
0x5f: {  	_ =	shalt  }
0x60: {  	_ =	shalt  }
0x61: {  	_ =	shalt  }
0x62: {  	_ =	shalt  }
0x63: {  	_ =	shalt  }
0x64: {  	_ =	shalt  }
0x65: {  	_ =	shalt  }
0x66: {  	_ =	shalt  }
0x67: {  	_ =	shalt  }
0x68: {  	_ =	shalt  }
0x69: {  	_ =	shalt  }
0x6a: {  	_ =	shalt  }
0x6b: {  	_ =	shalt  }
0x6c: {  	_ =	shalt  }
0x6d: {  	_ =	shalt  }
0x6e: {  	_ =	shalt  }
0x6f: {  	_ =	shalt  }
0x70: {  	_ =	shalt  }
0x71: {  	_ =	shalt  }
0x72: {  	_ =	shalt  }
0x73: {  	_ =	shalt  }
0x74: {  	_ =	shalt  }
0x75: {  	_ =	shalt  }
0x76: {  	_ =	shalt  }
0x77: {  	_ =	shalt  }
0x78: {  	_ =	shalt  }
0x79: {  	_ =	shalt  }
0x7a: {  	_ =	shalt  }
0x7b: {  	_ =	shalt  }
0x7c: {  	_ =	shalt  }
0x7d: {  	_ =	shalt  }
0x7e: {  	_ =	shalt  }
0x7f: {  	_ =	shalt  }
0x80: {  	_ =	shalt  }
0x81: {  	_ =	shalt  }
0x82: {  	_ =	shalt  }
0x83: {  	_ =	shalt  }
0x84: {  	_ =	shalt  }
0x85: {  	_ =	shalt  }
0x86: {  	_ =	shalt  }
0x87: {  	_ =	shalt  }
.Lfunc_end0:
.L_simem_size_0:
called_computation_lowered:
.L_overlay_start_0:
0x88: {  	s2 =	sld [smem:$0x3FD9]  }
0x89: {  	s3 =	sld [smem:$0x3FFE];
	_ =	sdelay $0x1  }
0x8a: {  	s1 =	srdreg.scid  }
0x8b: {  	s0 =	sand.u32 $0x1, s1  }
0x8c: {  	s16 =	sshll.u32 s0, $0xA;
	s2 =	sadd.s32 s3, s2  }
0x8d: {  	s2 =	sadd.s32 s2, s16  }
0x8e: {  	[smem:$0x3F94] =	sst s2  }
0x8f: {  	_ = 	snop  }
0x90: {  	(tm) =	ssettm $0x1  }
0x91: {  	s17 =	sld [smem:$0x3FFB];
	_ =	sdelay $0x3  }
0x92: {  	_ =	strace s17  }
0x93: {  	s2 =	sld [smem:$0x3FFC];
	_ =	sdelay $0x3  }
0x94: {  	_ =	strace s2  }
0x95: {  	s2 =	sld [smem:$0x3FFD];
	_ =	sdelay $0x3  }
0x96: {  	_ =	strace s2  }
0x97: {  	_ =	strace $0x8FFFFFFF  }
0x98: {  	s18 =	sld [smem:$0x3FDB];
	_ =	sdelay $0x1  }
0x99: {  	s19 =	simm.s32 $_scs_section_size  }
0x9a: {  	s4 =	simm.s32 $_size__tile_overlayer_lowered;
	s5 =	simm.s32 $_tile_overlayer_lowered  }
0x9b: {  	s22 =	simm.s32 $0x1BFF;
	s21 =	sshll.u32 s5, $0x1;
	s2 =	sadd.s32 s19, s18  }
0x9c: {  	s6 =	simm.s32 $0x0;
	s20 =	sshll.u32 s4, $0x1;
	s4 =	sadd.s32 s21, s2  }
0x9d: {  	[timem:s6], [sflag:s22] =	dma.local [hbm:s4], s20  }
0x9e: {  	_ =	swait.ge [sflag:s22], s20  }
0x9f: {  	s3 =	ssub.s32 $0x0, s20;
	[sflag:s22] =	ssyncset.done $0x0  }
0xa0: {  	[sflag:s22] =	ssyncadd.s32 s3;
	_ =	sdelay $0x1  }
0xa1: {  	s23 =	simm.s32 $0x1B8B  }
0xa2: {  	_ =	swait.ge [sflag:s23], $0x1  }
0xa3: {  	[sflag:s23] =	ssyncset.done $0x0  }
0xa4: {  	s25 =	simm.s32 $0x1B8E;
	s24 =	sld [smem:$0x3FFE];
	[sflag:s23] =	ssyncadd.s32 $0xFFFFFFFF  }
0xa5: {  	s26 =	simm.s32 $execute0_lowered;
	[smem:$0x3FD2] =	sst s25  }
0xa6: {  	s4 =	sshll.u32 s26, $0x1;
	_ =	strace $0x80000046;
	[dreg:$0x1] =	wrdreg $0xFFFFFFFF  }
0xa7: {  	s28 =	simm.s32 $_size_execute0_lowered;
	s2 =	sadd.s32 s2, s4;
	[dreg:$0x0] =	wrdreg $0x0  }
0xa8: {  	s4 =	sshll.u32 s28, $0x1;
	[dreg:$0x2] =	wrdreg s2  }
0xa9: {  	[dreg:$0x3] =	wrdreg s4  }
0xaa: {  	[dreg:$0x4] =	wrdreg $0xC0  }
0xab: {  	_ =	task [dreg:s6], $0x5FFFF  }
0xac: {  	[dreg:$0x1] =	wrdreg $0xFFFFFFFF  }
0xad: {  	[dreg:$0x0] =	wrdreg $0x60  }
0xae: {  	[dreg:$0x2] =	wrdreg s24  }
0xaf: {  	[dreg:$0x3] =	wrdreg $0xC6200  }
0xb0: {  	[dreg:$0x4] =	wrdreg $0x9  }
0xb1: {  	_ =	task.clear_ibuf [dreg:s6], $0x5FFFF;
	_ =	strace $0x90000046  }
0xb2: {  	s29 =	simm.s32 $0x9;
	_ =	strace $0x80000048  }
0xb3: {  	_ =	swait.ge [sflag:s29], $0x1  }
0xb4: {  	[sflag:s29] =	ssyncadd.s32 $0xFFFFFFFF  }
0xb5: {  	_ =	strace $0x90000048  }
0xb6: {  	_ =	sfence  }
0xb7: {  	s30 =	sld [smem:$0x0];
	_ =	sdelay $0x2  }
0xb8: {  	s31 =	sshll.u32 s1, $0xD;
	s1 =	sshrl.u32 s1, $0x2  }
0xb9: {  	s3 =	sand.u32 $0x4000, s31;
	s1 =	sadd.s32 s1, s30  }
0xba: {  	s0 =	sor.u32 s3, s0;
	s1 =	sshll.u32 s1, $0x11  }
0xbb: {  	s0 =	sor.u32 s1, s0  }
0xbc: {  	s0 =	sadd.s32 $0x8F2B, s0  }
0xbd: {  	[sflag:s0] =	ssyncadd.remote.s32 $0x1  }
0xbe: {  	_ =	sfence.sel $0xFFFF  }
0xbf: {  	[dreg:$0x0] =	wrdreg $0xFFFFFFFF;
	(pc) =	sbr.abs _section_cstart, $3  }
0xc0: {  	[dreg:$0x1] =	wrdreg $0xFFFFFFFF  }
0xc1: {  	_ =	task.clear_ibuf [dreg:s6], $0x2FFFF;
	_ =	strace $0x9FFFFFFF  }
0xc2: {  	(tm) =	ssettm $0x7FFFFFFF  }
0xc3: {  	_ =	shalt  }
tec
execute0_lowered:
.L_overlay_start_1:
0x0: {  	(tag) =	ssettag $0x1  }
0x1: {  	s5 =	rddreg [dreg:$0x0]  }
0x2: {  	s2 =	rddreg [dreg:$0x1];
	s4 =	srdreg.scid  }
0x3: {  	s1 =	stileid.u32;
	s3 =	simm.s32 $0x0;
	s17 =	simm.s32 $0x2710  }
0x4: {  	s18 =	simm.s32 $0x4E20;
	s19 =	simm.s32 $0x3;
	s20 =	simm.s32 $0x1  }
0x5: {  	s21 =	simm.s32 $0x2;
	s22 =	simm.s32 $0x50;
	s23 =	simm.s32 $0x7620  }
0x6: {  	s24 =	simm.s32 $0x9E20;
	s25 =	simm.s32 $0x4;
	s26 =	simm.s32 $0x4D80  }
0x7: {  	s28 =	simm.s32 $0x4DD0;
	s29 =	simm.s32 $0x0;
	s7 =	smul.u32 $0x13900, s1  }
0x8: {  	s6 =	sand.u32 $0x1, s4;
	[smem:$0x7FF] =	sst s3;
	s10 =	smul.u32 $0x4E400, s1  }
0x9: {  	s4 =	sshll.u32 s6, $0x4;
	s8 =	smul.u32 $0x139000, s6;
	_ =	strace $0x80000047  }
0xa: {  	s6 =	ssub.s32 $0x2, s6;
	s9 =	sor.u32 s1, s4;
	s4 =	sadd.s32 $0x1CA00, s5  }
0xb: {  	s30 =	sshrl.u32 s6, $0x1;
	s31 =	sshrl.u32 s10, $0x2;
	s9 =	smul.u32 $0x4E2, s9  }
0xc: {  	s8 =	sadd.s32 s7, s8;
	s16 =	ssub.s32 s6, s30;
	s14 =	sadd.s32 s31, s2  }
0xd: {  	s7 =	sadd.s32 s7, s2;
	s8 =	sshrl.u32 s8, $0x3;
	s10 =	sadd.s32 $0x7800, s14  }
0xe: {  	s11 =	sadd.s32 $0xA000, s14;
	s12 =	sadd.s32 $0xC800, s14;
	s13 =	sadd.s32 $0xF000, s14  }
0xf: {  	s16 =	smax.u32 s16, $0x1;
	s9 =	sadd.s32 s9, s5;
	s15 =	sadd.s32 s8, s5  }
0x10: {  	s8 =	sadd.s32 $0x2800, s14;
	s5 =	sadd.s32 $0x12C00, s9;
	s6 =	sadd.s32 $0x8E00, s9  }
0x11: {  	v0 =	vimm.f32 $0.0e+00;
	s9 =	sadd.s32 $0x5000, s14;
	s14 =	sadd.s32 $0x11800, s14;
	s15 =	sadd.s32 $0x43C00, s15  }
.LBB2_1:
0x12: {  	[tilespmem:s3], [sflag:$0x1] =	stream.linear.gather [hbm4b:s5+s3], $0x2710, $0x38;
	[tilespmem:$0x1FF20] =	vst v63  }
0x13: {  	s30 =	simm.s32 $0x0;
	s31 =	simm.s32 $0x200  }
0x14: {  	[tilespmem:s17], [sflag:$0x2] =	stream.linear.gather [hbm4b:s6+s3], $0x2710, $0x38;
	[tilespmem:$0x1FF20] =	vst v63  }
.LBB2_2:
0x15: {  	p0 =	sne.s32 s31, $0x9E00;
	[tilespmem:s30+$0x4E90] =	vst v0  }
0x16: {  	[tilespmem:s30+$0x4E20] =	vst v0  }
0x17: {  	[tilespmem:s30+$0x4E30] =	vst v0  }
.Ltmp0:
0x18: {  	[tilespmem:s30+$0x4E40] =	vst v0;
	(pc) =	sbr.rel @p0 .LBB2_2-.Ltmp0, $4  }
0x19: {  	[tilespmem:s30+$0x4E50] =	vst v0  }
0x1a: {  	[tilespmem:s30+$0x4E60] =	vst v0  }
0x1b: {  	[tilespmem:s30+$0x4E70] =	vst v0  }
0x1c: {  	[tilespmem:s30+$0x4E80] =	vst v0;
	s30 =	sshra.s32 s31, $0x2;
	s31 =	sadd.s32 $0x200, s31  }
0x1d: {  	[tilespmem:s30+$0x4E90] =	vst v0  }
0x1e: {  	[tilespmem:s30+$0x4E20] =	vst v0  }
0x1f: {  	[tilespmem:s30+$0x4E30] =	vst v0  }
0x20: {  	[tilespmem:s30+$0x4E40] =	vst v0  }
0x21: {  	[tilespmem:s30+$0x4E50] =	vst v0  }
0x22: {  	[tilespmem:s30+$0x4E60] =	vst v0  }
0x23: {  	[tilespmem:s30+$0x4E70] =	vst v0  }
0x24: {  	[tilespmem:s30+$0x4E80] =	vst v0  }
0x25: {  	[spmem:s7] =	stream.linear.scatter [tilespmem:s18], [sflag:$0x3], $0x2800, $0x38;
	[tilespmem:$0x1FF20] =	vst v63  }
0x26: {  	_ = 	snop  }
0x27: {  	[spmem:s8] =	stream.linear.scatter [tilespmem:s18], [sflag:$0x3], $0x2800, $0x38;
	[tilespmem:$0x1FF20] =	vst v63  }
0x28: {  	_ = 	snop  }
0x29: {  	[spmem:s9] =	stream.linear.scatter [tilespmem:s18], [sflag:$0x3], $0x2800, $0x38;
	[tilespmem:$0x1FF20] =	vst v63  }
0x2a: {  	_ = 	snop  }
0x2b: {  	[spmem:s10] =	stream.linear.scatter [tilespmem:s18], [sflag:$0x3], $0x2800, $0x38;
	[tilespmem:$0x1FF20] =	vst v63  }
0x2c: {  	_ = 	snop  }
0x2d: {  	[spmem:s11] =	stream.linear.scatter [tilespmem:s18], [sflag:$0x3], $0x2800, $0x38;
	[tilespmem:$0x1FF20] =	vst v63  }
0x2e: {  	_ = 	snop  }
0x2f: {  	[spmem:s12] =	stream.linear.scatter [tilespmem:s18], [sflag:$0x3], $0x2800, $0x38;
	[tilespmem:$0x1FF20] =	vst v63  }
0x30: {  	_ = 	snop  }
0x31: {  	[spmem:s13] =	stream.linear.scatter [tilespmem:s18], [sflag:$0x3], $0x2800, $0x38;
	[tilespmem:$0x1FF20] =	vst v63  }
0x32: {  	_ = 	snop  }
0x33: {  	[spmem:s14] =	stream.linear.scatter [tilespmem:s18], [sflag:$0x3], $0x2100, $0x38;
	[tilespmem:$0x1FF20] =	vst v63  }
0x34: {  	_ =	swait.ge [sflag:s19], $0x2800  }
0x35: {  	[sflag:s19] =	ssyncset.done $0x0  }
0x36: {  	[sflag:s19] =	ssyncadd.s32 $0xFFFFD800  }
0x37: {  	_ =	swait.ge [sflag:s19], $0x2800  }
0x38: {  	[sflag:s19] =	ssyncset.done $0x0  }
0x39: {  	[sflag:s19] =	ssyncadd.s32 $0xFFFFD800  }
0x3a: {  	_ =	swait.ge [sflag:s19], $0x2800  }
0x3b: {  	[sflag:s19] =	ssyncset.done $0x0  }
0x3c: {  	[sflag:s19] =	ssyncadd.s32 $0xFFFFD800  }
0x3d: {  	_ =	swait.ge [sflag:s19], $0x2800  }
0x3e: {  	[sflag:s19] =	ssyncset.done $0x0  }
0x3f: {  	[sflag:s19] =	ssyncadd.s32 $0xFFFFD800  }
0x40: {  	_ =	swait.ge [sflag:s19], $0x2800  }
0x41: {  	[sflag:s19] =	ssyncset.done $0x0  }
0x42: {  	[sflag:s19] =	ssyncadd.s32 $0xFFFFD800  }
0x43: {  	_ =	swait.ge [sflag:s19], $0x2800  }
0x44: {  	[sflag:s19] =	ssyncset.done $0x0  }
0x45: {  	[sflag:s19] =	ssyncadd.s32 $0xFFFFD800  }
0x46: {  	_ =	swait.ge [sflag:s19], $0x2800  }
0x47: {  	[sflag:s19] =	ssyncset.done $0x0  }
0x48: {  	[sflag:s19] =	ssyncadd.s32 $0xFFFFD800  }
0x49: {  	_ =	swait.ge [sflag:s19], $0x2100  }
0x4a: {  	[sflag:s19] =	ssyncset.done $0x0  }
0x4b: {  	[sflag:s19] =	ssyncadd.s32 $0xFFFFDF00  }
0x4c: {  	_ =	swait.ge [sflag:s20], $0x2710  }
0x4d: {  	[sflag:s20] =	ssyncset.done $0x0  }
0x4e: {  	[sflag:s20] =	ssyncadd.s32 $0xFFFFD8F0  }
0x4f: {  	_ =	swait.ge [sflag:s21], $0x2710  }
0x50: {  	[sflag:s21] =	ssyncset.done $0x0  }
0x51: {  	[sflag:s21] =	ssyncadd.s32 $0xFFFFD8F0  }
0x52: {  	s30 =	simm.s32 $0x0;
	[bflag:$0x0] =	sbarrier.arrive $0xFFFF  }
0x53: {  	[tilespmem:s18], [sflag:$0x1] =	stream.indirect.gather [hbm4b:s4+s22], $0x80, s30, s22, $0xb8;
	[tilespmem:$0x1FF20] =	vst v63  }
0x54: {  	_ = 	snop  }
0x55: {  	[tilespmem:s23], [sflag:$0x2] =	stream.indirect.gather [hbm4b:s4+s22], $0x80, s22, s22, $0xb8;
	[tilespmem:$0x1FF20] =	vst v63  }
0x56: {  	_ =	swait.ge [sflag:s20], $0x2800  }
0x57: {  	[sflag:s20] =	ssyncset.done $0x0  }
0x58: {  	s30 =	simm.s32 $0xA0;
	[sflag:s20] =	ssyncadd.s32 $0xFFFFD800  }
0x59: {  	[tilespmem:s24], [sflag:$0x3] =	stream.indirect.gather [hbm4b:s4+s22], $0x80, s30, s22, $0xb8;
	[tilespmem:$0x1FF20] =	vst v63  }
0x5a: {  	s30 =	simm.s32 $0x2710  }
0x5b: {  	[spmem:s2] =	stream.indirect.scatter.add.f32 [tilespmem:s18], [sflag:$0x4], $0x80, s30, s22, $0xb8;
	[tilespmem:$0x1FF20] =	vst v63  }
0x5c: {  	_ =	swait.ge [sflag:s25], $0x2800  }
0x5d: {  	[sflag:s25] =	ssyncset.done $0x0  }
0x5e: {  	[sflag:s25] =	ssyncadd.s32 $0xFFFFD800  }
0x5f: {  	_ =	swait.ge [sflag:s21], $0x2800  }
0x60: {  	[sflag:s21] =	ssyncset.done $0x0  }
0x61: {  	s30 =	simm.s32 $0xF0;
	[sflag:s21] =	ssyncadd.s32 $0xFFFFD800  }
0x62: {  	[tilespmem:s18], [sflag:$0x1] =	stream.indirect.gather [hbm4b:s4+s22], $0x80, s30, s22, $0xb8;
	[tilespmem:$0x1FF20] =	vst v63  }
0x63: {  	s30 =	simm.s32 $0x2760  }
0x64: {  	[spmem:s2] =	stream.indirect.scatter.add.f32 [tilespmem:s23], [sflag:$0x4], $0x80, s30, s22, $0xb8;
	[tilespmem:$0x1FF20] =	vst v63  }
0x65: {  	_ =	swait.ge [sflag:s25], $0x2800  }
0x66: {  	[sflag:s25] =	ssyncset.done $0x0  }
0x67: {  	[sflag:s25] =	ssyncadd.s32 $0xFFFFD800  }
0x68: {  	_ =	swait.ge [sflag:s19], $0x2800  }
0x69: {  	[sflag:s19] =	ssyncset.done $0x0  }
0x6a: {  	s30 =	simm.s32 $0x140;
	[sflag:s19] =	ssyncadd.s32 $0xFFFFD800  }
0x6b: {  	[tilespmem:s23], [sflag:$0x2] =	stream.indirect.gather [hbm4b:s4+s22], $0x80, s30, s22, $0xb8;
	[tilespmem:$0x1FF20] =	vst v63  }
0x6c: {  	s30 =	simm.s32 $0x27B0  }
0x6d: {  	[spmem:s2] =	stream.indirect.scatter.add.f32 [tilespmem:s24], [sflag:$0x4], $0x80, s30, s22, $0xb8;
	[tilespmem:$0x1FF20] =	vst v63  }
0x6e: {  	_ =	swait.ge [sflag:s25], $0x2800  }
0x6f: {  	s30 =	simm.s32 $0x3C0;
	[sflag:s25] =	ssyncset.done $0x0  }
.LBB2_4:
0x70: {  	p0 =	sne.s32 s30, $0x9600  }
0x71: {  	[sflag:s25] =	ssyncadd.s32 $0xFFFFD800;
	s31 =	smov.u32 s30;
	s30 =	sadd.s32 $0x3C0, s30  }
0x72: {  	_ = 	snop  }
0x73: {  	_ =	swait.ge [sflag:s20], $0x2800  }
0x74: {  	s31 =	sshra.s32 s31, $0x2;
	[sflag:s20] =	ssyncset.done $0x0  }
0x75: {  	s0 =	sadd.s32 $0xA0, s31;
	[sflag:s20] =	ssyncadd.s32 $0xFFFFD800  }
0x76: {  	[tilespmem:s24], [sflag:$0x3] =	stream.indirect.gather [hbm4b:s4+s22], $0x80, s0, s22, $0xb8;
	[tilespmem:$0x1FF20] =	vst v63  }
0x77: {  	s0 =	sadd.s32 $0x2710, s31  }
0x78: {  	[spmem:s2] =	stream.indirect.scatter.add.f32 [tilespmem:s18], [sflag:$0x4], $0x80, s0, s22, $0xb8;
	[tilespmem:$0x1FF20] =	vst v63  }
0x79: {  	_ =	swait.ge [sflag:s25], $0x2800  }
0x7a: {  	[sflag:s25] =	ssyncset.done $0x0  }
0x7b: {  	[sflag:s25] =	ssyncadd.s32 $0xFFFFD800  }
0x7c: {  	_ =	swait.ge [sflag:s21], $0x2800  }
0x7d: {  	[sflag:s21] =	ssyncset.done $0x0  }
0x7e: {  	s0 =	sadd.s32 $0xF0, s31;
	[sflag:s21] =	ssyncadd.s32 $0xFFFFD800  }
0x7f: {  	[tilespmem:s18], [sflag:$0x1] =	stream.indirect.gather [hbm4b:s4+s22], $0x80, s0, s22, $0xb8;
	[tilespmem:$0x1FF20] =	vst v63  }
0x80: {  	s0 =	sadd.s32 $0x2760, s31  }
0x81: {  	[spmem:s2] =	stream.indirect.scatter.add.f32 [tilespmem:s23], [sflag:$0x4], $0x80, s0, s22, $0xb8;
	[tilespmem:$0x1FF20] =	vst v63  }
0x82: {  	_ =	swait.ge [sflag:s25], $0x2800  }
0x83: {  	[sflag:s25] =	ssyncset.done $0x0  }
0x84: {  	[sflag:s25] =	ssyncadd.s32 $0xFFFFD800  }
0x85: {  	_ =	swait.ge [sflag:s19], $0x2800  }
0x86: {  	[sflag:s19] =	ssyncset.done $0x0  }
0x87: {  	s0 =	sadd.s32 $0x140, s31;
	[sflag:s19] =	ssyncadd.s32 $0xFFFFD800  }
0x88: {  	[tilespmem:s23], [sflag:$0x2] =	stream.indirect.gather [hbm4b:s4+s22], $0x80, s0, s22, $0xb8;
	[tilespmem:$0x1FF20] =	vst v63  }
.Ltmp1:
0x89: {  	_ = 	snop;
	(pc) =	sbr.rel @p0 .LBB2_4-.Ltmp1, $4  }
0x8a: {  	s0 =	sadd.s32 $0x27B0, s31  }
0x8b: {  	[spmem:s2] =	stream.indirect.scatter.add.f32 [tilespmem:s24], [sflag:$0x4], $0x80, s0, s22, $0xb8;
	[tilespmem:$0x1FF20] =	vst v63  }
0x8c: {  	_ =	swait.ge [sflag:s25], $0x2800  }
0x8d: {  	[sflag:s25] =	ssyncset.done $0x0  }
0x8e: {  	[sflag:s25] =	ssyncadd.s32 $0xFFFFD800  }
0x8f: {  	_ =	swait.ge [sflag:s20], $0x2800  }
0x90: {  	[sflag:s20] =	ssyncset.done $0x0  }
0x91: {  	[sflag:s20] =	ssyncadd.s32 $0xFFFFD800  }
0x92: {  	[spmem:s2] =	stream.indirect.scatter.add.f32 [tilespmem:s18], [sflag:$0x4], $0x80, s26, s22, $0xb8;
	[tilespmem:$0x1FF20] =	vst v63  }
0x93: {  	_ =	swait.ge [sflag:s25], $0x2800  }
0x94: {  	[sflag:s25] =	ssyncset.done $0x0  }
0x95: {  	[sflag:s25] =	ssyncadd.s32 $0xFFFFD800  }
0x96: {  	_ =	swait.ge [sflag:s21], $0x2800  }
0x97: {  	[sflag:s21] =	ssyncset.done $0x0  }
0x98: {  	[sflag:s21] =	ssyncadd.s32 $0xFFFFD800  }
0x99: {  	[spmem:s2] =	stream.indirect.scatter.add.f32 [tilespmem:s23], [sflag:$0x4], $0x80, s28, s22, $0xb8;
	[tilespmem:$0x1FF20] =	vst v63  }
0x9a: {  	_ =	swait.ge [sflag:s25], $0x2800  }
0x9b: {  	s0 =	sshll.u32 s1, $0x6;
	s29 =	sadd.s32 $0x1, s29;
	[sflag:s25] =	ssyncset.done $0x0  }
0x9c: {  	s30 =	sshrl.u32 s7, $0x3;
	p0 =	sne.s32 s29, s16;
	[sflag:s25] =	ssyncadd.s32 $0xFFFFD800  }
.Ltmp2:
0x9d: {  	s0 =	sor.u32 $0x1C04, s0;
	[bflag:$0x0] =	sbarrier.arrive $0xFFFF;
	(pc) =	sbr.rel @p0 .LBB2_1-.Ltmp2, $4  }
0x9e: {  	[hbm:s15], [sflag:s0] =	dma.local [spmem:s30], $0x2720  }
0x9f: {  	_ =	swait.ge [sflag:s25], $0x2720  }
0xa0: {  	[sflag:s25] =	ssyncset.done $0x0  }
0xa1: {  	[sflag:s25] =	ssyncadd.s32 $0xFFFFD8E0  }
0xa2: {  	_ =	sfence.sel $0x180000  }
0xa3: {  	[bflag:$0x0] =	sbarrier.arrive $0xFFFF  }
0xa4: {  	_ =	strace $0x90000047  }
0xa5: {  	[bflag:$0x2] =	sbarrier.arrive $0xFFFF  }
0xa6: {  	p0 =	sne.s32 s1, $0x0;
	s0 =	rddreg [dreg:$0x2]  }
0xa7: {  	s0 =	sadd.s32 @!p0 $0x100000, s0  }
0xa8: {  	[sflag:s0] =	ssyncadd.tile.s32 @!p0 $0x1;
	_ =	shalt  }
.Lfunc_end2:
_tile_overlayer_lowered:
.L_overlay_start_2:
0xa9: {  	(tag) =	ssettag $0x2  }
0xaa: {  	s0 =	rddreg [dreg:$0x0];
	s2 =	stileid.u32  }
0xab: {  	s1 =	rddreg [dreg:$0x1];
	p0 =	sne.s32 s2, $0x0  }
0xac: {  	s3 =	rddreg [dreg:$0x2];
	[bflag:$0x3] =	sbarrier.arrive $0xFFFF;
	s2 =	simm.s32 @!p0 $0x1C04  }
0xad: {  	[timem:s3], [sflag:s2] =	dma.local @!p0 [hbm:s0], s1  }
0xae: {  	s0 =	simm.s32 @!p0 $0x4  }
0xaf: {  	_ =	swait.ge @!p0 [sflag:s0], s1  }
0xb0: {  	s1 =	ssub.s32 @!p0 $0x0, s1;
	[sflag:s0] =	ssyncset.done @!p0 $0x0  }
0xb1: {  	[sflag:s0] =	ssyncadd.s32 @!p0 s1  }
0xb2: {  	[bflag:$0x3] =	sbarrier.arrive $0xFFFF  }
0xb3: {  	_ =	shalt  }

// kernel: kernel.16.cloned.1.call-start
scs
__scs_entry_jumppad:
0x0: {  	(pc) =	sbr.rel $0x88, $3  }
0x1: {  	(tag) =	ssettag $0x0;
	lr =	simm.s32 $0x1  }
0x2: {  	[smem:$0x3F6D] =	sst lr;
	_ =	strace $0xD0000000  }
0x3: {  	_ = 	snop  }
0x4: {  	_ = 	snop  }
0x5: {  	_ = 	snop  }
0x6: {  	_ = 	snop  }
0x7: {  	_ = 	snop  }
__scs_overlays_trampoline_lowered:
0x8: {  	[smem:$0x3F7C] =	sst s0  }
0x9: {  	[smem:$0x3F7D] =	sst s1  }
0xa: {  	[smem:$0x3F7E] =	sst s2  }
0xb: {  	[smem:$0x3F7F] =	sst s3  }
0xc: {  	[smem:$0x3F80] =	sst s4  }
0xd: {  	[smem:$0x3F81] =	sst s5  }
0xe: {  	[smem:$0x3F82] =	sst s6  }
0xf: {  	[smem:$0x3F83] =	sst s7  }
0x10: {  	[smem:$0x3F84] =	sst s8  }
0x11: {  	[smem:$0x3F85] =	sst s9;
	s0 =	simm.s32 @!p0 $0x0  }
0x12: {  	s1 =	sld [smem:$0x3F6B];
	s0 =	simm.s32 @p0 $0x1  }
0x13: {  	[smem:$0x3F86] =	sst s0;
	s0 =	simm.s32 @!p1 $0x0  }
0x14: {  	s2 =	sld [smem:$0x3F6A];
	s0 =	simm.s32 @p1 $0x1  }
0x15: {  	[smem:$0x3F87] =	sst s0;
	s0 =	simm.s32 @!p2 $0x0  }
0x16: {  	s3 =	sld [smem:$0x3FDB];
	s0 =	simm.s32 @p2 $0x1  }
0x17: {  	s4 =	simm.s32 $0x1BF5;
	[smem:$0x3F89] =	sst s0  }
0x18: {  	s0 =	sld [smem:$0x3F6C];
	_ =	swait.ge [sflag:s4], $0x0  }
0x19: {  	s7 =	sld [smem:$0x3F6D]  }
0x1a: {  	s8 =	sadd.s32 $0xFFFFE003, lr  }
0x1b: {  	s9 =	sadd.s32 $0xFFFFFEF7, lr;
	s5 =	simm.s32 $0xFFFFFFFF;
	p2 =	slt.u32 s8, $0xFFFFF086  }
0x1c: {  	p1 =	slt.u32 s9, $0xF7A;
	s5 =	simm.s32 @!p2 $0x0  }
0x1d: {  	s5 =	simm.s32 @p1 $0x1;
	p0 =	seq.s32 s7, s2  }
0x1e: {  	s7 =	smul.u32 @!p0 $0xF7A, s2;
	p2 =	seq.s32 @!p0 s5, $0x0  }
0x1f: {  	s9 =	smul.u32 $0xF7A, s1;
	s8 =	simm.s32 @!p0 $0x1BF5;
	p2 =	por !p2, p0  }
0x20: {  	[sflag:s8] =	ssyncset.s32 @!p0 $0xFFFFF086;
	s6 =	sadd.s32 @!p0 s3, s7;
	s7 =	simm.s32 @!p0 $0x108  }
0x21: {  	s3 =	sadd.s32 s3, s9;
	s6 =	sadd.s32 @!p0 $0x88, s6;
	s7 =	simm.s32 @p2 $0x1082  }
0x22: {  	[simem:s7], [sflag:s8] =	dma.local @!p0 [hbm:s6], $0xF7A  }
0x23: {  	s9 =	sor.u32 $0xD0000000, s2;
	s6 =	simm.s32 $0x108;
	_ =	swait.ge @!p0 [sflag:s8], $0x0  }
0x24: {  	s3 =	sadd.s32 $0x88, s3;
	s6 =	simm.s32 @!p1 $0x1082;
	[sflag:s4] =	ssyncset.s32 $0xFFFFF086  }
0x25: {  	[simem:s6], [sflag:s4] =	dma.local [hbm:s3], $0xF7A  }
0x26: {  	[smem:$0x3F6D] =	sst s1;
	(tag) =	ssettag s2;
	_ =	strace s9  }
0x27: {  	s1 =	sld [smem:$0x3F7D]  }
0x28: {  	s2 =	sld [smem:$0x3F7E]  }
0x29: {  	s4 =	sld [smem:$0x3F80]  }
0x2a: {  	p0 =	seq.s32 s5, $0x0;
	s5 =	sld [smem:$0x3F81]  }
0x2b: {  	s6 =	sld [smem:$0x3F82]  }
0x2c: {  	s7 =	sld [smem:$0x3F83]  }
0x2d: {  	s3 =	simm.s32 $0x108;
	s8 =	sld [smem:$0x3F84]  }
0x2e: {  	s3 =	simm.s32 @!p0 $0x1082;
	s9 =	sld [smem:$0x3F85]  }
0x2f: {  	lr =	sadd.s32 s0, s3;
	s0 =	sld [smem:$0x3F7C]  }
0x30: {  	s3 =	sld [smem:$0x3F7F]  }
0x31: {  	[smem:$0x3F88] =	sst s10  }
0x32: {  	s10 =	sld [smem:$0x3F86];
	_ =	sdelay $0x3  }
0x33: {  	p0 =	seq.s32 s10, $0x1;
	s10 =	sld [smem:$0x3F88];
	_ =	sdelay $0x3  }
0x34: {  	[smem:$0x3F88] =	sst s10  }
0x35: {  	s10 =	sld [smem:$0x3F87];
	_ =	sdelay $0x3  }
0x36: {  	p1 =	seq.s32 s10, $0x1;
	s10 =	sld [smem:$0x3F88];
	_ =	sdelay $0x3  }
0x37: {  	[smem:$0x3F88] =	sst s10  }
0x38: {  	s10 =	sld [smem:$0x3F89]  }
0x39: {  	_ = 	snop;
	(pc) =	sbr.ind lr, $3  }
0x3a: {  	_ = 	snop  }
0x3b: {  	_ = 	snop  }
0x3c: {  	p2 =	seq.s32 s10, $0x1;
	s10 =	sld [smem:$0x3F88]  }
0x3d: {  	_ =	shalt  }
0x3e: {  	_ =	shalt  }
0x3f: {  	_ =	shalt  }
0x40: {  	_ =	shalt  }
0x41: {  	_ =	shalt  }
0x42: {  	_ =	shalt  }
0x43: {  	_ =	shalt  }
0x44: {  	_ =	shalt  }
0x45: {  	_ =	shalt  }
0x46: {  	_ =	shalt  }
0x47: {  	_ =	shalt  }
0x48: {  	_ =	shalt  }
0x49: {  	_ =	shalt  }
0x4a: {  	_ =	shalt  }
0x4b: {  	_ =	shalt  }
0x4c: {  	_ =	shalt  }
0x4d: {  	_ =	shalt  }
0x4e: {  	_ =	shalt  }
0x4f: {  	_ =	shalt  }
0x50: {  	_ =	shalt  }
0x51: {  	_ =	shalt  }
0x52: {  	_ =	shalt  }
0x53: {  	_ =	shalt  }
0x54: {  	_ =	shalt  }
0x55: {  	_ =	shalt  }
0x56: {  	_ =	shalt  }
0x57: {  	_ =	shalt  }
0x58: {  	_ =	shalt  }
0x59: {  	_ =	shalt  }
0x5a: {  	_ =	shalt  }
0x5b: {  	_ =	shalt  }
0x5c: {  	_ =	shalt  }
0x5d: {  	_ =	shalt  }
0x5e: {  	_ =	shalt  }
0x5f: {  	_ =	shalt  }
0x60: {  	_ =	shalt  }
0x61: {  	_ =	shalt  }
0x62: {  	_ =	shalt  }
0x63: {  	_ =	shalt  }
0x64: {  	_ =	shalt  }
0x65: {  	_ =	shalt  }
0x66: {  	_ =	shalt  }
0x67: {  	_ =	shalt  }
0x68: {  	_ =	shalt  }
0x69: {  	_ =	shalt  }
0x6a: {  	_ =	shalt  }
0x6b: {  	_ =	shalt  }
0x6c: {  	_ =	shalt  }
0x6d: {  	_ =	shalt  }
0x6e: {  	_ =	shalt  }
0x6f: {  	_ =	shalt  }
0x70: {  	_ =	shalt  }
0x71: {  	_ =	shalt  }
0x72: {  	_ =	shalt  }
0x73: {  	_ =	shalt  }
0x74: {  	_ =	shalt  }
0x75: {  	_ =	shalt  }
0x76: {  	_ =	shalt  }
0x77: {  	_ =	shalt  }
0x78: {  	_ =	shalt  }
0x79: {  	_ =	shalt  }
0x7a: {  	_ =	shalt  }
0x7b: {  	_ =	shalt  }
0x7c: {  	_ =	shalt  }
0x7d: {  	_ =	shalt  }
0x7e: {  	_ =	shalt  }
0x7f: {  	_ =	shalt  }
0x80: {  	_ =	shalt  }
0x81: {  	_ =	shalt  }
0x82: {  	_ =	shalt  }
0x83: {  	_ =	shalt  }
0x84: {  	_ =	shalt  }
0x85: {  	_ =	shalt  }
0x86: {  	_ =	shalt  }
0x87: {  	_ =	shalt  }
.Lfunc_end0:
.L_simem_size_0:
called_computation.1_lowered:
.L_overlay_start_0:
0x88: {  	s2 =	sld [smem:$0x3FD9]  }
0x89: {  	s3 =	sld [smem:$0x3FFE];
	_ =	sdelay $0x1  }
0x8a: {  	s1 =	srdreg.scid  }
0x8b: {  	s0 =	sand.u32 $0x1, s1  }
0x8c: {  	s16 =	sshll.u32 s0, $0xA;
	s2 =	sadd.s32 s3, s2  }
0x8d: {  	s2 =	sadd.s32 s2, s16  }
0x8e: {  	[smem:$0x3F94] =	sst s2  }
0x8f: {  	_ = 	snop  }
0x90: {  	(tm) =	ssettm $0x1  }
0x91: {  	s17 =	sld [smem:$0x3FFB];
	_ =	sdelay $0x3  }
0x92: {  	_ =	strace s17  }
0x93: {  	s2 =	sld [smem:$0x3FFC];
	_ =	sdelay $0x3  }
0x94: {  	_ =	strace s2  }
0x95: {  	s2 =	sld [smem:$0x3FFD];
	_ =	sdelay $0x3  }
0x96: {  	_ =	strace s2  }
0x97: {  	_ =	strace $0x8FFFFFFF  }
0x98: {  	s18 =	sld [smem:$0x3FDB];
	_ =	sdelay $0x1  }
0x99: {  	s19 =	simm.s32 $_scs_section_size  }
0x9a: {  	s4 =	simm.s32 $_size__tile_overlayer_lowered;
	s5 =	simm.s32 $_tile_overlayer_lowered  }
0x9b: {  	s22 =	simm.s32 $0x1BFF;
	s21 =	sshll.u32 s5, $0x1;
	s2 =	sadd.s32 s19, s18  }
0x9c: {  	s6 =	simm.s32 $0x0;
	s20 =	sshll.u32 s4, $0x1;
	s4 =	sadd.s32 s21, s2  }
0x9d: {  	[timem:s6], [sflag:s22] =	dma.local [hbm:s4], s20  }
0x9e: {  	_ =	swait.ge [sflag:s22], s20  }
0x9f: {  	s3 =	ssub.s32 $0x0, s20;
	[sflag:s22] =	ssyncset.done $0x0  }
0xa0: {  	[sflag:s22] =	ssyncadd.s32 s3;
	_ =	sdelay $0x1  }
0xa1: {  	s23 =	simm.s32 $0x1B8B  }
0xa2: {  	_ =	swait.ge [sflag:s23], $0x1  }
0xa3: {  	[sflag:s23] =	ssyncset.done $0x0  }
0xa4: {  	s25 =	simm.s32 $0x1B8E;
	s24 =	sld [smem:$0x3FFE];
	[sflag:s23] =	ssyncadd.s32 $0xFFFFFFFF  }
0xa5: {  	s26 =	simm.s32 $execute0_lowered;
	[smem:$0x3FD2] =	sst s25  }
0xa6: {  	s4 =	sshll.u32 s26, $0x1;
	_ =	strace $0x80000049;
	[dreg:$0x1] =	wrdreg $0xFFFFFFFF  }
0xa7: {  	s28 =	simm.s32 $_size_execute0_lowered;
	s2 =	sadd.s32 s2, s4;
	[dreg:$0x0] =	wrdreg $0x0  }
0xa8: {  	s4 =	sshll.u32 s28, $0x1;
	[dreg:$0x2] =	wrdreg s2  }
0xa9: {  	[dreg:$0x3] =	wrdreg s4  }
0xaa: {  	[dreg:$0x4] =	wrdreg $0xC0  }
0xab: {  	_ =	task [dreg:s6], $0x5FFFF  }
0xac: {  	[dreg:$0x1] =	wrdreg $0xFFFFFFFF  }
0xad: {  	[dreg:$0x0] =	wrdreg $0x60  }
0xae: {  	[dreg:$0x2] =	wrdreg s24  }
0xaf: {  	[dreg:$0x3] =	wrdreg $0xC6200  }
0xb0: {  	[dreg:$0x4] =	wrdreg $0x9  }
0xb1: {  	_ =	task.clear_ibuf [dreg:s6], $0x5FFFF;
	_ =	strace $0x90000049  }
0xb2: {  	s29 =	simm.s32 $0x9;
	_ =	strace $0x8000004B  }
0xb3: {  	_ =	swait.ge [sflag:s29], $0x1  }
0xb4: {  	[sflag:s29] =	ssyncadd.s32 $0xFFFFFFFF  }
0xb5: {  	_ =	strace $0x9000004B  }
0xb6: {  	_ =	sfence  }
0xb7: {  	s30 =	sld [smem:$0x0];
	_ =	sdelay $0x2  }
0xb8: {  	s31 =	sshll.u32 s1, $0xD;
	s1 =	sshrl.u32 s1, $0x2  }
0xb9: {  	s3 =	sand.u32 $0x4000, s31;
	s1 =	sadd.s32 s1, s30  }
0xba: {  	s0 =	sor.u32 s3, s0;
	s1 =	sshll.u32 s1, $0x11  }
0xbb: {  	s0 =	sor.u32 s1, s0  }
0xbc: {  	s0 =	sadd.s32 $0x8F2B, s0  }
0xbd: {  	[sflag:s0] =	ssyncadd.remote.s32 $0x1  }
0xbe: {  	_ =	sfence.sel $0xFFFF  }
0xbf: {  	[dreg:$0x0] =	wrdreg $0xFFFFFFFF;
	(pc) =	sbr.abs _section_cstart, $3  }
0xc0: {  	[dreg:$0x1] =	wrdreg $0xFFFFFFFF  }
0xc1: {  	_ =	task.clear_ibuf [dreg:s6], $0x2FFFF;
	_ =	strace $0x9FFFFFFF  }
0xc2: {  	(tm) =	ssettm $0x7FFFFFFF  }
0xc3: {  	_ =	shalt  }
tec
execute0_lowered:
.L_overlay_start_1:
0x0: {  	(tag) =	ssettag $0x1  }
0x1: {  	s5 =	rddreg [dreg:$0x0]  }
0x2: {  	s2 =	rddreg [dreg:$0x1];
	s4 =	srdreg.scid  }
0x3: {  	s1 =	stileid.u32;
	s3 =	simm.s32 $0x0;
	s17 =	simm.s32 $0x2710  }
0x4: {  	s18 =	simm.s32 $0x4E20;
	s19 =	simm.s32 $0x3;
	s20 =	simm.s32 $0x1  }
0x5: {  	s21 =	simm.s32 $0x2;
	s22 =	simm.s32 $0x50;
	s23 =	simm.s32 $0x7620  }
0x6: {  	s24 =	simm.s32 $0x9E20;
	s25 =	simm.s32 $0x4;
	s26 =	simm.s32 $0x4D80  }
0x7: {  	s28 =	simm.s32 $0x4DD0;
	s29 =	simm.s32 $0x0;
	s7 =	smul.u32 $0x13900, s1  }
0x8: {  	s6 =	sand.u32 $0x1, s4;
	[smem:$0x7FF] =	sst s3;
	s10 =	smul.u32 $0x4E400, s1  }
0x9: {  	s4 =	sshll.u32 s6, $0x4;
	s8 =	smul.u32 $0x139000, s6;
	_ =	strace $0x8000004A  }
0xa: {  	s6 =	ssub.s32 $0x2, s6;
	s9 =	sor.u32 s1, s4;
	s4 =	sadd.s32 $0x1CA00, s5  }
0xb: {  	s30 =	sshrl.u32 s6, $0x1;
	s31 =	sshrl.u32 s10, $0x2;
	s9 =	smul.u32 $0x4E2, s9  }
0xc: {  	s8 =	sadd.s32 s7, s8;
	s16 =	ssub.s32 s6, s30;
	s14 =	sadd.s32 s31, s2  }
0xd: {  	s7 =	sadd.s32 s7, s2;
	s8 =	sshrl.u32 s8, $0x3;
	s10 =	sadd.s32 $0x7800, s14  }
0xe: {  	s11 =	sadd.s32 $0xA000, s14;
	s12 =	sadd.s32 $0xC800, s14;
	s13 =	sadd.s32 $0xF000, s14  }
0xf: {  	s16 =	smax.u32 s16, $0x1;
	s9 =	sadd.s32 s9, s5;
	s15 =	sadd.s32 s8, s5  }
0x10: {  	s8 =	sadd.s32 $0x2800, s14;
	s5 =	sadd.s32 $0x12C00, s9;
	s6 =	sadd.s32 $0x8E00, s9  }
0x11: {  	v0 =	vimm.f32 $0.0e+00;
	s9 =	sadd.s32 $0x5000, s14;
	s14 =	sadd.s32 $0x11800, s14;
	s15 =	sadd.s32 $0x43C00, s15  }
.LBB2_1:
0x12: {  	[tilespmem:s3], [sflag:$0x1] =	stream.linear.gather [hbm4b:s5+s3], $0x2710, $0x38;
	[tilespmem:$0x1FF20] =	vst v63  }
0x13: {  	s30 =	simm.s32 $0x0;
	s31 =	simm.s32 $0x200  }
0x14: {  	[tilespmem:s17], [sflag:$0x2] =	stream.linear.gather [hbm4b:s6+s3], $0x2710, $0x38;
	[tilespmem:$0x1FF20] =	vst v63  }
.LBB2_2:
0x15: {  	p0 =	sne.s32 s31, $0x9E00;
	[tilespmem:s30+$0x4E90] =	vst v0  }
0x16: {  	[tilespmem:s30+$0x4E20] =	vst v0  }
0x17: {  	[tilespmem:s30+$0x4E30] =	vst v0  }
.Ltmp0:
0x18: {  	[tilespmem:s30+$0x4E40] =	vst v0;
	(pc) =	sbr.rel @p0 .LBB2_2-.Ltmp0, $4  }
0x19: {  	[tilespmem:s30+$0x4E50] =	vst v0  }
0x1a: {  	[tilespmem:s30+$0x4E60] =	vst v0  }
0x1b: {  	[tilespmem:s30+$0x4E70] =	vst v0  }
0x1c: {  	[tilespmem:s30+$0x4E80] =	vst v0;
	s30 =	sshra.s32 s31, $0x2;
	s31 =	sadd.s32 $0x200, s31  }
0x1d: {  	[tilespmem:s30+$0x4E90] =	vst v0  }
0x1e: {  	[tilespmem:s30+$0x4E20] =	vst v0  }
0x1f: {  	[tilespmem:s30+$0x4E30] =	vst v0  }
0x20: {  	[tilespmem:s30+$0x4E40] =	vst v0  }
0x21: {  	[tilespmem:s30+$0x4E50] =	vst v0  }
0x22: {  	[tilespmem:s30+$0x4E60] =	vst v0  }
0x23: {  	[tilespmem:s30+$0x4E70] =	vst v0  }
0x24: {  	[tilespmem:s30+$0x4E80] =	vst v0  }
0x25: {  	[spmem:s7] =	stream.linear.scatter [tilespmem:s18], [sflag:$0x3], $0x2800, $0x38;
	[tilespmem:$0x1FF20] =	vst v63  }
0x26: {  	_ = 	snop  }
0x27: {  	[spmem:s8] =	stream.linear.scatter [tilespmem:s18], [sflag:$0x3], $0x2800, $0x38;
	[tilespmem:$0x1FF20] =	vst v63  }
0x28: {  	_ = 	snop  }
0x29: {  	[spmem:s9] =	stream.linear.scatter [tilespmem:s18], [sflag:$0x3], $0x2800, $0x38;
	[tilespmem:$0x1FF20] =	vst v63  }
0x2a: {  	_ = 	snop  }
0x2b: {  	[spmem:s10] =	stream.linear.scatter [tilespmem:s18], [sflag:$0x3], $0x2800, $0x38;
	[tilespmem:$0x1FF20] =	vst v63  }
0x2c: {  	_ = 	snop  }
0x2d: {  	[spmem:s11] =	stream.linear.scatter [tilespmem:s18], [sflag:$0x3], $0x2800, $0x38;
	[tilespmem:$0x1FF20] =	vst v63  }
0x2e: {  	_ = 	snop  }
0x2f: {  	[spmem:s12] =	stream.linear.scatter [tilespmem:s18], [sflag:$0x3], $0x2800, $0x38;
	[tilespmem:$0x1FF20] =	vst v63  }
0x30: {  	_ = 	snop  }
0x31: {  	[spmem:s13] =	stream.linear.scatter [tilespmem:s18], [sflag:$0x3], $0x2800, $0x38;
	[tilespmem:$0x1FF20] =	vst v63  }
0x32: {  	_ = 	snop  }
0x33: {  	[spmem:s14] =	stream.linear.scatter [tilespmem:s18], [sflag:$0x3], $0x2100, $0x38;
	[tilespmem:$0x1FF20] =	vst v63  }
0x34: {  	_ =	swait.ge [sflag:s19], $0x2800  }
0x35: {  	[sflag:s19] =	ssyncset.done $0x0  }
0x36: {  	[sflag:s19] =	ssyncadd.s32 $0xFFFFD800  }
0x37: {  	_ =	swait.ge [sflag:s19], $0x2800  }
0x38: {  	[sflag:s19] =	ssyncset.done $0x0  }
0x39: {  	[sflag:s19] =	ssyncadd.s32 $0xFFFFD800  }
0x3a: {  	_ =	swait.ge [sflag:s19], $0x2800  }
0x3b: {  	[sflag:s19] =	ssyncset.done $0x0  }
0x3c: {  	[sflag:s19] =	ssyncadd.s32 $0xFFFFD800  }
0x3d: {  	_ =	swait.ge [sflag:s19], $0x2800  }
0x3e: {  	[sflag:s19] =	ssyncset.done $0x0  }
0x3f: {  	[sflag:s19] =	ssyncadd.s32 $0xFFFFD800  }
0x40: {  	_ =	swait.ge [sflag:s19], $0x2800  }
0x41: {  	[sflag:s19] =	ssyncset.done $0x0  }
0x42: {  	[sflag:s19] =	ssyncadd.s32 $0xFFFFD800  }
0x43: {  	_ =	swait.ge [sflag:s19], $0x2800  }
0x44: {  	[sflag:s19] =	ssyncset.done $0x0  }
0x45: {  	[sflag:s19] =	ssyncadd.s32 $0xFFFFD800  }
0x46: {  	_ =	swait.ge [sflag:s19], $0x2800  }
0x47: {  	[sflag:s19] =	ssyncset.done $0x0  }
0x48: {  	[sflag:s19] =	ssyncadd.s32 $0xFFFFD800  }
0x49: {  	_ =	swait.ge [sflag:s19], $0x2100  }
0x4a: {  	[sflag:s19] =	ssyncset.done $0x0  }
0x4b: {  	[sflag:s19] =	ssyncadd.s32 $0xFFFFDF00  }
0x4c: {  	_ =	swait.ge [sflag:s20], $0x2710  }
0x4d: {  	[sflag:s20] =	ssyncset.done $0x0  }
0x4e: {  	[sflag:s20] =	ssyncadd.s32 $0xFFFFD8F0  }
0x4f: {  	_ =	swait.ge [sflag:s21], $0x2710  }
0x50: {  	[sflag:s21] =	ssyncset.done $0x0  }
0x51: {  	[sflag:s21] =	ssyncadd.s32 $0xFFFFD8F0  }
0x52: {  	s30 =	simm.s32 $0x0;
	[bflag:$0x0] =	sbarrier.arrive $0xFFFF  }
0x53: {  	[tilespmem:s18], [sflag:$0x1] =	stream.indirect.gather [hbm4b:s4+s22], $0x80, s30, s22, $0xb8;
	[tilespmem:$0x1FF20] =	vst v63  }
0x54: {  	_ = 	snop  }
0x55: {  	[tilespmem:s23], [sflag:$0x2] =	stream.indirect.gather [hbm4b:s4+s22], $0x80, s22, s22, $0xb8;
	[tilespmem:$0x1FF20] =	vst v63  }
0x56: {  	_ =	swait.ge [sflag:s20], $0x2800  }
0x57: {  	[sflag:s20] =	ssyncset.done $0x0  }
0x58: {  	s30 =	simm.s32 $0xA0;
	[sflag:s20] =	ssyncadd.s32 $0xFFFFD800  }
0x59: {  	[tilespmem:s24], [sflag:$0x3] =	stream.indirect.gather [hbm4b:s4+s22], $0x80, s30, s22, $0xb8;
	[tilespmem:$0x1FF20] =	vst v63  }
0x5a: {  	s30 =	simm.s32 $0x2710  }
0x5b: {  	[spmem:s2] =	stream.indirect.scatter.add.f32 [tilespmem:s18], [sflag:$0x4], $0x80, s30, s22, $0xb8;
	[tilespmem:$0x1FF20] =	vst v63  }
0x5c: {  	_ =	swait.ge [sflag:s25], $0x2800  }
0x5d: {  	[sflag:s25] =	ssyncset.done $0x0  }
0x5e: {  	[sflag:s25] =	ssyncadd.s32 $0xFFFFD800  }
0x5f: {  	_ =	swait.ge [sflag:s21], $0x2800  }
0x60: {  	[sflag:s21] =	ssyncset.done $0x0  }
0x61: {  	s30 =	simm.s32 $0xF0;
	[sflag:s21] =	ssyncadd.s32 $0xFFFFD800  }
0x62: {  	[tilespmem:s18], [sflag:$0x1] =	stream.indirect.gather [hbm4b:s4+s22], $0x80, s30, s22, $0xb8;
	[tilespmem:$0x1FF20] =	vst v63  }
0x63: {  	s30 =	simm.s32 $0x2760  }
0x64: {  	[spmem:s2] =	stream.indirect.scatter.add.f32 [tilespmem:s23], [sflag:$0x4], $0x80, s30, s22, $0xb8;
	[tilespmem:$0x1FF20] =	vst v63  }
0x65: {  	_ =	swait.ge [sflag:s25], $0x2800  }
0x66: {  	[sflag:s25] =	ssyncset.done $0x0  }
0x67: {  	[sflag:s25] =	ssyncadd.s32 $0xFFFFD800  }
0x68: {  	_ =	swait.ge [sflag:s19], $0x2800  }
0x69: {  	[sflag:s19] =	ssyncset.done $0x0  }
0x6a: {  	s30 =	simm.s32 $0x140;
	[sflag:s19] =	ssyncadd.s32 $0xFFFFD800  }
0x6b: {  	[tilespmem:s23], [sflag:$0x2] =	stream.indirect.gather [hbm4b:s4+s22], $0x80, s30, s22, $0xb8;
	[tilespmem:$0x1FF20] =	vst v63  }
0x6c: {  	s30 =	simm.s32 $0x27B0  }
0x6d: {  	[spmem:s2] =	stream.indirect.scatter.add.f32 [tilespmem:s24], [sflag:$0x4], $0x80, s30, s22, $0xb8;
	[tilespmem:$0x1FF20] =	vst v63  }
0x6e: {  	_ =	swait.ge [sflag:s25], $0x2800  }
0x6f: {  	s30 =	simm.s32 $0x3C0;
	[sflag:s25] =	ssyncset.done $0x0  }
.LBB2_4:
0x70: {  	p0 =	sne.s32 s30, $0x9600  }
0x71: {  	[sflag:s25] =	ssyncadd.s32 $0xFFFFD800;
	s31 =	smov.u32 s30;
	s30 =	sadd.s32 $0x3C0, s30  }
0x72: {  	_ = 	snop  }
0x73: {  	_ =	swait.ge [sflag:s20], $0x2800  }
0x74: {  	s31 =	sshra.s32 s31, $0x2;
	[sflag:s20] =	ssyncset.done $0x0  }
0x75: {  	s0 =	sadd.s32 $0xA0, s31;
	[sflag:s20] =	ssyncadd.s32 $0xFFFFD800  }
0x76: {  	[tilespmem:s24], [sflag:$0x3] =	stream.indirect.gather [hbm4b:s4+s22], $0x80, s0, s22, $0xb8;
	[tilespmem:$0x1FF20] =	vst v63  }
0x77: {  	s0 =	sadd.s32 $0x2710, s31  }
0x78: {  	[spmem:s2] =	stream.indirect.scatter.add.f32 [tilespmem:s18], [sflag:$0x4], $0x80, s0, s22, $0xb8;
	[tilespmem:$0x1FF20] =	vst v63  }
0x79: {  	_ =	swait.ge [sflag:s25], $0x2800  }
0x7a: {  	[sflag:s25] =	ssyncset.done $0x0  }
0x7b: {  	[sflag:s25] =	ssyncadd.s32 $0xFFFFD800  }
0x7c: {  	_ =	swait.ge [sflag:s21], $0x2800  }
0x7d: {  	[sflag:s21] =	ssyncset.done $0x0  }
0x7e: {  	s0 =	sadd.s32 $0xF0, s31;
	[sflag:s21] =	ssyncadd.s32 $0xFFFFD800  }
0x7f: {  	[tilespmem:s18], [sflag:$0x1] =	stream.indirect.gather [hbm4b:s4+s22], $0x80, s0, s22, $0xb8;
	[tilespmem:$0x1FF20] =	vst v63  }
0x80: {  	s0 =	sadd.s32 $0x2760, s31  }
0x81: {  	[spmem:s2] =	stream.indirect.scatter.add.f32 [tilespmem:s23], [sflag:$0x4], $0x80, s0, s22, $0xb8;
	[tilespmem:$0x1FF20] =	vst v63  }
0x82: {  	_ =	swait.ge [sflag:s25], $0x2800  }
0x83: {  	[sflag:s25] =	ssyncset.done $0x0  }
0x84: {  	[sflag:s25] =	ssyncadd.s32 $0xFFFFD800  }
0x85: {  	_ =	swait.ge [sflag:s19], $0x2800  }
0x86: {  	[sflag:s19] =	ssyncset.done $0x0  }
0x87: {  	s0 =	sadd.s32 $0x140, s31;
	[sflag:s19] =	ssyncadd.s32 $0xFFFFD800  }
0x88: {  	[tilespmem:s23], [sflag:$0x2] =	stream.indirect.gather [hbm4b:s4+s22], $0x80, s0, s22, $0xb8;
	[tilespmem:$0x1FF20] =	vst v63  }
.Ltmp1:
0x89: {  	_ = 	snop;
	(pc) =	sbr.rel @p0 .LBB2_4-.Ltmp1, $4  }
0x8a: {  	s0 =	sadd.s32 $0x27B0, s31  }
0x8b: {  	[spmem:s2] =	stream.indirect.scatter.add.f32 [tilespmem:s24], [sflag:$0x4], $0x80, s0, s22, $0xb8;
	[tilespmem:$0x1FF20] =	vst v63  }
0x8c: {  	_ =	swait.ge [sflag:s25], $0x2800  }
0x8d: {  	[sflag:s25] =	ssyncset.done $0x0  }
0x8e: {  	[sflag:s25] =	ssyncadd.s32 $0xFFFFD800  }
0x8f: {  	_ =	swait.ge [sflag:s20], $0x2800  }
0x90: {  	[sflag:s20] =	ssyncset.done $0x0  }
0x91: {  	[sflag:s20] =	ssyncadd.s32 $0xFFFFD800  }
0x92: {  	[spmem:s2] =	stream.indirect.scatter.add.f32 [tilespmem:s18], [sflag:$0x4], $0x80, s26, s22, $0xb8;
	[tilespmem:$0x1FF20] =	vst v63  }
0x93: {  	_ =	swait.ge [sflag:s25], $0x2800  }
0x94: {  	[sflag:s25] =	ssyncset.done $0x0  }
0x95: {  	[sflag:s25] =	ssyncadd.s32 $0xFFFFD800  }
0x96: {  	_ =	swait.ge [sflag:s21], $0x2800  }
0x97: {  	[sflag:s21] =	ssyncset.done $0x0  }
0x98: {  	[sflag:s21] =	ssyncadd.s32 $0xFFFFD800  }
0x99: {  	[spmem:s2] =	stream.indirect.scatter.add.f32 [tilespmem:s23], [sflag:$0x4], $0x80, s28, s22, $0xb8;
	[tilespmem:$0x1FF20] =	vst v63  }
0x9a: {  	_ =	swait.ge [sflag:s25], $0x2800  }
0x9b: {  	s0 =	sshll.u32 s1, $0x6;
	s29 =	sadd.s32 $0x1, s29;
	[sflag:s25] =	ssyncset.done $0x0  }
0x9c: {  	s30 =	sshrl.u32 s7, $0x3;
	p0 =	sne.s32 s29, s16;
	[sflag:s25] =	ssyncadd.s32 $0xFFFFD800  }
.Ltmp2:
0x9d: {  	s0 =	sor.u32 $0x1C04, s0;
	[bflag:$0x0] =	sbarrier.arrive $0xFFFF;
	(pc) =	sbr.rel @p0 .LBB2_1-.Ltmp2, $4  }
0x9e: {  	[hbm:s15], [sflag:s0] =	dma.local [spmem:s30], $0x2720  }
0x9f: {  	_ =	swait.ge [sflag:s25], $0x2720  }
0xa0: {  	[sflag:s25] =	ssyncset.done $0x0  }
0xa1: {  	[sflag:s25] =	ssyncadd.s32 $0xFFFFD8E0  }
0xa2: {  	_ =	sfence.sel $0x180000  }
0xa3: {  	[bflag:$0x0] =	sbarrier.arrive $0xFFFF  }
0xa4: {  	_ =	strace $0x9000004A  }
0xa5: {  	[bflag:$0x2] =	sbarrier.arrive $0xFFFF  }
0xa6: {  	p0 =	sne.s32 s1, $0x0;
	s0 =	rddreg [dreg:$0x2]  }
0xa7: {  	s0 =	sadd.s32 @!p0 $0x100000, s0  }
0xa8: {  	[sflag:s0] =	ssyncadd.tile.s32 @!p0 $0x1;
	_ =	shalt  }
.Lfunc_end2:
_tile_overlayer_lowered:
.L_overlay_start_2:
0xa9: {  	(tag) =	ssettag $0x2  }
0xaa: {  	s0 =	rddreg [dreg:$0x0];
	s2 =	stileid.u32  }
0xab: {  	s1 =	rddreg [dreg:$0x1];
	p0 =	sne.s32 s2, $0x0  }
0xac: {  	s3 =	rddreg [dreg:$0x2];
	[bflag:$0x3] =	sbarrier.arrive $0xFFFF;
	s2 =	simm.s32 @!p0 $0x1C04  }
0xad: {  	[timem:s3], [sflag:s2] =	dma.local @!p0 [hbm:s0], s1  }
0xae: {  	s0 =	simm.s32 @!p0 $0x4  }
0xaf: {  	_ =	swait.ge @!p0 [sflag:s0], s1  }
0xb0: {  	s1 =	ssub.s32 @!p0 $0x0, s1;
	[sflag:s0] =	ssyncset.done @!p0 $0x0  }
0xb1: {  	[sflag:s0] =	ssyncadd.s32 @!p0 s1  }
0xb2: {  	[bflag:$0x3] =	sbarrier.arrive $0xFFFF  }
0xb3: {  	_ =	shalt  }

// kernel: kernel.19.cloned.1.call-start
scs
__scs_entry_jumppad:
0x0: {  	(pc) =	sbr.rel $0x88, $3  }
0x1: {  	(tag) =	ssettag $0x0;
	lr =	simm.s32 $0x1  }
0x2: {  	[smem:$0x3F6D] =	sst lr;
	_ =	strace $0xD0000000  }
0x3: {  	_ = 	snop  }
0x4: {  	_ = 	snop  }
0x5: {  	_ = 	snop  }
0x6: {  	_ = 	snop  }
0x7: {  	_ = 	snop  }
__scs_overlays_trampoline_lowered:
0x8: {  	[smem:$0x3F7C] =	sst s0  }
0x9: {  	[smem:$0x3F7D] =	sst s1  }
0xa: {  	[smem:$0x3F7E] =	sst s2  }
0xb: {  	[smem:$0x3F7F] =	sst s3  }
0xc: {  	[smem:$0x3F80] =	sst s4  }
0xd: {  	[smem:$0x3F81] =	sst s5  }
0xe: {  	[smem:$0x3F82] =	sst s6  }
0xf: {  	[smem:$0x3F83] =	sst s7  }
0x10: {  	[smem:$0x3F84] =	sst s8  }
0x11: {  	[smem:$0x3F85] =	sst s9;
	s0 =	simm.s32 @!p0 $0x0  }
0x12: {  	s1 =	sld [smem:$0x3F6B];
	s0 =	simm.s32 @p0 $0x1  }
0x13: {  	[smem:$0x3F86] =	sst s0;
	s0 =	simm.s32 @!p1 $0x0  }
0x14: {  	s2 =	sld [smem:$0x3F6A];
	s0 =	simm.s32 @p1 $0x1  }
0x15: {  	[smem:$0x3F87] =	sst s0;
	s0 =	simm.s32 @!p2 $0x0  }
0x16: {  	s3 =	sld [smem:$0x3FDB];
	s0 =	simm.s32 @p2 $0x1  }
0x17: {  	s4 =	simm.s32 $0x1BF5;
	[smem:$0x3F89] =	sst s0  }
0x18: {  	s0 =	sld [smem:$0x3F6C];
	_ =	swait.ge [sflag:s4], $0x0  }
0x19: {  	s7 =	sld [smem:$0x3F6D]  }
0x1a: {  	s8 =	sadd.s32 $0xFFFFE003, lr  }
0x1b: {  	s9 =	sadd.s32 $0xFFFFFEF7, lr;
	s5 =	simm.s32 $0xFFFFFFFF;
	p2 =	slt.u32 s8, $0xFFFFF086  }
0x1c: {  	p1 =	slt.u32 s9, $0xF7A;
	s5 =	simm.s32 @!p2 $0x0  }
0x1d: {  	s5 =	simm.s32 @p1 $0x1;
	p0 =	seq.s32 s7, s2  }
0x1e: {  	s7 =	smul.u32 @!p0 $0xF7A, s2;
	p2 =	seq.s32 @!p0 s5, $0x0  }
0x1f: {  	s9 =	smul.u32 $0xF7A, s1;
	s8 =	simm.s32 @!p0 $0x1BF5;
	p2 =	por !p2, p0  }
0x20: {  	[sflag:s8] =	ssyncset.s32 @!p0 $0xFFFFF086;
	s6 =	sadd.s32 @!p0 s3, s7;
	s7 =	simm.s32 @!p0 $0x108  }
0x21: {  	s3 =	sadd.s32 s3, s9;
	s6 =	sadd.s32 @!p0 $0x88, s6;
	s7 =	simm.s32 @p2 $0x1082  }
0x22: {  	[simem:s7], [sflag:s8] =	dma.local @!p0 [hbm:s6], $0xF7A  }
0x23: {  	s9 =	sor.u32 $0xD0000000, s2;
	s6 =	simm.s32 $0x108;
	_ =	swait.ge @!p0 [sflag:s8], $0x0  }
0x24: {  	s3 =	sadd.s32 $0x88, s3;
	s6 =	simm.s32 @!p1 $0x1082;
	[sflag:s4] =	ssyncset.s32 $0xFFFFF086  }
0x25: {  	[simem:s6], [sflag:s4] =	dma.local [hbm:s3], $0xF7A  }
0x26: {  	[smem:$0x3F6D] =	sst s1;
	(tag) =	ssettag s2;
	_ =	strace s9  }
0x27: {  	s1 =	sld [smem:$0x3F7D]  }
0x28: {  	s2 =	sld [smem:$0x3F7E]  }
0x29: {  	s4 =	sld [smem:$0x3F80]  }
0x2a: {  	p0 =	seq.s32 s5, $0x0;
	s5 =	sld [smem:$0x3F81]  }
0x2b: {  	s6 =	sld [smem:$0x3F82]  }
0x2c: {  	s7 =	sld [smem:$0x3F83]  }
0x2d: {  	s3 =	simm.s32 $0x108;
	s8 =	sld [smem:$0x3F84]  }
0x2e: {  	s3 =	simm.s32 @!p0 $0x1082;
	s9 =	sld [smem:$0x3F85]  }
0x2f: {  	lr =	sadd.s32 s0, s3;
	s0 =	sld [smem:$0x3F7C]  }
0x30: {  	s3 =	sld [smem:$0x3F7F]  }
0x31: {  	[smem:$0x3F88] =	sst s10  }
0x32: {  	s10 =	sld [smem:$0x3F86];
	_ =	sdelay $0x3  }
0x33: {  	p0 =	seq.s32 s10, $0x1;
	s10 =	sld [smem:$0x3F88];
	_ =	sdelay $0x3  }
0x34: {  	[smem:$0x3F88] =	sst s10  }
0x35: {  	s10 =	sld [smem:$0x3F87];
	_ =	sdelay $0x3  }
0x36: {  	p1 =	seq.s32 s10, $0x1;
	s10 =	sld [smem:$0x3F88];
	_ =	sdelay $0x3  }
0x37: {  	[smem:$0x3F88] =	sst s10  }
0x38: {  	s10 =	sld [smem:$0x3F89]  }
0x39: {  	_ = 	snop;
	(pc) =	sbr.ind lr, $3  }
0x3a: {  	_ = 	snop  }
0x3b: {  	_ = 	snop  }
0x3c: {  	p2 =	seq.s32 s10, $0x1;
	s10 =	sld [smem:$0x3F88]  }
0x3d: {  	_ =	shalt  }
0x3e: {  	_ =	shalt  }
0x3f: {  	_ =	shalt  }
0x40: {  	_ =	shalt  }
0x41: {  	_ =	shalt  }
0x42: {  	_ =	shalt  }
0x43: {  	_ =	shalt  }
0x44: {  	_ =	shalt  }
0x45: {  	_ =	shalt  }
0x46: {  	_ =	shalt  }
0x47: {  	_ =	shalt  }
0x48: {  	_ =	shalt  }
0x49: {  	_ =	shalt  }
0x4a: {  	_ =	shalt  }
0x4b: {  	_ =	shalt  }
0x4c: {  	_ =	shalt  }
0x4d: {  	_ =	shalt  }
0x4e: {  	_ =	shalt  }
0x4f: {  	_ =	shalt  }
0x50: {  	_ =	shalt  }
0x51: {  	_ =	shalt  }
0x52: {  	_ =	shalt  }
0x53: {  	_ =	shalt  }
0x54: {  	_ =	shalt  }
0x55: {  	_ =	shalt  }
0x56: {  	_ =	shalt  }
0x57: {  	_ =	shalt  }
0x58: {  	_ =	shalt  }
0x59: {  	_ =	shalt  }
0x5a: {  	_ =	shalt  }
0x5b: {  	_ =	shalt  }
0x5c: {  	_ =	shalt  }
0x5d: {  	_ =	shalt  }
0x5e: {  	_ =	shalt  }
0x5f: {  	_ =	shalt  }
0x60: {  	_ =	shalt  }
0x61: {  	_ =	shalt  }
0x62: {  	_ =	shalt  }
0x63: {  	_ =	shalt  }
0x64: {  	_ =	shalt  }
0x65: {  	_ =	shalt  }
0x66: {  	_ =	shalt  }
0x67: {  	_ =	shalt  }
0x68: {  	_ =	shalt  }
0x69: {  	_ =	shalt  }
0x6a: {  	_ =	shalt  }
0x6b: {  	_ =	shalt  }
0x6c: {  	_ =	shalt  }
0x6d: {  	_ =	shalt  }
0x6e: {  	_ =	shalt  }
0x6f: {  	_ =	shalt  }
0x70: {  	_ =	shalt  }
0x71: {  	_ =	shalt  }
0x72: {  	_ =	shalt  }
0x73: {  	_ =	shalt  }
0x74: {  	_ =	shalt  }
0x75: {  	_ =	shalt  }
0x76: {  	_ =	shalt  }
0x77: {  	_ =	shalt  }
0x78: {  	_ =	shalt  }
0x79: {  	_ =	shalt  }
0x7a: {  	_ =	shalt  }
0x7b: {  	_ =	shalt  }
0x7c: {  	_ =	shalt  }
0x7d: {  	_ =	shalt  }
0x7e: {  	_ =	shalt  }
0x7f: {  	_ =	shalt  }
0x80: {  	_ =	shalt  }
0x81: {  	_ =	shalt  }
0x82: {  	_ =	shalt  }
0x83: {  	_ =	shalt  }
0x84: {  	_ =	shalt  }
0x85: {  	_ =	shalt  }
0x86: {  	_ =	shalt  }
0x87: {  	_ =	shalt  }
.Lfunc_end0:
.L_simem_size_0:
called_computation.2_lowered:
.L_overlay_start_0:
0x88: {  	s2 =	sld [smem:$0x3FD9]  }
0x89: {  	s3 =	sld [smem:$0x3FFE];
	_ =	sdelay $0x1  }
0x8a: {  	s1 =	srdreg.scid  }
0x8b: {  	s0 =	sand.u32 $0x1, s1  }
0x8c: {  	s16 =	sshll.u32 s0, $0xA;
	s2 =	sadd.s32 s3, s2  }
0x8d: {  	s2 =	sadd.s32 s2, s16  }
0x8e: {  	[smem:$0x3F94] =	sst s2  }
0x8f: {  	_ = 	snop  }
0x90: {  	(tm) =	ssettm $0x1  }
0x91: {  	s17 =	sld [smem:$0x3FFB];
	_ =	sdelay $0x3  }
0x92: {  	_ =	strace s17  }
0x93: {  	s2 =	sld [smem:$0x3FFC];
	_ =	sdelay $0x3  }
0x94: {  	_ =	strace s2  }
0x95: {  	s2 =	sld [smem:$0x3FFD];
	_ =	sdelay $0x3  }
0x96: {  	_ =	strace s2  }
0x97: {  	_ =	strace $0x8FFFFFFF  }
0x98: {  	s18 =	sld [smem:$0x3FDB];
	_ =	sdelay $0x1  }
0x99: {  	s19 =	simm.s32 $_scs_section_size  }
0x9a: {  	s4 =	simm.s32 $_size__tile_overlayer_lowered;
	s5 =	simm.s32 $_tile_overlayer_lowered  }
0x9b: {  	s22 =	simm.s32 $0x1BFF;
	s21 =	sshll.u32 s5, $0x1;
	s2 =	sadd.s32 s19, s18  }
0x9c: {  	s6 =	simm.s32 $0x0;
	s20 =	sshll.u32 s4, $0x1;
	s4 =	sadd.s32 s21, s2  }
0x9d: {  	[timem:s6], [sflag:s22] =	dma.local [hbm:s4], s20  }
0x9e: {  	_ =	swait.ge [sflag:s22], s20  }
0x9f: {  	s3 =	ssub.s32 $0x0, s20;
	[sflag:s22] =	ssyncset.done $0x0  }
0xa0: {  	[sflag:s22] =	ssyncadd.s32 s3;
	_ =	sdelay $0x1  }
0xa1: {  	s23 =	simm.s32 $0x1B8B  }
0xa2: {  	_ =	swait.ge [sflag:s23], $0x1  }
0xa3: {  	[sflag:s23] =	ssyncset.done $0x0  }
0xa4: {  	s25 =	simm.s32 $0x1B8E;
	s24 =	sld [smem:$0x3FFE];
	[sflag:s23] =	ssyncadd.s32 $0xFFFFFFFF  }
0xa5: {  	s26 =	simm.s32 $execute0_lowered;
	[smem:$0x3FD2] =	sst s25  }
0xa6: {  	s4 =	sshll.u32 s26, $0x1;
	_ =	strace $0x8000004C;
	[dreg:$0x1] =	wrdreg $0xFFFFFFFF  }
0xa7: {  	s28 =	simm.s32 $_size_execute0_lowered;
	s2 =	sadd.s32 s2, s4;
	[dreg:$0x0] =	wrdreg $0x0  }
0xa8: {  	s4 =	sshll.u32 s28, $0x1;
	[dreg:$0x2] =	wrdreg s2  }
0xa9: {  	[dreg:$0x3] =	wrdreg s4  }
0xaa: {  	[dreg:$0x4] =	wrdreg $0xC0  }
0xab: {  	_ =	task [dreg:s6], $0x5FFFF  }
0xac: {  	[dreg:$0x1] =	wrdreg $0xFFFFFFFF  }
0xad: {  	[dreg:$0x0] =	wrdreg $0x60  }
0xae: {  	[dreg:$0x2] =	wrdreg s24  }
0xaf: {  	[dreg:$0x3] =	wrdreg $0xC6200  }
0xb0: {  	[dreg:$0x4] =	wrdreg $0x9  }
0xb1: {  	_ =	task.clear_ibuf [dreg:s6], $0x5FFFF;
	_ =	strace $0x9000004C  }
0xb2: {  	s29 =	simm.s32 $0x9;
	_ =	strace $0x8000004E  }
0xb3: {  	_ =	swait.ge [sflag:s29], $0x1  }
0xb4: {  	[sflag:s29] =	ssyncadd.s32 $0xFFFFFFFF  }
0xb5: {  	_ =	strace $0x9000004E  }
0xb6: {  	_ =	sfence  }
0xb7: {  	s30 =	sld [smem:$0x0];
	_ =	sdelay $0x2  }
0xb8: {  	s31 =	sshll.u32 s1, $0xD;
	s1 =	sshrl.u32 s1, $0x2  }
0xb9: {  	s3 =	sand.u32 $0x4000, s31;
	s1 =	sadd.s32 s1, s30  }
0xba: {  	s0 =	sor.u32 s3, s0;
	s1 =	sshll.u32 s1, $0x11  }
0xbb: {  	s0 =	sor.u32 s1, s0  }
0xbc: {  	s0 =	sadd.s32 $0x8F2B, s0  }
0xbd: {  	[sflag:s0] =	ssyncadd.remote.s32 $0x1  }
0xbe: {  	_ =	sfence.sel $0xFFFF  }
0xbf: {  	[dreg:$0x0] =	wrdreg $0xFFFFFFFF;
	(pc) =	sbr.abs _section_cstart, $3  }
0xc0: {  	[dreg:$0x1] =	wrdreg $0xFFFFFFFF  }
0xc1: {  	_ =	task.clear_ibuf [dreg:s6], $0x2FFFF;
	_ =	strace $0x9FFFFFFF  }
0xc2: {  	(tm) =	ssettm $0x7FFFFFFF  }
0xc3: {  	_ =	shalt  }
tec
execute0_lowered:
.L_overlay_start_1:
0x0: {  	(tag) =	ssettag $0x1  }
0x1: {  	s5 =	rddreg [dreg:$0x0]  }
0x2: {  	s2 =	rddreg [dreg:$0x1];
	s4 =	srdreg.scid  }
0x3: {  	s1 =	stileid.u32;
	s3 =	simm.s32 $0x0;
	s17 =	simm.s32 $0x2710  }
0x4: {  	s18 =	simm.s32 $0x4E20;
	s19 =	simm.s32 $0x3;
	s20 =	simm.s32 $0x1  }
0x5: {  	s21 =	simm.s32 $0x2;
	s22 =	simm.s32 $0x50;
	s23 =	simm.s32 $0x7620  }
0x6: {  	s24 =	simm.s32 $0x9E20;
	s25 =	simm.s32 $0x4;
	s26 =	simm.s32 $0x4D80  }
0x7: {  	s28 =	simm.s32 $0x4DD0;
	s29 =	simm.s32 $0x0;
	s7 =	smul.u32 $0x13900, s1  }
0x8: {  	s6 =	sand.u32 $0x1, s4;
	[smem:$0x7FF] =	sst s3;
	s10 =	smul.u32 $0x4E400, s1  }
0x9: {  	s4 =	sshll.u32 s6, $0x4;
	s8 =	smul.u32 $0x139000, s6;
	_ =	strace $0x8000004D  }
0xa: {  	s6 =	ssub.s32 $0x2, s6;
	s9 =	sor.u32 s1, s4;
	s4 =	sadd.s32 $0x1CA00, s5  }
0xb: {  	s30 =	sshrl.u32 s6, $0x1;
	s31 =	sshrl.u32 s10, $0x2;
	s9 =	smul.u32 $0x4E2, s9  }
0xc: {  	s8 =	sadd.s32 s7, s8;
	s16 =	ssub.s32 s6, s30;
	s14 =	sadd.s32 s31, s2  }
0xd: {  	s7 =	sadd.s32 s7, s2;
	s8 =	sshrl.u32 s8, $0x3;
	s10 =	sadd.s32 $0x7800, s14  }
0xe: {  	s11 =	sadd.s32 $0xA000, s14;
	s12 =	sadd.s32 $0xC800, s14;
	s13 =	sadd.s32 $0xF000, s14  }
0xf: {  	s16 =	smax.u32 s16, $0x1;
	s9 =	sadd.s32 s9, s5;
	s15 =	sadd.s32 s8, s5  }
0x10: {  	s8 =	sadd.s32 $0x2800, s14;
	s5 =	sadd.s32 $0x12C00, s9;
	s6 =	sadd.s32 $0x8E00, s9  }
0x11: {  	v0 =	vimm.f32 $0.0e+00;
	s9 =	sadd.s32 $0x5000, s14;
	s14 =	sadd.s32 $0x11800, s14;
	s15 =	sadd.s32 $0x43C00, s15  }
.LBB2_1:
0x12: {  	[tilespmem:s3], [sflag:$0x1] =	stream.linear.gather [hbm4b:s5+s3], $0x2710, $0x38;
	[tilespmem:$0x1FF20] =	vst v63  }
0x13: {  	s30 =	simm.s32 $0x0;
	s31 =	simm.s32 $0x200  }
0x14: {  	[tilespmem:s17], [sflag:$0x2] =	stream.linear.gather [hbm4b:s6+s3], $0x2710, $0x38;
	[tilespmem:$0x1FF20] =	vst v63  }
.LBB2_2:
0x15: {  	p0 =	sne.s32 s31, $0x9E00;
	[tilespmem:s30+$0x4E90] =	vst v0  }
0x16: {  	[tilespmem:s30+$0x4E20] =	vst v0  }
0x17: {  	[tilespmem:s30+$0x4E30] =	vst v0  }
.Ltmp0:
0x18: {  	[tilespmem:s30+$0x4E40] =	vst v0;
	(pc) =	sbr.rel @p0 .LBB2_2-.Ltmp0, $4  }
0x19: {  	[tilespmem:s30+$0x4E50] =	vst v0  }
0x1a: {  	[tilespmem:s30+$0x4E60] =	vst v0  }
0x1b: {  	[tilespmem:s30+$0x4E70] =	vst v0  }
0x1c: {  	[tilespmem:s30+$0x4E80] =	vst v0;
	s30 =	sshra.s32 s31, $0x2;
	s31 =	sadd.s32 $0x200, s31  }
0x1d: {  	[tilespmem:s30+$0x4E90] =	vst v0  }
0x1e: {  	[tilespmem:s30+$0x4E20] =	vst v0  }
0x1f: {  	[tilespmem:s30+$0x4E30] =	vst v0  }
0x20: {  	[tilespmem:s30+$0x4E40] =	vst v0  }
0x21: {  	[tilespmem:s30+$0x4E50] =	vst v0  }
0x22: {  	[tilespmem:s30+$0x4E60] =	vst v0  }
0x23: {  	[tilespmem:s30+$0x4E70] =	vst v0  }
0x24: {  	[tilespmem:s30+$0x4E80] =	vst v0  }
0x25: {  	[spmem:s7] =	stream.linear.scatter [tilespmem:s18], [sflag:$0x3], $0x2800, $0x38;
	[tilespmem:$0x1FF20] =	vst v63  }
0x26: {  	_ = 	snop  }
0x27: {  	[spmem:s8] =	stream.linear.scatter [tilespmem:s18], [sflag:$0x3], $0x2800, $0x38;
	[tilespmem:$0x1FF20] =	vst v63  }
0x28: {  	_ = 	snop  }
0x29: {  	[spmem:s9] =	stream.linear.scatter [tilespmem:s18], [sflag:$0x3], $0x2800, $0x38;
	[tilespmem:$0x1FF20] =	vst v63  }
0x2a: {  	_ = 	snop  }
0x2b: {  	[spmem:s10] =	stream.linear.scatter [tilespmem:s18], [sflag:$0x3], $0x2800, $0x38;
	[tilespmem:$0x1FF20] =	vst v63  }
0x2c: {  	_ = 	snop  }
0x2d: {  	[spmem:s11] =	stream.linear.scatter [tilespmem:s18], [sflag:$0x3], $0x2800, $0x38;
	[tilespmem:$0x1FF20] =	vst v63  }
0x2e: {  	_ = 	snop  }
0x2f: {  	[spmem:s12] =	stream.linear.scatter [tilespmem:s18], [sflag:$0x3], $0x2800, $0x38;
	[tilespmem:$0x1FF20] =	vst v63  }
0x30: {  	_ = 	snop  }
0x31: {  	[spmem:s13] =	stream.linear.scatter [tilespmem:s18], [sflag:$0x3], $0x2800, $0x38;
	[tilespmem:$0x1FF20] =	vst v63  }
0x32: {  	_ = 	snop  }
0x33: {  	[spmem:s14] =	stream.linear.scatter [tilespmem:s18], [sflag:$0x3], $0x2100, $0x38;
	[tilespmem:$0x1FF20] =	vst v63  }
0x34: {  	_ =	swait.ge [sflag:s19], $0x2800  }
0x35: {  	[sflag:s19] =	ssyncset.done $0x0  }
0x36: {  	[sflag:s19] =	ssyncadd.s32 $0xFFFFD800  }
0x37: {  	_ =	swait.ge [sflag:s19], $0x2800  }
0x38: {  	[sflag:s19] =	ssyncset.done $0x0  }
0x39: {  	[sflag:s19] =	ssyncadd.s32 $0xFFFFD800  }
0x3a: {  	_ =	swait.ge [sflag:s19], $0x2800  }
0x3b: {  	[sflag:s19] =	ssyncset.done $0x0  }
0x3c: {  	[sflag:s19] =	ssyncadd.s32 $0xFFFFD800  }
0x3d: {  	_ =	swait.ge [sflag:s19], $0x2800  }
0x3e: {  	[sflag:s19] =	ssyncset.done $0x0  }
0x3f: {  	[sflag:s19] =	ssyncadd.s32 $0xFFFFD800  }
0x40: {  	_ =	swait.ge [sflag:s19], $0x2800  }
0x41: {  	[sflag:s19] =	ssyncset.done $0x0  }
0x42: {  	[sflag:s19] =	ssyncadd.s32 $0xFFFFD800  }
0x43: {  	_ =	swait.ge [sflag:s19], $0x2800  }
0x44: {  	[sflag:s19] =	ssyncset.done $0x0  }
0x45: {  	[sflag:s19] =	ssyncadd.s32 $0xFFFFD800  }
0x46: {  	_ =	swait.ge [sflag:s19], $0x2800  }
0x47: {  	[sflag:s19] =	ssyncset.done $0x0  }
0x48: {  	[sflag:s19] =	ssyncadd.s32 $0xFFFFD800  }
0x49: {  	_ =	swait.ge [sflag:s19], $0x2100  }
0x4a: {  	[sflag:s19] =	ssyncset.done $0x0  }
0x4b: {  	[sflag:s19] =	ssyncadd.s32 $0xFFFFDF00  }
0x4c: {  	_ =	swait.ge [sflag:s20], $0x2710  }
0x4d: {  	[sflag:s20] =	ssyncset.done $0x0  }
0x4e: {  	[sflag:s20] =	ssyncadd.s32 $0xFFFFD8F0  }
0x4f: {  	_ =	swait.ge [sflag:s21], $0x2710  }
0x50: {  	[sflag:s21] =	ssyncset.done $0x0  }
0x51: {  	[sflag:s21] =	ssyncadd.s32 $0xFFFFD8F0  }
0x52: {  	s30 =	simm.s32 $0x0;
	[bflag:$0x0] =	sbarrier.arrive $0xFFFF  }
0x53: {  	[tilespmem:s18], [sflag:$0x1] =	stream.indirect.gather [hbm4b:s4+s22], $0x80, s30, s22, $0xb8;
	[tilespmem:$0x1FF20] =	vst v63  }
0x54: {  	_ = 	snop  }
0x55: {  	[tilespmem:s23], [sflag:$0x2] =	stream.indirect.gather [hbm4b:s4+s22], $0x80, s22, s22, $0xb8;
	[tilespmem:$0x1FF20] =	vst v63  }
0x56: {  	_ =	swait.ge [sflag:s20], $0x2800  }
0x57: {  	[sflag:s20] =	ssyncset.done $0x0  }
0x58: {  	s30 =	simm.s32 $0xA0;
	[sflag:s20] =	ssyncadd.s32 $0xFFFFD800  }
0x59: {  	[tilespmem:s24], [sflag:$0x3] =	stream.indirect.gather [hbm4b:s4+s22], $0x80, s30, s22, $0xb8;
	[tilespmem:$0x1FF20] =	vst v63  }
0x5a: {  	s30 =	simm.s32 $0x2710  }
0x5b: {  	[spmem:s2] =	stream.indirect.scatter.add.f32 [tilespmem:s18], [sflag:$0x4], $0x80, s30, s22, $0xb8;
	[tilespmem:$0x1FF20] =	vst v63  }
0x5c: {  	_ =	swait.ge [sflag:s25], $0x2800  }
0x5d: {  	[sflag:s25] =	ssyncset.done $0x0  }
0x5e: {  	[sflag:s25] =	ssyncadd.s32 $0xFFFFD800  }
0x5f: {  	_ =	swait.ge [sflag:s21], $0x2800  }
0x60: {  	[sflag:s21] =	ssyncset.done $0x0  }
0x61: {  	s30 =	simm.s32 $0xF0;
	[sflag:s21] =	ssyncadd.s32 $0xFFFFD800  }
0x62: {  	[tilespmem:s18], [sflag:$0x1] =	stream.indirect.gather [hbm4b:s4+s22], $0x80, s30, s22, $0xb8;
	[tilespmem:$0x1FF20] =	vst v63  }
0x63: {  	s30 =	simm.s32 $0x2760  }
0x64: {  	[spmem:s2] =	stream.indirect.scatter.add.f32 [tilespmem:s23], [sflag:$0x4], $0x80, s30, s22, $0xb8;
	[tilespmem:$0x1FF20] =	vst v63  }
0x65: {  	_ =	swait.ge [sflag:s25], $0x2800  }
0x66: {  	[sflag:s25] =	ssyncset.done $0x0  }
0x67: {  	[sflag:s25] =	ssyncadd.s32 $0xFFFFD800  }
0x68: {  	_ =	swait.ge [sflag:s19], $0x2800  }
0x69: {  	[sflag:s19] =	ssyncset.done $0x0  }
0x6a: {  	s30 =	simm.s32 $0x140;
	[sflag:s19] =	ssyncadd.s32 $0xFFFFD800  }
0x6b: {  	[tilespmem:s23], [sflag:$0x2] =	stream.indirect.gather [hbm4b:s4+s22], $0x80, s30, s22, $0xb8;
	[tilespmem:$0x1FF20] =	vst v63  }
0x6c: {  	s30 =	simm.s32 $0x27B0  }
0x6d: {  	[spmem:s2] =	stream.indirect.scatter.add.f32 [tilespmem:s24], [sflag:$0x4], $0x80, s30, s22, $0xb8;
	[tilespmem:$0x1FF20] =	vst v63  }
0x6e: {  	_ =	swait.ge [sflag:s25], $0x2800  }
0x6f: {  	s30 =	simm.s32 $0x3C0;
	[sflag:s25] =	ssyncset.done $0x0  }
.LBB2_4:
0x70: {  	p0 =	sne.s32 s30, $0x9600  }
0x71: {  	[sflag:s25] =	ssyncadd.s32 $0xFFFFD800;
	s31 =	smov.u32 s30;
	s30 =	sadd.s32 $0x3C0, s30  }
0x72: {  	_ = 	snop  }
0x73: {  	_ =	swait.ge [sflag:s20], $0x2800  }
0x74: {  	s31 =	sshra.s32 s31, $0x2;
	[sflag:s20] =	ssyncset.done $0x0  }
0x75: {  	s0 =	sadd.s32 $0xA0, s31;
	[sflag:s20] =	ssyncadd.s32 $0xFFFFD800  }
0x76: {  	[tilespmem:s24], [sflag:$0x3] =	stream.indirect.gather [hbm4b:s4+s22], $0x80, s0, s22, $0xb8;
	[tilespmem:$0x1FF20] =	vst v63  }
0x77: {  	s0 =	sadd.s32 $0x2710, s31  }
0x78: {  	[spmem:s2] =	stream.indirect.scatter.add.f32 [tilespmem:s18], [sflag:$0x4], $0x80, s0, s22, $0xb8;
	[tilespmem:$0x1FF20] =	vst v63  }
0x79: {  	_ =	swait.ge [sflag:s25], $0x2800  }
0x7a: {  	[sflag:s25] =	ssyncset.done $0x0  }
0x7b: {  	[sflag:s25] =	ssyncadd.s32 $0xFFFFD800  }
0x7c: {  	_ =	swait.ge [sflag:s21], $0x2800  }
0x7d: {  	[sflag:s21] =	ssyncset.done $0x0  }
0x7e: {  	s0 =	sadd.s32 $0xF0, s31;
	[sflag:s21] =	ssyncadd.s32 $0xFFFFD800  }
0x7f: {  	[tilespmem:s18], [sflag:$0x1] =	stream.indirect.gather [hbm4b:s4+s22], $0x80, s0, s22, $0xb8;
	[tilespmem:$0x1FF20] =	vst v63  }
0x80: {  	s0 =	sadd.s32 $0x2760, s31  }
0x81: {  	[spmem:s2] =	stream.indirect.scatter.add.f32 [tilespmem:s23], [sflag:$0x4], $0x80, s0, s22, $0xb8;
	[tilespmem:$0x1FF20] =	vst v63  }
0x82: {  	_ =	swait.ge [sflag:s25], $0x2800  }
0x83: {  	[sflag:s25] =	ssyncset.done $0x0  }
0x84: {  	[sflag:s25] =	ssyncadd.s32 $0xFFFFD800  }
0x85: {  	_ =	swait.ge [sflag:s19], $0x2800  }
0x86: {  	[sflag:s19] =	ssyncset.done $0x0  }
0x87: {  	s0 =	sadd.s32 $0x140, s31;
	[sflag:s19] =	ssyncadd.s32 $0xFFFFD800  }
0x88: {  	[tilespmem:s23], [sflag:$0x2] =	stream.indirect.gather [hbm4b:s4+s22], $0x80, s0, s22, $0xb8;
	[tilespmem:$0x1FF20] =	vst v63  }
.Ltmp1:
0x89: {  	_ = 	snop;
	(pc) =	sbr.rel @p0 .LBB2_4-.Ltmp1, $4  }
0x8a: {  	s0 =	sadd.s32 $0x27B0, s31  }
0x8b: {  	[spmem:s2] =	stream.indirect.scatter.add.f32 [tilespmem:s24], [sflag:$0x4], $0x80, s0, s22, $0xb8;
	[tilespmem:$0x1FF20] =	vst v63  }
0x8c: {  	_ =	swait.ge [sflag:s25], $0x2800  }
0x8d: {  	[sflag:s25] =	ssyncset.done $0x0  }
0x8e: {  	[sflag:s25] =	ssyncadd.s32 $0xFFFFD800  }
0x8f: {  	_ =	swait.ge [sflag:s20], $0x2800  }
0x90: {  	[sflag:s20] =	ssyncset.done $0x0  }
0x91: {  	[sflag:s20] =	ssyncadd.s32 $0xFFFFD800  }
0x92: {  	[spmem:s2] =	stream.indirect.scatter.add.f32 [tilespmem:s18], [sflag:$0x4], $0x80, s26, s22, $0xb8;
	[tilespmem:$0x1FF20] =	vst v63  }
0x93: {  	_ =	swait.ge [sflag:s25], $0x2800  }
0x94: {  	[sflag:s25] =	ssyncset.done $0x0  }
0x95: {  	[sflag:s25] =	ssyncadd.s32 $0xFFFFD800  }
0x96: {  	_ =	swait.ge [sflag:s21], $0x2800  }
0x97: {  	[sflag:s21] =	ssyncset.done $0x0  }
0x98: {  	[sflag:s21] =	ssyncadd.s32 $0xFFFFD800  }
0x99: {  	[spmem:s2] =	stream.indirect.scatter.add.f32 [tilespmem:s23], [sflag:$0x4], $0x80, s28, s22, $0xb8;
	[tilespmem:$0x1FF20] =	vst v63  }
0x9a: {  	_ =	swait.ge [sflag:s25], $0x2800  }
0x9b: {  	s0 =	sshll.u32 s1, $0x6;
	s29 =	sadd.s32 $0x1, s29;
	[sflag:s25] =	ssyncset.done $0x0  }
0x9c: {  	s30 =	sshrl.u32 s7, $0x3;
	p0 =	sne.s32 s29, s16;
	[sflag:s25] =	ssyncadd.s32 $0xFFFFD800  }
.Ltmp2:
0x9d: {  	s0 =	sor.u32 $0x1C04, s0;
	[bflag:$0x0] =	sbarrier.arrive $0xFFFF;
	(pc) =	sbr.rel @p0 .LBB2_1-.Ltmp2, $4  }
0x9e: {  	[hbm:s15], [sflag:s0] =	dma.local [spmem:s30], $0x2720  }
0x9f: {  	_ =	swait.ge [sflag:s25], $0x2720  }
0xa0: {  	[sflag:s25] =	ssyncset.done $0x0  }
0xa1: {  	[sflag:s25] =	ssyncadd.s32 $0xFFFFD8E0  }
0xa2: {  	_ =	sfence.sel $0x180000  }
0xa3: {  	[bflag:$0x0] =	sbarrier.arrive $0xFFFF  }
0xa4: {  	_ =	strace $0x9000004D  }
0xa5: {  	[bflag:$0x2] =	sbarrier.arrive $0xFFFF  }
0xa6: {  	p0 =	sne.s32 s1, $0x0;
	s0 =	rddreg [dreg:$0x2]  }
0xa7: {  	s0 =	sadd.s32 @!p0 $0x100000, s0  }
0xa8: {  	[sflag:s0] =	ssyncadd.tile.s32 @!p0 $0x1;
	_ =	shalt  }
.Lfunc_end2:
_tile_overlayer_lowered:
.L_overlay_start_2:
0xa9: {  	(tag) =	ssettag $0x2  }
0xaa: {  	s0 =	rddreg [dreg:$0x0];
	s2 =	stileid.u32  }
0xab: {  	s1 =	rddreg [dreg:$0x1];
	p0 =	sne.s32 s2, $0x0  }
0xac: {  	s3 =	rddreg [dreg:$0x2];
	[bflag:$0x3] =	sbarrier.arrive $0xFFFF;
	s2 =	simm.s32 @!p0 $0x1C04  }
0xad: {  	[timem:s3], [sflag:s2] =	dma.local @!p0 [hbm:s0], s1  }
0xae: {  	s0 =	simm.s32 @!p0 $0x4  }
0xaf: {  	_ =	swait.ge @!p0 [sflag:s0], s1  }
0xb0: {  	s1 =	ssub.s32 @!p0 $0x0, s1;
	[sflag:s0] =	ssyncset.done @!p0 $0x0  }
0xb1: {  	[sflag:s0] =	ssyncadd.s32 @!p0 s1  }
0xb2: {  	[bflag:$0x3] =	sbarrier.arrive $0xFFFF  }
0xb3: {  	_ =	shalt  }

// kernel: kernel.22.cloned.1.call-start
scs
__scs_entry_jumppad:
0x0: {  	(pc) =	sbr.rel $0x88, $3  }
0x1: {  	(tag) =	ssettag $0x0;
	lr =	simm.s32 $0x1  }
0x2: {  	[smem:$0x3F6D] =	sst lr;
	_ =	strace $0xD0000000  }
0x3: {  	_ = 	snop  }
0x4: {  	_ = 	snop  }
0x5: {  	_ = 	snop  }
0x6: {  	_ = 	snop  }
0x7: {  	_ = 	snop  }
__scs_overlays_trampoline_lowered:
0x8: {  	[smem:$0x3F7C] =	sst s0  }
0x9: {  	[smem:$0x3F7D] =	sst s1  }
0xa: {  	[smem:$0x3F7E] =	sst s2  }
0xb: {  	[smem:$0x3F7F] =	sst s3  }
0xc: {  	[smem:$0x3F80] =	sst s4  }
0xd: {  	[smem:$0x3F81] =	sst s5  }
0xe: {  	[smem:$0x3F82] =	sst s6  }
0xf: {  	[smem:$0x3F83] =	sst s7  }
0x10: {  	[smem:$0x3F84] =	sst s8  }
0x11: {  	[smem:$0x3F85] =	sst s9;
	s0 =	simm.s32 @!p0 $0x0  }
0x12: {  	s1 =	sld [smem:$0x3F6B];
	s0 =	simm.s32 @p0 $0x1  }
0x13: {  	[smem:$0x3F86] =	sst s0;
	s0 =	simm.s32 @!p1 $0x0  }
0x14: {  	s2 =	sld [smem:$0x3F6A];
	s0 =	simm.s32 @p1 $0x1  }
0x15: {  	[smem:$0x3F87] =	sst s0;
	s0 =	simm.s32 @!p2 $0x0  }
0x16: {  	s3 =	sld [smem:$0x3FDB];
	s0 =	simm.s32 @p2 $0x1  }
0x17: {  	s4 =	simm.s32 $0x1BF5;
	[smem:$0x3F89] =	sst s0  }
0x18: {  	s0 =	sld [smem:$0x3F6C];
	_ =	swait.ge [sflag:s4], $0x0  }
0x19: {  	s7 =	sld [smem:$0x3F6D]  }
0x1a: {  	s8 =	sadd.s32 $0xFFFFE003, lr  }
0x1b: {  	s9 =	sadd.s32 $0xFFFFFEF7, lr;
	s5 =	simm.s32 $0xFFFFFFFF;
	p2 =	slt.u32 s8, $0xFFFFF086  }
0x1c: {  	p1 =	slt.u32 s9, $0xF7A;
	s5 =	simm.s32 @!p2 $0x0  }
0x1d: {  	s5 =	simm.s32 @p1 $0x1;
	p0 =	seq.s32 s7, s2  }
0x1e: {  	s7 =	smul.u32 @!p0 $0xF7A, s2;
	p2 =	seq.s32 @!p0 s5, $0x0  }
0x1f: {  	s9 =	smul.u32 $0xF7A, s1;
	s8 =	simm.s32 @!p0 $0x1BF5;
	p2 =	por !p2, p0  }
0x20: {  	[sflag:s8] =	ssyncset.s32 @!p0 $0xFFFFF086;
	s6 =	sadd.s32 @!p0 s3, s7;
	s7 =	simm.s32 @!p0 $0x108  }
0x21: {  	s3 =	sadd.s32 s3, s9;
	s6 =	sadd.s32 @!p0 $0x88, s6;
	s7 =	simm.s32 @p2 $0x1082  }
0x22: {  	[simem:s7], [sflag:s8] =	dma.local @!p0 [hbm:s6], $0xF7A  }
0x23: {  	s9 =	sor.u32 $0xD0000000, s2;
	s6 =	simm.s32 $0x108;
	_ =	swait.ge @!p0 [sflag:s8], $0x0  }
0x24: {  	s3 =	sadd.s32 $0x88, s3;
	s6 =	simm.s32 @!p1 $0x1082;
	[sflag:s4] =	ssyncset.s32 $0xFFFFF086  }
0x25: {  	[simem:s6], [sflag:s4] =	dma.local [hbm:s3], $0xF7A  }
0x26: {  	[smem:$0x3F6D] =	sst s1;
	(tag) =	ssettag s2;
	_ =	strace s9  }
0x27: {  	s1 =	sld [smem:$0x3F7D]  }
0x28: {  	s2 =	sld [smem:$0x3F7E]  }
0x29: {  	s4 =	sld [smem:$0x3F80]  }
0x2a: {  	p0 =	seq.s32 s5, $0x0;
	s5 =	sld [smem:$0x3F81]  }
0x2b: {  	s6 =	sld [smem:$0x3F82]  }
0x2c: {  	s7 =	sld [smem:$0x3F83]  }
0x2d: {  	s3 =	simm.s32 $0x108;
	s8 =	sld [smem:$0x3F84]  }
0x2e: {  	s3 =	simm.s32 @!p0 $0x1082;
	s9 =	sld [smem:$0x3F85]  }
0x2f: {  	lr =	sadd.s32 s0, s3;
	s0 =	sld [smem:$0x3F7C]  }
0x30: {  	s3 =	sld [smem:$0x3F7F]  }
0x31: {  	[smem:$0x3F88] =	sst s10  }
0x32: {  	s10 =	sld [smem:$0x3F86];
	_ =	sdelay $0x3  }
0x33: {  	p0 =	seq.s32 s10, $0x1;
	s10 =	sld [smem:$0x3F88];
	_ =	sdelay $0x3  }
0x34: {  	[smem:$0x3F88] =	sst s10  }
0x35: {  	s10 =	sld [smem:$0x3F87];
	_ =	sdelay $0x3  }
0x36: {  	p1 =	seq.s32 s10, $0x1;
	s10 =	sld [smem:$0x3F88];
	_ =	sdelay $0x3  }
0x37: {  	[smem:$0x3F88] =	sst s10  }
0x38: {  	s10 =	sld [smem:$0x3F89]  }
0x39: {  	_ = 	snop;
	(pc) =	sbr.ind lr, $3  }
0x3a: {  	_ = 	snop  }
0x3b: {  	_ = 	snop  }
0x3c: {  	p2 =	seq.s32 s10, $0x1;
	s10 =	sld [smem:$0x3F88]  }
0x3d: {  	_ =	shalt  }
0x3e: {  	_ =	shalt  }
0x3f: {  	_ =	shalt  }
0x40: {  	_ =	shalt  }
0x41: {  	_ =	shalt  }
0x42: {  	_ =	shalt  }
0x43: {  	_ =	shalt  }
0x44: {  	_ =	shalt  }
0x45: {  	_ =	shalt  }
0x46: {  	_ =	shalt  }
0x47: {  	_ =	shalt  }
0x48: {  	_ =	shalt  }
0x49: {  	_ =	shalt  }
0x4a: {  	_ =	shalt  }
0x4b: {  	_ =	shalt  }
0x4c: {  	_ =	shalt  }
0x4d: {  	_ =	shalt  }
0x4e: {  	_ =	shalt  }
0x4f: {  	_ =	shalt  }
0x50: {  	_ =	shalt  }
0x51: {  	_ =	shalt  }
0x52: {  	_ =	shalt  }
0x53: {  	_ =	shalt  }
0x54: {  	_ =	shalt  }
0x55: {  	_ =	shalt  }
0x56: {  	_ =	shalt  }
0x57: {  	_ =	shalt  }
0x58: {  	_ =	shalt  }
0x59: {  	_ =	shalt  }
0x5a: {  	_ =	shalt  }
0x5b: {  	_ =	shalt  }
0x5c: {  	_ =	shalt  }
0x5d: {  	_ =	shalt  }
0x5e: {  	_ =	shalt  }
0x5f: {  	_ =	shalt  }
0x60: {  	_ =	shalt  }
0x61: {  	_ =	shalt  }
0x62: {  	_ =	shalt  }
0x63: {  	_ =	shalt  }
0x64: {  	_ =	shalt  }
0x65: {  	_ =	shalt  }
0x66: {  	_ =	shalt  }
0x67: {  	_ =	shalt  }
0x68: {  	_ =	shalt  }
0x69: {  	_ =	shalt  }
0x6a: {  	_ =	shalt  }
0x6b: {  	_ =	shalt  }
0x6c: {  	_ =	shalt  }
0x6d: {  	_ =	shalt  }
0x6e: {  	_ =	shalt  }
0x6f: {  	_ =	shalt  }
0x70: {  	_ =	shalt  }
0x71: {  	_ =	shalt  }
0x72: {  	_ =	shalt  }
0x73: {  	_ =	shalt  }
0x74: {  	_ =	shalt  }
0x75: {  	_ =	shalt  }
0x76: {  	_ =	shalt  }
0x77: {  	_ =	shalt  }
0x78: {  	_ =	shalt  }
0x79: {  	_ =	shalt  }
0x7a: {  	_ =	shalt  }
0x7b: {  	_ =	shalt  }
0x7c: {  	_ =	shalt  }
0x7d: {  	_ =	shalt  }
0x7e: {  	_ =	shalt  }
0x7f: {  	_ =	shalt  }
0x80: {  	_ =	shalt  }
0x81: {  	_ =	shalt  }
0x82: {  	_ =	shalt  }
0x83: {  	_ =	shalt  }
0x84: {  	_ =	shalt  }
0x85: {  	_ =	shalt  }
0x86: {  	_ =	shalt  }
0x87: {  	_ =	shalt  }
.Lfunc_end0:
.L_simem_size_0:
called_computation.3_lowered:
.L_overlay_start_0:
0x88: {  	s2 =	sld [smem:$0x3FD9]  }
0x89: {  	s3 =	sld [smem:$0x3FFE];
	_ =	sdelay $0x1  }
0x8a: {  	s1 =	srdreg.scid  }
0x8b: {  	s0 =	sand.u32 $0x1, s1  }
0x8c: {  	s16 =	sshll.u32 s0, $0xA;
	s2 =	sadd.s32 s3, s2  }
0x8d: {  	s2 =	sadd.s32 s2, s16  }
0x8e: {  	[smem:$0x3F94] =	sst s2  }
0x8f: {  	_ = 	snop  }
0x90: {  	(tm) =	ssettm $0x1  }
0x91: {  	s17 =	sld [smem:$0x3FFB];
	_ =	sdelay $0x3  }
0x92: {  	_ =	strace s17  }
0x93: {  	s2 =	sld [smem:$0x3FFC];
	_ =	sdelay $0x3  }
0x94: {  	_ =	strace s2  }
0x95: {  	s2 =	sld [smem:$0x3FFD];
	_ =	sdelay $0x3  }
0x96: {  	_ =	strace s2  }
0x97: {  	_ =	strace $0x8FFFFFFF  }
0x98: {  	s18 =	sld [smem:$0x3FDB];
	_ =	sdelay $0x1  }
0x99: {  	s19 =	simm.s32 $_scs_section_size  }
0x9a: {  	s4 =	simm.s32 $_size__tile_overlayer_lowered;
	s5 =	simm.s32 $_tile_overlayer_lowered  }
0x9b: {  	s22 =	simm.s32 $0x1BFF;
	s21 =	sshll.u32 s5, $0x1;
	s2 =	sadd.s32 s19, s18  }
0x9c: {  	s6 =	simm.s32 $0x0;
	s20 =	sshll.u32 s4, $0x1;
	s4 =	sadd.s32 s21, s2  }
0x9d: {  	[timem:s6], [sflag:s22] =	dma.local [hbm:s4], s20  }
0x9e: {  	_ =	swait.ge [sflag:s22], s20  }
0x9f: {  	s3 =	ssub.s32 $0x0, s20;
	[sflag:s22] =	ssyncset.done $0x0  }
0xa0: {  	[sflag:s22] =	ssyncadd.s32 s3;
	_ =	sdelay $0x1  }
0xa1: {  	s23 =	simm.s32 $0x1B8B  }
0xa2: {  	_ =	swait.ge [sflag:s23], $0x1  }
0xa3: {  	[sflag:s23] =	ssyncset.done $0x0  }
0xa4: {  	s25 =	simm.s32 $0x1B8E;
	s24 =	sld [smem:$0x3FFE];
	[sflag:s23] =	ssyncadd.s32 $0xFFFFFFFF  }
0xa5: {  	s26 =	simm.s32 $execute0_lowered;
	[smem:$0x3FD2] =	sst s25  }
0xa6: {  	s4 =	sshll.u32 s26, $0x1;
	_ =	strace $0x8000004F;
	[dreg:$0x1] =	wrdreg $0xFFFFFFFF  }
0xa7: {  	s28 =	simm.s32 $_size_execute0_lowered;
	s2 =	sadd.s32 s2, s4;
	[dreg:$0x0] =	wrdreg $0x0  }
0xa8: {  	s4 =	sshll.u32 s28, $0x1;
	[dreg:$0x2] =	wrdreg s2  }
0xa9: {  	[dreg:$0x3] =	wrdreg s4  }
0xaa: {  	[dreg:$0x4] =	wrdreg $0xC0  }
0xab: {  	_ =	task [dreg:s6], $0x5FFFF  }
0xac: {  	[dreg:$0x1] =	wrdreg $0xFFFFFFFF  }
0xad: {  	[dreg:$0x0] =	wrdreg $0x60  }
0xae: {  	[dreg:$0x2] =	wrdreg s24  }
0xaf: {  	[dreg:$0x3] =	wrdreg $0xC6200  }
0xb0: {  	[dreg:$0x4] =	wrdreg $0x9  }
0xb1: {  	_ =	task.clear_ibuf [dreg:s6], $0x5FFFF;
	_ =	strace $0x9000004F  }
0xb2: {  	s29 =	simm.s32 $0x9;
	_ =	strace $0x80000051  }
0xb3: {  	_ =	swait.ge [sflag:s29], $0x1  }
0xb4: {  	[sflag:s29] =	ssyncadd.s32 $0xFFFFFFFF  }
0xb5: {  	_ =	strace $0x90000051  }
0xb6: {  	_ =	sfence  }
0xb7: {  	s30 =	sld [smem:$0x0];
	_ =	sdelay $0x2  }
0xb8: {  	s31 =	sshll.u32 s1, $0xD;
	s1 =	sshrl.u32 s1, $0x2  }
0xb9: {  	s3 =	sand.u32 $0x4000, s31;
	s1 =	sadd.s32 s1, s30  }
0xba: {  	s0 =	sor.u32 s3, s0;
	s1 =	sshll.u32 s1, $0x11  }
0xbb: {  	s0 =	sor.u32 s1, s0  }
0xbc: {  	s0 =	sadd.s32 $0x8F2B, s0  }
0xbd: {  	[sflag:s0] =	ssyncadd.remote.s32 $0x1  }
0xbe: {  	_ =	sfence.sel $0xFFFF  }
0xbf: {  	[dreg:$0x0] =	wrdreg $0xFFFFFFFF;
	(pc) =	sbr.abs _section_cstart, $3  }
0xc0: {  	[dreg:$0x1] =	wrdreg $0xFFFFFFFF  }
0xc1: {  	_ =	task.clear_ibuf [dreg:s6], $0x2FFFF;
	_ =	strace $0x9FFFFFFF  }
0xc2: {  	(tm) =	ssettm $0x7FFFFFFF  }
0xc3: {  	_ =	shalt  }
tec
execute0_lowered:
.L_overlay_start_1:
0x0: {  	(tag) =	ssettag $0x1  }
0x1: {  	s5 =	rddreg [dreg:$0x0]  }
0x2: {  	s2 =	rddreg [dreg:$0x1];
	s4 =	srdreg.scid  }
0x3: {  	s1 =	stileid.u32;
	s3 =	simm.s32 $0x0;
	s17 =	simm.s32 $0x2710  }
0x4: {  	s18 =	simm.s32 $0x4E20;
	s19 =	simm.s32 $0x3;
	s20 =	simm.s32 $0x1  }
0x5: {  	s21 =	simm.s32 $0x2;
	s22 =	simm.s32 $0x50;
	s23 =	simm.s32 $0x7620  }
0x6: {  	s24 =	simm.s32 $0x9E20;
	s25 =	simm.s32 $0x4;
	s26 =	simm.s32 $0x4D80  }
0x7: {  	s28 =	simm.s32 $0x4DD0;
	s29 =	simm.s32 $0x0;
	s7 =	smul.u32 $0x13900, s1  }
0x8: {  	s6 =	sand.u32 $0x1, s4;
	[smem:$0x7FF] =	sst s3;
	s10 =	smul.u32 $0x4E400, s1  }
0x9: {  	s4 =	sshll.u32 s6, $0x4;
	s8 =	smul.u32 $0x139000, s6;
	_ =	strace $0x80000050  }
0xa: {  	s6 =	ssub.s32 $0x2, s6;
	s9 =	sor.u32 s1, s4;
	s4 =	sadd.s32 $0x1CA00, s5  }
0xb: {  	s30 =	sshrl.u32 s6, $0x1;
	s31 =	sshrl.u32 s10, $0x2;
	s9 =	smul.u32 $0x4E2, s9  }
0xc: {  	s8 =	sadd.s32 s7, s8;
	s16 =	ssub.s32 s6, s30;
	s14 =	sadd.s32 s31, s2  }
0xd: {  	s7 =	sadd.s32 s7, s2;
	s8 =	sshrl.u32 s8, $0x3;
	s10 =	sadd.s32 $0x7800, s14  }
0xe: {  	s11 =	sadd.s32 $0xA000, s14;
	s12 =	sadd.s32 $0xC800, s14;
	s13 =	sadd.s32 $0xF000, s14  }
0xf: {  	s16 =	smax.u32 s16, $0x1;
	s9 =	sadd.s32 s9, s5;
	s15 =	sadd.s32 s8, s5  }
0x10: {  	s8 =	sadd.s32 $0x2800, s14;
	s5 =	sadd.s32 $0x12C00, s9;
	s6 =	sadd.s32 $0x8E00, s9  }
0x11: {  	v0 =	vimm.f32 $0.0e+00;
	s9 =	sadd.s32 $0x5000, s14;
	s14 =	sadd.s32 $0x11800, s14;
	s15 =	sadd.s32 $0x43C00, s15  }
.LBB2_1:
0x12: {  	[tilespmem:s3], [sflag:$0x1] =	stream.linear.gather [hbm4b:s5+s3], $0x2710, $0x38;
	[tilespmem:$0x1FF20] =	vst v63  }
0x13: {  	s30 =	simm.s32 $0x0;
	s31 =	simm.s32 $0x200  }
0x14: {  	[tilespmem:s17], [sflag:$0x2] =	stream.linear.gather [hbm4b:s6+s3], $0x2710, $0x38;
	[tilespmem:$0x1FF20] =	vst v63  }
.LBB2_2:
0x15: {  	p0 =	sne.s32 s31, $0x9E00;
	[tilespmem:s30+$0x4E90] =	vst v0  }
0x16: {  	[tilespmem:s30+$0x4E20] =	vst v0  }
0x17: {  	[tilespmem:s30+$0x4E30] =	vst v0  }
.Ltmp0:
0x18: {  	[tilespmem:s30+$0x4E40] =	vst v0;
	(pc) =	sbr.rel @p0 .LBB2_2-.Ltmp0, $4  }
0x19: {  	[tilespmem:s30+$0x4E50] =	vst v0  }
0x1a: {  	[tilespmem:s30+$0x4E60] =	vst v0  }
0x1b: {  	[tilespmem:s30+$0x4E70] =	vst v0  }
0x1c: {  	[tilespmem:s30+$0x4E80] =	vst v0;
	s30 =	sshra.s32 s31, $0x2;
	s31 =	sadd.s32 $0x200, s31  }
0x1d: {  	[tilespmem:s30+$0x4E90] =	vst v0  }
0x1e: {  	[tilespmem:s30+$0x4E20] =	vst v0  }
0x1f: {  	[tilespmem:s30+$0x4E30] =	vst v0  }
0x20: {  	[tilespmem:s30+$0x4E40] =	vst v0  }
0x21: {  	[tilespmem:s30+$0x4E50] =	vst v0  }
0x22: {  	[tilespmem:s30+$0x4E60] =	vst v0  }
0x23: {  	[tilespmem:s30+$0x4E70] =	vst v0  }
0x24: {  	[tilespmem:s30+$0x4E80] =	vst v0  }
0x25: {  	[spmem:s7] =	stream.linear.scatter [tilespmem:s18], [sflag:$0x3], $0x2800, $0x38;
	[tilespmem:$0x1FF20] =	vst v63  }
0x26: {  	_ = 	snop  }
0x27: {  	[spmem:s8] =	stream.linear.scatter [tilespmem:s18], [sflag:$0x3], $0x2800, $0x38;
	[tilespmem:$0x1FF20] =	vst v63  }
0x28: {  	_ = 	snop  }
0x29: {  	[spmem:s9] =	stream.linear.scatter [tilespmem:s18], [sflag:$0x3], $0x2800, $0x38;
	[tilespmem:$0x1FF20] =	vst v63  }
0x2a: {  	_ = 	snop  }
0x2b: {  	[spmem:s10] =	stream.linear.scatter [tilespmem:s18], [sflag:$0x3], $0x2800, $0x38;
	[tilespmem:$0x1FF20] =	vst v63  }
0x2c: {  	_ = 	snop  }
0x2d: {  	[spmem:s11] =	stream.linear.scatter [tilespmem:s18], [sflag:$0x3], $0x2800, $0x38;
	[tilespmem:$0x1FF20] =	vst v63  }
0x2e: {  	_ = 	snop  }
0x2f: {  	[spmem:s12] =	stream.linear.scatter [tilespmem:s18], [sflag:$0x3], $0x2800, $0x38;
	[tilespmem:$0x1FF20] =	vst v63  }
0x30: {  	_ = 	snop  }
0x31: {  	[spmem:s13] =	stream.linear.scatter [tilespmem:s18], [sflag:$0x3], $0x2800, $0x38;
	[tilespmem:$0x1FF20] =	vst v63  }
0x32: {  	_ = 	snop  }
0x33: {  	[spmem:s14] =	stream.linear.scatter [tilespmem:s18], [sflag:$0x3], $0x2100, $0x38;
	[tilespmem:$0x1FF20] =	vst v63  }
0x34: {  	_ =	swait.ge [sflag:s19], $0x2800  }
0x35: {  	[sflag:s19] =	ssyncset.done $0x0  }
0x36: {  	[sflag:s19] =	ssyncadd.s32 $0xFFFFD800  }
0x37: {  	_ =	swait.ge [sflag:s19], $0x2800  }
0x38: {  	[sflag:s19] =	ssyncset.done $0x0  }
0x39: {  	[sflag:s19] =	ssyncadd.s32 $0xFFFFD800  }
0x3a: {  	_ =	swait.ge [sflag:s19], $0x2800  }
0x3b: {  	[sflag:s19] =	ssyncset.done $0x0  }
0x3c: {  	[sflag:s19] =	ssyncadd.s32 $0xFFFFD800  }
0x3d: {  	_ =	swait.ge [sflag:s19], $0x2800  }
0x3e: {  	[sflag:s19] =	ssyncset.done $0x0  }
0x3f: {  	[sflag:s19] =	ssyncadd.s32 $0xFFFFD800  }
0x40: {  	_ =	swait.ge [sflag:s19], $0x2800  }
0x41: {  	[sflag:s19] =	ssyncset.done $0x0  }
0x42: {  	[sflag:s19] =	ssyncadd.s32 $0xFFFFD800  }
0x43: {  	_ =	swait.ge [sflag:s19], $0x2800  }
0x44: {  	[sflag:s19] =	ssyncset.done $0x0  }
0x45: {  	[sflag:s19] =	ssyncadd.s32 $0xFFFFD800  }
0x46: {  	_ =	swait.ge [sflag:s19], $0x2800  }
0x47: {  	[sflag:s19] =	ssyncset.done $0x0  }
0x48: {  	[sflag:s19] =	ssyncadd.s32 $0xFFFFD800  }
0x49: {  	_ =	swait.ge [sflag:s19], $0x2100  }
0x4a: {  	[sflag:s19] =	ssyncset.done $0x0  }
0x4b: {  	[sflag:s19] =	ssyncadd.s32 $0xFFFFDF00  }
0x4c: {  	_ =	swait.ge [sflag:s20], $0x2710  }
0x4d: {  	[sflag:s20] =	ssyncset.done $0x0  }
0x4e: {  	[sflag:s20] =	ssyncadd.s32 $0xFFFFD8F0  }
0x4f: {  	_ =	swait.ge [sflag:s21], $0x2710  }
0x50: {  	[sflag:s21] =	ssyncset.done $0x0  }
0x51: {  	[sflag:s21] =	ssyncadd.s32 $0xFFFFD8F0  }
0x52: {  	s30 =	simm.s32 $0x0;
	[bflag:$0x0] =	sbarrier.arrive $0xFFFF  }
0x53: {  	[tilespmem:s18], [sflag:$0x1] =	stream.indirect.gather [hbm4b:s4+s22], $0x80, s30, s22, $0xb8;
	[tilespmem:$0x1FF20] =	vst v63  }
0x54: {  	_ = 	snop  }
0x55: {  	[tilespmem:s23], [sflag:$0x2] =	stream.indirect.gather [hbm4b:s4+s22], $0x80, s22, s22, $0xb8;
	[tilespmem:$0x1FF20] =	vst v63  }
0x56: {  	_ =	swait.ge [sflag:s20], $0x2800  }
0x57: {  	[sflag:s20] =	ssyncset.done $0x0  }
0x58: {  	s30 =	simm.s32 $0xA0;
	[sflag:s20] =	ssyncadd.s32 $0xFFFFD800  }
0x59: {  	[tilespmem:s24], [sflag:$0x3] =	stream.indirect.gather [hbm4b:s4+s22], $0x80, s30, s22, $0xb8;
	[tilespmem:$0x1FF20] =	vst v63  }
0x5a: {  	s30 =	simm.s32 $0x2710  }
0x5b: {  	[spmem:s2] =	stream.indirect.scatter.add.f32 [tilespmem:s18], [sflag:$0x4], $0x80, s30, s22, $0xb8;
	[tilespmem:$0x1FF20] =	vst v63  }
0x5c: {  	_ =	swait.ge [sflag:s25], $0x2800  }
0x5d: {  	[sflag:s25] =	ssyncset.done $0x0  }
0x5e: {  	[sflag:s25] =	ssyncadd.s32 $0xFFFFD800  }
0x5f: {  	_ =	swait.ge [sflag:s21], $0x2800  }
0x60: {  	[sflag:s21] =	ssyncset.done $0x0  }
0x61: {  	s30 =	simm.s32 $0xF0;
	[sflag:s21] =	ssyncadd.s32 $0xFFFFD800  }
0x62: {  	[tilespmem:s18], [sflag:$0x1] =	stream.indirect.gather [hbm4b:s4+s22], $0x80, s30, s22, $0xb8;
	[tilespmem:$0x1FF20] =	vst v63  }
0x63: {  	s30 =	simm.s32 $0x2760  }
0x64: {  	[spmem:s2] =	stream.indirect.scatter.add.f32 [tilespmem:s23], [sflag:$0x4], $0x80, s30, s22, $0xb8;
	[tilespmem:$0x1FF20] =	vst v63  }
0x65: {  	_ =	swait.ge [sflag:s25], $0x2800  }
0x66: {  	[sflag:s25] =	ssyncset.done $0x0  }
0x67: {  	[sflag:s25] =	ssyncadd.s32 $0xFFFFD800  }
0x68: {  	_ =	swait.ge [sflag:s19], $0x2800  }
0x69: {  	[sflag:s19] =	ssyncset.done $0x0  }
0x6a: {  	s30 =	simm.s32 $0x140;
	[sflag:s19] =	ssyncadd.s32 $0xFFFFD800  }
0x6b: {  	[tilespmem:s23], [sflag:$0x2] =	stream.indirect.gather [hbm4b:s4+s22], $0x80, s30, s22, $0xb8;
	[tilespmem:$0x1FF20] =	vst v63  }
0x6c: {  	s30 =	simm.s32 $0x27B0  }
0x6d: {  	[spmem:s2] =	stream.indirect.scatter.add.f32 [tilespmem:s24], [sflag:$0x4], $0x80, s30, s22, $0xb8;
	[tilespmem:$0x1FF20] =	vst v63  }
0x6e: {  	_ =	swait.ge [sflag:s25], $0x2800  }
0x6f: {  	s30 =	simm.s32 $0x3C0;
	[sflag:s25] =	ssyncset.done $0x0  }
.LBB2_4:
0x70: {  	p0 =	sne.s32 s30, $0x9600  }
0x71: {  	[sflag:s25] =	ssyncadd.s32 $0xFFFFD800;
	s31 =	smov.u32 s30;
	s30 =	sadd.s32 $0x3C0, s30  }
0x72: {  	_ = 	snop  }
0x73: {  	_ =	swait.ge [sflag:s20], $0x2800  }
0x74: {  	s31 =	sshra.s32 s31, $0x2;
	[sflag:s20] =	ssyncset.done $0x0  }
0x75: {  	s0 =	sadd.s32 $0xA0, s31;
	[sflag:s20] =	ssyncadd.s32 $0xFFFFD800  }
0x76: {  	[tilespmem:s24], [sflag:$0x3] =	stream.indirect.gather [hbm4b:s4+s22], $0x80, s0, s22, $0xb8;
	[tilespmem:$0x1FF20] =	vst v63  }
0x77: {  	s0 =	sadd.s32 $0x2710, s31  }
0x78: {  	[spmem:s2] =	stream.indirect.scatter.add.f32 [tilespmem:s18], [sflag:$0x4], $0x80, s0, s22, $0xb8;
	[tilespmem:$0x1FF20] =	vst v63  }
0x79: {  	_ =	swait.ge [sflag:s25], $0x2800  }
0x7a: {  	[sflag:s25] =	ssyncset.done $0x0  }
0x7b: {  	[sflag:s25] =	ssyncadd.s32 $0xFFFFD800  }
0x7c: {  	_ =	swait.ge [sflag:s21], $0x2800  }
0x7d: {  	[sflag:s21] =	ssyncset.done $0x0  }
0x7e: {  	s0 =	sadd.s32 $0xF0, s31;
	[sflag:s21] =	ssyncadd.s32 $0xFFFFD800  }
0x7f: {  	[tilespmem:s18], [sflag:$0x1] =	stream.indirect.gather [hbm4b:s4+s22], $0x80, s0, s22, $0xb8;
	[tilespmem:$0x1FF20] =	vst v63  }
0x80: {  	s0 =	sadd.s32 $0x2760, s31  }
0x81: {  	[spmem:s2] =	stream.indirect.scatter.add.f32 [tilespmem:s23], [sflag:$0x4], $0x80, s0, s22, $0xb8;
	[tilespmem:$0x1FF20] =	vst v63  }
0x82: {  	_ =	swait.ge [sflag:s25], $0x2800  }
0x83: {  	[sflag:s25] =	ssyncset.done $0x0  }
0x84: {  	[sflag:s25] =	ssyncadd.s32 $0xFFFFD800  }
0x85: {  	_ =	swait.ge [sflag:s19], $0x2800  }
0x86: {  	[sflag:s19] =	ssyncset.done $0x0  }
0x87: {  	s0 =	sadd.s32 $0x140, s31;
	[sflag:s19] =	ssyncadd.s32 $0xFFFFD800  }
0x88: {  	[tilespmem:s23], [sflag:$0x2] =	stream.indirect.gather [hbm4b:s4+s22], $0x80, s0, s22, $0xb8;
	[tilespmem:$0x1FF20] =	vst v63  }
.Ltmp1:
0x89: {  	_ = 	snop;
	(pc) =	sbr.rel @p0 .LBB2_4-.Ltmp1, $4  }
0x8a: {  	s0 =	sadd.s32 $0x27B0, s31  }
0x8b: {  	[spmem:s2] =	stream.indirect.scatter.add.f32 [tilespmem:s24], [sflag:$0x4], $0x80, s0, s22, $0xb8;
	[tilespmem:$0x1FF20] =	vst v63  }
0x8c: {  	_ =	swait.ge [sflag:s25], $0x2800  }
0x8d: {  	[sflag:s25] =	ssyncset.done $0x0  }
0x8e: {  	[sflag:s25] =	ssyncadd.s32 $0xFFFFD800  }
0x8f: {  	_ =	swait.ge [sflag:s20], $0x2800  }
0x90: {  	[sflag:s20] =	ssyncset.done $0x0  }
0x91: {  	[sflag:s20] =	ssyncadd.s32 $0xFFFFD800  }
0x92: {  	[spmem:s2] =	stream.indirect.scatter.add.f32 [tilespmem:s18], [sflag:$0x4], $0x80, s26, s22, $0xb8;
	[tilespmem:$0x1FF20] =	vst v63  }
0x93: {  	_ =	swait.ge [sflag:s25], $0x2800  }
0x94: {  	[sflag:s25] =	ssyncset.done $0x0  }
0x95: {  	[sflag:s25] =	ssyncadd.s32 $0xFFFFD800  }
0x96: {  	_ =	swait.ge [sflag:s21], $0x2800  }
0x97: {  	[sflag:s21] =	ssyncset.done $0x0  }
0x98: {  	[sflag:s21] =	ssyncadd.s32 $0xFFFFD800  }
0x99: {  	[spmem:s2] =	stream.indirect.scatter.add.f32 [tilespmem:s23], [sflag:$0x4], $0x80, s28, s22, $0xb8;
	[tilespmem:$0x1FF20] =	vst v63  }
0x9a: {  	_ =	swait.ge [sflag:s25], $0x2800  }
0x9b: {  	s0 =	sshll.u32 s1, $0x6;
	s29 =	sadd.s32 $0x1, s29;
	[sflag:s25] =	ssyncset.done $0x0  }
0x9c: {  	s30 =	sshrl.u32 s7, $0x3;
	p0 =	sne.s32 s29, s16;
	[sflag:s25] =	ssyncadd.s32 $0xFFFFD800  }
.Ltmp2:
0x9d: {  	s0 =	sor.u32 $0x1C04, s0;
	[bflag:$0x0] =	sbarrier.arrive $0xFFFF;
	(pc) =	sbr.rel @p0 .LBB2_1-.Ltmp2, $4  }
0x9e: {  	[hbm:s15], [sflag:s0] =	dma.local [spmem:s30], $0x2720  }
0x9f: {  	_ =	swait.ge [sflag:s25], $0x2720  }
0xa0: {  	[sflag:s25] =	ssyncset.done $0x0  }
0xa1: {  	[sflag:s25] =	ssyncadd.s32 $0xFFFFD8E0  }
0xa2: {  	_ =	sfence.sel $0x180000  }
0xa3: {  	[bflag:$0x0] =	sbarrier.arrive $0xFFFF  }
0xa4: {  	_ =	strace $0x90000050  }
0xa5: {  	[bflag:$0x2] =	sbarrier.arrive $0xFFFF  }
0xa6: {  	p0 =	sne.s32 s1, $0x0;
	s0 =	rddreg [dreg:$0x2]  }
0xa7: {  	s0 =	sadd.s32 @!p0 $0x100000, s0  }
0xa8: {  	[sflag:s0] =	ssyncadd.tile.s32 @!p0 $0x1;
	_ =	shalt  }
.Lfunc_end2:
_tile_overlayer_lowered:
.L_overlay_start_2:
0xa9: {  	(tag) =	ssettag $0x2  }
0xaa: {  	s0 =	rddreg [dreg:$0x0];
	s2 =	stileid.u32  }
0xab: {  	s1 =	rddreg [dreg:$0x1];
	p0 =	sne.s32 s2, $0x0  }
0xac: {  	s3 =	rddreg [dreg:$0x2];
	[bflag:$0x3] =	sbarrier.arrive $0xFFFF;
	s2 =	simm.s32 @!p0 $0x1C04  }
0xad: {  	[timem:s3], [sflag:s2] =	dma.local @!p0 [hbm:s0], s1  }
0xae: {  	s0 =	simm.s32 @!p0 $0x4  }
0xaf: {  	_ =	swait.ge @!p0 [sflag:s0], s1  }
0xb0: {  	s1 =	ssub.s32 @!p0 $0x0, s1;
	[sflag:s0] =	ssyncset.done @!p0 $0x0  }
0xb1: {  	[sflag:s0] =	ssyncadd.s32 @!p0 s1  }
0xb2: {  	[bflag:$0x3] =	sbarrier.arrive $0xFFFF  }
0xb3: {  	_ =	shalt  }

// kernel: kernel.25.cloned.1.call-start
scs
__scs_entry_jumppad:
0x0: {  	(pc) =	sbr.rel $0x88, $3  }
0x1: {  	(tag) =	ssettag $0x0;
	lr =	simm.s32 $0x1  }
0x2: {  	[smem:$0x3F6D] =	sst lr;
	_ =	strace $0xD0000000  }
0x3: {  	_ = 	snop  }
0x4: {  	_ = 	snop  }
0x5: {  	_ = 	snop  }
0x6: {  	_ = 	snop  }
0x7: {  	_ = 	snop  }
__scs_overlays_trampoline_lowered:
0x8: {  	[smem:$0x3F7C] =	sst s0  }
0x9: {  	[smem:$0x3F7D] =	sst s1  }
0xa: {  	[smem:$0x3F7E] =	sst s2  }
0xb: {  	[smem:$0x3F7F] =	sst s3  }
0xc: {  	[smem:$0x3F80] =	sst s4  }
0xd: {  	[smem:$0x3F81] =	sst s5  }
0xe: {  	[smem:$0x3F82] =	sst s6  }
0xf: {  	[smem:$0x3F83] =	sst s7  }
0x10: {  	[smem:$0x3F84] =	sst s8  }
0x11: {  	[smem:$0x3F85] =	sst s9;
	s0 =	simm.s32 @!p0 $0x0  }
0x12: {  	s1 =	sld [smem:$0x3F6B];
	s0 =	simm.s32 @p0 $0x1  }
0x13: {  	[smem:$0x3F86] =	sst s0;
	s0 =	simm.s32 @!p1 $0x0  }
0x14: {  	s2 =	sld [smem:$0x3F6A];
	s0 =	simm.s32 @p1 $0x1  }
0x15: {  	[smem:$0x3F87] =	sst s0;
	s0 =	simm.s32 @!p2 $0x0  }
0x16: {  	s3 =	sld [smem:$0x3FDB];
	s0 =	simm.s32 @p2 $0x1  }
0x17: {  	s4 =	simm.s32 $0x1BF5;
	[smem:$0x3F89] =	sst s0  }
0x18: {  	s0 =	sld [smem:$0x3F6C];
	_ =	swait.ge [sflag:s4], $0x0  }
0x19: {  	s7 =	sld [smem:$0x3F6D]  }
0x1a: {  	s8 =	sadd.s32 $0xFFFFE003, lr  }
0x1b: {  	s9 =	sadd.s32 $0xFFFFFEF7, lr;
	s5 =	simm.s32 $0xFFFFFFFF;
	p2 =	slt.u32 s8, $0xFFFFF086  }
0x1c: {  	p1 =	slt.u32 s9, $0xF7A;
	s5 =	simm.s32 @!p2 $0x0  }
0x1d: {  	s5 =	simm.s32 @p1 $0x1;
	p0 =	seq.s32 s7, s2  }
0x1e: {  	s7 =	smul.u32 @!p0 $0xF7A, s2;
	p2 =	seq.s32 @!p0 s5, $0x0  }
0x1f: {  	s9 =	smul.u32 $0xF7A, s1;
	s8 =	simm.s32 @!p0 $0x1BF5;
	p2 =	por !p2, p0  }
0x20: {  	[sflag:s8] =	ssyncset.s32 @!p0 $0xFFFFF086;
	s6 =	sadd.s32 @!p0 s3, s7;
	s7 =	simm.s32 @!p0 $0x108  }
0x21: {  	s3 =	sadd.s32 s3, s9;
	s6 =	sadd.s32 @!p0 $0x88, s6;
	s7 =	simm.s32 @p2 $0x1082  }
0x22: {  	[simem:s7], [sflag:s8] =	dma.local @!p0 [hbm:s6], $0xF7A  }
0x23: {  	s9 =	sor.u32 $0xD0000000, s2;
	s6 =	simm.s32 $0x108;
	_ =	swait.ge @!p0 [sflag:s8], $0x0  }
0x24: {  	s3 =	sadd.s32 $0x88, s3;
	s6 =	simm.s32 @!p1 $0x1082;
	[sflag:s4] =	ssyncset.s32 $0xFFFFF086  }
0x25: {  	[simem:s6], [sflag:s4] =	dma.local [hbm:s3], $0xF7A  }
0x26: {  	[smem:$0x3F6D] =	sst s1;
	(tag) =	ssettag s2;
	_ =	strace s9  }
0x27: {  	s1 =	sld [smem:$0x3F7D]  }
0x28: {  	s2 =	sld [smem:$0x3F7E]  }
0x29: {  	s4 =	sld [smem:$0x3F80]  }
0x2a: {  	p0 =	seq.s32 s5, $0x0;
	s5 =	sld [smem:$0x3F81]  }
0x2b: {  	s6 =	sld [smem:$0x3F82]  }
0x2c: {  	s7 =	sld [smem:$0x3F83]  }
0x2d: {  	s3 =	simm.s32 $0x108;
	s8 =	sld [smem:$0x3F84]  }
0x2e: {  	s3 =	simm.s32 @!p0 $0x1082;
	s9 =	sld [smem:$0x3F85]  }
0x2f: {  	lr =	sadd.s32 s0, s3;
	s0 =	sld [smem:$0x3F7C]  }
0x30: {  	s3 =	sld [smem:$0x3F7F]  }
0x31: {  	[smem:$0x3F88] =	sst s10  }
0x32: {  	s10 =	sld [smem:$0x3F86];
	_ =	sdelay $0x3  }
0x33: {  	p0 =	seq.s32 s10, $0x1;
	s10 =	sld [smem:$0x3F88];
	_ =	sdelay $0x3  }
0x34: {  	[smem:$0x3F88] =	sst s10  }
0x35: {  	s10 =	sld [smem:$0x3F87];
	_ =	sdelay $0x3  }
0x36: {  	p1 =	seq.s32 s10, $0x1;
	s10 =	sld [smem:$0x3F88];
	_ =	sdelay $0x3  }
0x37: {  	[smem:$0x3F88] =	sst s10  }
0x38: {  	s10 =	sld [smem:$0x3F89]  }
0x39: {  	_ = 	snop;
	(pc) =	sbr.ind lr, $3  }
0x3a: {  	_ = 	snop  }
0x3b: {  	_ = 	snop  }
0x3c: {  	p2 =	seq.s32 s10, $0x1;
	s10 =	sld [smem:$0x3F88]  }
0x3d: {  	_ =	shalt  }
0x3e: {  	_ =	shalt  }
0x3f: {  	_ =	shalt  }
0x40: {  	_ =	shalt  }
0x41: {  	_ =	shalt  }
0x42: {  	_ =	shalt  }
0x43: {  	_ =	shalt  }
0x44: {  	_ =	shalt  }
0x45: {  	_ =	shalt  }
0x46: {  	_ =	shalt  }
0x47: {  	_ =	shalt  }
0x48: {  	_ =	shalt  }
0x49: {  	_ =	shalt  }
0x4a: {  	_ =	shalt  }
0x4b: {  	_ =	shalt  }
0x4c: {  	_ =	shalt  }
0x4d: {  	_ =	shalt  }
0x4e: {  	_ =	shalt  }
0x4f: {  	_ =	shalt  }
0x50: {  	_ =	shalt  }
0x51: {  	_ =	shalt  }
0x52: {  	_ =	shalt  }
0x53: {  	_ =	shalt  }
0x54: {  	_ =	shalt  }
0x55: {  	_ =	shalt  }
0x56: {  	_ =	shalt  }
0x57: {  	_ =	shalt  }
0x58: {  	_ =	shalt  }
0x59: {  	_ =	shalt  }
0x5a: {  	_ =	shalt  }
0x5b: {  	_ =	shalt  }
0x5c: {  	_ =	shalt  }
0x5d: {  	_ =	shalt  }
0x5e: {  	_ =	shalt  }
0x5f: {  	_ =	shalt  }
0x60: {  	_ =	shalt  }
0x61: {  	_ =	shalt  }
0x62: {  	_ =	shalt  }
0x63: {  	_ =	shalt  }
0x64: {  	_ =	shalt  }
0x65: {  	_ =	shalt  }
0x66: {  	_ =	shalt  }
0x67: {  	_ =	shalt  }
0x68: {  	_ =	shalt  }
0x69: {  	_ =	shalt  }
0x6a: {  	_ =	shalt  }
0x6b: {  	_ =	shalt  }
0x6c: {  	_ =	shalt  }
0x6d: {  	_ =	shalt  }
0x6e: {  	_ =	shalt  }
0x6f: {  	_ =	shalt  }
0x70: {  	_ =	shalt  }
0x71: {  	_ =	shalt  }
0x72: {  	_ =	shalt  }
0x73: {  	_ =	shalt  }
0x74: {  	_ =	shalt  }
0x75: {  	_ =	shalt  }
0x76: {  	_ =	shalt  }
0x77: {  	_ =	shalt  }
0x78: {  	_ =	shalt  }
0x79: {  	_ =	shalt  }
0x7a: {  	_ =	shalt  }
0x7b: {  	_ =	shalt  }
0x7c: {  	_ =	shalt  }
0x7d: {  	_ =	shalt  }
0x7e: {  	_ =	shalt  }
0x7f: {  	_ =	shalt  }
0x80: {  	_ =	shalt  }
0x81: {  	_ =	shalt  }
0x82: {  	_ =	shalt  }
0x83: {  	_ =	shalt  }
0x84: {  	_ =	shalt  }
0x85: {  	_ =	shalt  }
0x86: {  	_ =	shalt  }
0x87: {  	_ =	shalt  }
.Lfunc_end0:
.L_simem_size_0:
called_computation.4_lowered:
.L_overlay_start_0:
0x88: {  	s2 =	sld [smem:$0x3FD9]  }
0x89: {  	s3 =	sld [smem:$0x3FFE];
	_ =	sdelay $0x1  }
0x8a: {  	s1 =	srdreg.scid  }
0x8b: {  	s0 =	sand.u32 $0x1, s1  }
0x8c: {  	s16 =	sshll.u32 s0, $0xA;
	s2 =	sadd.s32 s3, s2  }
0x8d: {  	s2 =	sadd.s32 s2, s16  }
0x8e: {  	[smem:$0x3F94] =	sst s2  }
0x8f: {  	_ = 	snop  }
0x90: {  	(tm) =	ssettm $0x1  }
0x91: {  	s17 =	sld [smem:$0x3FFB];
	_ =	sdelay $0x3  }
0x92: {  	_ =	strace s17  }
0x93: {  	s2 =	sld [smem:$0x3FFC];
	_ =	sdelay $0x3  }
0x94: {  	_ =	strace s2  }
0x95: {  	s2 =	sld [smem:$0x3FFD];
	_ =	sdelay $0x3  }
0x96: {  	_ =	strace s2  }
0x97: {  	_ =	strace $0x8FFFFFFF  }
0x98: {  	s18 =	sld [smem:$0x3FDB];
	_ =	sdelay $0x1  }
0x99: {  	s19 =	simm.s32 $_scs_section_size  }
0x9a: {  	s4 =	simm.s32 $_size__tile_overlayer_lowered;
	s5 =	simm.s32 $_tile_overlayer_lowered  }
0x9b: {  	s22 =	simm.s32 $0x1BFF;
	s21 =	sshll.u32 s5, $0x1;
	s2 =	sadd.s32 s19, s18  }
0x9c: {  	s6 =	simm.s32 $0x0;
	s20 =	sshll.u32 s4, $0x1;
	s4 =	sadd.s32 s21, s2  }
0x9d: {  	[timem:s6], [sflag:s22] =	dma.local [hbm:s4], s20  }
0x9e: {  	_ =	swait.ge [sflag:s22], s20  }
0x9f: {  	s3 =	ssub.s32 $0x0, s20;
	[sflag:s22] =	ssyncset.done $0x0  }
0xa0: {  	[sflag:s22] =	ssyncadd.s32 s3;
	_ =	sdelay $0x1  }
0xa1: {  	s23 =	simm.s32 $0x1B8B  }
0xa2: {  	_ =	swait.ge [sflag:s23], $0x1  }
0xa3: {  	[sflag:s23] =	ssyncset.done $0x0  }
0xa4: {  	s25 =	simm.s32 $0x1B8E;
	s24 =	sld [smem:$0x3FFE];
	[sflag:s23] =	ssyncadd.s32 $0xFFFFFFFF  }
0xa5: {  	s26 =	simm.s32 $execute0_lowered;
	[smem:$0x3FD2] =	sst s25  }
0xa6: {  	s4 =	sshll.u32 s26, $0x1;
	_ =	strace $0x80000052;
	[dreg:$0x1] =	wrdreg $0xFFFFFFFF  }
0xa7: {  	s28 =	simm.s32 $_size_execute0_lowered;
	s2 =	sadd.s32 s2, s4;
	[dreg:$0x0] =	wrdreg $0x0  }
0xa8: {  	s4 =	sshll.u32 s28, $0x1;
	[dreg:$0x2] =	wrdreg s2  }
0xa9: {  	[dreg:$0x3] =	wrdreg s4  }
0xaa: {  	[dreg:$0x4] =	wrdreg $0xC0  }
0xab: {  	_ =	task [dreg:s6], $0x5FFFF  }
0xac: {  	[dreg:$0x1] =	wrdreg $0xFFFFFFFF  }
0xad: {  	[dreg:$0x0] =	wrdreg $0x60  }
0xae: {  	[dreg:$0x2] =	wrdreg s24  }
0xaf: {  	[dreg:$0x3] =	wrdreg $0xC6200  }
0xb0: {  	[dreg:$0x4] =	wrdreg $0x9  }
0xb1: {  	_ =	task.clear_ibuf [dreg:s6], $0x5FFFF;
	_ =	strace $0x90000052  }
0xb2: {  	s29 =	simm.s32 $0x9;
	_ =	strace $0x80000054  }
0xb3: {  	_ =	swait.ge [sflag:s29], $0x1  }
0xb4: {  	[sflag:s29] =	ssyncadd.s32 $0xFFFFFFFF  }
0xb5: {  	_ =	strace $0x90000054  }
0xb6: {  	_ =	sfence  }
0xb7: {  	s30 =	sld [smem:$0x0];
	_ =	sdelay $0x2  }
0xb8: {  	s31 =	sshll.u32 s1, $0xD;
	s1 =	sshrl.u32 s1, $0x2  }
0xb9: {  	s3 =	sand.u32 $0x4000, s31;
	s1 =	sadd.s32 s1, s30  }
0xba: {  	s0 =	sor.u32 s3, s0;
	s1 =	sshll.u32 s1, $0x11  }
0xbb: {  	s0 =	sor.u32 s1, s0  }
0xbc: {  	s0 =	sadd.s32 $0x8F2B, s0  }
0xbd: {  	[sflag:s0] =	ssyncadd.remote.s32 $0x1  }
0xbe: {  	_ =	sfence.sel $0xFFFF  }
0xbf: {  	[dreg:$0x0] =	wrdreg $0xFFFFFFFF;
	(pc) =	sbr.abs _section_cstart, $3  }
0xc0: {  	[dreg:$0x1] =	wrdreg $0xFFFFFFFF  }
0xc1: {  	_ =	task.clear_ibuf [dreg:s6], $0x2FFFF;
	_ =	strace $0x9FFFFFFF  }
0xc2: {  	(tm) =	ssettm $0x7FFFFFFF  }
0xc3: {  	_ =	shalt  }
tec
execute0_lowered:
.L_overlay_start_1:
0x0: {  	(tag) =	ssettag $0x1  }
0x1: {  	s5 =	rddreg [dreg:$0x0]  }
0x2: {  	s2 =	rddreg [dreg:$0x1];
	s4 =	srdreg.scid  }
0x3: {  	s1 =	stileid.u32;
	s3 =	simm.s32 $0x0;
	s17 =	simm.s32 $0x2710  }
0x4: {  	s18 =	simm.s32 $0x4E20;
	s19 =	simm.s32 $0x3;
	s20 =	simm.s32 $0x1  }
0x5: {  	s21 =	simm.s32 $0x2;
	s22 =	simm.s32 $0x50;
	s23 =	simm.s32 $0x7620  }
0x6: {  	s24 =	simm.s32 $0x9E20;
	s25 =	simm.s32 $0x4;
	s26 =	simm.s32 $0x4D80  }
0x7: {  	s28 =	simm.s32 $0x4DD0;
	s29 =	simm.s32 $0x0;
	s7 =	smul.u32 $0x13900, s1  }
0x8: {  	s6 =	sand.u32 $0x1, s4;
	[smem:$0x7FF] =	sst s3;
	s10 =	smul.u32 $0x4E400, s1  }
0x9: {  	s4 =	sshll.u32 s6, $0x4;
	s8 =	smul.u32 $0x139000, s6;
	_ =	strace $0x80000053  }
0xa: {  	s6 =	ssub.s32 $0x2, s6;
	s9 =	sor.u32 s1, s4;
	s4 =	sadd.s32 $0x1CA00, s5  }
0xb: {  	s30 =	sshrl.u32 s6, $0x1;
	s31 =	sshrl.u32 s10, $0x2;
	s9 =	smul.u32 $0x4E2, s9  }
0xc: {  	s8 =	sadd.s32 s7, s8;
	s16 =	ssub.s32 s6, s30;
	s14 =	sadd.s32 s31, s2  }
0xd: {  	s7 =	sadd.s32 s7, s2;
	s8 =	sshrl.u32 s8, $0x3;
	s10 =	sadd.s32 $0x7800, s14  }
0xe: {  	s11 =	sadd.s32 $0xA000, s14;
	s12 =	sadd.s32 $0xC800, s14;
	s13 =	sadd.s32 $0xF000, s14  }
0xf: {  	s16 =	smax.u32 s16, $0x1;
	s9 =	sadd.s32 s9, s5;
	s15 =	sadd.s32 s8, s5  }
0x10: {  	s8 =	sadd.s32 $0x2800, s14;
	s5 =	sadd.s32 $0x12C00, s9;
	s6 =	sadd.s32 $0x8E00, s9  }
0x11: {  	v0 =	vimm.f32 $0.0e+00;
	s9 =	sadd.s32 $0x5000, s14;
	s14 =	sadd.s32 $0x11800, s14;
	s15 =	sadd.s32 $0x43C00, s15  }
.LBB2_1:
0x12: {  	[tilespmem:s3], [sflag:$0x1] =	stream.linear.gather [hbm4b:s5+s3], $0x2710, $0x38;
	[tilespmem:$0x1FF20] =	vst v63  }
0x13: {  	s30 =	simm.s32 $0x0;
	s31 =	simm.s32 $0x200  }
0x14: {  	[tilespmem:s17], [sflag:$0x2] =	stream.linear.gather [hbm4b:s6+s3], $0x2710, $0x38;
	[tilespmem:$0x1FF20] =	vst v63  }
.LBB2_2:
0x15: {  	p0 =	sne.s32 s31, $0x9E00;
	[tilespmem:s30+$0x4E90] =	vst v0  }
0x16: {  	[tilespmem:s30+$0x4E20] =	vst v0  }
0x17: {  	[tilespmem:s30+$0x4E30] =	vst v0  }
.Ltmp0:
0x18: {  	[tilespmem:s30+$0x4E40] =	vst v0;
	(pc) =	sbr.rel @p0 .LBB2_2-.Ltmp0, $4  }
0x19: {  	[tilespmem:s30+$0x4E50] =	vst v0  }
0x1a: {  	[tilespmem:s30+$0x4E60] =	vst v0  }
0x1b: {  	[tilespmem:s30+$0x4E70] =	vst v0  }
0x1c: {  	[tilespmem:s30+$0x4E80] =	vst v0;
	s30 =	sshra.s32 s31, $0x2;
	s31 =	sadd.s32 $0x200, s31  }
0x1d: {  	[tilespmem:s30+$0x4E90] =	vst v0  }
0x1e: {  	[tilespmem:s30+$0x4E20] =	vst v0  }
0x1f: {  	[tilespmem:s30+$0x4E30] =	vst v0  }
0x20: {  	[tilespmem:s30+$0x4E40] =	vst v0  }
0x21: {  	[tilespmem:s30+$0x4E50] =	vst v0  }
0x22: {  	[tilespmem:s30+$0x4E60] =	vst v0  }
0x23: {  	[tilespmem:s30+$0x4E70] =	vst v0  }
0x24: {  	[tilespmem:s30+$0x4E80] =	vst v0  }
0x25: {  	[spmem:s7] =	stream.linear.scatter [tilespmem:s18], [sflag:$0x3], $0x2800, $0x38;
	[tilespmem:$0x1FF20] =	vst v63  }
0x26: {  	_ = 	snop  }
0x27: {  	[spmem:s8] =	stream.linear.scatter [tilespmem:s18], [sflag:$0x3], $0x2800, $0x38;
	[tilespmem:$0x1FF20] =	vst v63  }
0x28: {  	_ = 	snop  }
0x29: {  	[spmem:s9] =	stream.linear.scatter [tilespmem:s18], [sflag:$0x3], $0x2800, $0x38;
	[tilespmem:$0x1FF20] =	vst v63  }
0x2a: {  	_ = 	snop  }
0x2b: {  	[spmem:s10] =	stream.linear.scatter [tilespmem:s18], [sflag:$0x3], $0x2800, $0x38;
	[tilespmem:$0x1FF20] =	vst v63  }
0x2c: {  	_ = 	snop  }
0x2d: {  	[spmem:s11] =	stream.linear.scatter [tilespmem:s18], [sflag:$0x3], $0x2800, $0x38;
	[tilespmem:$0x1FF20] =	vst v63  }
0x2e: {  	_ = 	snop  }
0x2f: {  	[spmem:s12] =	stream.linear.scatter [tilespmem:s18], [sflag:$0x3], $0x2800, $0x38;
	[tilespmem:$0x1FF20] =	vst v63  }
0x30: {  	_ = 	snop  }
0x31: {  	[spmem:s13] =	stream.linear.scatter [tilespmem:s18], [sflag:$0x3], $0x2800, $0x38;
	[tilespmem:$0x1FF20] =	vst v63  }
0x32: {  	_ = 	snop  }
0x33: {  	[spmem:s14] =	stream.linear.scatter [tilespmem:s18], [sflag:$0x3], $0x2100, $0x38;
	[tilespmem:$0x1FF20] =	vst v63  }
0x34: {  	_ =	swait.ge [sflag:s19], $0x2800  }
0x35: {  	[sflag:s19] =	ssyncset.done $0x0  }
0x36: {  	[sflag:s19] =	ssyncadd.s32 $0xFFFFD800  }
0x37: {  	_ =	swait.ge [sflag:s19], $0x2800  }
0x38: {  	[sflag:s19] =	ssyncset.done $0x0  }
0x39: {  	[sflag:s19] =	ssyncadd.s32 $0xFFFFD800  }
0x3a: {  	_ =	swait.ge [sflag:s19], $0x2800  }
0x3b: {  	[sflag:s19] =	ssyncset.done $0x0  }
0x3c: {  	[sflag:s19] =	ssyncadd.s32 $0xFFFFD800  }
0x3d: {  	_ =	swait.ge [sflag:s19], $0x2800  }
0x3e: {  	[sflag:s19] =	ssyncset.done $0x0  }
0x3f: {  	[sflag:s19] =	ssyncadd.s32 $0xFFFFD800  }
0x40: {  	_ =	swait.ge [sflag:s19], $0x2800  }
0x41: {  	[sflag:s19] =	ssyncset.done $0x0  }
0x42: {  	[sflag:s19] =	ssyncadd.s32 $0xFFFFD800  }
0x43: {  	_ =	swait.ge [sflag:s19], $0x2800  }
0x44: {  	[sflag:s19] =	ssyncset.done $0x0  }
0x45: {  	[sflag:s19] =	ssyncadd.s32 $0xFFFFD800  }
0x46: {  	_ =	swait.ge [sflag:s19], $0x2800  }
0x47: {  	[sflag:s19] =	ssyncset.done $0x0  }
0x48: {  	[sflag:s19] =	ssyncadd.s32 $0xFFFFD800  }
0x49: {  	_ =	swait.ge [sflag:s19], $0x2100  }
0x4a: {  	[sflag:s19] =	ssyncset.done $0x0  }
0x4b: {  	[sflag:s19] =	ssyncadd.s32 $0xFFFFDF00  }
0x4c: {  	_ =	swait.ge [sflag:s20], $0x2710  }
0x4d: {  	[sflag:s20] =	ssyncset.done $0x0  }
0x4e: {  	[sflag:s20] =	ssyncadd.s32 $0xFFFFD8F0  }
0x4f: {  	_ =	swait.ge [sflag:s21], $0x2710  }
0x50: {  	[sflag:s21] =	ssyncset.done $0x0  }
0x51: {  	[sflag:s21] =	ssyncadd.s32 $0xFFFFD8F0  }
0x52: {  	s30 =	simm.s32 $0x0;
	[bflag:$0x0] =	sbarrier.arrive $0xFFFF  }
0x53: {  	[tilespmem:s18], [sflag:$0x1] =	stream.indirect.gather [hbm4b:s4+s22], $0x80, s30, s22, $0xb8;
	[tilespmem:$0x1FF20] =	vst v63  }
0x54: {  	_ = 	snop  }
0x55: {  	[tilespmem:s23], [sflag:$0x2] =	stream.indirect.gather [hbm4b:s4+s22], $0x80, s22, s22, $0xb8;
	[tilespmem:$0x1FF20] =	vst v63  }
0x56: {  	_ =	swait.ge [sflag:s20], $0x2800  }
0x57: {  	[sflag:s20] =	ssyncset.done $0x0  }
0x58: {  	s30 =	simm.s32 $0xA0;
	[sflag:s20] =	ssyncadd.s32 $0xFFFFD800  }
0x59: {  	[tilespmem:s24], [sflag:$0x3] =	stream.indirect.gather [hbm4b:s4+s22], $0x80, s30, s22, $0xb8;
	[tilespmem:$0x1FF20] =	vst v63  }
0x5a: {  	s30 =	simm.s32 $0x2710  }
0x5b: {  	[spmem:s2] =	stream.indirect.scatter.add.f32 [tilespmem:s18], [sflag:$0x4], $0x80, s30, s22, $0xb8;
	[tilespmem:$0x1FF20] =	vst v63  }
0x5c: {  	_ =	swait.ge [sflag:s25], $0x2800  }
0x5d: {  	[sflag:s25] =	ssyncset.done $0x0  }
0x5e: {  	[sflag:s25] =	ssyncadd.s32 $0xFFFFD800  }
0x5f: {  	_ =	swait.ge [sflag:s21], $0x2800  }
0x60: {  	[sflag:s21] =	ssyncset.done $0x0  }
0x61: {  	s30 =	simm.s32 $0xF0;
	[sflag:s21] =	ssyncadd.s32 $0xFFFFD800  }
0x62: {  	[tilespmem:s18], [sflag:$0x1] =	stream.indirect.gather [hbm4b:s4+s22], $0x80, s30, s22, $0xb8;
	[tilespmem:$0x1FF20] =	vst v63  }
0x63: {  	s30 =	simm.s32 $0x2760  }
0x64: {  	[spmem:s2] =	stream.indirect.scatter.add.f32 [tilespmem:s23], [sflag:$0x4], $0x80, s30, s22, $0xb8;
	[tilespmem:$0x1FF20] =	vst v63  }
0x65: {  	_ =	swait.ge [sflag:s25], $0x2800  }
0x66: {  	[sflag:s25] =	ssyncset.done $0x0  }
0x67: {  	[sflag:s25] =	ssyncadd.s32 $0xFFFFD800  }
0x68: {  	_ =	swait.ge [sflag:s19], $0x2800  }
0x69: {  	[sflag:s19] =	ssyncset.done $0x0  }
0x6a: {  	s30 =	simm.s32 $0x140;
	[sflag:s19] =	ssyncadd.s32 $0xFFFFD800  }
0x6b: {  	[tilespmem:s23], [sflag:$0x2] =	stream.indirect.gather [hbm4b:s4+s22], $0x80, s30, s22, $0xb8;
	[tilespmem:$0x1FF20] =	vst v63  }
0x6c: {  	s30 =	simm.s32 $0x27B0  }
0x6d: {  	[spmem:s2] =	stream.indirect.scatter.add.f32 [tilespmem:s24], [sflag:$0x4], $0x80, s30, s22, $0xb8;
	[tilespmem:$0x1FF20] =	vst v63  }
0x6e: {  	_ =	swait.ge [sflag:s25], $0x2800  }
0x6f: {  	s30 =	simm.s32 $0x3C0;
	[sflag:s25] =	ssyncset.done $0x0  }
.LBB2_4:
0x70: {  	p0 =	sne.s32 s30, $0x9600  }
0x71: {  	[sflag:s25] =	ssyncadd.s32 $0xFFFFD800;
	s31 =	smov.u32 s30;
	s30 =	sadd.s32 $0x3C0, s30  }
0x72: {  	_ = 	snop  }
0x73: {  	_ =	swait.ge [sflag:s20], $0x2800  }
0x74: {  	s31 =	sshra.s32 s31, $0x2;
	[sflag:s20] =	ssyncset.done $0x0  }
0x75: {  	s0 =	sadd.s32 $0xA0, s31;
	[sflag:s20] =	ssyncadd.s32 $0xFFFFD800  }
0x76: {  	[tilespmem:s24], [sflag:$0x3] =	stream.indirect.gather [hbm4b:s4+s22], $0x80, s0, s22, $0xb8;
	[tilespmem:$0x1FF20] =	vst v63  }
0x77: {  	s0 =	sadd.s32 $0x2710, s31  }
0x78: {  	[spmem:s2] =	stream.indirect.scatter.add.f32 [tilespmem:s18], [sflag:$0x4], $0x80, s0, s22, $0xb8;
	[tilespmem:$0x1FF20] =	vst v63  }
0x79: {  	_ =	swait.ge [sflag:s25], $0x2800  }
0x7a: {  	[sflag:s25] =	ssyncset.done $0x0  }
0x7b: {  	[sflag:s25] =	ssyncadd.s32 $0xFFFFD800  }
0x7c: {  	_ =	swait.ge [sflag:s21], $0x2800  }
0x7d: {  	[sflag:s21] =	ssyncset.done $0x0  }
0x7e: {  	s0 =	sadd.s32 $0xF0, s31;
	[sflag:s21] =	ssyncadd.s32 $0xFFFFD800  }
0x7f: {  	[tilespmem:s18], [sflag:$0x1] =	stream.indirect.gather [hbm4b:s4+s22], $0x80, s0, s22, $0xb8;
	[tilespmem:$0x1FF20] =	vst v63  }
0x80: {  	s0 =	sadd.s32 $0x2760, s31  }
0x81: {  	[spmem:s2] =	stream.indirect.scatter.add.f32 [tilespmem:s23], [sflag:$0x4], $0x80, s0, s22, $0xb8;
	[tilespmem:$0x1FF20] =	vst v63  }
0x82: {  	_ =	swait.ge [sflag:s25], $0x2800  }
0x83: {  	[sflag:s25] =	ssyncset.done $0x0  }
0x84: {  	[sflag:s25] =	ssyncadd.s32 $0xFFFFD800  }
0x85: {  	_ =	swait.ge [sflag:s19], $0x2800  }
0x86: {  	[sflag:s19] =	ssyncset.done $0x0  }
0x87: {  	s0 =	sadd.s32 $0x140, s31;
	[sflag:s19] =	ssyncadd.s32 $0xFFFFD800  }
0x88: {  	[tilespmem:s23], [sflag:$0x2] =	stream.indirect.gather [hbm4b:s4+s22], $0x80, s0, s22, $0xb8;
	[tilespmem:$0x1FF20] =	vst v63  }
.Ltmp1:
0x89: {  	_ = 	snop;
	(pc) =	sbr.rel @p0 .LBB2_4-.Ltmp1, $4  }
0x8a: {  	s0 =	sadd.s32 $0x27B0, s31  }
0x8b: {  	[spmem:s2] =	stream.indirect.scatter.add.f32 [tilespmem:s24], [sflag:$0x4], $0x80, s0, s22, $0xb8;
	[tilespmem:$0x1FF20] =	vst v63  }
0x8c: {  	_ =	swait.ge [sflag:s25], $0x2800  }
0x8d: {  	[sflag:s25] =	ssyncset.done $0x0  }
0x8e: {  	[sflag:s25] =	ssyncadd.s32 $0xFFFFD800  }
0x8f: {  	_ =	swait.ge [sflag:s20], $0x2800  }
0x90: {  	[sflag:s20] =	ssyncset.done $0x0  }
0x91: {  	[sflag:s20] =	ssyncadd.s32 $0xFFFFD800  }
0x92: {  	[spmem:s2] =	stream.indirect.scatter.add.f32 [tilespmem:s18], [sflag:$0x4], $0x80, s26, s22, $0xb8;
	[tilespmem:$0x1FF20] =	vst v63  }
0x93: {  	_ =	swait.ge [sflag:s25], $0x2800  }
0x94: {  	[sflag:s25] =	ssyncset.done $0x0  }
0x95: {  	[sflag:s25] =	ssyncadd.s32 $0xFFFFD800  }
0x96: {  	_ =	swait.ge [sflag:s21], $0x2800  }
0x97: {  	[sflag:s21] =	ssyncset.done $0x0  }
0x98: {  	[sflag:s21] =	ssyncadd.s32 $0xFFFFD800  }
0x99: {  	[spmem:s2] =	stream.indirect.scatter.add.f32 [tilespmem:s23], [sflag:$0x4], $0x80, s28, s22, $0xb8;
	[tilespmem:$0x1FF20] =	vst v63  }
0x9a: {  	_ =	swait.ge [sflag:s25], $0x2800  }
0x9b: {  	s0 =	sshll.u32 s1, $0x6;
	s29 =	sadd.s32 $0x1, s29;
	[sflag:s25] =	ssyncset.done $0x0  }
0x9c: {  	s30 =	sshrl.u32 s7, $0x3;
	p0 =	sne.s32 s29, s16;
	[sflag:s25] =	ssyncadd.s32 $0xFFFFD800  }
.Ltmp2:
0x9d: {  	s0 =	sor.u32 $0x1C04, s0;
	[bflag:$0x0] =	sbarrier.arrive $0xFFFF;
	(pc) =	sbr.rel @p0 .LBB2_1-.Ltmp2, $4  }
0x9e: {  	[hbm:s15], [sflag:s0] =	dma.local [spmem:s30], $0x2720  }
0x9f: {  	_ =	swait.ge [sflag:s25], $0x2720  }
0xa0: {  	[sflag:s25] =	ssyncset.done $0x0  }
0xa1: {  	[sflag:s25] =	ssyncadd.s32 $0xFFFFD8E0  }
0xa2: {  	_ =	sfence.sel $0x180000  }
0xa3: {  	[bflag:$0x0] =	sbarrier.arrive $0xFFFF  }
0xa4: {  	_ =	strace $0x90000053  }
0xa5: {  	[bflag:$0x2] =	sbarrier.arrive $0xFFFF  }
0xa6: {  	p0 =	sne.s32 s1, $0x0;
	s0 =	rddreg [dreg:$0x2]  }
0xa7: {  	s0 =	sadd.s32 @!p0 $0x100000, s0  }
0xa8: {  	[sflag:s0] =	ssyncadd.tile.s32 @!p0 $0x1;
	_ =	shalt  }
.Lfunc_end2:
_tile_overlayer_lowered:
.L_overlay_start_2:
0xa9: {  	(tag) =	ssettag $0x2  }
0xaa: {  	s0 =	rddreg [dreg:$0x0];
	s2 =	stileid.u32  }
0xab: {  	s1 =	rddreg [dreg:$0x1];
	p0 =	sne.s32 s2, $0x0  }
0xac: {  	s3 =	rddreg [dreg:$0x2];
	[bflag:$0x3] =	sbarrier.arrive $0xFFFF;
	s2 =	simm.s32 @!p0 $0x1C04  }
0xad: {  	[timem:s3], [sflag:s2] =	dma.local @!p0 [hbm:s0], s1  }
0xae: {  	s0 =	simm.s32 @!p0 $0x4  }
0xaf: {  	_ =	swait.ge @!p0 [sflag:s0], s1  }
0xb0: {  	s1 =	ssub.s32 @!p0 $0x0, s1;
	[sflag:s0] =	ssyncset.done @!p0 $0x0  }
0xb1: {  	[sflag:s0] =	ssyncadd.s32 @!p0 s1  }
0xb2: {  	[bflag:$0x3] =	sbarrier.arrive $0xFFFF  }
0xb3: {  	_ =	shalt  }

</sc_bundles>
